<compile_context>
chip_gen: v7x
topology: tpu7x:2x2x1
jax: 0.10.2.dev20260603
libtpu: 0.0.44.dev20260713+nightly
codegen_flags: <defaults>
</compile_context>

<pallas_src>
import functools

import jax
import jax.numpy as jnp
from jax import lax
from jax.experimental import pallas as pl
from jax.experimental.pallas import tpu as pltpu
from jax.experimental.pallas import tpu_sc as plsc

B = 16384
F = 26
V = 100000
D = 16

NC = 2
NS = 16
NW = NC * NS
P = F * D
PPW = P // NW
CH = 2048
NCH = B // CH


def _fd(p):
    f = p // D
    return f, p - f * D


def _body(idx_hbm, tab_hbm, out_hbm, idx_v, plane_v, obuf, sem_a, sem_b):
    cid = lax.axis_index("c")
    sid = lax.axis_index("s")
    w = sid * NC + cid
    p0 = w * PPW
    sems = (sem_a, sem_b)

    @pl.loop(0, PPW)
    def _plane(i):
        p = p0 + i
        f, d = _fd(p)

        @pl.when(jnp.logical_or(i == 0, d == 0))
        def _load_idx():
            pltpu.sync_copy(idx_hbm.at[f], idx_v)

        pltpu.sync_copy(tab_hbm.at[f, d], plane_v)

        @pl.loop(0, NCH, step=2)
        def _chunks(cc):
            for sub in range(2):
                c = cc + sub

                @pl.when(jnp.logical_or(i > 0, cc > 0))
                def _drain():
                    pltpu.make_async_copy(
                        obuf.at[sub],
                        out_hbm.at[f, d, pl.ds(c * CH, CH)],
                        sems[sub],
                    ).wait()

                for j0 in range(0, CH // 16, 8):
                    ids8 = [
                        idx_v[pl.ds(c * CH + (j0 + k) * 16, 16)]
                        for k in range(8)
                    ]
                    vals8 = [plsc.load_gather(plane_v, [ids]) for ids in ids8]
                    for k in range(8):
                        obuf[sub, pl.ds((j0 + k) * 16, 16)] = vals8[k]
                pltpu.async_copy(
                    obuf.at[sub],
                    out_hbm.at[f, d, pl.ds(c * CH, CH)],
                    sems[sub],
                )

    ff, df = _fd(p0 + PPW - 1)
    for sub in range(2):
        pltpu.make_async_copy(
            obuf.at[sub],
            out_hbm.at[ff, df, pl.ds((NCH - 2 + sub) * CH, CH)],
            sems[sub],
        ).wait()


_lookup = functools.partial(
    pl.kernel,
    out_type=jax.ShapeDtypeStruct((F, D, B), jnp.float32),
    mesh=plsc.VectorSubcoreMesh(
        core_axis_name="c", subcore_axis_name="s", num_cores=NC, num_subcores=NS
    ),
    scratch_types=[
        pltpu.VMEM((B,), jnp.int32),
        pltpu.VMEM((V,), jnp.float32),
        pltpu.VMEM((2, CH), jnp.float32),
        pltpu.SemaphoreType.DMA,
        pltpu.SemaphoreType.DMA,
    ],
    compiler_params=pltpu.CompilerParams(
        use_tc_tiling_on_sc=True, needs_layout_passes=False
    ),
)(_body)


@jax.jit
def kernel(indices, tables):
    idx_t = indices.T
    tab_t = tables.transpose(0, 2, 1)
    out_t = _lookup(idx_t, tab_t)
    return out_t.transpose(2, 0, 1)

# --- scband reference (transcript-rebuilt; emitter-appended) ---
"""Pipeline reference for scband-feature-embedding-34316788695967 (READ-ONLY COPY).

The authoritative reference and input builder live on the scoring server;
editing this copy changes nothing except your own understanding.
"""

import jax, jax.numpy as jnp
import numpy as np

B = 16384   # batch
F = 26      # number of sparse categorical fields
V = 100000  # vocab size per field
D = 16      # embedding dim


def setup_inputs(seed: int = 0) -> dict:
    key = jax.random.key(seed)
    k1, k2 = jax.random.split(key)
    indices = jax.random.randint(k1, (B, F), 0, V, dtype=jnp.int32)
    # one embedding table per categorical field, stacked: [F, V, D]
    tables = jax.random.normal(k2, (F, V, D), dtype=jnp.float32) * 1e-4
    return {"indices": indices, "tables": tables}


def reference(indices, tables):
    # FeatureEmbedding: per-field embedding lookup, then stack along field axis
    # (equivalent to dict2tensor concat along axis=1 with input_length=1)
    field_ids = jnp.arange(F)[None, :]          # [1, F]
    emb = tables[field_ids, indices]            # gather -> [B, F, D]
    return emb

if __name__ == "__main__":
    import jax
    _d = setup_inputs()
    print(jax.jit(kernel)(*tuple(_d.values())))

</pallas_src>

<mosaic_0001>
#map = affine_map<(d0, d1) -> (0, 0)>
#map1 = affine_map<(d0, d1) -> (0, 0, 0)>
module attributes {stable_mosaic.version = 14 : i64} {
  func.func @_body(%arg0: i32, %arg1: i32, %arg2: memref<26x16384xi32, #tpu.memory_space<hbm>>, %arg3: memref<26x16x100000xf32, #tpu.memory_space<hbm>>, %arg4: memref<26x16x16384xf32, #tpu.memory_space<hbm>>, %arg5: memref<16384xi32, #tpu.memory_space<vmem>>, %arg6: memref<100000xf32, #tpu.memory_space<vmem>>, %arg7: memref<2x2048xf32, #tpu.memory_space<vmem>>, %arg8: memref<!tpu.dma_semaphore, #tpu.memory_space<semaphore_mem>>, %arg9: memref<!tpu.dma_semaphore, #tpu.memory_space<semaphore_mem>>) attributes {dimension_semantics = [#tpu.dimension_semantics<core_parallel>, #tpu.dimension_semantics<subcore_parallel>], iteration_bounds = array<i64: 2, 16>, scalar_prefetch = 0 : i64, scratch_operands = 5 : i64, tpu.core_type = #tpu.core_type<sc_vector_subcore>, window_params = [{transform_indices = #map}, {transform_indices = #map1}, {transform_indices = #map1}]} {
    %mul3A = arith.constant 2 : i32
    %mul3A_0 = arith.muli %arg1, %mul3A : i32
    %add3A = arith.addi %mul3A_0, %arg0 : i32
    %mul3A_1 = arith.constant 13 : i32
    %mul3A_2 = arith.muli %add3A, %mul3A_1 : i32
    %scan3A = arith.constant 0 : i32
    %scan3A_3 = arith.constant 13 : i32
    %scan3A_4 = arith.addi %scan3A, %scan3A_3 : i32
    %scan3A_5 = arith.constant 1 : i32
    scf.for %scan3A_55 = %scan3A to %scan3A_4 step %scan3A_5  : i32 {
      %mul3A_56 = arith.constant 1 : i32
      %mul3A_57 = arith.muli %scan3A_55, %mul3A_56 : i32
      %add3A_58 = arith.constant 0 : i32
      %add3A_59 = arith.addi %add3A_58, %mul3A_57 : i32
      %add3A_60 = arith.addi %mul3A_2, %add3A_59 : i32
      %jit3A_61 = arith.constant 16 : i32
      %div3A_62 = arith.divsi %add3A_60, %jit3A_61 : i32
      %sign3A_63 = arith.constant 0 : i32
      %sign3A_64 = arith.cmpi sgt, %add3A_60, %sign3A_63 : i32
      %sign3A_65 = arith.extui %sign3A_64 : i1 to i32
      %sign3A_66 = arith.constant 0 : i32
      %sign3A_67 = arith.cmpi slt, %add3A_60, %sign3A_66 : i32
      %sign3A_68 = arith.extui %sign3A_67 : i1 to i32
      %sign3A_69 = arith.subi %sign3A_65, %sign3A_68 : i32
      %sign3A_70 = arith.constant 0 : i32
      %sign3A_71 = arith.cmpi sgt, %jit3A_61, %sign3A_70 : i32
      %sign3A_72 = arith.extui %sign3A_71 : i1 to i32
      %sign3A_73 = arith.constant 0 : i32
      %sign3A_74 = arith.cmpi slt, %jit3A_61, %sign3A_73 : i32
      %sign3A_75 = arith.extui %sign3A_74 : i1 to i32
      %sign3A_76 = arith.subi %sign3A_72, %sign3A_75 : i32
      %ne3A_77 = arith.cmpi ne, %sign3A_69, %sign3A_76 : i32
      %rem3A_78 = arith.remsi %add3A_60, %jit3A_61 : i32
      %ne3A_79 = arith.constant 0 : i32
      %ne3A_80 = arith.cmpi ne, %rem3A_78, %ne3A_79 : i32
      %and3A_81 = arith.andi %ne3A_77, %ne3A_80 : i1
      %sub3A_82 = arith.constant 1 : i32
      %sub3A_83 = arith.subi %div3A_62, %sub3A_82 : i32
      %select_n3A_84 = arith.select %and3A_81, %sub3A_83, %div3A_62 : i32
      %mul3A_85 = arith.constant 16 : i32
      %mul3A_86 = arith.muli %select_n3A_84, %mul3A_85 : i32
      %sub3A_87 = arith.subi %add3A_60, %mul3A_86 : i32
      %eq3A = arith.constant 0 : i32
      %eq3A_88 = arith.cmpi eq, %add3A_59, %eq3A : i32
      %eq3A_89 = arith.constant 0 : i32
      %eq3A_90 = arith.cmpi eq, %sub3A_87, %eq3A_89 : i32
      %or3A = arith.ori %eq3A_88, %eq3A_90 : i1
      %convert_element_type3A = arith.extui %or3A : i1 to i32
      %cond3A = arith.constant 0 : i32
      %cond3A_91 = arith.cmpi ne, %convert_element_type3A, %cond3A : i32
      scf.if %cond3A_91 {
        "tpu.region"() ({
          %run_scoped3A = tpu.sem_alloc : memref<!tpu.dma_semaphore, #tpu.memory_space<semaphore_mem>>
          %dma_start3A = arith.constant 0 : i32
          %dma_start3A_97 = tpu.memref_slice %arg2[%select_n3A_84, %dma_start3A] : memref<26x16384xi32, #tpu.memory_space<hbm>> -> memref<1x16384xi32, #tpu.memory_space<hbm>>
          %dma_start3A_98 = tpu.memref_squeeze %dma_start3A_97 : memref<1x16384xi32, #tpu.memory_space<hbm>> -> memref<16384xi32, #tpu.memory_space<hbm>>
          %dma_start3A_99 = arith.constant 0 : i32
          %dma_start3A_100 = tpu.memref_slice %arg2[%select_n3A_84, %dma_start3A_99] : memref<26x16384xi32, #tpu.memory_space<hbm>> -> memref<1x16384xi32, #tpu.memory_space<hbm>>
          %dma_start3A_101 = tpu.memref_squeeze %dma_start3A_100 : memref<1x16384xi32, #tpu.memory_space<hbm>> -> memref<16384xi32, #tpu.memory_space<hbm>>
          tpu.enqueue_dma source(%dma_start3A_101 : memref<16384xi32, #tpu.memory_space<hbm>>) target(%arg5 : memref<16384xi32, #tpu.memory_space<vmem>>) target_semaphore(%run_scoped3A : memref<!tpu.dma_semaphore, #tpu.memory_space<semaphore_mem>>)
          %dma_wait3A_102 = arith.constant 0 : i32
          %dma_wait3A_103 = tpu.memref_slice %arg2[%select_n3A_84, %dma_wait3A_102] : memref<26x16384xi32, #tpu.memory_space<hbm>> -> memref<1x16384xi32, #tpu.memory_space<hbm>>
          %dma_wait3A_104 = tpu.memref_squeeze %dma_wait3A_103 : memref<1x16384xi32, #tpu.memory_space<hbm>> -> memref<16384xi32, #tpu.memory_space<hbm>>
          %dma_wait3A_105 = arith.constant 0 : i32
          %dma_wait3A_106 = tpu.memref_slice %arg2[%select_n3A_84, %dma_wait3A_105] : memref<26x16384xi32, #tpu.memory_space<hbm>> -> memref<1x16384xi32, #tpu.memory_space<hbm>>
          %dma_wait3A_107 = tpu.memref_squeeze %dma_wait3A_106 : memref<1x16384xi32, #tpu.memory_space<hbm>> -> memref<16384xi32, #tpu.memory_space<hbm>>
          tpu.wait_dma2 semaphore(%run_scoped3A : memref<!tpu.dma_semaphore, #tpu.memory_space<semaphore_mem>>) src(%dma_wait3A_107 : memref<16384xi32, #tpu.memory_space<hbm>>) dst(%arg5 : memref<16384xi32, #tpu.memory_space<vmem>>)
          tpu.yield
        }) : () -> ()
      } else {
      }
      "tpu.region"() ({
        %run_scoped3A = tpu.sem_alloc : memref<!tpu.dma_semaphore, #tpu.memory_space<semaphore_mem>>
        %dma_start3A = arith.constant 0 : i32
        %dma_start3A_97 = tpu.memref_slice %arg3[%select_n3A_84, %sub3A_87, %dma_start3A] : memref<26x16x100000xf32, #tpu.memory_space<hbm>> -> memref<1x1x100000xf32, #tpu.memory_space<hbm>>
        %dma_start3A_98 = tpu.memref_squeeze %dma_start3A_97 : memref<1x1x100000xf32, #tpu.memory_space<hbm>> -> memref<100000xf32, #tpu.memory_space<hbm>>
        %dma_start3A_99 = arith.constant 0 : i32
        %dma_start3A_100 = tpu.memref_slice %arg3[%select_n3A_84, %sub3A_87, %dma_start3A_99] : memref<26x16x100000xf32, #tpu.memory_space<hbm>> -> memref<1x1x100000xf32, #tpu.memory_space<hbm>>
        %dma_start3A_101 = tpu.memref_squeeze %dma_start3A_100 : memref<1x1x100000xf32, #tpu.memory_space<hbm>> -> memref<100000xf32, #tpu.memory_space<hbm>>
        tpu.enqueue_dma source(%dma_start3A_101 : memref<100000xf32, #tpu.memory_space<hbm>>) target(%arg6 : memref<100000xf32, #tpu.memory_space<vmem>>) target_semaphore(%run_scoped3A : memref<!tpu.dma_semaphore, #tpu.memory_space<semaphore_mem>>)
        %dma_wait3A_102 = arith.constant 0 : i32
        %dma_wait3A_103 = tpu.memref_slice %arg3[%select_n3A_84, %sub3A_87, %dma_wait3A_102] : memref<26x16x100000xf32, #tpu.memory_space<hbm>> -> memref<1x1x100000xf32, #tpu.memory_space<hbm>>
        %dma_wait3A_104 = tpu.memref_squeeze %dma_wait3A_103 : memref<1x1x100000xf32, #tpu.memory_space<hbm>> -> memref<100000xf32, #tpu.memory_space<hbm>>
        %dma_wait3A_105 = arith.constant 0 : i32
        %dma_wait3A_106 = tpu.memref_slice %arg3[%select_n3A_84, %sub3A_87, %dma_wait3A_105] : memref<26x16x100000xf32, #tpu.memory_space<hbm>> -> memref<1x1x100000xf32, #tpu.memory_space<hbm>>
        %dma_wait3A_107 = tpu.memref_squeeze %dma_wait3A_106 : memref<1x1x100000xf32, #tpu.memory_space<hbm>> -> memref<100000xf32, #tpu.memory_space<hbm>>
        tpu.wait_dma2 semaphore(%run_scoped3A : memref<!tpu.dma_semaphore, #tpu.memory_space<semaphore_mem>>) src(%dma_wait3A_107 : memref<100000xf32, #tpu.memory_space<hbm>>) dst(%arg6 : memref<100000xf32, #tpu.memory_space<vmem>>)
        tpu.yield
      }) : () -> ()
      %scan3A_92 = arith.constant 0 : i32
      %scan3A_93 = arith.constant 4 : i32
      %scan3A_94 = arith.addi %scan3A_92, %scan3A_93 : i32
      %scan3A_95 = arith.constant 1 : i32
      scf.for %scan3A_97 = %scan3A_92 to %scan3A_94 step %scan3A_95  : i32 {
        %mul3A_98 = arith.constant 2 : i32
        %mul3A_99 = arith.muli %scan3A_97, %mul3A_98 : i32
        %add3A_100 = arith.constant 0 : i32
        %add3A_101 = arith.addi %add3A_100, %mul3A_99 : i32
        %add3A_102 = arith.constant 0 : i32
        %add3A_103 = arith.addi %add3A_101, %add3A_102 : i32
        %gt3A = arith.constant 0 : i32
        %gt3A_104 = arith.cmpi sgt, %add3A_59, %gt3A : i32
        %gt3A_105 = arith.constant 0 : i32
        %gt3A_106 = arith.cmpi sgt, %add3A_101, %gt3A_105 : i32
        %or3A_107 = arith.ori %gt3A_104, %gt3A_106 : i1
        %convert_element_type3A_108 = arith.extui %or3A_107 : i1 to i32
        %cond3A_109 = arith.constant 0 : i32
        %cond3A_110 = arith.cmpi ne, %convert_element_type3A_108, %cond3A_109 : i32
        scf.if %cond3A_110 {
          %mul3A_2959 = arith.constant 2048 : i32
          %mul3A_2960 = arith.muli %add3A_103, %mul3A_2959 : i32
          %dma_wait3A_2961 = arith.constant 0 : i32
          %dma_wait3A_2962 = arith.constant 0 : i32
          %dma_wait3A_2963 = tpu.memref_slice %arg7[%dma_wait3A_2961, %dma_wait3A_2962] : memref<2x2048xf32, #tpu.memory_space<vmem>> -> memref<1x2048xf32, #tpu.memory_space<vmem>>
          %dma_wait3A_2964 = tpu.memref_squeeze %dma_wait3A_2963 : memref<1x2048xf32, #tpu.memory_space<vmem>> -> memref<2048xf32, #tpu.memory_space<vmem>>
          %dma_wait3A_2965 = tpu.memref_slice %arg4[%select_n3A_84, %sub3A_87, %mul3A_2960] : memref<26x16x16384xf32, #tpu.memory_space<hbm>> -> memref<1x1x2048xf32, #tpu.memory_space<hbm>>
          %dma_wait3A_2966 = tpu.memref_squeeze %dma_wait3A_2965 : memref<1x1x2048xf32, #tpu.memory_space<hbm>> -> memref<2048xf32, #tpu.memory_space<hbm>>
          %dma_wait3A_2967 = tpu.memref_slice %arg4[%select_n3A_84, %sub3A_87, %mul3A_2960] : memref<26x16x16384xf32, #tpu.memory_space<hbm>> -> memref<1x1x2048xf32, #tpu.memory_space<hbm>>
          %dma_wait3A_2968 = tpu.memref_squeeze %dma_wait3A_2967 : memref<1x1x2048xf32, #tpu.memory_space<hbm>> -> memref<2048xf32, #tpu.memory_space<hbm>>
          %dma_wait3A_2969 = arith.constant 0 : i32
          %dma_wait3A_2970 = tpu.memref_slice %arg7[%dma_wait3A_2961, %dma_wait3A_2969] : memref<2x2048xf32, #tpu.memory_space<vmem>> -> memref<1x2048xf32, #tpu.memory_space<vmem>>
          %dma_wait3A_2971 = tpu.memref_squeeze %dma_wait3A_2970 : memref<1x2048xf32, #tpu.memory_space<vmem>> -> memref<2048xf32, #tpu.memory_space<vmem>>
          tpu.wait_dma2 semaphore(%arg8 : memref<!tpu.dma_semaphore, #tpu.memory_space<semaphore_mem>>) src(%dma_wait3A_2971 : memref<2048xf32, #tpu.memory_space<vmem>>) dst(%dma_wait3A_2968 : memref<2048xf32, #tpu.memory_space<hbm>>)
        } else {
        }
        %mul3A_111 = arith.constant 2048 : i32
        %mul3A_112 = arith.muli %add3A_103, %mul3A_111 : i32
        %add3A_113 = arith.constant 0 : i32
        %add3A_114 = arith.addi %mul3A_112, %add3A_113 : i32
        %get3A = arith.index_cast %add3A_114 : i32 to index
        %get3A_115 = tpu.vector_load %arg5[%get3A] {strides = array<i32>} : memref<16384xi32, #tpu.memory_space<vmem>>, vector<16xi32>,
        %mul3A_116 = arith.constant 2048 : i32
        %mul3A_117 = arith.muli %add3A_103, %mul3A_116 : i32
        %add3A_118 = arith.constant 16 : i32
        %add3A_119 = arith.addi %mul3A_117, %add3A_118 : i32
        %get3A_120 = arith.index_cast %add3A_119 : i32 to index
        %get3A_121 = tpu.vector_load %arg5[%get3A_120] {strides = array<i32>} : memref<16384xi32, #tpu.memory_space<vmem>>, vector<16xi32>,
        %mul3A_122 = arith.constant 2048 : i32
        %mul3A_123 = arith.muli %add3A_103, %mul3A_122 : i32
        %add3A_124 = arith.constant 32 : i32
        %add3A_125 = arith.addi %mul3A_123, %add3A_124 : i32
        %get3A_126 = arith.index_cast %add3A_125 : i32 to index
        %get3A_127 = tpu.vector_load %arg5[%get3A_126] {strides = array<i32>} : memref<16384xi32, #tpu.memory_space<vmem>>, vector<16xi32>,
        %mul3A_128 = arith.constant 2048 : i32
        %mul3A_129 = arith.muli %add3A_103, %mul3A_128 : i32
        %add3A_130 = arith.constant 48 : i32
        %add3A_131 = arith.addi %mul3A_129, %add3A_130 : i32
        %get3A_132 = arith.index_cast %add3A_131 : i32 to index
        %get3A_133 = tpu.vector_load %arg5[%get3A_132] {strides = array<i32>} : memref<16384xi32, #tpu.memory_space<vmem>>, vector<16xi32>,
        %mul3A_134 = arith.constant 2048 : i32
        %mul3A_135 = arith.muli %add3A_103, %mul3A_134 : i32
        %add3A_136 = arith.constant 64 : i32
        %add3A_137 = arith.addi %mul3A_135, %add3A_136 : i32
        %get3A_138 = arith.index_cast %add3A_137 : i32 to index
        %get3A_139 = tpu.vector_load %arg5[%get3A_138] {strides = array<i32>} : memref<16384xi32, #tpu.memory_space<vmem>>, vector<16xi32>,
        %mul3A_140 = arith.constant 2048 : i32
        %mul3A_141 = arith.muli %add3A_103, %mul3A_140 : i32
        %add3A_142 = arith.constant 80 : i32
        %add3A_143 = arith.addi %mul3A_141, %add3A_142 : i32
        %get3A_144 = arith.index_cast %add3A_143 : i32 to index
        %get3A_145 = tpu.vector_load %arg5[%get3A_144] {strides = array<i32>} : memref<16384xi32, #tpu.memory_space<vmem>>, vector<16xi32>,
        %mul3A_146 = arith.constant 2048 : i32
        %mul3A_147 = arith.muli %add3A_103, %mul3A_146 : i32
        %add3A_148 = arith.constant 96 : i32
        %add3A_149 = arith.addi %mul3A_147, %add3A_148 : i32
        %get3A_150 = arith.index_cast %add3A_149 : i32 to index
        %get3A_151 = tpu.vector_load %arg5[%get3A_150] {strides = array<i32>} : memref<16384xi32, #tpu.memory_space<vmem>>, vector<16xi32>,
        %mul3A_152 = arith.constant 2048 : i32
        %mul3A_153 = arith.muli %add3A_103, %mul3A_152 : i32
        %add3A_154 = arith.constant 112 : i32
        %add3A_155 = arith.addi %mul3A_153, %add3A_154 : i32
        %get3A_156 = arith.index_cast %add3A_155 : i32 to index
        %get3A_157 = tpu.vector_load %arg5[%get3A_156] {strides = array<i32>} : memref<16384xi32, #tpu.memory_space<vmem>>, vector<16xi32>,
        %gather3A = tpu.vector_load_idx %arg6[%get3A_115] : memref<100000xf32, #tpu.memory_space<vmem>>[vector<16xi32>], vector<16xf32>,
        %gather3A_158 = tpu.vector_load_idx %arg6[%get3A_121] : memref<100000xf32, #tpu.memory_space<vmem>>[vector<16xi32>], vector<16xf32>,
        %gather3A_159 = tpu.vector_load_idx %arg6[%get3A_127] : memref<100000xf32, #tpu.memory_space<vmem>>[vector<16xi32>], vector<16xf32>,
        %gather3A_160 = tpu.vector_load_idx %arg6[%get3A_133] : memref<100000xf32, #tpu.memory_space<vmem>>[vector<16xi32>], vector<16xf32>,
        %gather3A_161 = tpu.vector_load_idx %arg6[%get3A_139] : memref<100000xf32, #tpu.memory_space<vmem>>[vector<16xi32>], vector<16xf32>,
        %gather3A_162 = tpu.vector_load_idx %arg6[%get3A_145] : memref<100000xf32, #tpu.memory_space<vmem>>[vector<16xi32>], vector<16xf32>,
        %gather3A_163 = tpu.vector_load_idx %arg6[%get3A_151] : memref<100000xf32, #tpu.memory_space<vmem>>[vector<16xi32>], vector<16xf32>,
        %gather3A_164 = tpu.vector_load_idx %arg6[%get3A_157] : memref<100000xf32, #tpu.memory_space<vmem>>[vector<16xi32>], vector<16xf32>,
        %swap3A = arith.constant 0 : i32
        %swap3A_165 = arith.index_cast %swap3A : i32 to index
        %swap3A_166 = arith.constant 0 : index
        %swap3A_167 = tpu.vector_load %arg7[%swap3A_165, %swap3A_166] {strides = array<i32>} : memref<2x2048xf32, #tpu.memory_space<vmem>>, vector<16xf32>,
        tpu.vector_store %arg7[%swap3A_165, %swap3A_166], %gather3A {strides = array<i32>} : memref<2x2048xf32, #tpu.memory_space<vmem>>, vector<16xf32>,
        %swap3A_168 = arith.constant 0 : i32
        %swap3A_169 = arith.index_cast %swap3A_168 : i32 to index
        %swap3A_170 = arith.constant 16 : index
        %swap3A_171 = tpu.vector_load %arg7[%swap3A_169, %swap3A_170] {strides = array<i32>} : memref<2x2048xf32, #tpu.memory_space<vmem>>, vector<16xf32>,
        tpu.vector_store %arg7[%swap3A_169, %swap3A_170], %gather3A_158 {strides = array<i32>} : memref<2x2048xf32, #tpu.memory_space<vmem>>, vector<16xf32>,
        %swap3A_172 = arith.constant 0 : i32
        %swap3A_173 = arith.index_cast %swap3A_172 : i32 to index
        %swap3A_174 = arith.constant 32 : index
        %swap3A_175 = tpu.vector_load %arg7[%swap3A_173, %swap3A_174] {strides = array<i32>} : memref<2x2048xf32, #tpu.memory_space<vmem>>, vector<16xf32>,
        tpu.vector_store %arg7[%swap3A_173, %swap3A_174], %gather3A_159 {strides = array<i32>} : memref<2x2048xf32, #tpu.memory_space<vmem>>, vector<16xf32>,
        %swap3A_176 = arith.constant 0 : i32
        %swap3A_177 = arith.index_cast %swap3A_176 : i32 to index
        %swap3A_178 = arith.constant 48 : index
        %swap3A_179 = tpu.vector_load %arg7[%swap3A_177, %swap3A_178] {strides = array<i32>} : memref<2x2048xf32, #tpu.memory_space<vmem>>, vector<16xf32>,
        tpu.vector_store %arg7[%swap3A_177, %swap3A_178], %gather3A_160 {strides = array<i32>} : memref<2x2048xf32, #tpu.memory_space<vmem>>, vector<16xf32>,
        %swap3A_180 = arith.constant 0 : i32
        %swap3A_181 = arith.index_cast %swap3A_180 : i32 to index
        %swap3A_182 = arith.constant 64 : index
        %swap3A_183 = tpu.vector_load %arg7[%swap3A_181, %swap3A_182] {strides = array<i32>} : memref<2x2048xf32, #tpu.memory_space<vmem>>, vector<16xf32>,
        tpu.vector_store %arg7[%swap3A_181, %swap3A_182], %gather3A_161 {strides = array<i32>} : memref<2x2048xf32, #tpu.memory_space<vmem>>, vector<16xf32>,
        %swap3A_184 = arith.constant 0 : i32
        %swap3A_185 = arith.index_cast %swap3A_184 : i32 to index
        %swap3A_186 = arith.constant 80 : index
        %swap3A_187 = tpu.vector_load %arg7[%swap3A_185, %swap3A_186] {strides = array<i32>} : memref<2x2048xf32, #tpu.memory_space<vmem>>, vector<16xf32>,
        tpu.vector_store %arg7[%swap3A_185, %swap3A_186], %gather3A_162 {strides = array<i32>} : memref<2x2048xf32, #tpu.memory_space<vmem>>, vector<16xf32>,
        %swap3A_188 = arith.constant 0 : i32
        %swap3A_189 = arith.index_cast %swap3A_188 : i32 to index
        %swap3A_190 = arith.constant 96 : index
        %swap3A_191 = tpu.vector_load %arg7[%swap3A_189, %swap3A_190] {strides = array<i32>} : memref<2x2048xf32, #tpu.memory_space<vmem>>, vector<16xf32>,
        tpu.vector_store %arg7[%swap3A_189, %swap3A_190], %gather3A_163 {strides = array<i32>} : memref<2x2048xf32, #tpu.memory_space<vmem>>, vector<16xf32>,
        %swap3A_192 = arith.constant 0 : i32
        %swap3A_193 = arith.index_cast %swap3A_192 : i32 to index
        %swap3A_194 = arith.constant 112 : index
        %swap3A_195 = tpu.vector_load %arg7[%swap3A_193, %swap3A_194] {strides = array<i32>} : memref<2x2048xf32, #tpu.memory_space<vmem>>, vector<16xf32>,
        tpu.vector_store %arg7[%swap3A_193, %swap3A_194], %gather3A_164 {strides = array<i32>} : memref<2x2048xf32, #tpu.memory_space<vmem>>, vector<16xf32>,
        %mul3A_196 = arith.constant 2048 : i32
        %mul3A_197 = arith.muli %add3A_103, %mul3A_196 : i32
        %add3A_198 = arith.constant 128 : i32
        %add3A_199 = arith.addi %mul3A_197, %add3A_198 : i32
        %get3A_200 = arith.index_cast %add3A_199 : i32 to index
        %get3A_201 = tpu.vector_load %arg5[%get3A_200] {strides = array<i32>} : memref<16384xi32, #tpu.memory_space<vmem>>, vector<16xi32>,
        %mul3A_202 = arith.constant 2048 : i32
        %mul3A_203 = arith.muli %add3A_103, %mul3A_202 : i32
        %add3A_204 = arith.constant 144 : i32
        %add3A_205 = arith.addi %mul3A_203, %add3A_204 : i32
        %get3A_206 = arith.index_cast %add3A_205 : i32 to index
        %get3A_207 = tpu.vector_load %arg5[%get3A_206] {strides = array<i32>} : memref<16384xi32, #tpu.memory_space<vmem>>, vector<16xi32>,
        %mul3A_208 = arith.constant 2048 : i32
        %mul3A_209 = arith.muli %add3A_103, %mul3A_208 : i32
        %add3A_210 = arith.constant 160 : i32
        %add3A_211 = arith.addi %mul3A_209, %add3A_210 : i32
        %get3A_212 = arith.index_cast %add3A_211 : i32 to index
        %get3A_213 = tpu.vector_load %arg5[%get3A_212] {strides = array<i32>} : memref<16384xi32, #tpu.memory_space<vmem>>, vector<16xi32>,
        %mul3A_214 = arith.constant 2048 : i32
        %mul3A_215 = arith.muli %add3A_103, %mul3A_214 : i32
        %add3A_216 = arith.constant 176 : i32
        %add3A_217 = arith.addi %mul3A_215, %add3A_216 : i32
        %get3A_218 = arith.index_cast %add3A_217 : i32 to index
        %get3A_219 = tpu.vector_load %arg5[%get3A_218] {strides = array<i32>} : memref<16384xi32, #tpu.memory_space<vmem>>, vector<16xi32>,
        %mul3A_220 = arith.constant 2048 : i32
        %mul3A_221 = arith.muli %add3A_103, %mul3A_220 : i32
        %add3A_222 = arith.constant 192 : i32
        %add3A_223 = arith.addi %mul3A_221, %add3A_222 : i32
        %get3A_224 = arith.index_cast %add3A_223 : i32 to index
        %get3A_225 = tpu.vector_load %arg5[%get3A_224] {strides = array<i32>} : memref<16384xi32, #tpu.memory_space<vmem>>, vector<16xi32>,
        %mul3A_226 = arith.constant 2048 : i32
        %mul3A_227 = arith.muli %add3A_103, %mul3A_226 : i32
        %add3A_228 = arith.constant 208 : i32
        %add3A_229 = arith.addi %mul3A_227, %add3A_228 : i32
        %get3A_230 = arith.index_cast %add3A_229 : i32 to index
        %get3A_231 = tpu.vector_load %arg5[%get3A_230] {strides = array<i32>} : memref<16384xi32, #tpu.memory_space<vmem>>, vector<16xi32>,
        %mul3A_232 = arith.constant 2048 : i32
        %mul3A_233 = arith.muli %add3A_103, %mul3A_232 : i32
        %add3A_234 = arith.constant 224 : i32
        %add3A_235 = arith.addi %mul3A_233, %add3A_234 : i32
        %get3A_236 = arith.index_cast %add3A_235 : i32 to index
        %get3A_237 = tpu.vector_load %arg5[%get3A_236] {strides = array<i32>} : memref<16384xi32, #tpu.memory_space<vmem>>, vector<16xi32>,
        %mul3A_238 = arith.constant 2048 : i32
        %mul3A_239 = arith.muli %add3A_103, %mul3A_238 : i32
        %add3A_240 = arith.constant 240 : i32
        %add3A_241 = arith.addi %mul3A_239, %add3A_240 : i32
        %get3A_242 = arith.index_cast %add3A_241 : i32 to index
        %get3A_243 = tpu.vector_load %arg5[%get3A_242] {strides = array<i32>} : memref<16384xi32, #tpu.memory_space<vmem>>, vector<16xi32>,
        %gather3A_244 = tpu.vector_load_idx %arg6[%get3A_201] : memref<100000xf32, #tpu.memory_space<vmem>>[vector<16xi32>], vector<16xf32>,
        %gather3A_245 = tpu.vector_load_idx %arg6[%get3A_207] : memref<100000xf32, #tpu.memory_space<vmem>>[vector<16xi32>], vector<16xf32>,
        %gather3A_246 = tpu.vector_load_idx %arg6[%get3A_213] : memref<100000xf32, #tpu.memory_space<vmem>>[vector<16xi32>], vector<16xf32>,
        %gather3A_247 = tpu.vector_load_idx %arg6[%get3A_219] : memref<100000xf32, #tpu.memory_space<vmem>>[vector<16xi32>], vector<16xf32>,
        %gather3A_248 = tpu.vector_load_idx %arg6[%get3A_225] : memref<100000xf32, #tpu.memory_space<vmem>>[vector<16xi32>], vector<16xf32>,
        %gather3A_249 = tpu.vector_load_idx %arg6[%get3A_231] : memref<100000xf32, #tpu.memory_space<vmem>>[vector<16xi32>], vector<16xf32>,
        %gather3A_250 = tpu.vector_load_idx %arg6[%get3A_237] : memref<100000xf32, #tpu.memory_space<vmem>>[vector<16xi32>], vector<16xf32>,
        %gather3A_251 = tpu.vector_load_idx %arg6[%get3A_243] : memref<100000xf32, #tpu.memory_space<vmem>>[vector<16xi32>], vector<16xf32>,
        %swap3A_252 = arith.constant 0 : i32
        %swap3A_253 = arith.index_cast %swap3A_252 : i32 to index
        %swap3A_254 = arith.constant 128 : index
        %swap3A_255 = tpu.vector_load %arg7[%swap3A_253, %swap3A_254] {strides = array<i32>} : memref<2x2048xf32, #tpu.memory_space<vmem>>, vector<16xf32>,
        tpu.vector_store %arg7[%swap3A_253, %swap3A_254], %gather3A_244 {strides = array<i32>} : memref<2x2048xf32, #tpu.memory_space<vmem>>, vector<16xf32>,
        %swap3A_256 = arith.constant 0 : i32
        %swap3A_257 = arith.index_cast %swap3A_256 : i32 to index
        %swap3A_258 = arith.constant 144 : index
        %swap3A_259 = tpu.vector_load %arg7[%swap3A_257, %swap3A_258] {strides = array<i32>} : memref<2x2048xf32, #tpu.memory_space<vmem>>, vector<16xf32>,
        tpu.vector_store %arg7[%swap3A_257, %swap3A_258], %gather3A_245 {strides = array<i32>} : memref<2x2048xf32, #tpu.memory_space<vmem>>, vector<16xf32>,
        %swap3A_260 = arith.constant 0 : i32
        %swap3A_261 = arith.index_cast %swap3A_260 : i32 to index
        %swap3A_262 = arith.constant 160 : index
        %swap3A_263 = tpu.vector_load %arg7[%swap3A_261, %swap3A_262] {strides = array<i32>} : memref<2x2048xf32, #tpu.memory_space<vmem>>, vector<16xf32>,
        tpu.vector_store %arg7[%swap3A_261, %swap3A_262], %gather3A_246 {strides = array<i32>} : memref<2x2048xf32, #tpu.memory_space<vmem>>, vector<16xf32>,
        %swap3A_264 = arith.constant 0 : i32
        %swap3A_265 = arith.index_cast %swap3A_264 : i32 to index
        %swap3A_266 = arith.constant 176 : index
        %swap3A_267 = tpu.vector_load %arg7[%swap3A_265, %swap3A_266] {strides = array<i32>} : memref<2x2048xf32, #tpu.memory_space<vmem>>, vector<16xf32>,
        tpu.vector_store %arg7[%swap3A_265, %swap3A_266], %gather3A_247 {strides = array<i32>} : memref<2x2048xf32, #tpu.memory_space<vmem>>, vector<16xf32>,
        %swap3A_268 = arith.constant 0 : i32
        %swap3A_269 = arith.index_cast %swap3A_268 : i32 to index
        %swap3A_270 = arith.constant 192 : index
        %swap3A_271 = tpu.vector_load %arg7[%swap3A_269, %swap3A_270] {strides = array<i32>} : memref<2x2048xf32, #tpu.memory_space<vmem>>, vector<16xf32>,
        tpu.vector_store %arg7[%swap3A_269, %swap3A_270], %gather3A_248 {strides = array<i32>} : memref<2x2048xf32, #tpu.memory_space<vmem>>, vector<16xf32>,
        %swap3A_272 = arith.constant 0 : i32
        %swap3A_273 = arith.index_cast %swap3A_272 : i32 to index
        %swap3A_274 = arith.constant 208 : index
        %swap3A_275 = tpu.vector_load %arg7[%swap3A_273, %swap3A_274] {strides = array<i32>} : memref<2x2048xf32, #tpu.memory_space<vmem>>, vector<16xf32>,
        tpu.vector_store %arg7[%swap3A_273, %swap3A_274], %gather3A_249 {strides = array<i32>} : memref<2x2048xf32, #tpu.memory_space<vmem>>, vector<16xf32>,
        %swap3A_276 = arith.constant 0 : i32
        %swap3A_277 = arith.index_cast %swap3A_276 : i32 to index
        %swap3A_278 = arith.constant 224 : index
        %swap3A_279 = tpu.vector_load %arg7[%swap3A_277, %swap3A_278] {strides = array<i32>} : memref<2x2048xf32, #tpu.memory_space<vmem>>, vector<16xf32>,
        tpu.vector_store %arg7[%swap3A_277, %swap3A_278], %gather3A_250 {strides = array<i32>} : memref<2x2048xf32, #tpu.memory_space<vmem>>, vector<16xf32>,
        %swap3A_280 = arith.constant 0 : i32
        %swap3A_281 = arith.index_cast %swap3A_280 : i32 to index
        %swap3A_282 = arith.constant 240 : index
        %swap3A_283 = tpu.vector_load %arg7[%swap3A_281, %swap3A_282] {strides = array<i32>} : memref<2x2048xf32, #tpu.memory_space<vmem>>, vector<16xf32>,
        tpu.vector_store %arg7[%swap3A_281, %swap3A_282], %gather3A_251 {strides = array<i32>} : memref<2x2048xf32, #tpu.memory_space<vmem>>, vector<16xf32>,
        %mul3A_284 = arith.constant 2048 : i32
        %mul3A_285 = arith.muli %add3A_103, %mul3A_284 : i32
        %add3A_286 = arith.constant 256 : i32
        %add3A_287 = arith.addi %mul3A_285, %add3A_286 : i32
        %get3A_288 = arith.index_cast %add3A_287 : i32 to index
        %get3A_289 = tpu.vector_load %arg5[%get3A_288] {strides = array<i32>} : memref<16384xi32, #tpu.memory_space<vmem>>, vector<16xi32>,
        %mul3A_290 = arith.constant 2048 : i32
        %mul3A_291 = arith.muli %add3A_103, %mul3A_290 : i32
        %add3A_292 = arith.constant 272 : i32
        %add3A_293 = arith.addi %mul3A_291, %add3A_292 : i32
        %get3A_294 = arith.index_cast %add3A_293 : i32 to index
        %get3A_295 = tpu.vector_load %arg5[%get3A_294] {strides = array<i32>} : memref<16384xi32, #tpu.memory_space<vmem>>, vector<16xi32>,
        %mul3A_296 = arith.constant 2048 : i32
        %mul3A_297 = arith.muli %add3A_103, %mul3A_296 : i32
        %add3A_298 = arith.constant 288 : i32
        %add3A_299 = arith.addi %mul3A_297, %add3A_298 : i32
        %get3A_300 = arith.index_cast %add3A_299 : i32 to index
        %get3A_301 = tpu.vector_load %arg5[%get3A_300] {strides = array<i32>} : memref<16384xi32, #tpu.memory_space<vmem>>, vector<16xi32>,
        %mul3A_302 = arith.constant 2048 : i32
        %mul3A_303 = arith.muli %add3A_103, %mul3A_302 : i32
        %add3A_304 = arith.constant 304 : i32
        %add3A_305 = arith.addi %mul3A_303, %add3A_304 : i32
        %get3A_306 = arith.index_cast %add3A_305 : i32 to index
        %get3A_307 = tpu.vector_load %arg5[%get3A_306] {strides = array<i32>} : memref<16384xi32, #tpu.memory_space<vmem>>, vector<16xi32>,
        %mul3A_308 = arith.constant 2048 : i32
        %mul3A_309 = arith.muli %add3A_103, %mul3A_308 : i32
        %add3A_310 = arith.constant 320 : i32
        %add3A_311 = arith.addi %mul3A_309, %add3A_310 : i32
        %get3A_312 = arith.index_cast %add3A_311 : i32 to index
        %get3A_313 = tpu.vector_load %arg5[%get3A_312] {strides = array<i32>} : memref<16384xi32, #tpu.memory_space<vmem>>, vector<16xi32>,
        %mul3A_314 = arith.constant 2048 : i32
        %mul3A_315 = arith.muli %add3A_103, %mul3A_314 : i32
        %add3A_316 = arith.constant 336 : i32
        %add3A_317 = arith.addi %mul3A_315, %add3A_316 : i32
        %get3A_318 = arith.index_cast %add3A_317 : i32 to index
        %get3A_319 = tpu.vector_load %arg5[%get3A_318] {strides = array<i32>} : memref<16384xi32, #tpu.memory_space<vmem>>, vector<16xi32>,
        %mul3A_320 = arith.constant 2048 : i32
        %mul3A_321 = arith.muli %add3A_103, %mul3A_320 : i32
        %add3A_322 = arith.constant 352 : i32
        %add3A_323 = arith.addi %mul3A_321, %add3A_322 : i32
        %get3A_324 = arith.index_cast %add3A_323 : i32 to index
        %get3A_325 = tpu.vector_load %arg5[%get3A_324] {strides = array<i32>} : memref<16384xi32, #tpu.memory_space<vmem>>, vector<16xi32>,
        %mul3A_326 = arith.constant 2048 : i32
        %mul3A_327 = arith.muli %add3A_103, %mul3A_326 : i32
        %add3A_328 = arith.constant 368 : i32
        %add3A_329 = arith.addi %mul3A_327, %add3A_328 : i32
        %get3A_330 = arith.index_cast %add3A_329 : i32 to index
        %get3A_331 = tpu.vector_load %arg5[%get3A_330] {strides = array<i32>} : memref<16384xi32, #tpu.memory_space<vmem>>, vector<16xi32>,
        %gather3A_332 = tpu.vector_load_idx %arg6[%get3A_289] : memref<100000xf32, #tpu.memory_space<vmem>>[vector<16xi32>], vector<16xf32>,
        %gather3A_333 = tpu.vector_load_idx %arg6[%get3A_295] : memref<100000xf32, #tpu.memory_space<vmem>>[vector<16xi32>], vector<16xf32>,
        %gather3A_334 = tpu.vector_load_idx %arg6[%get3A_301] : memref<100000xf32, #tpu.memory_space<vmem>>[vector<16xi32>], vector<16xf32>,
        %gather3A_335 = tpu.vector_load_idx %arg6[%get3A_307] : memref<100000xf32, #tpu.memory_space<vmem>>[vector<16xi32>], vector<16xf32>,
        %gather3A_336 = tpu.vector_load_idx %arg6[%get3A_313] : memref<100000xf32, #tpu.memory_space<vmem>>[vector<16xi32>], vector<16xf32>,
        %gather3A_337 = tpu.vector_load_idx %arg6[%get3A_319] : memref<100000xf32, #tpu.memory_space<vmem>>[vector<16xi32>], vector<16xf32>,
        %gather3A_338 = tpu.vector_load_idx %arg6[%get3A_325] : memref<100000xf32, #tpu.memory_space<vmem>>[vector<16xi32>], vector<16xf32>,
        %gather3A_339 = tpu.vector_load_idx %arg6[%get3A_331] : memref<100000xf32, #tpu.memory_space<vmem>>[vector<16xi32>], vector<16xf32>,
        %swap3A_340 = arith.constant 0 : i32
        %swap3A_341 = arith.index_cast %swap3A_340 : i32 to index
        %swap3A_342 = arith.constant 256 : index
        %swap3A_343 = tpu.vector_load %arg7[%swap3A_341, %swap3A_342] {strides = array<i32>} : memref<2x2048xf32, #tpu.memory_space<vmem>>, vector<16xf32>,
        tpu.vector_store %arg7[%swap3A_341, %swap3A_342], %gather3A_332 {strides = array<i32>} : memref<2x2048xf32, #tpu.memory_space<vmem>>, vector<16xf32>,
        %swap3A_344 = arith.constant 0 : i32
        %swap3A_345 = arith.index_cast %swap3A_344 : i32 to index
        %swap3A_346 = arith.constant 272 : index
        %swap3A_347 = tpu.vector_load %arg7[%swap3A_345, %swap3A_346] {strides = array<i32>} : memref<2x2048xf32, #tpu.memory_space<vmem>>, vector<16xf32>,
        tpu.vector_store %arg7[%swap3A_345, %swap3A_346], %gather3A_333 {strides = array<i32>} : memref<2x2048xf32, #tpu.memory_space<vmem>>, vector<16xf32>,
        %swap3A_348 = arith.constant 0 : i32
        %swap3A_349 = arith.index_cast %swap3A_348 : i32 to index
        %swap3A_350 = arith.constant 288 : index
        %swap3A_351 = tpu.vector_load %arg7[%swap3A_349, %swap3A_350] {strides = array<i32>} : memref<2x2048xf32, #tpu.memory_space<vmem>>, vector<16xf32>,
        tpu.vector_store %arg7[%swap3A_349, %swap3A_350], %gather3A_334 {strides = array<i32>} : memref<2x2048xf32, #tpu.memory_space<vmem>>, vector<16xf32>,
        %swap3A_352 = arith.constant 0 : i32
        %swap3A_353 = arith.index_cast %swap3A_352 : i32 to index
        %swap3A_354 = arith.constant 304 : index
        %swap3A_355 = tpu.vector_load %arg7[%swap3A_353, %swap3A_354] {strides = array<i32>} : memref<2x2048xf32, #tpu.memory_space<vmem>>, vector<16xf32>,
        tpu.vector_store %arg7[%swap3A_353, %swap3A_354], %gather3A_335 {strides = array<i32>} : memref<2x2048xf32, #tpu.memory_space<vmem>>, vector<16xf32>,
        %swap3A_356 = arith.constant 0 : i32
        %swap3A_357 = arith.index_cast %swap3A_356 : i32 to index
        %swap3A_358 = arith.constant 320 : index
        %swap3A_359 = tpu.vector_load %arg7[%swap3A_357, %swap3A_358] {strides = array<i32>} : memref<2x2048xf32, #tpu.memory_space<vmem>>, vector<16xf32>,
        tpu.vector_store %arg7[%swap3A_357, %swap3A_358], %gather3A_336 {strides = array<i32>} : memref<2x2048xf32, #tpu.memory_space<vmem>>, vector<16xf32>,
        %swap3A_360 = arith.constant 0 : i32
        %swap3A_361 = arith.index_cast %swap3A_360 : i32 to index
        %swap3A_362 = arith.constant 336 : index
        %swap3A_363 = tpu.vector_load %arg7[%swap3A_361, %swap3A_362] {strides = array<i32>} : memref<2x2048xf32, #tpu.memory_space<vmem>>, vector<16xf32>,
        tpu.vector_store %arg7[%swap3A_361, %swap3A_362], %gather3A_337 {strides = array<i32>} : memref<2x2048xf32, #tpu.memory_space<vmem>>, vector<16xf32>,
        %swap3A_364 = arith.constant 0 : i32
        %swap3A_365 = arith.index_cast %swap3A_364 : i32 to index
        %swap3A_366 = arith.constant 352 : index
        %swap3A_367 = tpu.vector_load %arg7[%swap3A_365, %swap3A_366] {strides = array<i32>} : memref<2x2048xf32, #tpu.memory_space<vmem>>, vector<16xf32>,
        tpu.vector_store %arg7[%swap3A_365, %swap3A_366], %gather3A_338 {strides = array<i32>} : memref<2x2048xf32, #tpu.memory_space<vmem>>, vector<16xf32>,
        %swap3A_368 = arith.constant 0 : i32
        %swap3A_369 = arith.index_cast %swap3A_368 : i32 to index
        %swap3A_370 = arith.constant 368 : index
        %swap3A_371 = tpu.vector_load %arg7[%swap3A_369, %swap3A_370] {strides = array<i32>} : memref<2x2048xf32, #tpu.memory_space<vmem>>, vector<16xf32>,
        tpu.vector_store %arg7[%swap3A_369, %swap3A_370], %gather3A_339 {strides = array<i32>} : memref<2x2048xf32, #tpu.memory_space<vmem>>, vector<16xf32>,
        %mul3A_372 = arith.constant 2048 : i32
        %mul3A_373 = arith.muli %add3A_103, %mul3A_372 : i32
        %add3A_374 = arith.constant 384 : i32
        %add3A_375 = arith.addi %mul3A_373, %add3A_374 : i32
        %get3A_376 = arith.index_cast %add3A_375 : i32 to index
        %get3A_377 = tpu.vector_load %arg5[%get3A_376] {strides = array<i32>} : memref<16384xi32, #tpu.memory_space<vmem>>, vector<16xi32>,
        %mul3A_378 = arith.constant 2048 : i32
        %mul3A_379 = arith.muli %add3A_103, %mul3A_378 : i32
        %add3A_380 = arith.constant 400 : i32
        %add3A_381 = arith.addi %mul3A_379, %add3A_380 : i32
        %get3A_382 = arith.index_cast %add3A_381 : i32 to index
        %get3A_383 = tpu.vector_load %arg5[%get3A_382] {strides = array<i32>} : memref<16384xi32, #tpu.memory_space<vmem>>, vector<16xi32>,
        %mul3A_384 = arith.constant 2048 : i32
        %mul3A_385 = arith.muli %add3A_103, %mul3A_384 : i32
        %add3A_386 = arith.constant 416 : i32
        %add3A_387 = arith.addi %mul3A_385, %add3A_386 : i32
        %get3A_388 = arith.index_cast %add3A_387 : i32 to index
        %get3A_389 = tpu.vector_load %arg5[%get3A_388] {strides = array<i32>} : memref<16384xi32, #tpu.memory_space<vmem>>, vector<16xi32>,
        %mul3A_390 = arith.constant 2048 : i32
        %mul3A_391 = arith.muli %add3A_103, %mul3A_390 : i32
        %add3A_392 = arith.constant 432 : i32
        %add3A_393 = arith.addi %mul3A_391, %add3A_392 : i32
        %get3A_394 = arith.index_cast %add3A_393 : i32 to index
        %get3A_395 = tpu.vector_load %arg5[%get3A_394] {strides = array<i32>} : memref<16384xi32, #tpu.memory_space<vmem>>, vector<16xi32>,
        %mul3A_396 = arith.constant 2048 : i32
        %mul3A_397 = arith.muli %add3A_103, %mul3A_396 : i32
        %add3A_398 = arith.constant 448 : i32
        %add3A_399 = arith.addi %mul3A_397, %add3A_398 : i32
        %get3A_400 = arith.index_cast %add3A_399 : i32 to index
        %get3A_401 = tpu.vector_load %arg5[%get3A_400] {strides = array<i32>} : memref<16384xi32, #tpu.memory_space<vmem>>, vector<16xi32>,
        %mul3A_402 = arith.constant 2048 : i32
        %mul3A_403 = arith.muli %add3A_103, %mul3A_402 : i32
        %add3A_404 = arith.constant 464 : i32
        %add3A_405 = arith.addi %mul3A_403, %add3A_404 : i32
        %get3A_406 = arith.index_cast %add3A_405 : i32 to index
        %get3A_407 = tpu.vector_load %arg5[%get3A_406] {strides = array<i32>} : memref<16384xi32, #tpu.memory_space<vmem>>, vector<16xi32>,
        %mul3A_408 = arith.constant 2048 : i32
        %mul3A_409 = arith.muli %add3A_103, %mul3A_408 : i32
        %add3A_410 = arith.constant 480 : i32
        %add3A_411 = arith.addi %mul3A_409, %add3A_410 : i32
        %get3A_412 = arith.index_cast %add3A_411 : i32 to index
        %get3A_413 = tpu.vector_load %arg5[%get3A_412] {strides = array<i32>} : memref<16384xi32, #tpu.memory_space<vmem>>, vector<16xi32>,
        %mul3A_414 = arith.constant 2048 : i32
        %mul3A_415 = arith.muli %add3A_103, %mul3A_414 : i32
        %add3A_416 = arith.constant 496 : i32
        %add3A_417 = arith.addi %mul3A_415, %add3A_416 : i32
        %get3A_418 = arith.index_cast %add3A_417 : i32 to index
        %get3A_419 = tpu.vector_load %arg5[%get3A_418] {strides = array<i32>} : memref<16384xi32, #tpu.memory_space<vmem>>, vector<16xi32>,
        %gather3A_420 = tpu.vector_load_idx %arg6[%get3A_377] : memref<100000xf32, #tpu.memory_space<vmem>>[vector<16xi32>], vector<16xf32>,
        %gather3A_421 = tpu.vector_load_idx %arg6[%get3A_383] : memref<100000xf32, #tpu.memory_space<vmem>>[vector<16xi32>], vector<16xf32>,
        %gather3A_422 = tpu.vector_load_idx %arg6[%get3A_389] : memref<100000xf32, #tpu.memory_space<vmem>>[vector<16xi32>], vector<16xf32>,
        %gather3A_423 = tpu.vector_load_idx %arg6[%get3A_395] : memref<100000xf32, #tpu.memory_space<vmem>>[vector<16xi32>], vector<16xf32>,
        %gather3A_424 = tpu.vector_load_idx %arg6[%get3A_401] : memref<100000xf32, #tpu.memory_space<vmem>>[vector<16xi32>], vector<16xf32>,
        %gather3A_425 = tpu.vector_load_idx %arg6[%get3A_407] : memref<100000xf32, #tpu.memory_space<vmem>>[vector<16xi32>], vector<16xf32>,
        %gather3A_426 = tpu.vector_load_idx %arg6[%get3A_413] : memref<100000xf32, #tpu.memory_space<vmem>>[vector<16xi32>], vector<16xf32>,
        %gather3A_427 = tpu.vector_load_idx %arg6[%get3A_419] : memref<100000xf32, #tpu.memory_space<vmem>>[vector<16xi32>], vector<16xf32>,
        %swap3A_428 = arith.constant 0 : i32
        %swap3A_429 = arith.index_cast %swap3A_428 : i32 to index
        %swap3A_430 = arith.constant 384 : index
        %swap3A_431 = tpu.vector_load %arg7[%swap3A_429, %swap3A_430] {strides = array<i32>} : memref<2x2048xf32, #tpu.memory_space<vmem>>, vector<16xf32>,
        tpu.vector_store %arg7[%swap3A_429, %swap3A_430], %gather3A_420 {strides = array<i32>} : memref<2x2048xf32, #tpu.memory_space<vmem>>, vector<16xf32>,
        %swap3A_432 = arith.constant 0 : i32
        %swap3A_433 = arith.index_cast %swap3A_432 : i32 to index
        %swap3A_434 = arith.constant 400 : index
        %swap3A_435 = tpu.vector_load %arg7[%swap3A_433, %swap3A_434] {strides = array<i32>} : memref<2x2048xf32, #tpu.memory_space<vmem>>, vector<16xf32>,
        tpu.vector_store %arg7[%swap3A_433, %swap3A_434], %gather3A_421 {strides = array<i32>} : memref<2x2048xf32, #tpu.memory_space<vmem>>, vector<16xf32>,
        %swap3A_436 = arith.constant 0 : i32
        %swap3A_437 = arith.index_cast %swap3A_436 : i32 to index
        %swap3A_438 = arith.constant 416 : index
        %swap3A_439 = tpu.vector_load %arg7[%swap3A_437, %swap3A_438] {strides = array<i32>} : memref<2x2048xf32, #tpu.memory_space<vmem>>, vector<16xf32>,
        tpu.vector_store %arg7[%swap3A_437, %swap3A_438], %gather3A_422 {strides = array<i32>} : memref<2x2048xf32, #tpu.memory_space<vmem>>, vector<16xf32>,
        %swap3A_440 = arith.constant 0 : i32
        %swap3A_441 = arith.index_cast %swap3A_440 : i32 to index
        %swap3A_442 = arith.constant 432 : index
        %swap3A_443 = tpu.vector_load %arg7[%swap3A_441, %swap3A_442] {strides = array<i32>} : memref<2x2048xf32, #tpu.memory_space<vmem>>, vector<16xf32>,
        tpu.vector_store %arg7[%swap3A_441, %swap3A_442], %gather3A_423 {strides = array<i32>} : memref<2x2048xf32, #tpu.memory_space<vmem>>, vector<16xf32>,
        %swap3A_444 = arith.constant 0 : i32
        %swap3A_445 = arith.index_cast %swap3A_444 : i32 to index
        %swap3A_446 = arith.constant 448 : index
        %swap3A_447 = tpu.vector_load %arg7[%swap3A_445, %swap3A_446] {strides = array<i32>} : memref<2x2048xf32, #tpu.memory_space<vmem>>, vector<16xf32>,
        tpu.vector_store %arg7[%swap3A_445, %swap3A_446], %gather3A_424 {strides = array<i32>} : memref<2x2048xf32, #tpu.memory_space<vmem>>, vector<16xf32>,
        %swap3A_448 = arith.constant 0 : i32
        %swap3A_449 = arith.index_cast %swap3A_448 : i32 to index
        %swap3A_450 = arith.constant 464 : index
        %swap3A_451 = tpu.vector_load %arg7[%swap3A_449, %swap3A_450] {strides = array<i32>} : memref<2x2048xf32, #tpu.memory_space<vmem>>, vector<16xf32>,
        tpu.vector_store %arg7[%swap3A_449, %swap3A_450], %gather3A_425 {strides = array<i32>} : memref<2x2048xf32, #tpu.memory_space<vmem>>, vector<16xf32>,
        %swap3A_452 = arith.constant 0 : i32
        %swap3A_453 = arith.index_cast %swap3A_452 : i32 to index
        %swap3A_454 = arith.constant 480 : index
        %swap3A_455 = tpu.vector_load %arg7[%swap3A_453, %swap3A_454] {strides = array<i32>} : memref<2x2048xf32, #tpu.memory_space<vmem>>, vector<16xf32>,
        tpu.vector_store %arg7[%swap3A_453, %swap3A_454], %gather3A_426 {strides = array<i32>} : memref<2x2048xf32, #tpu.memory_space<vmem>>, vector<16xf32>,
        %swap3A_456 = arith.constant 0 : i32
        %swap3A_457 = arith.index_cast %swap3A_456 : i32 to index
        %swap3A_458 = arith.constant 496 : index
        %swap3A_459 = tpu.vector_load %arg7[%swap3A_457, %swap3A_458] {strides = array<i32>} : memref<2x2048xf32, #tpu.memory_space<vmem>>, vector<16xf32>,
        tpu.vector_store %arg7[%swap3A_457, %swap3A_458], %gather3A_427 {strides = array<i32>} : memref<2x2048xf32, #tpu.memory_space<vmem>>, vector<16xf32>,
        %mul3A_460 = arith.constant 2048 : i32
        %mul3A_461 = arith.muli %add3A_103, %mul3A_460 : i32
        %add3A_462 = arith.constant 512 : i32
        %add3A_463 = arith.addi %mul3A_461, %add3A_462 : i32
        %get3A_464 = arith.index_cast %add3A_463 : i32 to index
        %get3A_465 = tpu.vector_load %arg5[%get3A_464] {strides = array<i32>} : memref<16384xi32, #tpu.memory_space<vmem>>, vector<16xi32>,
        %mul3A_466 = arith.constant 2048 : i32
        %mul3A_467 = arith.muli %add3A_103, %mul3A_466 : i32
        %add3A_468 = arith.constant 528 : i32
        %add3A_469 = arith.addi %mul3A_467, %add3A_468 : i32
        %get3A_470 = arith.index_cast %add3A_469 : i32 to index
        %get3A_471 = tpu.vector_load %arg5[%get3A_470] {strides = array<i32>} : memref<16384xi32, #tpu.memory_space<vmem>>, vector<16xi32>,
        %mul3A_472 = arith.constant 2048 : i32
        %mul3A_473 = arith.muli %add3A_103, %mul3A_472 : i32
        %add3A_474 = arith.constant 544 : i32
        %add3A_475 = arith.addi %mul3A_473, %add3A_474 : i32
        %get3A_476 = arith.index_cast %add3A_475 : i32 to index
        %get3A_477 = tpu.vector_load %arg5[%get3A_476] {strides = array<i32>} : memref<16384xi32, #tpu.memory_space<vmem>>, vector<16xi32>,
        %mul3A_478 = arith.constant 2048 : i32
        %mul3A_479 = arith.muli %add3A_103, %mul3A_478 : i32
        %add3A_480 = arith.constant 560 : i32
        %add3A_481 = arith.addi %mul3A_479, %add3A_480 : i32
        %get3A_482 = arith.index_cast %add3A_481 : i32 to index
        %get3A_483 = tpu.vector_load %arg5[%get3A_482] {strides = array<i32>} : memref<16384xi32, #tpu.memory_space<vmem>>, vector<16xi32>,
        %mul3A_484 = arith.constant 2048 : i32
        %mul3A_485 = arith.muli %add3A_103, %mul3A_484 : i32
        %add3A_486 = arith.constant 576 : i32
        %add3A_487 = arith.addi %mul3A_485, %add3A_486 : i32
        %get3A_488 = arith.index_cast %add3A_487 : i32 to index
        %get3A_489 = tpu.vector_load %arg5[%get3A_488] {strides = array<i32>} : memref<16384xi32, #tpu.memory_space<vmem>>, vector<16xi32>,
        %mul3A_490 = arith.constant 2048 : i32
        %mul3A_491 = arith.muli %add3A_103, %mul3A_490 : i32
        %add3A_492 = arith.constant 592 : i32
        %add3A_493 = arith.addi %mul3A_491, %add3A_492 : i32
        %get3A_494 = arith.index_cast %add3A_493 : i32 to index
        %get3A_495 = tpu.vector_load %arg5[%get3A_494] {strides = array<i32>} : memref<16384xi32, #tpu.memory_space<vmem>>, vector<16xi32>,
        %mul3A_496 = arith.constant 2048 : i32
        %mul3A_497 = arith.muli %add3A_103, %mul3A_496 : i32
        %add3A_498 = arith.constant 608 : i32
        %add3A_499 = arith.addi %mul3A_497, %add3A_498 : i32
        %get3A_500 = arith.index_cast %add3A_499 : i32 to index
        %get3A_501 = tpu.vector_load %arg5[%get3A_500] {strides = array<i32>} : memref<16384xi32, #tpu.memory_space<vmem>>, vector<16xi32>,
        %mul3A_502 = arith.constant 2048 : i32
        %mul3A_503 = arith.muli %add3A_103, %mul3A_502 : i32
        %add3A_504 = arith.constant 624 : i32
        %add3A_505 = arith.addi %mul3A_503, %add3A_504 : i32
        %get3A_506 = arith.index_cast %add3A_505 : i32 to index
        %get3A_507 = tpu.vector_load %arg5[%get3A_506] {strides = array<i32>} : memref<16384xi32, #tpu.memory_space<vmem>>, vector<16xi32>,
        %gather3A_508 = tpu.vector_load_idx %arg6[%get3A_465] : memref<100000xf32, #tpu.memory_space<vmem>>[vector<16xi32>], vector<16xf32>,
        %gather3A_509 = tpu.vector_load_idx %arg6[%get3A_471] : memref<100000xf32, #tpu.memory_space<vmem>>[vector<16xi32>], vector<16xf32>,
        %gather3A_510 = tpu.vector_load_idx %arg6[%get3A_477] : memref<100000xf32, #tpu.memory_space<vmem>>[vector<16xi32>], vector<16xf32>,
        %gather3A_511 = tpu.vector_load_idx %arg6[%get3A_483] : memref<100000xf32, #tpu.memory_space<vmem>>[vector<16xi32>], vector<16xf32>,
        %gather3A_512 = tpu.vector_load_idx %arg6[%get3A_489] : memref<100000xf32, #tpu.memory_space<vmem>>[vector<16xi32>], vector<16xf32>,
        %gather3A_513 = tpu.vector_load_idx %arg6[%get3A_495] : memref<100000xf32, #tpu.memory_space<vmem>>[vector<16xi32>], vector<16xf32>,
        %gather3A_514 = tpu.vector_load_idx %arg6[%get3A_501] : memref<100000xf32, #tpu.memory_space<vmem>>[vector<16xi32>], vector<16xf32>,
        %gather3A_515 = tpu.vector_load_idx %arg6[%get3A_507] : memref<100000xf32, #tpu.memory_space<vmem>>[vector<16xi32>], vector<16xf32>,
        %swap3A_516 = arith.constant 0 : i32
        %swap3A_517 = arith.index_cast %swap3A_516 : i32 to index
        %swap3A_518 = arith.constant 512 : index
        %swap3A_519 = tpu.vector_load %arg7[%swap3A_517, %swap3A_518] {strides = array<i32>} : memref<2x2048xf32, #tpu.memory_space<vmem>>, vector<16xf32>,
        tpu.vector_store %arg7[%swap3A_517, %swap3A_518], %gather3A_508 {strides = array<i32>} : memref<2x2048xf32, #tpu.memory_space<vmem>>, vector<16xf32>,
        %swap3A_520 = arith.constant 0 : i32
        %swap3A_521 = arith.index_cast %swap3A_520 : i32 to index
        %swap3A_522 = arith.constant 528 : index
        %swap3A_523 = tpu.vector_load %arg7[%swap3A_521, %swap3A_522] {strides = array<i32>} : memref<2x2048xf32, #tpu.memory_space<vmem>>, vector<16xf32>,
        tpu.vector_store %arg7[%swap3A_521, %swap3A_522], %gather3A_509 {strides = array<i32>} : memref<2x2048xf32, #tpu.memory_space<vmem>>, vector<16xf32>,
        %swap3A_524 = arith.constant 0 : i32
        %swap3A_525 = arith.index_cast %swap3A_524 : i32 to index
        %swap3A_526 = arith.constant 544 : index
        %swap3A_527 = tpu.vector_load %arg7[%swap3A_525, %swap3A_526] {strides = array<i32>} : memref<2x2048xf32, #tpu.memory_space<vmem>>, vector<16xf32>,
        tpu.vector_store %arg7[%swap3A_525, %swap3A_526], %gather3A_510 {strides = array<i32>} : memref<2x2048xf32, #tpu.memory_space<vmem>>, vector<16xf32>,
        %swap3A_528 = arith.constant 0 : i32
        %swap3A_529 = arith.index_cast %swap3A_528 : i32 to index
        %swap3A_530 = arith.constant 560 : index
        %swap3A_531 = tpu.vector_load %arg7[%swap3A_529, %swap3A_530] {strides = array<i32>} : memref<2x2048xf32, #tpu.memory_space<vmem>>, vector<16xf32>,
        tpu.vector_store %arg7[%swap3A_529, %swap3A_530], %gather3A_511 {strides = array<i32>} : memref<2x2048xf32, #tpu.memory_space<vmem>>, vector<16xf32>,
        %swap3A_532 = arith.constant 0 : i32
        %swap3A_533 = arith.index_cast %swap3A_532 : i32 to index
        %swap3A_534 = arith.constant 576 : index
        %swap3A_535 = tpu.vector_load %arg7[%swap3A_533, %swap3A_534] {strides = array<i32>} : memref<2x2048xf32, #tpu.memory_space<vmem>>, vector<16xf32>,
        tpu.vector_store %arg7[%swap3A_533, %swap3A_534], %gather3A_512 {strides = array<i32>} : memref<2x2048xf32, #tpu.memory_space<vmem>>, vector<16xf32>,
        %swap3A_536 = arith.constant 0 : i32
        %swap3A_537 = arith.index_cast %swap3A_536 : i32 to index
        %swap3A_538 = arith.constant 592 : index
        %swap3A_539 = tpu.vector_load %arg7[%swap3A_537, %swap3A_538] {strides = array<i32>} : memref<2x2048xf32, #tpu.memory_space<vmem>>, vector<16xf32>,
        tpu.vector_store %arg7[%swap3A_537, %swap3A_538], %gather3A_513 {strides = array<i32>} : memref<2x2048xf32, #tpu.memory_space<vmem>>, vector<16xf32>,
        %swap3A_540 = arith.constant 0 : i32
        %swap3A_541 = arith.index_cast %swap3A_540 : i32 to index
        %swap3A_542 = arith.constant 608 : index
        %swap3A_543 = tpu.vector_load %arg7[%swap3A_541, %swap3A_542] {strides = array<i32>} : memref<2x2048xf32, #tpu.memory_space<vmem>>, vector<16xf32>,
        tpu.vector_store %arg7[%swap3A_541, %swap3A_542], %gather3A_514 {strides = array<i32>} : memref<2x2048xf32, #tpu.memory_space<vmem>>, vector<16xf32>,
        %swap3A_544 = arith.constant 0 : i32
        %swap3A_545 = arith.index_cast %swap3A_544 : i32 to index
        %swap3A_546 = arith.constant 624 : index
        %swap3A_547 = tpu.vector_load %arg7[%swap3A_545, %swap3A_546] {strides = array<i32>} : memref<2x2048xf32, #tpu.memory_space<vmem>>, vector<16xf32>,
        tpu.vector_store %arg7[%swap3A_545, %swap3A_546], %gather3A_515 {strides = array<i32>} : memref<2x2048xf32, #tpu.memory_space<vmem>>, vector<16xf32>,
        %mul3A_548 = arith.constant 2048 : i32
        %mul3A_549 = arith.muli %add3A_103, %mul3A_548 : i32
        %add3A_550 = arith.constant 640 : i32
        %add3A_551 = arith.addi %mul3A_549, %add3A_550 : i32
        %get3A_552 = arith.index_cast %add3A_551 : i32 to index
        %get3A_553 = tpu.vector_load %arg5[%get3A_552] {strides = array<i32>} : memref<16384xi32, #tpu.memory_space<vmem>>, vector<16xi32>,
        %mul3A_554 = arith.constant 2048 : i32
        %mul3A_555 = arith.muli %add3A_103, %mul3A_554 : i32
        %add3A_556 = arith.constant 656 : i32
        %add3A_557 = arith.addi %mul3A_555, %add3A_556 : i32
        %get3A_558 = arith.index_cast %add3A_557 : i32 to index
        %get3A_559 = tpu.vector_load %arg5[%get3A_558] {strides = array<i32>} : memref<16384xi32, #tpu.memory_space<vmem>>, vector<16xi32>,
        %mul3A_560 = arith.constant 2048 : i32
        %mul3A_561 = arith.muli %add3A_103, %mul3A_560 : i32
        %add3A_562 = arith.constant 672 : i32
        %add3A_563 = arith.addi %mul3A_561, %add3A_562 : i32
        %get3A_564 = arith.index_cast %add3A_563 : i32 to index
        %get3A_565 = tpu.vector_load %arg5[%get3A_564] {strides = array<i32>} : memref<16384xi32, #tpu.memory_space<vmem>>, vector<16xi32>,
        %mul3A_566 = arith.constant 2048 : i32
        %mul3A_567 = arith.muli %add3A_103, %mul3A_566 : i32
        %add3A_568 = arith.constant 688 : i32
        %add3A_569 = arith.addi %mul3A_567, %add3A_568 : i32
        %get3A_570 = arith.index_cast %add3A_569 : i32 to index
        %get3A_571 = tpu.vector_load %arg5[%get3A_570] {strides = array<i32>} : memref<16384xi32, #tpu.memory_space<vmem>>, vector<16xi32>,
        %mul3A_572 = arith.constant 2048 : i32
        %mul3A_573 = arith.muli %add3A_103, %mul3A_572 : i32
        %add3A_574 = arith.constant 704 : i32
        %add3A_575 = arith.addi %mul3A_573, %add3A_574 : i32
        %get3A_576 = arith.index_cast %add3A_575 : i32 to index
        %get3A_577 = tpu.vector_load %arg5[%get3A_576] {strides = array<i32>} : memref<16384xi32, #tpu.memory_space<vmem>>, vector<16xi32>,
        %mul3A_578 = arith.constant 2048 : i32
        %mul3A_579 = arith.muli %add3A_103, %mul3A_578 : i32
        %add3A_580 = arith.constant 720 : i32
        %add3A_581 = arith.addi %mul3A_579, %add3A_580 : i32
        %get3A_582 = arith.index_cast %add3A_581 : i32 to index
        %get3A_583 = tpu.vector_load %arg5[%get3A_582] {strides = array<i32>} : memref<16384xi32, #tpu.memory_space<vmem>>, vector<16xi32>,
        %mul3A_584 = arith.constant 2048 : i32
        %mul3A_585 = arith.muli %add3A_103, %mul3A_584 : i32
        %add3A_586 = arith.constant 736 : i32
        %add3A_587 = arith.addi %mul3A_585, %add3A_586 : i32
        %get3A_588 = arith.index_cast %add3A_587 : i32 to index
        %get3A_589 = tpu.vector_load %arg5[%get3A_588] {strides = array<i32>} : memref<16384xi32, #tpu.memory_space<vmem>>, vector<16xi32>,
        %mul3A_590 = arith.constant 2048 : i32
        %mul3A_591 = arith.muli %add3A_103, %mul3A_590 : i32
        %add3A_592 = arith.constant 752 : i32
        %add3A_593 = arith.addi %mul3A_591, %add3A_592 : i32
        %get3A_594 = arith.index_cast %add3A_593 : i32 to index
        %get3A_595 = tpu.vector_load %arg5[%get3A_594] {strides = array<i32>} : memref<16384xi32, #tpu.memory_space<vmem>>, vector<16xi32>,
        %gather3A_596 = tpu.vector_load_idx %arg6[%get3A_553] : memref<100000xf32, #tpu.memory_space<vmem>>[vector<16xi32>], vector<16xf32>,
        %gather3A_597 = tpu.vector_load_idx %arg6[%get3A_559] : memref<100000xf32, #tpu.memory_space<vmem>>[vector<16xi32>], vector<16xf32>,
        %gather3A_598 = tpu.vector_load_idx %arg6[%get3A_565] : memref<100000xf32, #tpu.memory_space<vmem>>[vector<16xi32>], vector<16xf32>,
        %gather3A_599 = tpu.vector_load_idx %arg6[%get3A_571] : memref<100000xf32, #tpu.memory_space<vmem>>[vector<16xi32>], vector<16xf32>,
        %gather3A_600 = tpu.vector_load_idx %arg6[%get3A_577] : memref<100000xf32, #tpu.memory_space<vmem>>[vector<16xi32>], vector<16xf32>,
        %gather3A_601 = tpu.vector_load_idx %arg6[%get3A_583] : memref<100000xf32, #tpu.memory_space<vmem>>[vector<16xi32>], vector<16xf32>,
        %gather3A_602 = tpu.vector_load_idx %arg6[%get3A_589] : memref<100000xf32, #tpu.memory_space<vmem>>[vector<16xi32>], vector<16xf32>,
        %gather3A_603 = tpu.vector_load_idx %arg6[%get3A_595] : memref<100000xf32, #tpu.memory_space<vmem>>[vector<16xi32>], vector<16xf32>,
        %swap3A_604 = arith.constant 0 : i32
        %swap3A_605 = arith.index_cast %swap3A_604 : i32 to index
        %swap3A_606 = arith.constant 640 : index
        %swap3A_607 = tpu.vector_load %arg7[%swap3A_605, %swap3A_606] {strides = array<i32>} : memref<2x2048xf32, #tpu.memory_space<vmem>>, vector<16xf32>,
        tpu.vector_store %arg7[%swap3A_605, %swap3A_606], %gather3A_596 {strides = array<i32>} : memref<2x2048xf32, #tpu.memory_space<vmem>>, vector<16xf32>,
        %swap3A_608 = arith.constant 0 : i32
        %swap3A_609 = arith.index_cast %swap3A_608 : i32 to index
        %swap3A_610 = arith.constant 656 : index
        %swap3A_611 = tpu.vector_load %arg7[%swap3A_609, %swap3A_610] {strides = array<i32>} : memref<2x2048xf32, #tpu.memory_space<vmem>>, vector<16xf32>,
        tpu.vector_store %arg7[%swap3A_609, %swap3A_610], %gather3A_597 {strides = array<i32>} : memref<2x2048xf32, #tpu.memory_space<vmem>>, vector<16xf32>,
        %swap3A_612 = arith.constant 0 : i32
        %swap3A_613 = arith.index_cast %swap3A_612 : i32 to index
        %swap3A_614 = arith.constant 672 : index
        %swap3A_615 = tpu.vector_load %arg7[%swap3A_613, %swap3A_614] {strides = array<i32>} : memref<2x2048xf32, #tpu.memory_space<vmem>>, vector<16xf32>,
        tpu.vector_store %arg7[%swap3A_613, %swap3A_614], %gather3A_598 {strides = array<i32>} : memref<2x2048xf32, #tpu.memory_space<vmem>>, vector<16xf32>,
        %swap3A_616 = arith.constant 0 : i32
        %swap3A_617 = arith.index_cast %swap3A_616 : i32 to index
        %swap3A_618 = arith.constant 688 : index
        %swap3A_619 = tpu.vector_load %arg7[%swap3A_617, %swap3A_618] {strides = array<i32>} : memref<2x2048xf32, #tpu.memory_space<vmem>>, vector<16xf32>,
        tpu.vector_store %arg7[%swap3A_617, %swap3A_618], %gather3A_599 {strides = array<i32>} : memref<2x2048xf32, #tpu.memory_space<vmem>>, vector<16xf32>,
        %swap3A_620 = arith.constant 0 : i32
        %swap3A_621 = arith.index_cast %swap3A_620 : i32 to index
        %swap3A_622 = arith.constant 704 : index
        %swap3A_623 = tpu.vector_load %arg7[%swap3A_621, %swap3A_622] {strides = array<i32>} : memref<2x2048xf32, #tpu.memory_space<vmem>>, vector<16xf32>,
        tpu.vector_store %arg7[%swap3A_621, %swap3A_622], %gather3A_600 {strides = array<i32>} : memref<2x2048xf32, #tpu.memory_space<vmem>>, vector<16xf32>,
        %swap3A_624 = arith.constant 0 : i32
        %swap3A_625 = arith.index_cast %swap3A_624 : i32 to index
        %swap3A_626 = arith.constant 720 : index
        %swap3A_627 = tpu.vector_load %arg7[%swap3A_625, %swap3A_626] {strides = array<i32>} : memref<2x2048xf32, #tpu.memory_space<vmem>>, vector<16xf32>,
        tpu.vector_store %arg7[%swap3A_625, %swap3A_626], %gather3A_601 {strides = array<i32>} : memref<2x2048xf32, #tpu.memory_space<vmem>>, vector<16xf32>,
        %swap3A_628 = arith.constant 0 : i32
        %swap3A_629 = arith.index_cast %swap3A_628 : i32 to index
        %swap3A_630 = arith.constant 736 : index
        %swap3A_631 = tpu.vector_load %arg7[%swap3A_629, %swap3A_630] {strides = array<i32>} : memref<2x2048xf32, #tpu.memory_space<vmem>>, vector<16xf32>,
        tpu.vector_store %arg7[%swap3A_629, %swap3A_630], %gather3A_602 {strides = array<i32>} : memref<2x2048xf32, #tpu.memory_space<vmem>>, vector<16xf32>,
        %swap3A_632 = arith.constant 0 : i32
        %swap3A_633 = arith.index_cast %swap3A_632 : i32 to index
        %swap3A_634 = arith.constant 752 : index
        %swap3A_635 = tpu.vector_load %arg7[%swap3A_633, %swap3A_634] {strides = array<i32>} : memref<2x2048xf32, #tpu.memory_space<vmem>>, vector<16xf32>,
        tpu.vector_store %arg7[%swap3A_633, %swap3A_634], %gather3A_603 {strides = array<i32>} : memref<2x2048xf32, #tpu.memory_space<vmem>>, vector<16xf32>,
        %mul3A_636 = arith.constant 2048 : i32
        %mul3A_637 = arith.muli %add3A_103, %mul3A_636 : i32
        %add3A_638 = arith.constant 768 : i32
        %add3A_639 = arith.addi %mul3A_637, %add3A_638 : i32
        %get3A_640 = arith.index_cast %add3A_639 : i32 to index
        %get3A_641 = tpu.vector_load %arg5[%get3A_640] {strides = array<i32>} : memref<16384xi32, #tpu.memory_space<vmem>>, vector<16xi32>,
        %mul3A_642 = arith.constant 2048 : i32
        %mul3A_643 = arith.muli %add3A_103, %mul3A_642 : i32
        %add3A_644 = arith.constant 784 : i32
        %add3A_645 = arith.addi %mul3A_643, %add3A_644 : i32
        %get3A_646 = arith.index_cast %add3A_645 : i32 to index
        %get3A_647 = tpu.vector_load %arg5[%get3A_646] {strides = array<i32>} : memref<16384xi32, #tpu.memory_space<vmem>>, vector<16xi32>,
        %mul3A_648 = arith.constant 2048 : i32
        %mul3A_649 = arith.muli %add3A_103, %mul3A_648 : i32
        %add3A_650 = arith.constant 800 : i32
        %add3A_651 = arith.addi %mul3A_649, %add3A_650 : i32
        %get3A_652 = arith.index_cast %add3A_651 : i32 to index
        %get3A_653 = tpu.vector_load %arg5[%get3A_652] {strides = array<i32>} : memref<16384xi32, #tpu.memory_space<vmem>>, vector<16xi32>,
        %mul3A_654 = arith.constant 2048 : i32
        %mul3A_655 = arith.muli %add3A_103, %mul3A_654 : i32
        %add3A_656 = arith.constant 816 : i32
        %add3A_657 = arith.addi %mul3A_655, %add3A_656 : i32
        %get3A_658 = arith.index_cast %add3A_657 : i32 to index
        %get3A_659 = tpu.vector_load %arg5[%get3A_658] {strides = array<i32>} : memref<16384xi32, #tpu.memory_space<vmem>>, vector<16xi32>,
        %mul3A_660 = arith.constant 2048 : i32
        %mul3A_661 = arith.muli %add3A_103, %mul3A_660 : i32
        %add3A_662 = arith.constant 832 : i32
        %add3A_663 = arith.addi %mul3A_661, %add3A_662 : i32
        %get3A_664 = arith.index_cast %add3A_663 : i32 to index
        %get3A_665 = tpu.vector_load %arg5[%get3A_664] {strides = array<i32>} : memref<16384xi32, #tpu.memory_space<vmem>>, vector<16xi32>,
        %mul3A_666 = arith.constant 2048 : i32
        %mul3A_667 = arith.muli %add3A_103, %mul3A_666 : i32
        %add3A_668 = arith.constant 848 : i32
        %add3A_669 = arith.addi %mul3A_667, %add3A_668 : i32
        %get3A_670 = arith.index_cast %add3A_669 : i32 to index
        %get3A_671 = tpu.vector_load %arg5[%get3A_670] {strides = array<i32>} : memref<16384xi32, #tpu.memory_space<vmem>>, vector<16xi32>,
        %mul3A_672 = arith.constant 2048 : i32
        %mul3A_673 = arith.muli %add3A_103, %mul3A_672 : i32
        %add3A_674 = arith.constant 864 : i32
        %add3A_675 = arith.addi %mul3A_673, %add3A_674 : i32
        %get3A_676 = arith.index_cast %add3A_675 : i32 to index
        %get3A_677 = tpu.vector_load %arg5[%get3A_676] {strides = array<i32>} : memref<16384xi32, #tpu.memory_space<vmem>>, vector<16xi32>,
        %mul3A_678 = arith.constant 2048 : i32
        %mul3A_679 = arith.muli %add3A_103, %mul3A_678 : i32
        %add3A_680 = arith.constant 880 : i32
        %add3A_681 = arith.addi %mul3A_679, %add3A_680 : i32
        %get3A_682 = arith.index_cast %add3A_681 : i32 to index
        %get3A_683 = tpu.vector_load %arg5[%get3A_682] {strides = array<i32>} : memref<16384xi32, #tpu.memory_space<vmem>>, vector<16xi32>,
        %gather3A_684 = tpu.vector_load_idx %arg6[%get3A_641] : memref<100000xf32, #tpu.memory_space<vmem>>[vector<16xi32>], vector<16xf32>,
        %gather3A_685 = tpu.vector_load_idx %arg6[%get3A_647] : memref<100000xf32, #tpu.memory_space<vmem>>[vector<16xi32>], vector<16xf32>,
        %gather3A_686 = tpu.vector_load_idx %arg6[%get3A_653] : memref<100000xf32, #tpu.memory_space<vmem>>[vector<16xi32>], vector<16xf32>,
        %gather3A_687 = tpu.vector_load_idx %arg6[%get3A_659] : memref<100000xf32, #tpu.memory_space<vmem>>[vector<16xi32>], vector<16xf32>,
        %gather3A_688 = tpu.vector_load_idx %arg6[%get3A_665] : memref<100000xf32, #tpu.memory_space<vmem>>[vector<16xi32>], vector<16xf32>,
        %gather3A_689 = tpu.vector_load_idx %arg6[%get3A_671] : memref<100000xf32, #tpu.memory_space<vmem>>[vector<16xi32>], vector<16xf32>,
        %gather3A_690 = tpu.vector_load_idx %arg6[%get3A_677] : memref<100000xf32, #tpu.memory_space<vmem>>[vector<16xi32>], vector<16xf32>,
        %gather3A_691 = tpu.vector_load_idx %arg6[%get3A_683] : memref<100000xf32, #tpu.memory_space<vmem>>[vector<16xi32>], vector<16xf32>,
        %swap3A_692 = arith.constant 0 : i32
        %swap3A_693 = arith.index_cast %swap3A_692 : i32 to index
        %swap3A_694 = arith.constant 768 : index
        %swap3A_695 = tpu.vector_load %arg7[%swap3A_693, %swap3A_694] {strides = array<i32>} : memref<2x2048xf32, #tpu.memory_space<vmem>>, vector<16xf32>,
        tpu.vector_store %arg7[%swap3A_693, %swap3A_694], %gather3A_684 {strides = array<i32>} : memref<2x2048xf32, #tpu.memory_space<vmem>>, vector<16xf32>,
        %swap3A_696 = arith.constant 0 : i32
        %swap3A_697 = arith.index_cast %swap3A_696 : i32 to index
        %swap3A_698 = arith.constant 784 : index
        %swap3A_699 = tpu.vector_load %arg7[%swap3A_697, %swap3A_698] {strides = array<i32>} : memref<2x2048xf32, #tpu.memory_space<vmem>>, vector<16xf32>,
        tpu.vector_store %arg7[%swap3A_697, %swap3A_698], %gather3A_685 {strides = array<i32>} : memref<2x2048xf32, #tpu.memory_space<vmem>>, vector<16xf32>,
        %swap3A_700 = arith.constant 0 : i32
        %swap3A_701 = arith.index_cast %swap3A_700 : i32 to index
        %swap3A_702 = arith.constant 800 : index
        %swap3A_703 = tpu.vector_load %arg7[%swap3A_701, %swap3A_702] {strides = array<i32>} : memref<2x2048xf32, #tpu.memory_space<vmem>>, vector<16xf32>,
        tpu.vector_store %arg7[%swap3A_701, %swap3A_702], %gather3A_686 {strides = array<i32>} : memref<2x2048xf32, #tpu.memory_space<vmem>>, vector<16xf32>,
        %swap3A_704 = arith.constant 0 : i32
        %swap3A_705 = arith.index_cast %swap3A_704 : i32 to index
        %swap3A_706 = arith.constant 816 : index
        %swap3A_707 = tpu.vector_load %arg7[%swap3A_705, %swap3A_706] {strides = array<i32>} : memref<2x2048xf32, #tpu.memory_space<vmem>>, vector<16xf32>,
        tpu.vector_store %arg7[%swap3A_705, %swap3A_706], %gather3A_687 {strides = array<i32>} : memref<2x2048xf32, #tpu.memory_space<vmem>>, vector<16xf32>,
        %swap3A_708 = arith.constant 0 : i32
        %swap3A_709 = arith.index_cast %swap3A_708 : i32 to index
        %swap3A_710 = arith.constant 832 : index
        %swap3A_711 = tpu.vector_load %arg7[%swap3A_709, %swap3A_710] {strides = array<i32>} : memref<2x2048xf32, #tpu.memory_space<vmem>>, vector<16xf32>,
        tpu.vector_store %arg7[%swap3A_709, %swap3A_710], %gather3A_688 {strides = array<i32>} : memref<2x2048xf32, #tpu.memory_space<vmem>>, vector<16xf32>,
        %swap3A_712 = arith.constant 0 : i32
        %swap3A_713 = arith.index_cast %swap3A_712 : i32 to index
        %swap3A_714 = arith.constant 848 : index
        %swap3A_715 = tpu.vector_load %arg7[%swap3A_713, %swap3A_714] {strides = array<i32>} : memref<2x2048xf32, #tpu.memory_space<vmem>>, vector<16xf32>,
        tpu.vector_store %arg7[%swap3A_713, %swap3A_714], %gather3A_689 {strides = array<i32>} : memref<2x2048xf32, #tpu.memory_space<vmem>>, vector<16xf32>,
        %swap3A_716 = arith.constant 0 : i32
        %swap3A_717 = arith.index_cast %swap3A_716 : i32 to index
        %swap3A_718 = arith.constant 864 : index
        %swap3A_719 = tpu.vector_load %arg7[%swap3A_717, %swap3A_718] {strides = array<i32>} : memref<2x2048xf32, #tpu.memory_space<vmem>>, vector<16xf32>,
        tpu.vector_store %arg7[%swap3A_717, %swap3A_718], %gather3A_690 {strides = array<i32>} : memref<2x2048xf32, #tpu.memory_space<vmem>>, vector<16xf32>,
        %swap3A_720 = arith.constant 0 : i32
        %swap3A_721 = arith.index_cast %swap3A_720 : i32 to index
        %swap3A_722 = arith.constant 880 : index
        %swap3A_723 = tpu.vector_load %arg7[%swap3A_721, %swap3A_722] {strides = array<i32>} : memref<2x2048xf32, #tpu.memory_space<vmem>>, vector<16xf32>,
        tpu.vector_store %arg7[%swap3A_721, %swap3A_722], %gather3A_691 {strides = array<i32>} : memref<2x2048xf32, #tpu.memory_space<vmem>>, vector<16xf32>,
        %mul3A_724 = arith.constant 2048 : i32
        %mul3A_725 = arith.muli %add3A_103, %mul3A_724 : i32
        %add3A_726 = arith.constant 896 : i32
        %add3A_727 = arith.addi %mul3A_725, %add3A_726 : i32
        %get3A_728 = arith.index_cast %add3A_727 : i32 to index
        %get3A_729 = tpu.vector_load %arg5[%get3A_728] {strides = array<i32>} : memref<16384xi32, #tpu.memory_space<vmem>>, vector<16xi32>,
        %mul3A_730 = arith.constant 2048 : i32
        %mul3A_731 = arith.muli %add3A_103, %mul3A_730 : i32
        %add3A_732 = arith.constant 912 : i32
        %add3A_733 = arith.addi %mul3A_731, %add3A_732 : i32
        %get3A_734 = arith.index_cast %add3A_733 : i32 to index
        %get3A_735 = tpu.vector_load %arg5[%get3A_734] {strides = array<i32>} : memref<16384xi32, #tpu.memory_space<vmem>>, vector<16xi32>,
        %mul3A_736 = arith.constant 2048 : i32
        %mul3A_737 = arith.muli %add3A_103, %mul3A_736 : i32
        %add3A_738 = arith.constant 928 : i32
        %add3A_739 = arith.addi %mul3A_737, %add3A_738 : i32
        %get3A_740 = arith.index_cast %add3A_739 : i32 to index
        %get3A_741 = tpu.vector_load %arg5[%get3A_740] {strides = array<i32>} : memref<16384xi32, #tpu.memory_space<vmem>>, vector<16xi32>,
        %mul3A_742 = arith.constant 2048 : i32
        %mul3A_743 = arith.muli %add3A_103, %mul3A_742 : i32
        %add3A_744 = arith.constant 944 : i32
        %add3A_745 = arith.addi %mul3A_743, %add3A_744 : i32
        %get3A_746 = arith.index_cast %add3A_745 : i32 to index
        %get3A_747 = tpu.vector_load %arg5[%get3A_746] {strides = array<i32>} : memref<16384xi32, #tpu.memory_space<vmem>>, vector<16xi32>,
        %mul3A_748 = arith.constant 2048 : i32
        %mul3A_749 = arith.muli %add3A_103, %mul3A_748 : i32
        %add3A_750 = arith.constant 960 : i32
        %add3A_751 = arith.addi %mul3A_749, %add3A_750 : i32
        %get3A_752 = arith.index_cast %add3A_751 : i32 to index
        %get3A_753 = tpu.vector_load %arg5[%get3A_752] {strides = array<i32>} : memref<16384xi32, #tpu.memory_space<vmem>>, vector<16xi32>,
        %mul3A_754 = arith.constant 2048 : i32
        %mul3A_755 = arith.muli %add3A_103, %mul3A_754 : i32
        %add3A_756 = arith.constant 976 : i32
        %add3A_757 = arith.addi %mul3A_755, %add3A_756 : i32
        %get3A_758 = arith.index_cast %add3A_757 : i32 to index
        %get3A_759 = tpu.vector_load %arg5[%get3A_758] {strides = array<i32>} : memref<16384xi32, #tpu.memory_space<vmem>>, vector<16xi32>,
        %mul3A_760 = arith.constant 2048 : i32
        %mul3A_761 = arith.muli %add3A_103, %mul3A_760 : i32
        %add3A_762 = arith.constant 992 : i32
        %add3A_763 = arith.addi %mul3A_761, %add3A_762 : i32
        %get3A_764 = arith.index_cast %add3A_763 : i32 to index
        %get3A_765 = tpu.vector_load %arg5[%get3A_764] {strides = array<i32>} : memref<16384xi32, #tpu.memory_space<vmem>>, vector<16xi32>,
        %mul3A_766 = arith.constant 2048 : i32
        %mul3A_767 = arith.muli %add3A_103, %mul3A_766 : i32
        %add3A_768 = arith.constant 1008 : i32
        %add3A_769 = arith.addi %mul3A_767, %add3A_768 : i32
        %get3A_770 = arith.index_cast %add3A_769 : i32 to index
        %get3A_771 = tpu.vector_load %arg5[%get3A_770] {strides = array<i32>} : memref<16384xi32, #tpu.memory_space<vmem>>, vector<16xi32>,
        %gather3A_772 = tpu.vector_load_idx %arg6[%get3A_729] : memref<100000xf32, #tpu.memory_space<vmem>>[vector<16xi32>], vector<16xf32>,
        %gather3A_773 = tpu.vector_load_idx %arg6[%get3A_735] : memref<100000xf32, #tpu.memory_space<vmem>>[vector<16xi32>], vector<16xf32>,
        %gather3A_774 = tpu.vector_load_idx %arg6[%get3A_741] : memref<100000xf32, #tpu.memory_space<vmem>>[vector<16xi32>], vector<16xf32>,
        %gather3A_775 = tpu.vector_load_idx %arg6[%get3A_747] : memref<100000xf32, #tpu.memory_space<vmem>>[vector<16xi32>], vector<16xf32>,
        %gather3A_776 = tpu.vector_load_idx %arg6[%get3A_753] : memref<100000xf32, #tpu.memory_space<vmem>>[vector<16xi32>], vector<16xf32>,
        %gather3A_777 = tpu.vector_load_idx %arg6[%get3A_759] : memref<100000xf32, #tpu.memory_space<vmem>>[vector<16xi32>], vector<16xf32>,
        %gather3A_778 = tpu.vector_load_idx %arg6[%get3A_765] : memref<100000xf32, #tpu.memory_space<vmem>>[vector<16xi32>], vector<16xf32>,
        %gather3A_779 = tpu.vector_load_idx %arg6[%get3A_771] : memref<100000xf32, #tpu.memory_space<vmem>>[vector<16xi32>], vector<16xf32>,
        %swap3A_780 = arith.constant 0 : i32
        %swap3A_781 = arith.index_cast %swap3A_780 : i32 to index
        %swap3A_782 = arith.constant 896 : index
        %swap3A_783 = tpu.vector_load %arg7[%swap3A_781, %swap3A_782] {strides = array<i32>} : memref<2x2048xf32, #tpu.memory_space<vmem>>, vector<16xf32>,
        tpu.vector_store %arg7[%swap3A_781, %swap3A_782], %gather3A_772 {strides = array<i32>} : memref<2x2048xf32, #tpu.memory_space<vmem>>, vector<16xf32>,
        %swap3A_784 = arith.constant 0 : i32
        %swap3A_785 = arith.index_cast %swap3A_784 : i32 to index
        %swap3A_786 = arith.constant 912 : index
        %swap3A_787 = tpu.vector_load %arg7[%swap3A_785, %swap3A_786] {strides = array<i32>} : memref<2x2048xf32, #tpu.memory_space<vmem>>, vector<16xf32>,
        tpu.vector_store %arg7[%swap3A_785, %swap3A_786], %gather3A_773 {strides = array<i32>} : memref<2x2048xf32, #tpu.memory_space<vmem>>, vector<16xf32>,
        %swap3A_788 = arith.constant 0 : i32
        %swap3A_789 = arith.index_cast %swap3A_788 : i32 to index
        %swap3A_790 = arith.constant 928 : index
        %swap3A_791 = tpu.vector_load %arg7[%swap3A_789, %swap3A_790] {strides = array<i32>} : memref<2x2048xf32, #tpu.memory_space<vmem>>, vector<16xf32>,
        tpu.vector_store %arg7[%swap3A_789, %swap3A_790], %gather3A_774 {strides = array<i32>} : memref<2x2048xf32, #tpu.memory_space<vmem>>, vector<16xf32>,
        %swap3A_792 = arith.constant 0 : i32
        %swap3A_793 = arith.index_cast %swap3A_792 : i32 to index
        %swap3A_794 = arith.constant 944 : index
        %swap3A_795 = tpu.vector_load %arg7[%swap3A_793, %swap3A_794] {strides = array<i32>} : memref<2x2048xf32, #tpu.memory_space<vmem>>, vector<16xf32>,
        tpu.vector_store %arg7[%swap3A_793, %swap3A_794], %gather3A_775 {strides = array<i32>} : memref<2x2048xf32, #tpu.memory_space<vmem>>, vector<16xf32>,
        %swap3A_796 = arith.constant 0 : i32
        %swap3A_797 = arith.index_cast %swap3A_796 : i32 to index
        %swap3A_798 = arith.constant 960 : index
        %swap3A_799 = tpu.vector_load %arg7[%swap3A_797, %swap3A_798] {strides = array<i32>} : memref<2x2048xf32, #tpu.memory_space<vmem>>, vector<16xf32>,
        tpu.vector_store %arg7[%swap3A_797, %swap3A_798], %gather3A_776 {strides = array<i32>} : memref<2x2048xf32, #tpu.memory_space<vmem>>, vector<16xf32>,
        %swap3A_800 = arith.constant 0 : i32
        %swap3A_801 = arith.index_cast %swap3A_800 : i32 to index
        %swap3A_802 = arith.constant 976 : index
        %swap3A_803 = tpu.vector_load %arg7[%swap3A_801, %swap3A_802] {strides = array<i32>} : memref<2x2048xf32, #tpu.memory_space<vmem>>, vector<16xf32>,
        tpu.vector_store %arg7[%swap3A_801, %swap3A_802], %gather3A_777 {strides = array<i32>} : memref<2x2048xf32, #tpu.memory_space<vmem>>, vector<16xf32>,
        %swap3A_804 = arith.constant 0 : i32
        %swap3A_805 = arith.index_cast %swap3A_804 : i32 to index
        %swap3A_806 = arith.constant 992 : index
        %swap3A_807 = tpu.vector_load %arg7[%swap3A_805, %swap3A_806] {strides = array<i32>} : memref<2x2048xf32, #tpu.memory_space<vmem>>, vector<16xf32>,
        tpu.vector_store %arg7[%swap3A_805, %swap3A_806], %gather3A_778 {strides = array<i32>} : memref<2x2048xf32, #tpu.memory_space<vmem>>, vector<16xf32>,
        %swap3A_808 = arith.constant 0 : i32
        %swap3A_809 = arith.index_cast %swap3A_808 : i32 to index
        %swap3A_810 = arith.constant 1008 : index
        %swap3A_811 = tpu.vector_load %arg7[%swap3A_809, %swap3A_810] {strides = array<i32>} : memref<2x2048xf32, #tpu.memory_space<vmem>>, vector<16xf32>,
        tpu.vector_store %arg7[%swap3A_809, %swap3A_810], %gather3A_779 {strides = array<i32>} : memref<2x2048xf32, #tpu.memory_space<vmem>>, vector<16xf32>,
        %mul3A_812 = arith.constant 2048 : i32
        %mul3A_813 = arith.muli %add3A_103, %mul3A_812 : i32
        %add3A_814 = arith.constant 1024 : i32
        %add3A_815 = arith.addi %mul3A_813, %add3A_814 : i32
        %get3A_816 = arith.index_cast %add3A_815 : i32 to index
        %get3A_817 = tpu.vector_load %arg5[%get3A_816] {strides = array<i32>} : memref<16384xi32, #tpu.memory_space<vmem>>, vector<16xi32>,
        %mul3A_818 = arith.constant 2048 : i32
        %mul3A_819 = arith.muli %add3A_103, %mul3A_818 : i32
        %add3A_820 = arith.constant 1040 : i32
        %add3A_821 = arith.addi %mul3A_819, %add3A_820 : i32
        %get3A_822 = arith.index_cast %add3A_821 : i32 to index
        %get3A_823 = tpu.vector_load %arg5[%get3A_822] {strides = array<i32>} : memref<16384xi32, #tpu.memory_space<vmem>>, vector<16xi32>,
        %mul3A_824 = arith.constant 2048 : i32
        %mul3A_825 = arith.muli %add3A_103, %mul3A_824 : i32
        %add3A_826 = arith.constant 1056 : i32
        %add3A_827 = arith.addi %mul3A_825, %add3A_826 : i32
        %get3A_828 = arith.index_cast %add3A_827 : i32 to index
        %get3A_829 = tpu.vector_load %arg5[%get3A_828] {strides = array<i32>} : memref<16384xi32, #tpu.memory_space<vmem>>, vector<16xi32>,
        %mul3A_830 = arith.constant 2048 : i32
        %mul3A_831 = arith.muli %add3A_103, %mul3A_830 : i32
        %add3A_832 = arith.constant 1072 : i32
        %add3A_833 = arith.addi %mul3A_831, %add3A_832 : i32
        %get3A_834 = arith.index_cast %add3A_833 : i32 to index
        %get3A_835 = tpu.vector_load %arg5[%get3A_834] {strides = array<i32>} : memref<16384xi32, #tpu.memory_space<vmem>>, vector<16xi32>,
        %mul3A_836 = arith.constant 2048 : i32
        %mul3A_837 = arith.muli %add3A_103, %mul3A_836 : i32
        %add3A_838 = arith.constant 1088 : i32
        %add3A_839 = arith.addi %mul3A_837, %add3A_838 : i32
        %get3A_840 = arith.index_cast %add3A_839 : i32 to index
        %get3A_841 = tpu.vector_load %arg5[%get3A_840] {strides = array<i32>} : memref<16384xi32, #tpu.memory_space<vmem>>, vector<16xi32>,
        %mul3A_842 = arith.constant 2048 : i32
        %mul3A_843 = arith.muli %add3A_103, %mul3A_842 : i32
        %add3A_844 = arith.constant 1104 : i32
        %add3A_845 = arith.addi %mul3A_843, %add3A_844 : i32
        %get3A_846 = arith.index_cast %add3A_845 : i32 to index
        %get3A_847 = tpu.vector_load %arg5[%get3A_846] {strides = array<i32>} : memref<16384xi32, #tpu.memory_space<vmem>>, vector<16xi32>,
        %mul3A_848 = arith.constant 2048 : i32
        %mul3A_849 = arith.muli %add3A_103, %mul3A_848 : i32
        %add3A_850 = arith.constant 1120 : i32
        %add3A_851 = arith.addi %mul3A_849, %add3A_850 : i32
        %get3A_852 = arith.index_cast %add3A_851 : i32 to index
        %get3A_853 = tpu.vector_load %arg5[%get3A_852] {strides = array<i32>} : memref<16384xi32, #tpu.memory_space<vmem>>, vector<16xi32>,
        %mul3A_854 = arith.constant 2048 : i32
        %mul3A_855 = arith.muli %add3A_103, %mul3A_854 : i32
        %add3A_856 = arith.constant 1136 : i32
        %add3A_857 = arith.addi %mul3A_855, %add3A_856 : i32
        %get3A_858 = arith.index_cast %add3A_857 : i32 to index
        %get3A_859 = tpu.vector_load %arg5[%get3A_858] {strides = array<i32>} : memref<16384xi32, #tpu.memory_space<vmem>>, vector<16xi32>,
        %gather3A_860 = tpu.vector_load_idx %arg6[%get3A_817] : memref<100000xf32, #tpu.memory_space<vmem>>[vector<16xi32>], vector<16xf32>,
        %gather3A_861 = tpu.vector_load_idx %arg6[%get3A_823] : memref<100000xf32, #tpu.memory_space<vmem>>[vector<16xi32>], vector<16xf32>,
        %gather3A_862 = tpu.vector_load_idx %arg6[%get3A_829] : memref<100000xf32, #tpu.memory_space<vmem>>[vector<16xi32>], vector<16xf32>,
        %gather3A_863 = tpu.vector_load_idx %arg6[%get3A_835] : memref<100000xf32, #tpu.memory_space<vmem>>[vector<16xi32>], vector<16xf32>,
        %gather3A_864 = tpu.vector_load_idx %arg6[%get3A_841] : memref<100000xf32, #tpu.memory_space<vmem>>[vector<16xi32>], vector<16xf32>,
        %gather3A_865 = tpu.vector_load_idx %arg6[%get3A_847] : memref<100000xf32, #tpu.memory_space<vmem>>[vector<16xi32>], vector<16xf32>,
        %gather3A_866 = tpu.vector_load_idx %arg6[%get3A_853] : memref<100000xf32, #tpu.memory_space<vmem>>[vector<16xi32>], vector<16xf32>,
        %gather3A_867 = tpu.vector_load_idx %arg6[%get3A_859] : memref<100000xf32, #tpu.memory_space<vmem>>[vector<16xi32>], vector<16xf32>,
        %swap3A_868 = arith.constant 0 : i32
        %swap3A_869 = arith.index_cast %swap3A_868 : i32 to index
        %swap3A_870 = arith.constant 1024 : index
        %swap3A_871 = tpu.vector_load %arg7[%swap3A_869, %swap3A_870] {strides = array<i32>} : memref<2x2048xf32, #tpu.memory_space<vmem>>, vector<16xf32>,
        tpu.vector_store %arg7[%swap3A_869, %swap3A_870], %gather3A_860 {strides = array<i32>} : memref<2x2048xf32, #tpu.memory_space<vmem>>, vector<16xf32>,
        %swap3A_872 = arith.constant 0 : i32
        %swap3A_873 = arith.index_cast %swap3A_872 : i32 to index
        %swap3A_874 = arith.constant 1040 : index
        %swap3A_875 = tpu.vector_load %arg7[%swap3A_873, %swap3A_874] {strides = array<i32>} : memref<2x2048xf32, #tpu.memory_space<vmem>>, vector<16xf32>,
        tpu.vector_store %arg7[%swap3A_873, %swap3A_874], %gather3A_861 {strides = array<i32>} : memref<2x2048xf32, #tpu.memory_space<vmem>>, vector<16xf32>,
        %swap3A_876 = arith.constant 0 : i32
        %swap3A_877 = arith.index_cast %swap3A_876 : i32 to index
        %swap3A_878 = arith.constant 1056 : index
        %swap3A_879 = tpu.vector_load %arg7[%swap3A_877, %swap3A_878] {strides = array<i32>} : memref<2x2048xf32, #tpu.memory_space<vmem>>, vector<16xf32>,
        tpu.vector_store %arg7[%swap3A_877, %swap3A_878], %gather3A_862 {strides = array<i32>} : memref<2x2048xf32, #tpu.memory_space<vmem>>, vector<16xf32>,
        %swap3A_880 = arith.constant 0 : i32
        %swap3A_881 = arith.index_cast %swap3A_880 : i32 to index
        %swap3A_882 = arith.constant 1072 : index
        %swap3A_883 = tpu.vector_load %arg7[%swap3A_881, %swap3A_882] {strides = array<i32>} : memref<2x2048xf32, #tpu.memory_space<vmem>>, vector<16xf32>,
        tpu.vector_store %arg7[%swap3A_881, %swap3A_882], %gather3A_863 {strides = array<i32>} : memref<2x2048xf32, #tpu.memory_space<vmem>>, vector<16xf32>,
        %swap3A_884 = arith.constant 0 : i32
        %swap3A_885 = arith.index_cast %swap3A_884 : i32 to index
        %swap3A_886 = arith.constant 1088 : index
        %swap3A_887 = tpu.vector_load %arg7[%swap3A_885, %swap3A_886] {strides = array<i32>} : memref<2x2048xf32, #tpu.memory_space<vmem>>, vector<16xf32>,
        tpu.vector_store %arg7[%swap3A_885, %swap3A_886], %gather3A_864 {strides = array<i32>} : memref<2x2048xf32, #tpu.memory_space<vmem>>, vector<16xf32>,
        %swap3A_888 = arith.constant 0 : i32
        %swap3A_889 = arith.index_cast %swap3A_888 : i32 to index
        %swap3A_890 = arith.constant 1104 : index
        %swap3A_891 = tpu.vector_load %arg7[%swap3A_889, %swap3A_890] {strides = array<i32>} : memref<2x2048xf32, #tpu.memory_space<vmem>>, vector<16xf32>,
        tpu.vector_store %arg7[%swap3A_889, %swap3A_890], %gather3A_865 {strides = array<i32>} : memref<2x2048xf32, #tpu.memory_space<vmem>>, vector<16xf32>,
        %swap3A_892 = arith.constant 0 : i32
        %swap3A_893 = arith.index_cast %swap3A_892 : i32 to index
        %swap3A_894 = arith.constant 1120 : index
        %swap3A_895 = tpu.vector_load %arg7[%swap3A_893, %swap3A_894] {strides = array<i32>} : memref<2x2048xf32, #tpu.memory_space<vmem>>, vector<16xf32>,
        tpu.vector_store %arg7[%swap3A_893, %swap3A_894], %gather3A_866 {strides = array<i32>} : memref<2x2048xf32, #tpu.memory_space<vmem>>, vector<16xf32>,
        %swap3A_896 = arith.constant 0 : i32
        %swap3A_897 = arith.index_cast %swap3A_896 : i32 to index
        %swap3A_898 = arith.constant 1136 : index
        %swap3A_899 = tpu.vector_load %arg7[%swap3A_897, %swap3A_898] {strides = array<i32>} : memref<2x2048xf32, #tpu.memory_space<vmem>>, vector<16xf32>,
        tpu.vector_store %arg7[%swap3A_897, %swap3A_898], %gather3A_867 {strides = array<i32>} : memref<2x2048xf32, #tpu.memory_space<vmem>>, vector<16xf32>,
        %mul3A_900 = arith.constant 2048 : i32
        %mul3A_901 = arith.muli %add3A_103, %mul3A_900 : i32
        %add3A_902 = arith.constant 1152 : i32
        %add3A_903 = arith.addi %mul3A_901, %add3A_902 : i32
        %get3A_904 = arith.index_cast %add3A_903 : i32 to index
        %get3A_905 = tpu.vector_load %arg5[%get3A_904] {strides = array<i32>} : memref<16384xi32, #tpu.memory_space<vmem>>, vector<16xi32>,
        %mul3A_906 = arith.constant 2048 : i32
        %mul3A_907 = arith.muli %add3A_103, %mul3A_906 : i32
        %add3A_908 = arith.constant 1168 : i32
        %add3A_909 = arith.addi %mul3A_907, %add3A_908 : i32
        %get3A_910 = arith.index_cast %add3A_909 : i32 to index
        %get3A_911 = tpu.vector_load %arg5[%get3A_910] {strides = array<i32>} : memref<16384xi32, #tpu.memory_space<vmem>>, vector<16xi32>,
        %mul3A_912 = arith.constant 2048 : i32
        %mul3A_913 = arith.muli %add3A_103, %mul3A_912 : i32
        %add3A_914 = arith.constant 1184 : i32
        %add3A_915 = arith.addi %mul3A_913, %add3A_914 : i32
        %get3A_916 = arith.index_cast %add3A_915 : i32 to index
        %get3A_917 = tpu.vector_load %arg5[%get3A_916] {strides = array<i32>} : memref<16384xi32, #tpu.memory_space<vmem>>, vector<16xi32>,
        %mul3A_918 = arith.constant 2048 : i32
        %mul3A_919 = arith.muli %add3A_103, %mul3A_918 : i32
        %add3A_920 = arith.constant 1200 : i32
        %add3A_921 = arith.addi %mul3A_919, %add3A_920 : i32
        %get3A_922 = arith.index_cast %add3A_921 : i32 to index
        %get3A_923 = tpu.vector_load %arg5[%get3A_922] {strides = array<i32>} : memref<16384xi32, #tpu.memory_space<vmem>>, vector<16xi32>,
        %mul3A_924 = arith.constant 2048 : i32
        %mul3A_925 = arith.muli %add3A_103, %mul3A_924 : i32
        %add3A_926 = arith.constant 1216 : i32
        %add3A_927 = arith.addi %mul3A_925, %add3A_926 : i32
        %get3A_928 = arith.index_cast %add3A_927 : i32 to index
        %get3A_929 = tpu.vector_load %arg5[%get3A_928] {strides = array<i32>} : memref<16384xi32, #tpu.memory_space<vmem>>, vector<16xi32>,
        %mul3A_930 = arith.constant 2048 : i32
        %mul3A_931 = arith.muli %add3A_103, %mul3A_930 : i32
        %add3A_932 = arith.constant 1232 : i32
        %add3A_933 = arith.addi %mul3A_931, %add3A_932 : i32
        %get3A_934 = arith.index_cast %add3A_933 : i32 to index
        %get3A_935 = tpu.vector_load %arg5[%get3A_934] {strides = array<i32>} : memref<16384xi32, #tpu.memory_space<vmem>>, vector<16xi32>,
        %mul3A_936 = arith.constant 2048 : i32
        %mul3A_937 = arith.muli %add3A_103, %mul3A_936 : i32
        %add3A_938 = arith.constant 1248 : i32
        %add3A_939 = arith.addi %mul3A_937, %add3A_938 : i32
        %get3A_940 = arith.index_cast %add3A_939 : i32 to index
        %get3A_941 = tpu.vector_load %arg5[%get3A_940] {strides = array<i32>} : memref<16384xi32, #tpu.memory_space<vmem>>, vector<16xi32>,
        %mul3A_942 = arith.constant 2048 : i32
        %mul3A_943 = arith.muli %add3A_103, %mul3A_942 : i32
        %add3A_944 = arith.constant 1264 : i32
        %add3A_945 = arith.addi %mul3A_943, %add3A_944 : i32
        %get3A_946 = arith.index_cast %add3A_945 : i32 to index
        %get3A_947 = tpu.vector_load %arg5[%get3A_946] {strides = array<i32>} : memref<16384xi32, #tpu.memory_space<vmem>>, vector<16xi32>,
        %gather3A_948 = tpu.vector_load_idx %arg6[%get3A_905] : memref<100000xf32, #tpu.memory_space<vmem>>[vector<16xi32>], vector<16xf32>,
        %gather3A_949 = tpu.vector_load_idx %arg6[%get3A_911] : memref<100000xf32, #tpu.memory_space<vmem>>[vector<16xi32>], vector<16xf32>,
        %gather3A_950 = tpu.vector_load_idx %arg6[%get3A_917] : memref<100000xf32, #tpu.memory_space<vmem>>[vector<16xi32>], vector<16xf32>,
        %gather3A_951 = tpu.vector_load_idx %arg6[%get3A_923] : memref<100000xf32, #tpu.memory_space<vmem>>[vector<16xi32>], vector<16xf32>,
        %gather3A_952 = tpu.vector_load_idx %arg6[%get3A_929] : memref<100000xf32, #tpu.memory_space<vmem>>[vector<16xi32>], vector<16xf32>,
        %gather3A_953 = tpu.vector_load_idx %arg6[%get3A_935] : memref<100000xf32, #tpu.memory_space<vmem>>[vector<16xi32>], vector<16xf32>,
        %gather3A_954 = tpu.vector_load_idx %arg6[%get3A_941] : memref<100000xf32, #tpu.memory_space<vmem>>[vector<16xi32>], vector<16xf32>,
        %gather3A_955 = tpu.vector_load_idx %arg6[%get3A_947] : memref<100000xf32, #tpu.memory_space<vmem>>[vector<16xi32>], vector<16xf32>,
        %swap3A_956 = arith.constant 0 : i32
        %swap3A_957 = arith.index_cast %swap3A_956 : i32 to index
        %swap3A_958 = arith.constant 1152 : index
        %swap3A_959 = tpu.vector_load %arg7[%swap3A_957, %swap3A_958] {strides = array<i32>} : memref<2x2048xf32, #tpu.memory_space<vmem>>, vector<16xf32>,
        tpu.vector_store %arg7[%swap3A_957, %swap3A_958], %gather3A_948 {strides = array<i32>} : memref<2x2048xf32, #tpu.memory_space<vmem>>, vector<16xf32>,
        %swap3A_960 = arith.constant 0 : i32
        %swap3A_961 = arith.index_cast %swap3A_960 : i32 to index
        %swap3A_962 = arith.constant 1168 : index
        %swap3A_963 = tpu.vector_load %arg7[%swap3A_961, %swap3A_962] {strides = array<i32>} : memref<2x2048xf32, #tpu.memory_space<vmem>>, vector<16xf32>,
        tpu.vector_store %arg7[%swap3A_961, %swap3A_962], %gather3A_949 {strides = array<i32>} : memref<2x2048xf32, #tpu.memory_space<vmem>>, vector<16xf32>,
        %swap3A_964 = arith.constant 0 : i32
        %swap3A_965 = arith.index_cast %swap3A_964 : i32 to index
        %swap3A_966 = arith.constant 1184 : index
        %swap3A_967 = tpu.vector_load %arg7[%swap3A_965, %swap3A_966] {strides = array<i32>} : memref<2x2048xf32, #tpu.memory_space<vmem>>, vector<16xf32>,
        tpu.vector_store %arg7[%swap3A_965, %swap3A_966], %gather3A_950 {strides = array<i32>} : memref<2x2048xf32, #tpu.memory_space<vmem>>, vector<16xf32>,
        %swap3A_968 = arith.constant 0 : i32
        %swap3A_969 = arith.index_cast %swap3A_968 : i32 to index
        %swap3A_970 = arith.constant 1200 : index
        %swap3A_971 = tpu.vector_load %arg7[%swap3A_969, %swap3A_970] {strides = array<i32>} : memref<2x2048xf32, #tpu.memory_space<vmem>>, vector<16xf32>,
        tpu.vector_store %arg7[%swap3A_969, %swap3A_970], %gather3A_951 {strides = array<i32>} : memref<2x2048xf32, #tpu.memory_space<vmem>>, vector<16xf32>,
        %swap3A_972 = arith.constant 0 : i32
        %swap3A_973 = arith.index_cast %swap3A_972 : i32 to index
        %swap3A_974 = arith.constant 1216 : index
        %swap3A_975 = tpu.vector_load %arg7[%swap3A_973, %swap3A_974] {strides = array<i32>} : memref<2x2048xf32, #tpu.memory_space<vmem>>, vector<16xf32>,
        tpu.vector_store %arg7[%swap3A_973, %swap3A_974], %gather3A_952 {strides = array<i32>} : memref<2x2048xf32, #tpu.memory_space<vmem>>, vector<16xf32>,
        %swap3A_976 = arith.constant 0 : i32
        %swap3A_977 = arith.index_cast %swap3A_976 : i32 to index
        %swap3A_978 = arith.constant 1232 : index
        %swap3A_979 = tpu.vector_load %arg7[%swap3A_977, %swap3A_978] {strides = array<i32>} : memref<2x2048xf32, #tpu.memory_space<vmem>>, vector<16xf32>,
        tpu.vector_store %arg7[%swap3A_977, %swap3A_978], %gather3A_953 {strides = array<i32>} : memref<2x2048xf32, #tpu.memory_space<vmem>>, vector<16xf32>,
        %swap3A_980 = arith.constant 0 : i32
        %swap3A_981 = arith.index_cast %swap3A_980 : i32 to index
        %swap3A_982 = arith.constant 1248 : index
        %swap3A_983 = tpu.vector_load %arg7[%swap3A_981, %swap3A_982] {strides = array<i32>} : memref<2x2048xf32, #tpu.memory_space<vmem>>, vector<16xf32>,
        tpu.vector_store %arg7[%swap3A_981, %swap3A_982], %gather3A_954 {strides = array<i32>} : memref<2x2048xf32, #tpu.memory_space<vmem>>, vector<16xf32>,
        %swap3A_984 = arith.constant 0 : i32
        %swap3A_985 = arith.index_cast %swap3A_984 : i32 to index
        %swap3A_986 = arith.constant 1264 : index
        %swap3A_987 = tpu.vector_load %arg7[%swap3A_985, %swap3A_986] {strides = array<i32>} : memref<2x2048xf32, #tpu.memory_space<vmem>>, vector<16xf32>,
        tpu.vector_store %arg7[%swap3A_985, %swap3A_986], %gather3A_955 {strides = array<i32>} : memref<2x2048xf32, #tpu.memory_space<vmem>>, vector<16xf32>,
        %mul3A_988 = arith.constant 2048 : i32
        %mul3A_989 = arith.muli %add3A_103, %mul3A_988 : i32
        %add3A_990 = arith.constant 1280 : i32
        %add3A_991 = arith.addi %mul3A_989, %add3A_990 : i32
        %get3A_992 = arith.index_cast %add3A_991 : i32 to index
        %get3A_993 = tpu.vector_load %arg5[%get3A_992] {strides = array<i32>} : memref<16384xi32, #tpu.memory_space<vmem>>, vector<16xi32>,
        %mul3A_994 = arith.constant 2048 : i32
        %mul3A_995 = arith.muli %add3A_103, %mul3A_994 : i32
        %add3A_996 = arith.constant 1296 : i32
        %add3A_997 = arith.addi %mul3A_995, %add3A_996 : i32
        %get3A_998 = arith.index_cast %add3A_997 : i32 to index
        %get3A_999 = tpu.vector_load %arg5[%get3A_998] {strides = array<i32>} : memref<16384xi32, #tpu.memory_space<vmem>>, vector<16xi32>,
        %mul3A_1000 = arith.constant 2048 : i32
        %mul3A_1001 = arith.muli %add3A_103, %mul3A_1000 : i32
        %add3A_1002 = arith.constant 1312 : i32
        %add3A_1003 = arith.addi %mul3A_1001, %add3A_1002 : i32
        %get3A_1004 = arith.index_cast %add3A_1003 : i32 to index
        %get3A_1005 = tpu.vector_load %arg5[%get3A_1004] {strides = array<i32>} : memref<16384xi32, #tpu.memory_space<vmem>>, vector<16xi32>,
        %mul3A_1006 = arith.constant 2048 : i32
        %mul3A_1007 = arith.muli %add3A_103, %mul3A_1006 : i32
        %add3A_1008 = arith.constant 1328 : i32
        %add3A_1009 = arith.addi %mul3A_1007, %add3A_1008 : i32
        %get3A_1010 = arith.index_cast %add3A_1009 : i32 to index
        %get3A_1011 = tpu.vector_load %arg5[%get3A_1010] {strides = array<i32>} : memref<16384xi32, #tpu.memory_space<vmem>>, vector<16xi32>,
        %mul3A_1012 = arith.constant 2048 : i32
        %mul3A_1013 = arith.muli %add3A_103, %mul3A_1012 : i32
        %add3A_1014 = arith.constant 1344 : i32
        %add3A_1015 = arith.addi %mul3A_1013, %add3A_1014 : i32
        %get3A_1016 = arith.index_cast %add3A_1015 : i32 to index
        %get3A_1017 = tpu.vector_load %arg5[%get3A_1016] {strides = array<i32>} : memref<16384xi32, #tpu.memory_space<vmem>>, vector<16xi32>,
        %mul3A_1018 = arith.constant 2048 : i32
        %mul3A_1019 = arith.muli %add3A_103, %mul3A_1018 : i32
        %add3A_1020 = arith.constant 1360 : i32
        %add3A_1021 = arith.addi %mul3A_1019, %add3A_1020 : i32
        %get3A_1022 = arith.index_cast %add3A_1021 : i32 to index
        %get3A_1023 = tpu.vector_load %arg5[%get3A_1022] {strides = array<i32>} : memref<16384xi32, #tpu.memory_space<vmem>>, vector<16xi32>,
        %mul3A_1024 = arith.constant 2048 : i32
        %mul3A_1025 = arith.muli %add3A_103, %mul3A_1024 : i32
        %add3A_1026 = arith.constant 1376 : i32
        %add3A_1027 = arith.addi %mul3A_1025, %add3A_1026 : i32
        %get3A_1028 = arith.index_cast %add3A_1027 : i32 to index
        %get3A_1029 = tpu.vector_load %arg5[%get3A_1028] {strides = array<i32>} : memref<16384xi32, #tpu.memory_space<vmem>>, vector<16xi32>,
        %mul3A_1030 = arith.constant 2048 : i32
        %mul3A_1031 = arith.muli %add3A_103, %mul3A_1030 : i32
        %add3A_1032 = arith.constant 1392 : i32
        %add3A_1033 = arith.addi %mul3A_1031, %add3A_1032 : i32
        %get3A_1034 = arith.index_cast %add3A_1033 : i32 to index
        %get3A_1035 = tpu.vector_load %arg5[%get3A_1034] {strides = array<i32>} : memref<16384xi32, #tpu.memory_space<vmem>>, vector<16xi32>,
        %gather3A_1036 = tpu.vector_load_idx %arg6[%get3A_993] : memref<100000xf32, #tpu.memory_space<vmem>>[vector<16xi32>], vector<16xf32>,
        %gather3A_1037 = tpu.vector_load_idx %arg6[%get3A_999] : memref<100000xf32, #tpu.memory_space<vmem>>[vector<16xi32>], vector<16xf32>,
        %gather3A_1038 = tpu.vector_load_idx %arg6[%get3A_1005] : memref<100000xf32, #tpu.memory_space<vmem>>[vector<16xi32>], vector<16xf32>,
        %gather3A_1039 = tpu.vector_load_idx %arg6[%get3A_1011] : memref<100000xf32, #tpu.memory_space<vmem>>[vector<16xi32>], vector<16xf32>,
        %gather3A_1040 = tpu.vector_load_idx %arg6[%get3A_1017] : memref<100000xf32, #tpu.memory_space<vmem>>[vector<16xi32>], vector<16xf32>,
        %gather3A_1041 = tpu.vector_load_idx %arg6[%get3A_1023] : memref<100000xf32, #tpu.memory_space<vmem>>[vector<16xi32>], vector<16xf32>,
        %gather3A_1042 = tpu.vector_load_idx %arg6[%get3A_1029] : memref<100000xf32, #tpu.memory_space<vmem>>[vector<16xi32>], vector<16xf32>,
        %gather3A_1043 = tpu.vector_load_idx %arg6[%get3A_1035] : memref<100000xf32, #tpu.memory_space<vmem>>[vector<16xi32>], vector<16xf32>,
        %swap3A_1044 = arith.constant 0 : i32
        %swap3A_1045 = arith.index_cast %swap3A_1044 : i32 to index
        %swap3A_1046 = arith.constant 1280 : index
        %swap3A_1047 = tpu.vector_load %arg7[%swap3A_1045, %swap3A_1046] {strides = array<i32>} : memref<2x2048xf32, #tpu.memory_space<vmem>>, vector<16xf32>,
        tpu.vector_store %arg7[%swap3A_1045, %swap3A_1046], %gather3A_1036 {strides = array<i32>} : memref<2x2048xf32, #tpu.memory_space<vmem>>, vector<16xf32>,
        %swap3A_1048 = arith.constant 0 : i32
        %swap3A_1049 = arith.index_cast %swap3A_1048 : i32 to index
        %swap3A_1050 = arith.constant 1296 : index
        %swap3A_1051 = tpu.vector_load %arg7[%swap3A_1049, %swap3A_1050] {strides = array<i32>} : memref<2x2048xf32, #tpu.memory_space<vmem>>, vector<16xf32>,
        tpu.vector_store %arg7[%swap3A_1049, %swap3A_1050], %gather3A_1037 {strides = array<i32>} : memref<2x2048xf32, #tpu.memory_space<vmem>>, vector<16xf32>,
        %swap3A_1052 = arith.constant 0 : i32
        %swap3A_1053 = arith.index_cast %swap3A_1052 : i32 to index
        %swap3A_1054 = arith.constant 1312 : index
        %swap3A_1055 = tpu.vector_load %arg7[%swap3A_1053, %swap3A_1054] {strides = array<i32>} : memref<2x2048xf32, #tpu.memory_space<vmem>>, vector<16xf32>,
        tpu.vector_store %arg7[%swap3A_1053, %swap3A_1054], %gather3A_1038 {strides = array<i32>} : memref<2x2048xf32, #tpu.memory_space<vmem>>, vector<16xf32>,
        %swap3A_1056 = arith.constant 0 : i32
        %swap3A_1057 = arith.index_cast %swap3A_1056 : i32 to index
        %swap3A_1058 = arith.constant 1328 : index
        %swap3A_1059 = tpu.vector_load %arg7[%swap3A_1057, %swap3A_1058] {strides = array<i32>} : memref<2x2048xf32, #tpu.memory_space<vmem>>, vector<16xf32>,
        tpu.vector_store %arg7[%swap3A_1057, %swap3A_1058], %gather3A_1039 {strides = array<i32>} : memref<2x2048xf32, #tpu.memory_space<vmem>>, vector<16xf32>,
        %swap3A_1060 = arith.constant 0 : i32
        %swap3A_1061 = arith.index_cast %swap3A_1060 : i32 to index
        %swap3A_1062 = arith.constant 1344 : index
        %swap3A_1063 = tpu.vector_load %arg7[%swap3A_1061, %swap3A_1062] {strides = array<i32>} : memref<2x2048xf32, #tpu.memory_space<vmem>>, vector<16xf32>,
        tpu.vector_store %arg7[%swap3A_1061, %swap3A_1062], %gather3A_1040 {strides = array<i32>} : memref<2x2048xf32, #tpu.memory_space<vmem>>, vector<16xf32>,
        %swap3A_1064 = arith.constant 0 : i32
        %swap3A_1065 = arith.index_cast %swap3A_1064 : i32 to index
        %swap3A_1066 = arith.constant 1360 : index
        %swap3A_1067 = tpu.vector_load %arg7[%swap3A_1065, %swap3A_1066] {strides = array<i32>} : memref<2x2048xf32, #tpu.memory_space<vmem>>, vector<16xf32>,
        tpu.vector_store %arg7[%swap3A_1065, %swap3A_1066], %gather3A_1041 {strides = array<i32>} : memref<2x2048xf32, #tpu.memory_space<vmem>>, vector<16xf32>,
        %swap3A_1068 = arith.constant 0 : i32
        %swap3A_1069 = arith.index_cast %swap3A_1068 : i32 to index
        %swap3A_1070 = arith.constant 1376 : index
        %swap3A_1071 = tpu.vector_load %arg7[%swap3A_1069, %swap3A_1070] {strides = array<i32>} : memref<2x2048xf32, #tpu.memory_space<vmem>>, vector<16xf32>,
        tpu.vector_store %arg7[%swap3A_1069, %swap3A_1070], %gather3A_1042 {strides = array<i32>} : memref<2x2048xf32, #tpu.memory_space<vmem>>, vector<16xf32>,
        %swap3A_1072 = arith.constant 0 : i32
        %swap3A_1073 = arith.index_cast %swap3A_1072 : i32 to index
        %swap3A_1074 = arith.constant 1392 : index
        %swap3A_1075 = tpu.vector_load %arg7[%swap3A_1073, %swap3A_1074] {strides = array<i32>} : memref<2x2048xf32, #tpu.memory_space<vmem>>, vector<16xf32>,
        tpu.vector_store %arg7[%swap3A_1073, %swap3A_1074], %gather3A_1043 {strides = array<i32>} : memref<2x2048xf32, #tpu.memory_space<vmem>>, vector<16xf32>,
        %mul3A_1076 = arith.constant 2048 : i32
        %mul3A_1077 = arith.muli %add3A_103, %mul3A_1076 : i32
        %add3A_1078 = arith.constant 1408 : i32
        %add3A_1079 = arith.addi %mul3A_1077, %add3A_1078 : i32
        %get3A_1080 = arith.index_cast %add3A_1079 : i32 to index
        %get3A_1081 = tpu.vector_load %arg5[%get3A_1080] {strides = array<i32>} : memref<16384xi32, #tpu.memory_space<vmem>>, vector<16xi32>,
        %mul3A_1082 = arith.constant 2048 : i32
        %mul3A_1083 = arith.muli %add3A_103, %mul3A_1082 : i32
        %add3A_1084 = arith.constant 1424 : i32
        %add3A_1085 = arith.addi %mul3A_1083, %add3A_1084 : i32
        %get3A_1086 = arith.index_cast %add3A_1085 : i32 to index
        %get3A_1087 = tpu.vector_load %arg5[%get3A_1086] {strides = array<i32>} : memref<16384xi32, #tpu.memory_space<vmem>>, vector<16xi32>,
        %mul3A_1088 = arith.constant 2048 : i32
        %mul3A_1089 = arith.muli %add3A_103, %mul3A_1088 : i32
        %add3A_1090 = arith.constant 1440 : i32
        %add3A_1091 = arith.addi %mul3A_1089, %add3A_1090 : i32
        %get3A_1092 = arith.index_cast %add3A_1091 : i32 to index
        %get3A_1093 = tpu.vector_load %arg5[%get3A_1092] {strides = array<i32>} : memref<16384xi32, #tpu.memory_space<vmem>>, vector<16xi32>,
        %mul3A_1094 = arith.constant 2048 : i32
        %mul3A_1095 = arith.muli %add3A_103, %mul3A_1094 : i32
        %add3A_1096 = arith.constant 1456 : i32
        %add3A_1097 = arith.addi %mul3A_1095, %add3A_1096 : i32
        %get3A_1098 = arith.index_cast %add3A_1097 : i32 to index
        %get3A_1099 = tpu.vector_load %arg5[%get3A_1098] {strides = array<i32>} : memref<16384xi32, #tpu.memory_space<vmem>>, vector<16xi32>,
        %mul3A_1100 = arith.constant 2048 : i32
        %mul3A_1101 = arith.muli %add3A_103, %mul3A_1100 : i32
        %add3A_1102 = arith.constant 1472 : i32
        %add3A_1103 = arith.addi %mul3A_1101, %add3A_1102 : i32
        %get3A_1104 = arith.index_cast %add3A_1103 : i32 to index
        %get3A_1105 = tpu.vector_load %arg5[%get3A_1104] {strides = array<i32>} : memref<16384xi32, #tpu.memory_space<vmem>>, vector<16xi32>,
        %mul3A_1106 = arith.constant 2048 : i32
        %mul3A_1107 = arith.muli %add3A_103, %mul3A_1106 : i32
        %add3A_1108 = arith.constant 1488 : i32
        %add3A_1109 = arith.addi %mul3A_1107, %add3A_1108 : i32
        %get3A_1110 = arith.index_cast %add3A_1109 : i32 to index
        %get3A_1111 = tpu.vector_load %arg5[%get3A_1110] {strides = array<i32>} : memref<16384xi32, #tpu.memory_space<vmem>>, vector<16xi32>,
        %mul3A_1112 = arith.constant 2048 : i32
        %mul3A_1113 = arith.muli %add3A_103, %mul3A_1112 : i32
        %add3A_1114 = arith.constant 1504 : i32
        %add3A_1115 = arith.addi %mul3A_1113, %add3A_1114 : i32
        %get3A_1116 = arith.index_cast %add3A_1115 : i32 to index
        %get3A_1117 = tpu.vector_load %arg5[%get3A_1116] {strides = array<i32>} : memref<16384xi32, #tpu.memory_space<vmem>>, vector<16xi32>,
        %mul3A_1118 = arith.constant 2048 : i32
        %mul3A_1119 = arith.muli %add3A_103, %mul3A_1118 : i32
        %add3A_1120 = arith.constant 1520 : i32
        %add3A_1121 = arith.addi %mul3A_1119, %add3A_1120 : i32
        %get3A_1122 = arith.index_cast %add3A_1121 : i32 to index
        %get3A_1123 = tpu.vector_load %arg5[%get3A_1122] {strides = array<i32>} : memref<16384xi32, #tpu.memory_space<vmem>>, vector<16xi32>,
        %gather3A_1124 = tpu.vector_load_idx %arg6[%get3A_1081] : memref<100000xf32, #tpu.memory_space<vmem>>[vector<16xi32>], vector<16xf32>,
        %gather3A_1125 = tpu.vector_load_idx %arg6[%get3A_1087] : memref<100000xf32, #tpu.memory_space<vmem>>[vector<16xi32>], vector<16xf32>,
        %gather3A_1126 = tpu.vector_load_idx %arg6[%get3A_1093] : memref<100000xf32, #tpu.memory_space<vmem>>[vector<16xi32>], vector<16xf32>,
        %gather3A_1127 = tpu.vector_load_idx %arg6[%get3A_1099] : memref<100000xf32, #tpu.memory_space<vmem>>[vector<16xi32>], vector<16xf32>,
        %gather3A_1128 = tpu.vector_load_idx %arg6[%get3A_1105] : memref<100000xf32, #tpu.memory_space<vmem>>[vector<16xi32>], vector<16xf32>,
        %gather3A_1129 = tpu.vector_load_idx %arg6[%get3A_1111] : memref<100000xf32, #tpu.memory_space<vmem>>[vector<16xi32>], vector<16xf32>,
        %gather3A_1130 = tpu.vector_load_idx %arg6[%get3A_1117] : memref<100000xf32, #tpu.memory_space<vmem>>[vector<16xi32>], vector<16xf32>,
        %gather3A_1131 = tpu.vector_load_idx %arg6[%get3A_1123] : memref<100000xf32, #tpu.memory_space<vmem>>[vector<16xi32>], vector<16xf32>,
        %swap3A_1132 = arith.constant 0 : i32
        %swap3A_1133 = arith.index_cast %swap3A_1132 : i32 to index
        %swap3A_1134 = arith.constant 1408 : index
        %swap3A_1135 = tpu.vector_load %arg7[%swap3A_1133, %swap3A_1134] {strides = array<i32>} : memref<2x2048xf32, #tpu.memory_space<vmem>>, vector<16xf32>,
        tpu.vector_store %arg7[%swap3A_1133, %swap3A_1134], %gather3A_1124 {strides = array<i32>} : memref<2x2048xf32, #tpu.memory_space<vmem>>, vector<16xf32>,
        %swap3A_1136 = arith.constant 0 : i32
        %swap3A_1137 = arith.index_cast %swap3A_1136 : i32 to index
        %swap3A_1138 = arith.constant 1424 : index
        %swap3A_1139 = tpu.vector_load %arg7[%swap3A_1137, %swap3A_1138] {strides = array<i32>} : memref<2x2048xf32, #tpu.memory_space<vmem>>, vector<16xf32>,
        tpu.vector_store %arg7[%swap3A_1137, %swap3A_1138], %gather3A_1125 {strides = array<i32>} : memref<2x2048xf32, #tpu.memory_space<vmem>>, vector<16xf32>,
        %swap3A_1140 = arith.constant 0 : i32
        %swap3A_1141 = arith.index_cast %swap3A_1140 : i32 to index
        %swap3A_1142 = arith.constant 1440 : index
        %swap3A_1143 = tpu.vector_load %arg7[%swap3A_1141, %swap3A_1142] {strides = array<i32>} : memref<2x2048xf32, #tpu.memory_space<vmem>>, vector<16xf32>,
        tpu.vector_store %arg7[%swap3A_1141, %swap3A_1142], %gather3A_1126 {strides = array<i32>} : memref<2x2048xf32, #tpu.memory_space<vmem>>, vector<16xf32>,
        %swap3A_1144 = arith.constant 0 : i32
        %swap3A_1145 = arith.index_cast %swap3A_1144 : i32 to index
        %swap3A_1146 = arith.constant 1456 : index
        %swap3A_1147 = tpu.vector_load %arg7[%swap3A_1145, %swap3A_1146] {strides = array<i32>} : memref<2x2048xf32, #tpu.memory_space<vmem>>, vector<16xf32>,
        tpu.vector_store %arg7[%swap3A_1145, %swap3A_1146], %gather3A_1127 {strides = array<i32>} : memref<2x2048xf32, #tpu.memory_space<vmem>>, vector<16xf32>,
        %swap3A_1148 = arith.constant 0 : i32
        %swap3A_1149 = arith.index_cast %swap3A_1148 : i32 to index
        %swap3A_1150 = arith.constant 1472 : index
        %swap3A_1151 = tpu.vector_load %arg7[%swap3A_1149, %swap3A_1150] {strides = array<i32>} : memref<2x2048xf32, #tpu.memory_space<vmem>>, vector<16xf32>,
        tpu.vector_store %arg7[%swap3A_1149, %swap3A_1150], %gather3A_1128 {strides = array<i32>} : memref<2x2048xf32, #tpu.memory_space<vmem>>, vector<16xf32>,
        %swap3A_1152 = arith.constant 0 : i32
        %swap3A_1153 = arith.index_cast %swap3A_1152 : i32 to index
        %swap3A_1154 = arith.constant 1488 : index
        %swap3A_1155 = tpu.vector_load %arg7[%swap3A_1153, %swap3A_1154] {strides = array<i32>} : memref<2x2048xf32, #tpu.memory_space<vmem>>, vector<16xf32>,
        tpu.vector_store %arg7[%swap3A_1153, %swap3A_1154], %gather3A_1129 {strides = array<i32>} : memref<2x2048xf32, #tpu.memory_space<vmem>>, vector<16xf32>,
        %swap3A_1156 = arith.constant 0 : i32
        %swap3A_1157 = arith.index_cast %swap3A_1156 : i32 to index
        %swap3A_1158 = arith.constant 1504 : index
        %swap3A_1159 = tpu.vector_load %arg7[%swap3A_1157, %swap3A_1158] {strides = array<i32>} : memref<2x2048xf32, #tpu.memory_space<vmem>>, vector<16xf32>,
        tpu.vector_store %arg7[%swap3A_1157, %swap3A_1158], %gather3A_1130 {strides = array<i32>} : memref<2x2048xf32, #tpu.memory_space<vmem>>, vector<16xf32>,
        %swap3A_1160 = arith.constant 0 : i32
        %swap3A_1161 = arith.index_cast %swap3A_1160 : i32 to index
        %swap3A_1162 = arith.constant 1520 : index
        %swap3A_1163 = tpu.vector_load %arg7[%swap3A_1161, %swap3A_1162] {strides = array<i32>} : memref<2x2048xf32, #tpu.memory_space<vmem>>, vector<16xf32>,
        tpu.vector_store %arg7[%swap3A_1161, %swap3A_1162], %gather3A_1131 {strides = array<i32>} : memref<2x2048xf32, #tpu.memory_space<vmem>>, vector<16xf32>,
        %mul3A_1164 = arith.constant 2048 : i32
        %mul3A_1165 = arith.muli %add3A_103, %mul3A_1164 : i32
        %add3A_1166 = arith.constant 1536 : i32
        %add3A_1167 = arith.addi %mul3A_1165, %add3A_1166 : i32
        %get3A_1168 = arith.index_cast %add3A_1167 : i32 to index
        %get3A_1169 = tpu.vector_load %arg5[%get3A_1168] {strides = array<i32>} : memref<16384xi32, #tpu.memory_space<vmem>>, vector<16xi32>,
        %mul3A_1170 = arith.constant 2048 : i32
        %mul3A_1171 = arith.muli %add3A_103, %mul3A_1170 : i32
        %add3A_1172 = arith.constant 1552 : i32
        %add3A_1173 = arith.addi %mul3A_1171, %add3A_1172 : i32
        %get3A_1174 = arith.index_cast %add3A_1173 : i32 to index
        %get3A_1175 = tpu.vector_load %arg5[%get3A_1174] {strides = array<i32>} : memref<16384xi32, #tpu.memory_space<vmem>>, vector<16xi32>,
        %mul3A_1176 = arith.constant 2048 : i32
        %mul3A_1177 = arith.muli %add3A_103, %mul3A_1176 : i32
        %add3A_1178 = arith.constant 1568 : i32
        %add3A_1179 = arith.addi %mul3A_1177, %add3A_1178 : i32
        %get3A_1180 = arith.index_cast %add3A_1179 : i32 to index
        %get3A_1181 = tpu.vector_load %arg5[%get3A_1180] {strides = array<i32>} : memref<16384xi32, #tpu.memory_space<vmem>>, vector<16xi32>,
        %mul3A_1182 = arith.constant 2048 : i32
        %mul3A_1183 = arith.muli %add3A_103, %mul3A_1182 : i32
        %add3A_1184 = arith.constant 1584 : i32
        %add3A_1185 = arith.addi %mul3A_1183, %add3A_1184 : i32
        %get3A_1186 = arith.index_cast %add3A_1185 : i32 to index
        %get3A_1187 = tpu.vector_load %arg5[%get3A_1186] {strides = array<i32>} : memref<16384xi32, #tpu.memory_space<vmem>>, vector<16xi32>,
        %mul3A_1188 = arith.constant 2048 : i32
        %mul3A_1189 = arith.muli %add3A_103, %mul3A_1188 : i32
        %add3A_1190 = arith.constant 1600 : i32
        %add3A_1191 = arith.addi %mul3A_1189, %add3A_1190 : i32
        %get3A_1192 = arith.index_cast %add3A_1191 : i32 to index
        %get3A_1193 = tpu.vector_load %arg5[%get3A_1192] {strides = array<i32>} : memref<16384xi32, #tpu.memory_space<vmem>>, vector<16xi32>,
        %mul3A_1194 = arith.constant 2048 : i32
        %mul3A_1195 = arith.muli %add3A_103, %mul3A_1194 : i32
        %add3A_1196 = arith.constant 1616 : i32
        %add3A_1197 = arith.addi %mul3A_1195, %add3A_1196 : i32
        %get3A_1198 = arith.index_cast %add3A_1197 : i32 to index
        %get3A_1199 = tpu.vector_load %arg5[%get3A_1198] {strides = array<i32>} : memref<16384xi32, #tpu.memory_space<vmem>>, vector<16xi32>,
        %mul3A_1200 = arith.constant 2048 : i32
        %mul3A_1201 = arith.muli %add3A_103, %mul3A_1200 : i32
        %add3A_1202 = arith.constant 1632 : i32
        %add3A_1203 = arith.addi %mul3A_1201, %add3A_1202 : i32
        %get3A_1204 = arith.index_cast %add3A_1203 : i32 to index
        %get3A_1205 = tpu.vector_load %arg5[%get3A_1204] {strides = array<i32>} : memref<16384xi32, #tpu.memory_space<vmem>>, vector<16xi32>,
        %mul3A_1206 = arith.constant 2048 : i32
        %mul3A_1207 = arith.muli %add3A_103, %mul3A_1206 : i32
        %add3A_1208 = arith.constant 1648 : i32
        %add3A_1209 = arith.addi %mul3A_1207, %add3A_1208 : i32
        %get3A_1210 = arith.index_cast %add3A_1209 : i32 to index
        %get3A_1211 = tpu.vector_load %arg5[%get3A_1210] {strides = array<i32>} : memref<16384xi32, #tpu.memory_space<vmem>>, vector<16xi32>,
        %gather3A_1212 = tpu.vector_load_idx %arg6[%get3A_1169] : memref<100000xf32, #tpu.memory_space<vmem>>[vector<16xi32>], vector<16xf32>,
        %gather3A_1213 = tpu.vector_load_idx %arg6[%get3A_1175] : memref<100000xf32, #tpu.memory_space<vmem>>[vector<16xi32>], vector<16xf32>,
        %gather3A_1214 = tpu.vector_load_idx %arg6[%get3A_1181] : memref<100000xf32, #tpu.memory_space<vmem>>[vector<16xi32>], vector<16xf32>,
        %gather3A_1215 = tpu.vector_load_idx %arg6[%get3A_1187] : memref<100000xf32, #tpu.memory_space<vmem>>[vector<16xi32>], vector<16xf32>,
        %gather3A_1216 = tpu.vector_load_idx %arg6[%get3A_1193] : memref<100000xf32, #tpu.memory_space<vmem>>[vector<16xi32>], vector<16xf32>,
        %gather3A_1217 = tpu.vector_load_idx %arg6[%get3A_1199] : memref<100000xf32, #tpu.memory_space<vmem>>[vector<16xi32>], vector<16xf32>,
        %gather3A_1218 = tpu.vector_load_idx %arg6[%get3A_1205] : memref<100000xf32, #tpu.memory_space<vmem>>[vector<16xi32>], vector<16xf32>,
        %gather3A_1219 = tpu.vector_load_idx %arg6[%get3A_1211] : memref<100000xf32, #tpu.memory_space<vmem>>[vector<16xi32>], vector<16xf32>,
        %swap3A_1220 = arith.constant 0 : i32
        %swap3A_1221 = arith.index_cast %swap3A_1220 : i32 to index
        %swap3A_1222 = arith.constant 1536 : index
        %swap3A_1223 = tpu.vector_load %arg7[%swap3A_1221, %swap3A_1222] {strides = array<i32>} : memref<2x2048xf32, #tpu.memory_space<vmem>>, vector<16xf32>,
        tpu.vector_store %arg7[%swap3A_1221, %swap3A_1222], %gather3A_1212 {strides = array<i32>} : memref<2x2048xf32, #tpu.memory_space<vmem>>, vector<16xf32>,
        %swap3A_1224 = arith.constant 0 : i32
        %swap3A_1225 = arith.index_cast %swap3A_1224 : i32 to index
        %swap3A_1226 = arith.constant 1552 : index
        %swap3A_1227 = tpu.vector_load %arg7[%swap3A_1225, %swap3A_1226] {strides = array<i32>} : memref<2x2048xf32, #tpu.memory_space<vmem>>, vector<16xf32>,
        tpu.vector_store %arg7[%swap3A_1225, %swap3A_1226], %gather3A_1213 {strides = array<i32>} : memref<2x2048xf32, #tpu.memory_space<vmem>>, vector<16xf32>,
        %swap3A_1228 = arith.constant 0 : i32
        %swap3A_1229 = arith.index_cast %swap3A_1228 : i32 to index
        %swap3A_1230 = arith.constant 1568 : index
        %swap3A_1231 = tpu.vector_load %arg7[%swap3A_1229, %swap3A_1230] {strides = array<i32>} : memref<2x2048xf32, #tpu.memory_space<vmem>>, vector<16xf32>,
        tpu.vector_store %arg7[%swap3A_1229, %swap3A_1230], %gather3A_1214 {strides = array<i32>} : memref<2x2048xf32, #tpu.memory_space<vmem>>, vector<16xf32>,
        %swap3A_1232 = arith.constant 0 : i32
        %swap3A_1233 = arith.index_cast %swap3A_1232 : i32 to index
        %swap3A_1234 = arith.constant 1584 : index
        %swap3A_1235 = tpu.vector_load %arg7[%swap3A_1233, %swap3A_1234] {strides = array<i32>} : memref<2x2048xf32, #tpu.memory_space<vmem>>, vector<16xf32>,
        tpu.vector_store %arg7[%swap3A_1233, %swap3A_1234], %gather3A_1215 {strides = array<i32>} : memref<2x2048xf32, #tpu.memory_space<vmem>>, vector<16xf32>,
        %swap3A_1236 = arith.constant 0 : i32
        %swap3A_1237 = arith.index_cast %swap3A_1236 : i32 to index
        %swap3A_1238 = arith.constant 1600 : index
        %swap3A_1239 = tpu.vector_load %arg7[%swap3A_1237, %swap3A_1238] {strides = array<i32>} : memref<2x2048xf32, #tpu.memory_space<vmem>>, vector<16xf32>,
        tpu.vector_store %arg7[%swap3A_1237, %swap3A_1238], %gather3A_1216 {strides = array<i32>} : memref<2x2048xf32, #tpu.memory_space<vmem>>, vector<16xf32>,
        %swap3A_1240 = arith.constant 0 : i32
        %swap3A_1241 = arith.index_cast %swap3A_1240 : i32 to index
        %swap3A_1242 = arith.constant 1616 : index
        %swap3A_1243 = tpu.vector_load %arg7[%swap3A_1241, %swap3A_1242] {strides = array<i32>} : memref<2x2048xf32, #tpu.memory_space<vmem>>, vector<16xf32>,
        tpu.vector_store %arg7[%swap3A_1241, %swap3A_1242], %gather3A_1217 {strides = array<i32>} : memref<2x2048xf32, #tpu.memory_space<vmem>>, vector<16xf32>,
        %swap3A_1244 = arith.constant 0 : i32
        %swap3A_1245 = arith.index_cast %swap3A_1244 : i32 to index
        %swap3A_1246 = arith.constant 1632 : index
        %swap3A_1247 = tpu.vector_load %arg7[%swap3A_1245, %swap3A_1246] {strides = array<i32>} : memref<2x2048xf32, #tpu.memory_space<vmem>>, vector<16xf32>,
        tpu.vector_store %arg7[%swap3A_1245, %swap3A_1246], %gather3A_1218 {strides = array<i32>} : memref<2x2048xf32, #tpu.memory_space<vmem>>, vector<16xf32>,
        %swap3A_1248 = arith.constant 0 : i32
        %swap3A_1249 = arith.index_cast %swap3A_1248 : i32 to index
        %swap3A_1250 = arith.constant 1648 : index
        %swap3A_1251 = tpu.vector_load %arg7[%swap3A_1249, %swap3A_1250] {strides = array<i32>} : memref<2x2048xf32, #tpu.memory_space<vmem>>, vector<16xf32>,
        tpu.vector_store %arg7[%swap3A_1249, %swap3A_1250], %gather3A_1219 {strides = array<i32>} : memref<2x2048xf32, #tpu.memory_space<vmem>>, vector<16xf32>,
        %mul3A_1252 = arith.constant 2048 : i32
        %mul3A_1253 = arith.muli %add3A_103, %mul3A_1252 : i32
        %add3A_1254 = arith.constant 1664 : i32
        %add3A_1255 = arith.addi %mul3A_1253, %add3A_1254 : i32
        %get3A_1256 = arith.index_cast %add3A_1255 : i32 to index
        %get3A_1257 = tpu.vector_load %arg5[%get3A_1256] {strides = array<i32>} : memref<16384xi32, #tpu.memory_space<vmem>>, vector<16xi32>,
        %mul3A_1258 = arith.constant 2048 : i32
        %mul3A_1259 = arith.muli %add3A_103, %mul3A_1258 : i32
        %add3A_1260 = arith.constant 1680 : i32
        %add3A_1261 = arith.addi %mul3A_1259, %add3A_1260 : i32
        %get3A_1262 = arith.index_cast %add3A_1261 : i32 to index
        %get3A_1263 = tpu.vector_load %arg5[%get3A_1262] {strides = array<i32>} : memref<16384xi32, #tpu.memory_space<vmem>>, vector<16xi32>,
        %mul3A_1264 = arith.constant 2048 : i32
        %mul3A_1265 = arith.muli %add3A_103, %mul3A_1264 : i32
        %add3A_1266 = arith.constant 1696 : i32
        %add3A_1267 = arith.addi %mul3A_1265, %add3A_1266 : i32
        %get3A_1268 = arith.index_cast %add3A_1267 : i32 to index
        %get3A_1269 = tpu.vector_load %arg5[%get3A_1268] {strides = array<i32>} : memref<16384xi32, #tpu.memory_space<vmem>>, vector<16xi32>,
        %mul3A_1270 = arith.constant 2048 : i32
        %mul3A_1271 = arith.muli %add3A_103, %mul3A_1270 : i32
        %add3A_1272 = arith.constant 1712 : i32
        %add3A_1273 = arith.addi %mul3A_1271, %add3A_1272 : i32
        %get3A_1274 = arith.index_cast %add3A_1273 : i32 to index
        %get3A_1275 = tpu.vector_load %arg5[%get3A_1274] {strides = array<i32>} : memref<16384xi32, #tpu.memory_space<vmem>>, vector<16xi32>,
        %mul3A_1276 = arith.constant 2048 : i32
        %mul3A_1277 = arith.muli %add3A_103, %mul3A_1276 : i32
        %add3A_1278 = arith.constant 1728 : i32
        %add3A_1279 = arith.addi %mul3A_1277, %add3A_1278 : i32
        %get3A_1280 = arith.index_cast %add3A_1279 : i32 to index
        %get3A_1281 = tpu.vector_load %arg5[%get3A_1280] {strides = array<i32>} : memref<16384xi32, #tpu.memory_space<vmem>>, vector<16xi32>,
        %mul3A_1282 = arith.constant 2048 : i32
        %mul3A_1283 = arith.muli %add3A_103, %mul3A_1282 : i32
        %add3A_1284 = arith.constant 1744 : i32
        %add3A_1285 = arith.addi %mul3A_1283, %add3A_1284 : i32
        %get3A_1286 = arith.index_cast %add3A_1285 : i32 to index
        %get3A_1287 = tpu.vector_load %arg5[%get3A_1286] {strides = array<i32>} : memref<16384xi32, #tpu.memory_space<vmem>>, vector<16xi32>,
        %mul3A_1288 = arith.constant 2048 : i32
        %mul3A_1289 = arith.muli %add3A_103, %mul3A_1288 : i32
        %add3A_1290 = arith.constant 1760 : i32
        %add3A_1291 = arith.addi %mul3A_1289, %add3A_1290 : i32
        %get3A_1292 = arith.index_cast %add3A_1291 : i32 to index
        %get3A_1293 = tpu.vector_load %arg5[%get3A_1292] {strides = array<i32>} : memref<16384xi32, #tpu.memory_space<vmem>>, vector<16xi32>,
        %mul3A_1294 = arith.constant 2048 : i32
        %mul3A_1295 = arith.muli %add3A_103, %mul3A_1294 : i32
        %add3A_1296 = arith.constant 1776 : i32
        %add3A_1297 = arith.addi %mul3A_1295, %add3A_1296 : i32
        %get3A_1298 = arith.index_cast %add3A_1297 : i32 to index
        %get3A_1299 = tpu.vector_load %arg5[%get3A_1298] {strides = array<i32>} : memref<16384xi32, #tpu.memory_space<vmem>>, vector<16xi32>,
        %gather3A_1300 = tpu.vector_load_idx %arg6[%get3A_1257] : memref<100000xf32, #tpu.memory_space<vmem>>[vector<16xi32>], vector<16xf32>,
        %gather3A_1301 = tpu.vector_load_idx %arg6[%get3A_1263] : memref<100000xf32, #tpu.memory_space<vmem>>[vector<16xi32>], vector<16xf32>,
        %gather3A_1302 = tpu.vector_load_idx %arg6[%get3A_1269] : memref<100000xf32, #tpu.memory_space<vmem>>[vector<16xi32>], vector<16xf32>,
        %gather3A_1303 = tpu.vector_load_idx %arg6[%get3A_1275] : memref<100000xf32, #tpu.memory_space<vmem>>[vector<16xi32>], vector<16xf32>,
        %gather3A_1304 = tpu.vector_load_idx %arg6[%get3A_1281] : memref<100000xf32, #tpu.memory_space<vmem>>[vector<16xi32>], vector<16xf32>,
        %gather3A_1305 = tpu.vector_load_idx %arg6[%get3A_1287] : memref<100000xf32, #tpu.memory_space<vmem>>[vector<16xi32>], vector<16xf32>,
        %gather3A_1306 = tpu.vector_load_idx %arg6[%get3A_1293] : memref<100000xf32, #tpu.memory_space<vmem>>[vector<16xi32>], vector<16xf32>,
        %gather3A_1307 = tpu.vector_load_idx %arg6[%get3A_1299] : memref<100000xf32, #tpu.memory_space<vmem>>[vector<16xi32>], vector<16xf32>,
        %swap3A_1308 = arith.constant 0 : i32
        %swap3A_1309 = arith.index_cast %swap3A_1308 : i32 to index
        %swap3A_1310 = arith.constant 1664 : index
        %swap3A_1311 = tpu.vector_load %arg7[%swap3A_1309, %swap3A_1310] {strides = array<i32>} : memref<2x2048xf32, #tpu.memory_space<vmem>>, vector<16xf32>,
        tpu.vector_store %arg7[%swap3A_1309, %swap3A_1310], %gather3A_1300 {strides = array<i32>} : memref<2x2048xf32, #tpu.memory_space<vmem>>, vector<16xf32>,
        %swap3A_1312 = arith.constant 0 : i32
        %swap3A_1313 = arith.index_cast %swap3A_1312 : i32 to index
        %swap3A_1314 = arith.constant 1680 : index
        %swap3A_1315 = tpu.vector_load %arg7[%swap3A_1313, %swap3A_1314] {strides = array<i32>} : memref<2x2048xf32, #tpu.memory_space<vmem>>, vector<16xf32>,
        tpu.vector_store %arg7[%swap3A_1313, %swap3A_1314], %gather3A_1301 {strides = array<i32>} : memref<2x2048xf32, #tpu.memory_space<vmem>>, vector<16xf32>,
        %swap3A_1316 = arith.constant 0 : i32
        %swap3A_1317 = arith.index_cast %swap3A_1316 : i32 to index
        %swap3A_1318 = arith.constant 1696 : index
        %swap3A_1319 = tpu.vector_load %arg7[%swap3A_1317, %swap3A_1318] {strides = array<i32>} : memref<2x2048xf32, #tpu.memory_space<vmem>>, vector<16xf32>,
        tpu.vector_store %arg7[%swap3A_1317, %swap3A_1318], %gather3A_1302 {strides = array<i32>} : memref<2x2048xf32, #tpu.memory_space<vmem>>, vector<16xf32>,
        %swap3A_1320 = arith.constant 0 : i32
        %swap3A_1321 = arith.index_cast %swap3A_1320 : i32 to index
        %swap3A_1322 = arith.constant 1712 : index
        %swap3A_1323 = tpu.vector_load %arg7[%swap3A_1321, %swap3A_1322] {strides = array<i32>} : memref<2x2048xf32, #tpu.memory_space<vmem>>, vector<16xf32>,
        tpu.vector_store %arg7[%swap3A_1321, %swap3A_1322], %gather3A_1303 {strides = array<i32>} : memref<2x2048xf32, #tpu.memory_space<vmem>>, vector<16xf32>,
        %swap3A_1324 = arith.constant 0 : i32
        %swap3A_1325 = arith.index_cast %swap3A_1324 : i32 to index
        %swap3A_1326 = arith.constant 1728 : index
        %swap3A_1327 = tpu.vector_load %arg7[%swap3A_1325, %swap3A_1326] {strides = array<i32>} : memref<2x2048xf32, #tpu.memory_space<vmem>>, vector<16xf32>,
        tpu.vector_store %arg7[%swap3A_1325, %swap3A_1326], %gather3A_1304 {strides = array<i32>} : memref<2x2048xf32, #tpu.memory_space<vmem>>, vector<16xf32>,
        %swap3A_1328 = arith.constant 0 : i32
        %swap3A_1329 = arith.index_cast %swap3A_1328 : i32 to index
        %swap3A_1330 = arith.constant 1744 : index
        %swap3A_1331 = tpu.vector_load %arg7[%swap3A_1329, %swap3A_1330] {strides = array<i32>} : memref<2x2048xf32, #tpu.memory_space<vmem>>, vector<16xf32>,
        tpu.vector_store %arg7[%swap3A_1329, %swap3A_1330], %gather3A_1305 {strides = array<i32>} : memref<2x2048xf32, #tpu.memory_space<vmem>>, vector<16xf32>,
        %swap3A_1332 = arith.constant 0 : i32
        %swap3A_1333 = arith.index_cast %swap3A_1332 : i32 to index
        %swap3A_1334 = arith.constant 1760 : index
        %swap3A_1335 = tpu.vector_load %arg7[%swap3A_1333, %swap3A_1334] {strides = array<i32>} : memref<2x2048xf32, #tpu.memory_space<vmem>>, vector<16xf32>,
        tpu.vector_store %arg7[%swap3A_1333, %swap3A_1334], %gather3A_1306 {strides = array<i32>} : memref<2x2048xf32, #tpu.memory_space<vmem>>, vector<16xf32>,
        %swap3A_1336 = arith.constant 0 : i32
        %swap3A_1337 = arith.index_cast %swap3A_1336 : i32 to index
        %swap3A_1338 = arith.constant 1776 : index
        %swap3A_1339 = tpu.vector_load %arg7[%swap3A_1337, %swap3A_1338] {strides = array<i32>} : memref<2x2048xf32, #tpu.memory_space<vmem>>, vector<16xf32>,
        tpu.vector_store %arg7[%swap3A_1337, %swap3A_1338], %gather3A_1307 {strides = array<i32>} : memref<2x2048xf32, #tpu.memory_space<vmem>>, vector<16xf32>,
        %mul3A_1340 = arith.constant 2048 : i32
        %mul3A_1341 = arith.muli %add3A_103, %mul3A_1340 : i32
        %add3A_1342 = arith.constant 1792 : i32
        %add3A_1343 = arith.addi %mul3A_1341, %add3A_1342 : i32
        %get3A_1344 = arith.index_cast %add3A_1343 : i32 to index
        %get3A_1345 = tpu.vector_load %arg5[%get3A_1344] {strides = array<i32>} : memref<16384xi32, #tpu.memory_space<vmem>>, vector<16xi32>,
        %mul3A_1346 = arith.constant 2048 : i32
        %mul3A_1347 = arith.muli %add3A_103, %mul3A_1346 : i32
        %add3A_1348 = arith.constant 1808 : i32
        %add3A_1349 = arith.addi %mul3A_1347, %add3A_1348 : i32
        %get3A_1350 = arith.index_cast %add3A_1349 : i32 to index
        %get3A_1351 = tpu.vector_load %arg5[%get3A_1350] {strides = array<i32>} : memref<16384xi32, #tpu.memory_space<vmem>>, vector<16xi32>,
        %mul3A_1352 = arith.constant 2048 : i32
        %mul3A_1353 = arith.muli %add3A_103, %mul3A_1352 : i32
        %add3A_1354 = arith.constant 1824 : i32
        %add3A_1355 = arith.addi %mul3A_1353, %add3A_1354 : i32
        %get3A_1356 = arith.index_cast %add3A_1355 : i32 to index
        %get3A_1357 = tpu.vector_load %arg5[%get3A_1356] {strides = array<i32>} : memref<16384xi32, #tpu.memory_space<vmem>>, vector<16xi32>,
        %mul3A_1358 = arith.constant 2048 : i32
        %mul3A_1359 = arith.muli %add3A_103, %mul3A_1358 : i32
        %add3A_1360 = arith.constant 1840 : i32
        %add3A_1361 = arith.addi %mul3A_1359, %add3A_1360 : i32
        %get3A_1362 = arith.index_cast %add3A_1361 : i32 to index
        %get3A_1363 = tpu.vector_load %arg5[%get3A_1362] {strides = array<i32>} : memref<16384xi32, #tpu.memory_space<vmem>>, vector<16xi32>,
        %mul3A_1364 = arith.constant 2048 : i32
        %mul3A_1365 = arith.muli %add3A_103, %mul3A_1364 : i32
        %add3A_1366 = arith.constant 1856 : i32
        %add3A_1367 = arith.addi %mul3A_1365, %add3A_1366 : i32
        %get3A_1368 = arith.index_cast %add3A_1367 : i32 to index
        %get3A_1369 = tpu.vector_load %arg5[%get3A_1368] {strides = array<i32>} : memref<16384xi32, #tpu.memory_space<vmem>>, vector<16xi32>,
        %mul3A_1370 = arith.constant 2048 : i32
        %mul3A_1371 = arith.muli %add3A_103, %mul3A_1370 : i32
        %add3A_1372 = arith.constant 1872 : i32
        %add3A_1373 = arith.addi %mul3A_1371, %add3A_1372 : i32
        %get3A_1374 = arith.index_cast %add3A_1373 : i32 to index
        %get3A_1375 = tpu.vector_load %arg5[%get3A_1374] {strides = array<i32>} : memref<16384xi32, #tpu.memory_space<vmem>>, vector<16xi32>,
        %mul3A_1376 = arith.constant 2048 : i32
        %mul3A_1377 = arith.muli %add3A_103, %mul3A_1376 : i32
        %add3A_1378 = arith.constant 1888 : i32
        %add3A_1379 = arith.addi %mul3A_1377, %add3A_1378 : i32
        %get3A_1380 = arith.index_cast %add3A_1379 : i32 to index
        %get3A_1381 = tpu.vector_load %arg5[%get3A_1380] {strides = array<i32>} : memref<16384xi32, #tpu.memory_space<vmem>>, vector<16xi32>,
        %mul3A_1382 = arith.constant 2048 : i32
        %mul3A_1383 = arith.muli %add3A_103, %mul3A_1382 : i32
        %add3A_1384 = arith.constant 1904 : i32
        %add3A_1385 = arith.addi %mul3A_1383, %add3A_1384 : i32
        %get3A_1386 = arith.index_cast %add3A_1385 : i32 to index
        %get3A_1387 = tpu.vector_load %arg5[%get3A_1386] {strides = array<i32>} : memref<16384xi32, #tpu.memory_space<vmem>>, vector<16xi32>,
        %gather3A_1388 = tpu.vector_load_idx %arg6[%get3A_1345] : memref<100000xf32, #tpu.memory_space<vmem>>[vector<16xi32>], vector<16xf32>,
        %gather3A_1389 = tpu.vector_load_idx %arg6[%get3A_1351] : memref<100000xf32, #tpu.memory_space<vmem>>[vector<16xi32>], vector<16xf32>,
        %gather3A_1390 = tpu.vector_load_idx %arg6[%get3A_1357] : memref<100000xf32, #tpu.memory_space<vmem>>[vector<16xi32>], vector<16xf32>,
        %gather3A_1391 = tpu.vector_load_idx %arg6[%get3A_1363] : memref<100000xf32, #tpu.memory_space<vmem>>[vector<16xi32>], vector<16xf32>,
        %gather3A_1392 = tpu.vector_load_idx %arg6[%get3A_1369] : memref<100000xf32, #tpu.memory_space<vmem>>[vector<16xi32>], vector<16xf32>,
        %gather3A_1393 = tpu.vector_load_idx %arg6[%get3A_1375] : memref<100000xf32, #tpu.memory_space<vmem>>[vector<16xi32>], vector<16xf32>,
        %gather3A_1394 = tpu.vector_load_idx %arg6[%get3A_1381] : memref<100000xf32, #tpu.memory_space<vmem>>[vector<16xi32>], vector<16xf32>,
        %gather3A_1395 = tpu.vector_load_idx %arg6[%get3A_1387] : memref<100000xf32, #tpu.memory_space<vmem>>[vector<16xi32>], vector<16xf32>,
        %swap3A_1396 = arith.constant 0 : i32
        %swap3A_1397 = arith.index_cast %swap3A_1396 : i32 to index
        %swap3A_1398 = arith.constant 1792 : index
        %swap3A_1399 = tpu.vector_load %arg7[%swap3A_1397, %swap3A_1398] {strides = array<i32>} : memref<2x2048xf32, #tpu.memory_space<vmem>>, vector<16xf32>,
        tpu.vector_store %arg7[%swap3A_1397, %swap3A_1398], %gather3A_1388 {strides = array<i32>} : memref<2x2048xf32, #tpu.memory_space<vmem>>, vector<16xf32>,
        %swap3A_1400 = arith.constant 0 : i32
        %swap3A_1401 = arith.index_cast %swap3A_1400 : i32 to index
        %swap3A_1402 = arith.constant 1808 : index
        %swap3A_1403 = tpu.vector_load %arg7[%swap3A_1401, %swap3A_1402] {strides = array<i32>} : memref<2x2048xf32, #tpu.memory_space<vmem>>, vector<16xf32>,
        tpu.vector_store %arg7[%swap3A_1401, %swap3A_1402], %gather3A_1389 {strides = array<i32>} : memref<2x2048xf32, #tpu.memory_space<vmem>>, vector<16xf32>,
        %swap3A_1404 = arith.constant 0 : i32
        %swap3A_1405 = arith.index_cast %swap3A_1404 : i32 to index
        %swap3A_1406 = arith.constant 1824 : index
        %swap3A_1407 = tpu.vector_load %arg7[%swap3A_1405, %swap3A_1406] {strides = array<i32>} : memref<2x2048xf32, #tpu.memory_space<vmem>>, vector<16xf32>,
        tpu.vector_store %arg7[%swap3A_1405, %swap3A_1406], %gather3A_1390 {strides = array<i32>} : memref<2x2048xf32, #tpu.memory_space<vmem>>, vector<16xf32>,
        %swap3A_1408 = arith.constant 0 : i32
        %swap3A_1409 = arith.index_cast %swap3A_1408 : i32 to index
        %swap3A_1410 = arith.constant 1840 : index
        %swap3A_1411 = tpu.vector_load %arg7[%swap3A_1409, %swap3A_1410] {strides = array<i32>} : memref<2x2048xf32, #tpu.memory_space<vmem>>, vector<16xf32>,
        tpu.vector_store %arg7[%swap3A_1409, %swap3A_1410], %gather3A_1391 {strides = array<i32>} : memref<2x2048xf32, #tpu.memory_space<vmem>>, vector<16xf32>,
        %swap3A_1412 = arith.constant 0 : i32
        %swap3A_1413 = arith.index_cast %swap3A_1412 : i32 to index
        %swap3A_1414 = arith.constant 1856 : index
        %swap3A_1415 = tpu.vector_load %arg7[%swap3A_1413, %swap3A_1414] {strides = array<i32>} : memref<2x2048xf32, #tpu.memory_space<vmem>>, vector<16xf32>,
        tpu.vector_store %arg7[%swap3A_1413, %swap3A_1414], %gather3A_1392 {strides = array<i32>} : memref<2x2048xf32, #tpu.memory_space<vmem>>, vector<16xf32>,
        %swap3A_1416 = arith.constant 0 : i32
        %swap3A_1417 = arith.index_cast %swap3A_1416 : i32 to index
        %swap3A_1418 = arith.constant 1872 : index
        %swap3A_1419 = tpu.vector_load %arg7[%swap3A_1417, %swap3A_1418] {strides = array<i32>} : memref<2x2048xf32, #tpu.memory_space<vmem>>, vector<16xf32>,
        tpu.vector_store %arg7[%swap3A_1417, %swap3A_1418], %gather3A_1393 {strides = array<i32>} : memref<2x2048xf32, #tpu.memory_space<vmem>>, vector<16xf32>,
        %swap3A_1420 = arith.constant 0 : i32
        %swap3A_1421 = arith.index_cast %swap3A_1420 : i32 to index
        %swap3A_1422 = arith.constant 1888 : index
        %swap3A_1423 = tpu.vector_load %arg7[%swap3A_1421, %swap3A_1422] {strides = array<i32>} : memref<2x2048xf32, #tpu.memory_space<vmem>>, vector<16xf32>,
        tpu.vector_store %arg7[%swap3A_1421, %swap3A_1422], %gather3A_1394 {strides = array<i32>} : memref<2x2048xf32, #tpu.memory_space<vmem>>, vector<16xf32>,
        %swap3A_1424 = arith.constant 0 : i32
        %swap3A_1425 = arith.index_cast %swap3A_1424 : i32 to index
        %swap3A_1426 = arith.constant 1904 : index
        %swap3A_1427 = tpu.vector_load %arg7[%swap3A_1425, %swap3A_1426] {strides = array<i32>} : memref<2x2048xf32, #tpu.memory_space<vmem>>, vector<16xf32>,
        tpu.vector_store %arg7[%swap3A_1425, %swap3A_1426], %gather3A_1395 {strides = array<i32>} : memref<2x2048xf32, #tpu.memory_space<vmem>>, vector<16xf32>,
        %mul3A_1428 = arith.constant 2048 : i32
        %mul3A_1429 = arith.muli %add3A_103, %mul3A_1428 : i32
        %add3A_1430 = arith.constant 1920 : i32
        %add3A_1431 = arith.addi %mul3A_1429, %add3A_1430 : i32
        %get3A_1432 = arith.index_cast %add3A_1431 : i32 to index
        %get3A_1433 = tpu.vector_load %arg5[%get3A_1432] {strides = array<i32>} : memref<16384xi32, #tpu.memory_space<vmem>>, vector<16xi32>,
        %mul3A_1434 = arith.constant 2048 : i32
        %mul3A_1435 = arith.muli %add3A_103, %mul3A_1434 : i32
        %add3A_1436 = arith.constant 1936 : i32
        %add3A_1437 = arith.addi %mul3A_1435, %add3A_1436 : i32
        %get3A_1438 = arith.index_cast %add3A_1437 : i32 to index
        %get3A_1439 = tpu.vector_load %arg5[%get3A_1438] {strides = array<i32>} : memref<16384xi32, #tpu.memory_space<vmem>>, vector<16xi32>,
        %mul3A_1440 = arith.constant 2048 : i32
        %mul3A_1441 = arith.muli %add3A_103, %mul3A_1440 : i32
        %add3A_1442 = arith.constant 1952 : i32
        %add3A_1443 = arith.addi %mul3A_1441, %add3A_1442 : i32
        %get3A_1444 = arith.index_cast %add3A_1443 : i32 to index
        %get3A_1445 = tpu.vector_load %arg5[%get3A_1444] {strides = array<i32>} : memref<16384xi32, #tpu.memory_space<vmem>>, vector<16xi32>,
        %mul3A_1446 = arith.constant 2048 : i32
        %mul3A_1447 = arith.muli %add3A_103, %mul3A_1446 : i32
        %add3A_1448 = arith.constant 1968 : i32
        %add3A_1449 = arith.addi %mul3A_1447, %add3A_1448 : i32
        %get3A_1450 = arith.index_cast %add3A_1449 : i32 to index
        %get3A_1451 = tpu.vector_load %arg5[%get3A_1450] {strides = array<i32>} : memref<16384xi32, #tpu.memory_space<vmem>>, vector<16xi32>,
        %mul3A_1452 = arith.constant 2048 : i32
        %mul3A_1453 = arith.muli %add3A_103, %mul3A_1452 : i32
        %add3A_1454 = arith.constant 1984 : i32
        %add3A_1455 = arith.addi %mul3A_1453, %add3A_1454 : i32
        %get3A_1456 = arith.index_cast %add3A_1455 : i32 to index
        %get3A_1457 = tpu.vector_load %arg5[%get3A_1456] {strides = array<i32>} : memref<16384xi32, #tpu.memory_space<vmem>>, vector<16xi32>,
        %mul3A_1458 = arith.constant 2048 : i32
        %mul3A_1459 = arith.muli %add3A_103, %mul3A_1458 : i32
        %add3A_1460 = arith.constant 2000 : i32
        %add3A_1461 = arith.addi %mul3A_1459, %add3A_1460 : i32
        %get3A_1462 = arith.index_cast %add3A_1461 : i32 to index
        %get3A_1463 = tpu.vector_load %arg5[%get3A_1462] {strides = array<i32>} : memref<16384xi32, #tpu.memory_space<vmem>>, vector<16xi32>,
        %mul3A_1464 = arith.constant 2048 : i32
        %mul3A_1465 = arith.muli %add3A_103, %mul3A_1464 : i32
        %add3A_1466 = arith.constant 2016 : i32
        %add3A_1467 = arith.addi %mul3A_1465, %add3A_1466 : i32
        %get3A_1468 = arith.index_cast %add3A_1467 : i32 to index
        %get3A_1469 = tpu.vector_load %arg5[%get3A_1468] {strides = array<i32>} : memref<16384xi32, #tpu.memory_space<vmem>>, vector<16xi32>,
        %mul3A_1470 = arith.constant 2048 : i32
        %mul3A_1471 = arith.muli %add3A_103, %mul3A_1470 : i32
        %add3A_1472 = arith.constant 2032 : i32
        %add3A_1473 = arith.addi %mul3A_1471, %add3A_1472 : i32
        %get3A_1474 = arith.index_cast %add3A_1473 : i32 to index
        %get3A_1475 = tpu.vector_load %arg5[%get3A_1474] {strides = array<i32>} : memref<16384xi32, #tpu.memory_space<vmem>>, vector<16xi32>,
        %gather3A_1476 = tpu.vector_load_idx %arg6[%get3A_1433] : memref<100000xf32, #tpu.memory_space<vmem>>[vector<16xi32>], vector<16xf32>,
        %gather3A_1477 = tpu.vector_load_idx %arg6[%get3A_1439] : memref<100000xf32, #tpu.memory_space<vmem>>[vector<16xi32>], vector<16xf32>,
        %gather3A_1478 = tpu.vector_load_idx %arg6[%get3A_1445] : memref<100000xf32, #tpu.memory_space<vmem>>[vector<16xi32>], vector<16xf32>,
        %gather3A_1479 = tpu.vector_load_idx %arg6[%get3A_1451] : memref<100000xf32, #tpu.memory_space<vmem>>[vector<16xi32>], vector<16xf32>,
        %gather3A_1480 = tpu.vector_load_idx %arg6[%get3A_1457] : memref<100000xf32, #tpu.memory_space<vmem>>[vector<16xi32>], vector<16xf32>,
        %gather3A_1481 = tpu.vector_load_idx %arg6[%get3A_1463] : memref<100000xf32, #tpu.memory_space<vmem>>[vector<16xi32>], vector<16xf32>,
        %gather3A_1482 = tpu.vector_load_idx %arg6[%get3A_1469] : memref<100000xf32, #tpu.memory_space<vmem>>[vector<16xi32>], vector<16xf32>,
        %gather3A_1483 = tpu.vector_load_idx %arg6[%get3A_1475] : memref<100000xf32, #tpu.memory_space<vmem>>[vector<16xi32>], vector<16xf32>,
        %swap3A_1484 = arith.constant 0 : i32
        %swap3A_1485 = arith.index_cast %swap3A_1484 : i32 to index
        %swap3A_1486 = arith.constant 1920 : index
        %swap3A_1487 = tpu.vector_load %arg7[%swap3A_1485, %swap3A_1486] {strides = array<i32>} : memref<2x2048xf32, #tpu.memory_space<vmem>>, vector<16xf32>,
        tpu.vector_store %arg7[%swap3A_1485, %swap3A_1486], %gather3A_1476 {strides = array<i32>} : memref<2x2048xf32, #tpu.memory_space<vmem>>, vector<16xf32>,
        %swap3A_1488 = arith.constant 0 : i32
        %swap3A_1489 = arith.index_cast %swap3A_1488 : i32 to index
        %swap3A_1490 = arith.constant 1936 : index
        %swap3A_1491 = tpu.vector_load %arg7[%swap3A_1489, %swap3A_1490] {strides = array<i32>} : memref<2x2048xf32, #tpu.memory_space<vmem>>, vector<16xf32>,
        tpu.vector_store %arg7[%swap3A_1489, %swap3A_1490], %gather3A_1477 {strides = array<i32>} : memref<2x2048xf32, #tpu.memory_space<vmem>>, vector<16xf32>,
        %swap3A_1492 = arith.constant 0 : i32
        %swap3A_1493 = arith.index_cast %swap3A_1492 : i32 to index
        %swap3A_1494 = arith.constant 1952 : index
        %swap3A_1495 = tpu.vector_load %arg7[%swap3A_1493, %swap3A_1494] {strides = array<i32>} : memref<2x2048xf32, #tpu.memory_space<vmem>>, vector<16xf32>,
        tpu.vector_store %arg7[%swap3A_1493, %swap3A_1494], %gather3A_1478 {strides = array<i32>} : memref<2x2048xf32, #tpu.memory_space<vmem>>, vector<16xf32>,
        %swap3A_1496 = arith.constant 0 : i32
        %swap3A_1497 = arith.index_cast %swap3A_1496 : i32 to index
        %swap3A_1498 = arith.constant 1968 : index
        %swap3A_1499 = tpu.vector_load %arg7[%swap3A_1497, %swap3A_1498] {strides = array<i32>} : memref<2x2048xf32, #tpu.memory_space<vmem>>, vector<16xf32>,
        tpu.vector_store %arg7[%swap3A_1497, %swap3A_1498], %gather3A_1479 {strides = array<i32>} : memref<2x2048xf32, #tpu.memory_space<vmem>>, vector<16xf32>,
        %swap3A_1500 = arith.constant 0 : i32
        %swap3A_1501 = arith.index_cast %swap3A_1500 : i32 to index
        %swap3A_1502 = arith.constant 1984 : index
        %swap3A_1503 = tpu.vector_load %arg7[%swap3A_1501, %swap3A_1502] {strides = array<i32>} : memref<2x2048xf32, #tpu.memory_space<vmem>>, vector<16xf32>,
        tpu.vector_store %arg7[%swap3A_1501, %swap3A_1502], %gather3A_1480 {strides = array<i32>} : memref<2x2048xf32, #tpu.memory_space<vmem>>, vector<16xf32>,
        %swap3A_1504 = arith.constant 0 : i32
        %swap3A_1505 = arith.index_cast %swap3A_1504 : i32 to index
        %swap3A_1506 = arith.constant 2000 : index
        %swap3A_1507 = tpu.vector_load %arg7[%swap3A_1505, %swap3A_1506] {strides = array<i32>} : memref<2x2048xf32, #tpu.memory_space<vmem>>, vector<16xf32>,
        tpu.vector_store %arg7[%swap3A_1505, %swap3A_1506], %gather3A_1481 {strides = array<i32>} : memref<2x2048xf32, #tpu.memory_space<vmem>>, vector<16xf32>,
        %swap3A_1508 = arith.constant 0 : i32
        %swap3A_1509 = arith.index_cast %swap3A_1508 : i32 to index
        %swap3A_1510 = arith.constant 2016 : index
        %swap3A_1511 = tpu.vector_load %arg7[%swap3A_1509, %swap3A_1510] {strides = array<i32>} : memref<2x2048xf32, #tpu.memory_space<vmem>>, vector<16xf32>,
        tpu.vector_store %arg7[%swap3A_1509, %swap3A_1510], %gather3A_1482 {strides = array<i32>} : memref<2x2048xf32, #tpu.memory_space<vmem>>, vector<16xf32>,
        %swap3A_1512 = arith.constant 0 : i32
        %swap3A_1513 = arith.index_cast %swap3A_1512 : i32 to index
        %swap3A_1514 = arith.constant 2032 : index
        %swap3A_1515 = tpu.vector_load %arg7[%swap3A_1513, %swap3A_1514] {strides = array<i32>} : memref<2x2048xf32, #tpu.memory_space<vmem>>, vector<16xf32>,
        tpu.vector_store %arg7[%swap3A_1513, %swap3A_1514], %gather3A_1483 {strides = array<i32>} : memref<2x2048xf32, #tpu.memory_space<vmem>>, vector<16xf32>,
        %mul3A_1516 = arith.constant 2048 : i32
        %mul3A_1517 = arith.muli %add3A_103, %mul3A_1516 : i32
        %dma_start3A = arith.constant 0 : i32
        %dma_start3A_1518 = arith.constant 0 : i32
        %dma_start3A_1519 = tpu.memref_slice %arg7[%dma_start3A, %dma_start3A_1518] : memref<2x2048xf32, #tpu.memory_space<vmem>> -> memref<1x2048xf32, #tpu.memory_space<vmem>>
        %dma_start3A_1520 = tpu.memref_squeeze %dma_start3A_1519 : memref<1x2048xf32, #tpu.memory_space<vmem>> -> memref<2048xf32, #tpu.memory_space<vmem>>
        %dma_start3A_1521 = tpu.memref_slice %arg4[%select_n3A_84, %sub3A_87, %mul3A_1517] : memref<26x16x16384xf32, #tpu.memory_space<hbm>> -> memref<1x1x2048xf32, #tpu.memory_space<hbm>>
        %dma_start3A_1522 = tpu.memref_squeeze %dma_start3A_1521 : memref<1x1x2048xf32, #tpu.memory_space<hbm>> -> memref<2048xf32, #tpu.memory_space<hbm>>
        %dma_start3A_1523 = tpu.memref_slice %arg4[%select_n3A_84, %sub3A_87, %mul3A_1517] : memref<26x16x16384xf32, #tpu.memory_space<hbm>> -> memref<1x1x2048xf32, #tpu.memory_space<hbm>>
        %dma_start3A_1524 = tpu.memref_squeeze %dma_start3A_1523 : memref<1x1x2048xf32, #tpu.memory_space<hbm>> -> memref<2048xf32, #tpu.memory_space<hbm>>
        %dma_start3A_1525 = arith.constant 0 : i32
        %dma_start3A_1526 = tpu.memref_slice %arg7[%dma_start3A, %dma_start3A_1525] : memref<2x2048xf32, #tpu.memory_space<vmem>> -> memref<1x2048xf32, #tpu.memory_space<vmem>>
        %dma_start3A_1527 = tpu.memref_squeeze %dma_start3A_1526 : memref<1x2048xf32, #tpu.memory_space<vmem>> -> memref<2048xf32, #tpu.memory_space<vmem>>
        tpu.enqueue_dma source(%dma_start3A_1527 : memref<2048xf32, #tpu.memory_space<vmem>>) target(%dma_start3A_1524 : memref<2048xf32, #tpu.memory_space<hbm>>) target_semaphore(%arg8 : memref<!tpu.dma_semaphore, #tpu.memory_space<semaphore_mem>>)
        %add3A_1528 = arith.constant 1 : i32
        %add3A_1529 = arith.addi %add3A_101, %add3A_1528 : i32
        %gt3A_1530 = arith.constant 0 : i32
        %gt3A_1531 = arith.cmpi sgt, %add3A_59, %gt3A_1530 : i32
        %gt3A_1532 = arith.constant 0 : i32
        %gt3A_1533 = arith.cmpi sgt, %add3A_101, %gt3A_1532 : i32
        %or3A_1534 = arith.ori %gt3A_1531, %gt3A_1533 : i1
        %convert_element_type3A_1535 = arith.extui %or3A_1534 : i1 to i32
        %cond3A_1536 = arith.constant 0 : i32
        %cond3A_1537 = arith.cmpi ne, %convert_element_type3A_1535, %cond3A_1536 : i32
        scf.if %cond3A_1537 {
          %mul3A_2959 = arith.constant 2048 : i32
          %mul3A_2960 = arith.muli %add3A_1529, %mul3A_2959 : i32
          %dma_wait3A_2961 = arith.constant 1 : i32
          %dma_wait3A_2962 = arith.constant 0 : i32
          %dma_wait3A_2963 = tpu.memref_slice %arg7[%dma_wait3A_2961, %dma_wait3A_2962] : memref<2x2048xf32, #tpu.memory_space<vmem>> -> memref<1x2048xf32, #tpu.memory_space<vmem>>
          %dma_wait3A_2964 = tpu.memref_squeeze %dma_wait3A_2963 : memref<1x2048xf32, #tpu.memory_space<vmem>> -> memref<2048xf32, #tpu.memory_space<vmem>>
          %dma_wait3A_2965 = tpu.memref_slice %arg4[%select_n3A_84, %sub3A_87, %mul3A_2960] : memref<26x16x16384xf32, #tpu.memory_space<hbm>> -> memref<1x1x2048xf32, #tpu.memory_space<hbm>>
          %dma_wait3A_2966 = tpu.memref_squeeze %dma_wait3A_2965 : memref<1x1x2048xf32, #tpu.memory_space<hbm>> -> memref<2048xf32, #tpu.memory_space<hbm>>
          %dma_wait3A_2967 = tpu.memref_slice %arg4[%select_n3A_84, %sub3A_87, %mul3A_2960] : memref<26x16x16384xf32, #tpu.memory_space<hbm>> -> memref<1x1x2048xf32, #tpu.memory_space<hbm>>
          %dma_wait3A_2968 = tpu.memref_squeeze %dma_wait3A_2967 : memref<1x1x2048xf32, #tpu.memory_space<hbm>> -> memref<2048xf32, #tpu.memory_space<hbm>>
          %dma_wait3A_2969 = arith.constant 0 : i32
          %dma_wait3A_2970 = tpu.memref_slice %arg7[%dma_wait3A_2961, %dma_wait3A_2969] : memref<2x2048xf32, #tpu.memory_space<vmem>> -> memref<1x2048xf32, #tpu.memory_space<vmem>>
          %dma_wait3A_2971 = tpu.memref_squeeze %dma_wait3A_2970 : memref<1x2048xf32, #tpu.memory_space<vmem>> -> memref<2048xf32, #tpu.memory_space<vmem>>
          tpu.wait_dma2 semaphore(%arg9 : memref<!tpu.dma_semaphore, #tpu.memory_space<semaphore_mem>>) src(%dma_wait3A_2971 : memref<2048xf32, #tpu.memory_space<vmem>>) dst(%dma_wait3A_2968 : memref<2048xf32, #tpu.memory_space<hbm>>)
        } else {
        }
        %mul3A_1538 = arith.constant 2048 : i32
        %mul3A_1539 = arith.muli %add3A_1529, %mul3A_1538 : i32
        %add3A_1540 = arith.constant 0 : i32
        %add3A_1541 = arith.addi %mul3A_1539, %add3A_1540 : i32
        %get3A_1542 = arith.index_cast %add3A_1541 : i32 to index
        %get3A_1543 = tpu.vector_load %arg5[%get3A_1542] {strides = array<i32>} : memref<16384xi32, #tpu.memory_space<vmem>>, vector<16xi32>,
        %mul3A_1544 = arith.constant 2048 : i32
        %mul3A_1545 = arith.muli %add3A_1529, %mul3A_1544 : i32
        %add3A_1546 = arith.constant 16 : i32
        %add3A_1547 = arith.addi %mul3A_1545, %add3A_1546 : i32
        %get3A_1548 = arith.index_cast %add3A_1547 : i32 to index
        %get3A_1549 = tpu.vector_load %arg5[%get3A_1548] {strides = array<i32>} : memref<16384xi32, #tpu.memory_space<vmem>>, vector<16xi32>,
        %mul3A_1550 = arith.constant 2048 : i32
        %mul3A_1551 = arith.muli %add3A_1529, %mul3A_1550 : i32
        %add3A_1552 = arith.constant 32 : i32
        %add3A_1553 = arith.addi %mul3A_1551, %add3A_1552 : i32
        %get3A_1554 = arith.index_cast %add3A_1553 : i32 to index
        %get3A_1555 = tpu.vector_load %arg5[%get3A_1554] {strides = array<i32>} : memref<16384xi32, #tpu.memory_space<vmem>>, vector<16xi32>,
        %mul3A_1556 = arith.constant 2048 : i32
        %mul3A_1557 = arith.muli %add3A_1529, %mul3A_1556 : i32
        %add3A_1558 = arith.constant 48 : i32
        %add3A_1559 = arith.addi %mul3A_1557, %add3A_1558 : i32
        %get3A_1560 = arith.index_cast %add3A_1559 : i32 to index
        %get3A_1561 = tpu.vector_load %arg5[%get3A_1560] {strides = array<i32>} : memref<16384xi32, #tpu.memory_space<vmem>>, vector<16xi32>,
        %mul3A_1562 = arith.constant 2048 : i32
        %mul3A_1563 = arith.muli %add3A_1529, %mul3A_1562 : i32
        %add3A_1564 = arith.constant 64 : i32
        %add3A_1565 = arith.addi %mul3A_1563, %add3A_1564 : i32
        %get3A_1566 = arith.index_cast %add3A_1565 : i32 to index
        %get3A_1567 = tpu.vector_load %arg5[%get3A_1566] {strides = array<i32>} : memref<16384xi32, #tpu.memory_space<vmem>>, vector<16xi32>,
        %mul3A_1568 = arith.constant 2048 : i32
        %mul3A_1569 = arith.muli %add3A_1529, %mul3A_1568 : i32
        %add3A_1570 = arith.constant 80 : i32
        %add3A_1571 = arith.addi %mul3A_1569, %add3A_1570 : i32
        %get3A_1572 = arith.index_cast %add3A_1571 : i32 to index
        %get3A_1573 = tpu.vector_load %arg5[%get3A_1572] {strides = array<i32>} : memref<16384xi32, #tpu.memory_space<vmem>>, vector<16xi32>,
        %mul3A_1574 = arith.constant 2048 : i32
        %mul3A_1575 = arith.muli %add3A_1529, %mul3A_1574 : i32
        %add3A_1576 = arith.constant 96 : i32
        %add3A_1577 = arith.addi %mul3A_1575, %add3A_1576 : i32
        %get3A_1578 = arith.index_cast %add3A_1577 : i32 to index
        %get3A_1579 = tpu.vector_load %arg5[%get3A_1578] {strides = array<i32>} : memref<16384xi32, #tpu.memory_space<vmem>>, vector<16xi32>,
        %mul3A_1580 = arith.constant 2048 : i32
        %mul3A_1581 = arith.muli %add3A_1529, %mul3A_1580 : i32
        %add3A_1582 = arith.constant 112 : i32
        %add3A_1583 = arith.addi %mul3A_1581, %add3A_1582 : i32
        %get3A_1584 = arith.index_cast %add3A_1583 : i32 to index
        %get3A_1585 = tpu.vector_load %arg5[%get3A_1584] {strides = array<i32>} : memref<16384xi32, #tpu.memory_space<vmem>>, vector<16xi32>,
        %gather3A_1586 = tpu.vector_load_idx %arg6[%get3A_1543] : memref<100000xf32, #tpu.memory_space<vmem>>[vector<16xi32>], vector<16xf32>,
        %gather3A_1587 = tpu.vector_load_idx %arg6[%get3A_1549] : memref<100000xf32, #tpu.memory_space<vmem>>[vector<16xi32>], vector<16xf32>,
        %gather3A_1588 = tpu.vector_load_idx %arg6[%get3A_1555] : memref<100000xf32, #tpu.memory_space<vmem>>[vector<16xi32>], vector<16xf32>,
        %gather3A_1589 = tpu.vector_load_idx %arg6[%get3A_1561] : memref<100000xf32, #tpu.memory_space<vmem>>[vector<16xi32>], vector<16xf32>,
        %gather3A_1590 = tpu.vector_load_idx %arg6[%get3A_1567] : memref<100000xf32, #tpu.memory_space<vmem>>[vector<16xi32>], vector<16xf32>,
        %gather3A_1591 = tpu.vector_load_idx %arg6[%get3A_1573] : memref<100000xf32, #tpu.memory_space<vmem>>[vector<16xi32>], vector<16xf32>,
        %gather3A_1592 = tpu.vector_load_idx %arg6[%get3A_1579] : memref<100000xf32, #tpu.memory_space<vmem>>[vector<16xi32>], vector<16xf32>,
        %gather3A_1593 = tpu.vector_load_idx %arg6[%get3A_1585] : memref<100000xf32, #tpu.memory_space<vmem>>[vector<16xi32>], vector<16xf32>,
        %swap3A_1594 = arith.constant 1 : i32
        %swap3A_1595 = arith.index_cast %swap3A_1594 : i32 to index
        %swap3A_1596 = arith.constant 0 : index
        %swap3A_1597 = tpu.vector_load %arg7[%swap3A_1595, %swap3A_1596] {strides = array<i32>} : memref<2x2048xf32, #tpu.memory_space<vmem>>, vector<16xf32>,
        tpu.vector_store %arg7[%swap3A_1595, %swap3A_1596], %gather3A_1586 {strides = array<i32>} : memref<2x2048xf32, #tpu.memory_space<vmem>>, vector<16xf32>,
        %swap3A_1598 = arith.constant 1 : i32
        %swap3A_1599 = arith.index_cast %swap3A_1598 : i32 to index
        %swap3A_1600 = arith.constant 16 : index
        %swap3A_1601 = tpu.vector_load %arg7[%swap3A_1599, %swap3A_1600] {strides = array<i32>} : memref<2x2048xf32, #tpu.memory_space<vmem>>, vector<16xf32>,
        tpu.vector_store %arg7[%swap3A_1599, %swap3A_1600], %gather3A_1587 {strides = array<i32>} : memref<2x2048xf32, #tpu.memory_space<vmem>>, vector<16xf32>,
        %swap3A_1602 = arith.constant 1 : i32
        %swap3A_1603 = arith.index_cast %swap3A_1602 : i32 to index
        %swap3A_1604 = arith.constant 32 : index
        %swap3A_1605 = tpu.vector_load %arg7[%swap3A_1603, %swap3A_1604] {strides = array<i32>} : memref<2x2048xf32, #tpu.memory_space<vmem>>, vector<16xf32>,
        tpu.vector_store %arg7[%swap3A_1603, %swap3A_1604], %gather3A_1588 {strides = array<i32>} : memref<2x2048xf32, #tpu.memory_space<vmem>>, vector<16xf32>,
        %swap3A_1606 = arith.constant 1 : i32
        %swap3A_1607 = arith.index_cast %swap3A_1606 : i32 to index
        %swap3A_1608 = arith.constant 48 : index
        %swap3A_1609 = tpu.vector_load %arg7[%swap3A_1607, %swap3A_1608] {strides = array<i32>} : memref<2x2048xf32, #tpu.memory_space<vmem>>, vector<16xf32>,
        tpu.vector_store %arg7[%swap3A_1607, %swap3A_1608], %gather3A_1589 {strides = array<i32>} : memref<2x2048xf32, #tpu.memory_space<vmem>>, vector<16xf32>,
        %swap3A_1610 = arith.constant 1 : i32
        %swap3A_1611 = arith.index_cast %swap3A_1610 : i32 to index
        %swap3A_1612 = arith.constant 64 : index
        %swap3A_1613 = tpu.vector_load %arg7[%swap3A_1611, %swap3A_1612] {strides = array<i32>} : memref<2x2048xf32, #tpu.memory_space<vmem>>, vector<16xf32>,
        tpu.vector_store %arg7[%swap3A_1611, %swap3A_1612], %gather3A_1590 {strides = array<i32>} : memref<2x2048xf32, #tpu.memory_space<vmem>>, vector<16xf32>,
        %swap3A_1614 = arith.constant 1 : i32
        %swap3A_1615 = arith.index_cast %swap3A_1614 : i32 to index
        %swap3A_1616 = arith.constant 80 : index
        %swap3A_1617 = tpu.vector_load %arg7[%swap3A_1615, %swap3A_1616] {strides = array<i32>} : memref<2x2048xf32, #tpu.memory_space<vmem>>, vector<16xf32>,
        tpu.vector_store %arg7[%swap3A_1615, %swap3A_1616], %gather3A_1591 {strides = array<i32>} : memref<2x2048xf32, #tpu.memory_space<vmem>>, vector<16xf32>,
        %swap3A_1618 = arith.constant 1 : i32
        %swap3A_1619 = arith.index_cast %swap3A_1618 : i32 to index
        %swap3A_1620 = arith.constant 96 : index
        %swap3A_1621 = tpu.vector_load %arg7[%swap3A_1619, %swap3A_1620] {strides = array<i32>} : memref<2x2048xf32, #tpu.memory_space<vmem>>, vector<16xf32>,
        tpu.vector_store %arg7[%swap3A_1619, %swap3A_1620], %gather3A_1592 {strides = array<i32>} : memref<2x2048xf32, #tpu.memory_space<vmem>>, vector<16xf32>,
        %swap3A_1622 = arith.constant 1 : i32
        %swap3A_1623 = arith.index_cast %swap3A_1622 : i32 to index
        %swap3A_1624 = arith.constant 112 : index
        %swap3A_1625 = tpu.vector_load %arg7[%swap3A_1623, %swap3A_1624] {strides = array<i32>} : memref<2x2048xf32, #tpu.memory_space<vmem>>, vector<16xf32>,
        tpu.vector_store %arg7[%swap3A_1623, %swap3A_1624], %gather3A_1593 {strides = array<i32>} : memref<2x2048xf32, #tpu.memory_space<vmem>>, vector<16xf32>,
        %mul3A_1626 = arith.constant 2048 : i32
        %mul3A_1627 = arith.muli %add3A_1529, %mul3A_1626 : i32
        %add3A_1628 = arith.constant 128 : i32
        %add3A_1629 = arith.addi %mul3A_1627, %add3A_1628 : i32
        %get3A_1630 = arith.index_cast %add3A_1629 : i32 to index
        %get3A_1631 = tpu.vector_load %arg5[%get3A_1630] {strides = array<i32>} : memref<16384xi32, #tpu.memory_space<vmem>>, vector<16xi32>,
        %mul3A_1632 = arith.constant 2048 : i32
        %mul3A_1633 = arith.muli %add3A_1529, %mul3A_1632 : i32
        %add3A_1634 = arith.constant 144 : i32
        %add3A_1635 = arith.addi %mul3A_1633, %add3A_1634 : i32
        %get3A_1636 = arith.index_cast %add3A_1635 : i32 to index
        %get3A_1637 = tpu.vector_load %arg5[%get3A_1636] {strides = array<i32>} : memref<16384xi32, #tpu.memory_space<vmem>>, vector<16xi32>,
        %mul3A_1638 = arith.constant 2048 : i32
        %mul3A_1639 = arith.muli %add3A_1529, %mul3A_1638 : i32
        %add3A_1640 = arith.constant 160 : i32
        %add3A_1641 = arith.addi %mul3A_1639, %add3A_1640 : i32
        %get3A_1642 = arith.index_cast %add3A_1641 : i32 to index
        %get3A_1643 = tpu.vector_load %arg5[%get3A_1642] {strides = array<i32>} : memref<16384xi32, #tpu.memory_space<vmem>>, vector<16xi32>,
        %mul3A_1644 = arith.constant 2048 : i32
        %mul3A_1645 = arith.muli %add3A_1529, %mul3A_1644 : i32
        %add3A_1646 = arith.constant 176 : i32
        %add3A_1647 = arith.addi %mul3A_1645, %add3A_1646 : i32
        %get3A_1648 = arith.index_cast %add3A_1647 : i32 to index
        %get3A_1649 = tpu.vector_load %arg5[%get3A_1648] {strides = array<i32>} : memref<16384xi32, #tpu.memory_space<vmem>>, vector<16xi32>,
        %mul3A_1650 = arith.constant 2048 : i32
        %mul3A_1651 = arith.muli %add3A_1529, %mul3A_1650 : i32
        %add3A_1652 = arith.constant 192 : i32
        %add3A_1653 = arith.addi %mul3A_1651, %add3A_1652 : i32
        %get3A_1654 = arith.index_cast %add3A_1653 : i32 to index
        %get3A_1655 = tpu.vector_load %arg5[%get3A_1654] {strides = array<i32>} : memref<16384xi32, #tpu.memory_space<vmem>>, vector<16xi32>,
        %mul3A_1656 = arith.constant 2048 : i32
        %mul3A_1657 = arith.muli %add3A_1529, %mul3A_1656 : i32
        %add3A_1658 = arith.constant 208 : i32
        %add3A_1659 = arith.addi %mul3A_1657, %add3A_1658 : i32
        %get3A_1660 = arith.index_cast %add3A_1659 : i32 to index
        %get3A_1661 = tpu.vector_load %arg5[%get3A_1660] {strides = array<i32>} : memref<16384xi32, #tpu.memory_space<vmem>>, vector<16xi32>,
        %mul3A_1662 = arith.constant 2048 : i32
        %mul3A_1663 = arith.muli %add3A_1529, %mul3A_1662 : i32
        %add3A_1664 = arith.constant 224 : i32
        %add3A_1665 = arith.addi %mul3A_1663, %add3A_1664 : i32
        %get3A_1666 = arith.index_cast %add3A_1665 : i32 to index
        %get3A_1667 = tpu.vector_load %arg5[%get3A_1666] {strides = array<i32>} : memref<16384xi32, #tpu.memory_space<vmem>>, vector<16xi32>,
        %mul3A_1668 = arith.constant 2048 : i32
        %mul3A_1669 = arith.muli %add3A_1529, %mul3A_1668 : i32
        %add3A_1670 = arith.constant 240 : i32
        %add3A_1671 = arith.addi %mul3A_1669, %add3A_1670 : i32
        %get3A_1672 = arith.index_cast %add3A_1671 : i32 to index
        %get3A_1673 = tpu.vector_load %arg5[%get3A_1672] {strides = array<i32>} : memref<16384xi32, #tpu.memory_space<vmem>>, vector<16xi32>,
        %gather3A_1674 = tpu.vector_load_idx %arg6[%get3A_1631] : memref<100000xf32, #tpu.memory_space<vmem>>[vector<16xi32>], vector<16xf32>,
        %gather3A_1675 = tpu.vector_load_idx %arg6[%get3A_1637] : memref<100000xf32, #tpu.memory_space<vmem>>[vector<16xi32>], vector<16xf32>,
        %gather3A_1676 = tpu.vector_load_idx %arg6[%get3A_1643] : memref<100000xf32, #tpu.memory_space<vmem>>[vector<16xi32>], vector<16xf32>,
        %gather3A_1677 = tpu.vector_load_idx %arg6[%get3A_1649] : memref<100000xf32, #tpu.memory_space<vmem>>[vector<16xi32>], vector<16xf32>,
        %gather3A_1678 = tpu.vector_load_idx %arg6[%get3A_1655] : memref<100000xf32, #tpu.memory_space<vmem>>[vector<16xi32>], vector<16xf32>,
        %gather3A_1679 = tpu.vector_load_idx %arg6[%get3A_1661] : memref<100000xf32, #tpu.memory_space<vmem>>[vector<16xi32>], vector<16xf32>,
        %gather3A_1680 = tpu.vector_load_idx %arg6[%get3A_1667] : memref<100000xf32, #tpu.memory_space<vmem>>[vector<16xi32>], vector<16xf32>,
        %gather3A_1681 = tpu.vector_load_idx %arg6[%get3A_1673] : memref<100000xf32, #tpu.memory_space<vmem>>[vector<16xi32>], vector<16xf32>,
        %swap3A_1682 = arith.constant 1 : i32
        %swap3A_1683 = arith.index_cast %swap3A_1682 : i32 to index
        %swap3A_1684 = arith.constant 128 : index
        %swap3A_1685 = tpu.vector_load %arg7[%swap3A_1683, %swap3A_1684] {strides = array<i32>} : memref<2x2048xf32, #tpu.memory_space<vmem>>, vector<16xf32>,
        tpu.vector_store %arg7[%swap3A_1683, %swap3A_1684], %gather3A_1674 {strides = array<i32>} : memref<2x2048xf32, #tpu.memory_space<vmem>>, vector<16xf32>,
        %swap3A_1686 = arith.constant 1 : i32
        %swap3A_1687 = arith.index_cast %swap3A_1686 : i32 to index
        %swap3A_1688 = arith.constant 144 : index
        %swap3A_1689 = tpu.vector_load %arg7[%swap3A_1687, %swap3A_1688] {strides = array<i32>} : memref<2x2048xf32, #tpu.memory_space<vmem>>, vector<16xf32>,
        tpu.vector_store %arg7[%swap3A_1687, %swap3A_1688], %gather3A_1675 {strides = array<i32>} : memref<2x2048xf32, #tpu.memory_space<vmem>>, vector<16xf32>,
        %swap3A_1690 = arith.constant 1 : i32
        %swap3A_1691 = arith.index_cast %swap3A_1690 : i32 to index
        %swap3A_1692 = arith.constant 160 : index
        %swap3A_1693 = tpu.vector_load %arg7[%swap3A_1691, %swap3A_1692] {strides = array<i32>} : memref<2x2048xf32, #tpu.memory_space<vmem>>, vector<16xf32>,
        tpu.vector_store %arg7[%swap3A_1691, %swap3A_1692], %gather3A_1676 {strides = array<i32>} : memref<2x2048xf32, #tpu.memory_space<vmem>>, vector<16xf32>,
        %swap3A_1694 = arith.constant 1 : i32
        %swap3A_1695 = arith.index_cast %swap3A_1694 : i32 to index
        %swap3A_1696 = arith.constant 176 : index
        %swap3A_1697 = tpu.vector_load %arg7[%swap3A_1695, %swap3A_1696] {strides = array<i32>} : memref<2x2048xf32, #tpu.memory_space<vmem>>, vector<16xf32>,
        tpu.vector_store %arg7[%swap3A_1695, %swap3A_1696], %gather3A_1677 {strides = array<i32>} : memref<2x2048xf32, #tpu.memory_space<vmem>>, vector<16xf32>,
        %swap3A_1698 = arith.constant 1 : i32
        %swap3A_1699 = arith.index_cast %swap3A_1698 : i32 to index
        %swap3A_1700 = arith.constant 192 : index
        %swap3A_1701 = tpu.vector_load %arg7[%swap3A_1699, %swap3A_1700] {strides = array<i32>} : memref<2x2048xf32, #tpu.memory_space<vmem>>, vector<16xf32>,
        tpu.vector_store %arg7[%swap3A_1699, %swap3A_1700], %gather3A_1678 {strides = array<i32>} : memref<2x2048xf32, #tpu.memory_space<vmem>>, vector<16xf32>,
        %swap3A_1702 = arith.constant 1 : i32
        %swap3A_1703 = arith.index_cast %swap3A_1702 : i32 to index
        %swap3A_1704 = arith.constant 208 : index
        %swap3A_1705 = tpu.vector_load %arg7[%swap3A_1703, %swap3A_1704] {strides = array<i32>} : memref<2x2048xf32, #tpu.memory_space<vmem>>, vector<16xf32>,
        tpu.vector_store %arg7[%swap3A_1703, %swap3A_1704], %gather3A_1679 {strides = array<i32>} : memref<2x2048xf32, #tpu.memory_space<vmem>>, vector<16xf32>,
        %swap3A_1706 = arith.constant 1 : i32
        %swap3A_1707 = arith.index_cast %swap3A_1706 : i32 to index
        %swap3A_1708 = arith.constant 224 : index
        %swap3A_1709 = tpu.vector_load %arg7[%swap3A_1707, %swap3A_1708] {strides = array<i32>} : memref<2x2048xf32, #tpu.memory_space<vmem>>, vector<16xf32>,
        tpu.vector_store %arg7[%swap3A_1707, %swap3A_1708], %gather3A_1680 {strides = array<i32>} : memref<2x2048xf32, #tpu.memory_space<vmem>>, vector<16xf32>,
        %swap3A_1710 = arith.constant 1 : i32
        %swap3A_1711 = arith.index_cast %swap3A_1710 : i32 to index
        %swap3A_1712 = arith.constant 240 : index
        %swap3A_1713 = tpu.vector_load %arg7[%swap3A_1711, %swap3A_1712] {strides = array<i32>} : memref<2x2048xf32, #tpu.memory_space<vmem>>, vector<16xf32>,
        tpu.vector_store %arg7[%swap3A_1711, %swap3A_1712], %gather3A_1681 {strides = array<i32>} : memref<2x2048xf32, #tpu.memory_space<vmem>>, vector<16xf32>,
        %mul3A_1714 = arith.constant 2048 : i32
        %mul3A_1715 = arith.muli %add3A_1529, %mul3A_1714 : i32
        %add3A_1716 = arith.constant 256 : i32
        %add3A_1717 = arith.addi %mul3A_1715, %add3A_1716 : i32
        %get3A_1718 = arith.index_cast %add3A_1717 : i32 to index
        %get3A_1719 = tpu.vector_load %arg5[%get3A_1718] {strides = array<i32>} : memref<16384xi32, #tpu.memory_space<vmem>>, vector<16xi32>,
        %mul3A_1720 = arith.constant 2048 : i32
        %mul3A_1721 = arith.muli %add3A_1529, %mul3A_1720 : i32
        %add3A_1722 = arith.constant 272 : i32
        %add3A_1723 = arith.addi %mul3A_1721, %add3A_1722 : i32
        %get3A_1724 = arith.index_cast %add3A_1723 : i32 to index
        %get3A_1725 = tpu.vector_load %arg5[%get3A_1724] {strides = array<i32>} : memref<16384xi32, #tpu.memory_space<vmem>>, vector<16xi32>,
        %mul3A_1726 = arith.constant 2048 : i32
        %mul3A_1727 = arith.muli %add3A_1529, %mul3A_1726 : i32
        %add3A_1728 = arith.constant 288 : i32
        %add3A_1729 = arith.addi %mul3A_1727, %add3A_1728 : i32
        %get3A_1730 = arith.index_cast %add3A_1729 : i32 to index
        %get3A_1731 = tpu.vector_load %arg5[%get3A_1730] {strides = array<i32>} : memref<16384xi32, #tpu.memory_space<vmem>>, vector<16xi32>,
        %mul3A_1732 = arith.constant 2048 : i32
        %mul3A_1733 = arith.muli %add3A_1529, %mul3A_1732 : i32
        %add3A_1734 = arith.constant 304 : i32
        %add3A_1735 = arith.addi %mul3A_1733, %add3A_1734 : i32
        %get3A_1736 = arith.index_cast %add3A_1735 : i32 to index
        %get3A_1737 = tpu.vector_load %arg5[%get3A_1736] {strides = array<i32>} : memref<16384xi32, #tpu.memory_space<vmem>>, vector<16xi32>,
        %mul3A_1738 = arith.constant 2048 : i32
        %mul3A_1739 = arith.muli %add3A_1529, %mul3A_1738 : i32
        %add3A_1740 = arith.constant 320 : i32
        %add3A_1741 = arith.addi %mul3A_1739, %add3A_1740 : i32
        %get3A_1742 = arith.index_cast %add3A_1741 : i32 to index
        %get3A_1743 = tpu.vector_load %arg5[%get3A_1742] {strides = array<i32>} : memref<16384xi32, #tpu.memory_space<vmem>>, vector<16xi32>,
        %mul3A_1744 = arith.constant 2048 : i32
        %mul3A_1745 = arith.muli %add3A_1529, %mul3A_1744 : i32
        %add3A_1746 = arith.constant 336 : i32
        %add3A_1747 = arith.addi %mul3A_1745, %add3A_1746 : i32
        %get3A_1748 = arith.index_cast %add3A_1747 : i32 to index
        %get3A_1749 = tpu.vector_load %arg5[%get3A_1748] {strides = array<i32>} : memref<16384xi32, #tpu.memory_space<vmem>>, vector<16xi32>,
        %mul3A_1750 = arith.constant 2048 : i32
        %mul3A_1751 = arith.muli %add3A_1529, %mul3A_1750 : i32
        %add3A_1752 = arith.constant 352 : i32
        %add3A_1753 = arith.addi %mul3A_1751, %add3A_1752 : i32
        %get3A_1754 = arith.index_cast %add3A_1753 : i32 to index
        %get3A_1755 = tpu.vector_load %arg5[%get3A_1754] {strides = array<i32>} : memref<16384xi32, #tpu.memory_space<vmem>>, vector<16xi32>,
        %mul3A_1756 = arith.constant 2048 : i32
        %mul3A_1757 = arith.muli %add3A_1529, %mul3A_1756 : i32
        %add3A_1758 = arith.constant 368 : i32
        %add3A_1759 = arith.addi %mul3A_1757, %add3A_1758 : i32
        %get3A_1760 = arith.index_cast %add3A_1759 : i32 to index
        %get3A_1761 = tpu.vector_load %arg5[%get3A_1760] {strides = array<i32>} : memref<16384xi32, #tpu.memory_space<vmem>>, vector<16xi32>,
        %gather3A_1762 = tpu.vector_load_idx %arg6[%get3A_1719] : memref<100000xf32, #tpu.memory_space<vmem>>[vector<16xi32>], vector<16xf32>,
        %gather3A_1763 = tpu.vector_load_idx %arg6[%get3A_1725] : memref<100000xf32, #tpu.memory_space<vmem>>[vector<16xi32>], vector<16xf32>,
        %gather3A_1764 = tpu.vector_load_idx %arg6[%get3A_1731] : memref<100000xf32, #tpu.memory_space<vmem>>[vector<16xi32>], vector<16xf32>,
        %gather3A_1765 = tpu.vector_load_idx %arg6[%get3A_1737] : memref<100000xf32, #tpu.memory_space<vmem>>[vector<16xi32>], vector<16xf32>,
        %gather3A_1766 = tpu.vector_load_idx %arg6[%get3A_1743] : memref<100000xf32, #tpu.memory_space<vmem>>[vector<16xi32>], vector<16xf32>,
        %gather3A_1767 = tpu.vector_load_idx %arg6[%get3A_1749] : memref<100000xf32, #tpu.memory_space<vmem>>[vector<16xi32>], vector<16xf32>,
        %gather3A_1768 = tpu.vector_load_idx %arg6[%get3A_1755] : memref<100000xf32, #tpu.memory_space<vmem>>[vector<16xi32>], vector<16xf32>,
        %gather3A_1769 = tpu.vector_load_idx %arg6[%get3A_1761] : memref<100000xf32, #tpu.memory_space<vmem>>[vector<16xi32>], vector<16xf32>,
        %swap3A_1770 = arith.constant 1 : i32
        %swap3A_1771 = arith.index_cast %swap3A_1770 : i32 to index
        %swap3A_1772 = arith.constant 256 : index
        %swap3A_1773 = tpu.vector_load %arg7[%swap3A_1771, %swap3A_1772] {strides = array<i32>} : memref<2x2048xf32, #tpu.memory_space<vmem>>, vector<16xf32>,
        tpu.vector_store %arg7[%swap3A_1771, %swap3A_1772], %gather3A_1762 {strides = array<i32>} : memref<2x2048xf32, #tpu.memory_space<vmem>>, vector<16xf32>,
        %swap3A_1774 = arith.constant 1 : i32
        %swap3A_1775 = arith.index_cast %swap3A_1774 : i32 to index
        %swap3A_1776 = arith.constant 272 : index
        %swap3A_1777 = tpu.vector_load %arg7[%swap3A_1775, %swap3A_1776] {strides = array<i32>} : memref<2x2048xf32, #tpu.memory_space<vmem>>, vector<16xf32>,
        tpu.vector_store %arg7[%swap3A_1775, %swap3A_1776], %gather3A_1763 {strides = array<i32>} : memref<2x2048xf32, #tpu.memory_space<vmem>>, vector<16xf32>,
        %swap3A_1778 = arith.constant 1 : i32
        %swap3A_1779 = arith.index_cast %swap3A_1778 : i32 to index
        %swap3A_1780 = arith.constant 288 : index
        %swap3A_1781 = tpu.vector_load %arg7[%swap3A_1779, %swap3A_1780] {strides = array<i32>} : memref<2x2048xf32, #tpu.memory_space<vmem>>, vector<16xf32>,
        tpu.vector_store %arg7[%swap3A_1779, %swap3A_1780], %gather3A_1764 {strides = array<i32>} : memref<2x2048xf32, #tpu.memory_space<vmem>>, vector<16xf32>,
        %swap3A_1782 = arith.constant 1 : i32
        %swap3A_1783 = arith.index_cast %swap3A_1782 : i32 to index
        %swap3A_1784 = arith.constant 304 : index
        %swap3A_1785 = tpu.vector_load %arg7[%swap3A_1783, %swap3A_1784] {strides = array<i32>} : memref<2x2048xf32, #tpu.memory_space<vmem>>, vector<16xf32>,
        tpu.vector_store %arg7[%swap3A_1783, %swap3A_1784], %gather3A_1765 {strides = array<i32>} : memref<2x2048xf32, #tpu.memory_space<vmem>>, vector<16xf32>,
        %swap3A_1786 = arith.constant 1 : i32
        %swap3A_1787 = arith.index_cast %swap3A_1786 : i32 to index
        %swap3A_1788 = arith.constant 320 : index
        %swap3A_1789 = tpu.vector_load %arg7[%swap3A_1787, %swap3A_1788] {strides = array<i32>} : memref<2x2048xf32, #tpu.memory_space<vmem>>, vector<16xf32>,
        tpu.vector_store %arg7[%swap3A_1787, %swap3A_1788], %gather3A_1766 {strides = array<i32>} : memref<2x2048xf32, #tpu.memory_space<vmem>>, vector<16xf32>,
        %swap3A_1790 = arith.constant 1 : i32
        %swap3A_1791 = arith.index_cast %swap3A_1790 : i32 to index
        %swap3A_1792 = arith.constant 336 : index
        %swap3A_1793 = tpu.vector_load %arg7[%swap3A_1791, %swap3A_1792] {strides = array<i32>} : memref<2x2048xf32, #tpu.memory_space<vmem>>, vector<16xf32>,
        tpu.vector_store %arg7[%swap3A_1791, %swap3A_1792], %gather3A_1767 {strides = array<i32>} : memref<2x2048xf32, #tpu.memory_space<vmem>>, vector<16xf32>,
        %swap3A_1794 = arith.constant 1 : i32
        %swap3A_1795 = arith.index_cast %swap3A_1794 : i32 to index
        %swap3A_1796 = arith.constant 352 : index
        %swap3A_1797 = tpu.vector_load %arg7[%swap3A_1795, %swap3A_1796] {strides = array<i32>} : memref<2x2048xf32, #tpu.memory_space<vmem>>, vector<16xf32>,
        tpu.vector_store %arg7[%swap3A_1795, %swap3A_1796], %gather3A_1768 {strides = array<i32>} : memref<2x2048xf32, #tpu.memory_space<vmem>>, vector<16xf32>,
        %swap3A_1798 = arith.constant 1 : i32
        %swap3A_1799 = arith.index_cast %swap3A_1798 : i32 to index
        %swap3A_1800 = arith.constant 368 : index
        %swap3A_1801 = tpu.vector_load %arg7[%swap3A_1799, %swap3A_1800] {strides = array<i32>} : memref<2x2048xf32, #tpu.memory_space<vmem>>, vector<16xf32>,
        tpu.vector_store %arg7[%swap3A_1799, %swap3A_1800], %gather3A_1769 {strides = array<i32>} : memref<2x2048xf32, #tpu.memory_space<vmem>>, vector<16xf32>,
        %mul3A_1802 = arith.constant 2048 : i32
        %mul3A_1803 = arith.muli %add3A_1529, %mul3A_1802 : i32
        %add3A_1804 = arith.constant 384 : i32
        %add3A_1805 = arith.addi %mul3A_1803, %add3A_1804 : i32
        %get3A_1806 = arith.index_cast %add3A_1805 : i32 to index
        %get3A_1807 = tpu.vector_load %arg5[%get3A_1806] {strides = array<i32>} : memref<16384xi32, #tpu.memory_space<vmem>>, vector<16xi32>,
        %mul3A_1808 = arith.constant 2048 : i32
        %mul3A_1809 = arith.muli %add3A_1529, %mul3A_1808 : i32
        %add3A_1810 = arith.constant 400 : i32
        %add3A_1811 = arith.addi %mul3A_1809, %add3A_1810 : i32
        %get3A_1812 = arith.index_cast %add3A_1811 : i32 to index
        %get3A_1813 = tpu.vector_load %arg5[%get3A_1812] {strides = array<i32>} : memref<16384xi32, #tpu.memory_space<vmem>>, vector<16xi32>,
        %mul3A_1814 = arith.constant 2048 : i32
        %mul3A_1815 = arith.muli %add3A_1529, %mul3A_1814 : i32
        %add3A_1816 = arith.constant 416 : i32
        %add3A_1817 = arith.addi %mul3A_1815, %add3A_1816 : i32
        %get3A_1818 = arith.index_cast %add3A_1817 : i32 to index
        %get3A_1819 = tpu.vector_load %arg5[%get3A_1818] {strides = array<i32>} : memref<16384xi32, #tpu.memory_space<vmem>>, vector<16xi32>,
        %mul3A_1820 = arith.constant 2048 : i32
        %mul3A_1821 = arith.muli %add3A_1529, %mul3A_1820 : i32
        %add3A_1822 = arith.constant 432 : i32
        %add3A_1823 = arith.addi %mul3A_1821, %add3A_1822 : i32
        %get3A_1824 = arith.index_cast %add3A_1823 : i32 to index
        %get3A_1825 = tpu.vector_load %arg5[%get3A_1824] {strides = array<i32>} : memref<16384xi32, #tpu.memory_space<vmem>>, vector<16xi32>,
        %mul3A_1826 = arith.constant 2048 : i32
        %mul3A_1827 = arith.muli %add3A_1529, %mul3A_1826 : i32
        %add3A_1828 = arith.constant 448 : i32
        %add3A_1829 = arith.addi %mul3A_1827, %add3A_1828 : i32
        %get3A_1830 = arith.index_cast %add3A_1829 : i32 to index
        %get3A_1831 = tpu.vector_load %arg5[%get3A_1830] {strides = array<i32>} : memref<16384xi32, #tpu.memory_space<vmem>>, vector<16xi32>,
        %mul3A_1832 = arith.constant 2048 : i32
        %mul3A_1833 = arith.muli %add3A_1529, %mul3A_1832 : i32
        %add3A_1834 = arith.constant 464 : i32
        %add3A_1835 = arith.addi %mul3A_1833, %add3A_1834 : i32
        %get3A_1836 = arith.index_cast %add3A_1835 : i32 to index
        %get3A_1837 = tpu.vector_load %arg5[%get3A_1836] {strides = array<i32>} : memref<16384xi32, #tpu.memory_space<vmem>>, vector<16xi32>,
        %mul3A_1838 = arith.constant 2048 : i32
        %mul3A_1839 = arith.muli %add3A_1529, %mul3A_1838 : i32
        %add3A_1840 = arith.constant 480 : i32
        %add3A_1841 = arith.addi %mul3A_1839, %add3A_1840 : i32
        %get3A_1842 = arith.index_cast %add3A_1841 : i32 to index
        %get3A_1843 = tpu.vector_load %arg5[%get3A_1842] {strides = array<i32>} : memref<16384xi32, #tpu.memory_space<vmem>>, vector<16xi32>,
        %mul3A_1844 = arith.constant 2048 : i32
        %mul3A_1845 = arith.muli %add3A_1529, %mul3A_1844 : i32
        %add3A_1846 = arith.constant 496 : i32
        %add3A_1847 = arith.addi %mul3A_1845, %add3A_1846 : i32
        %get3A_1848 = arith.index_cast %add3A_1847 : i32 to index
        %get3A_1849 = tpu.vector_load %arg5[%get3A_1848] {strides = array<i32>} : memref<16384xi32, #tpu.memory_space<vmem>>, vector<16xi32>,
        %gather3A_1850 = tpu.vector_load_idx %arg6[%get3A_1807] : memref<100000xf32, #tpu.memory_space<vmem>>[vector<16xi32>], vector<16xf32>,
        %gather3A_1851 = tpu.vector_load_idx %arg6[%get3A_1813] : memref<100000xf32, #tpu.memory_space<vmem>>[vector<16xi32>], vector<16xf32>,
        %gather3A_1852 = tpu.vector_load_idx %arg6[%get3A_1819] : memref<100000xf32, #tpu.memory_space<vmem>>[vector<16xi32>], vector<16xf32>,
        %gather3A_1853 = tpu.vector_load_idx %arg6[%get3A_1825] : memref<100000xf32, #tpu.memory_space<vmem>>[vector<16xi32>], vector<16xf32>,
        %gather3A_1854 = tpu.vector_load_idx %arg6[%get3A_1831] : memref<100000xf32, #tpu.memory_space<vmem>>[vector<16xi32>], vector<16xf32>,
        %gather3A_1855 = tpu.vector_load_idx %arg6[%get3A_1837] : memref<100000xf32, #tpu.memory_space<vmem>>[vector<16xi32>], vector<16xf32>,
        %gather3A_1856 = tpu.vector_load_idx %arg6[%get3A_1843] : memref<100000xf32, #tpu.memory_space<vmem>>[vector<16xi32>], vector<16xf32>,
        %gather3A_1857 = tpu.vector_load_idx %arg6[%get3A_1849] : memref<100000xf32, #tpu.memory_space<vmem>>[vector<16xi32>], vector<16xf32>,
        %swap3A_1858 = arith.constant 1 : i32
        %swap3A_1859 = arith.index_cast %swap3A_1858 : i32 to index
        %swap3A_1860 = arith.constant 384 : index
        %swap3A_1861 = tpu.vector_load %arg7[%swap3A_1859, %swap3A_1860] {strides = array<i32>} : memref<2x2048xf32, #tpu.memory_space<vmem>>, vector<16xf32>,
        tpu.vector_store %arg7[%swap3A_1859, %swap3A_1860], %gather3A_1850 {strides = array<i32>} : memref<2x2048xf32, #tpu.memory_space<vmem>>, vector<16xf32>,
        %swap3A_1862 = arith.constant 1 : i32
        %swap3A_1863 = arith.index_cast %swap3A_1862 : i32 to index
        %swap3A_1864 = arith.constant 400 : index
        %swap3A_1865 = tpu.vector_load %arg7[%swap3A_1863, %swap3A_1864] {strides = array<i32>} : memref<2x2048xf32, #tpu.memory_space<vmem>>, vector<16xf32>,
        tpu.vector_store %arg7[%swap3A_1863, %swap3A_1864], %gather3A_1851 {strides = array<i32>} : memref<2x2048xf32, #tpu.memory_space<vmem>>, vector<16xf32>,
        %swap3A_1866 = arith.constant 1 : i32
        %swap3A_1867 = arith.index_cast %swap3A_1866 : i32 to index
        %swap3A_1868 = arith.constant 416 : index
        %swap3A_1869 = tpu.vector_load %arg7[%swap3A_1867, %swap3A_1868] {strides = array<i32>} : memref<2x2048xf32, #tpu.memory_space<vmem>>, vector<16xf32>,
        tpu.vector_store %arg7[%swap3A_1867, %swap3A_1868], %gather3A_1852 {strides = array<i32>} : memref<2x2048xf32, #tpu.memory_space<vmem>>, vector<16xf32>,
        %swap3A_1870 = arith.constant 1 : i32
        %swap3A_1871 = arith.index_cast %swap3A_1870 : i32 to index
        %swap3A_1872 = arith.constant 432 : index
        %swap3A_1873 = tpu.vector_load %arg7[%swap3A_1871, %swap3A_1872] {strides = array<i32>} : memref<2x2048xf32, #tpu.memory_space<vmem>>, vector<16xf32>,
        tpu.vector_store %arg7[%swap3A_1871, %swap3A_1872], %gather3A_1853 {strides = array<i32>} : memref<2x2048xf32, #tpu.memory_space<vmem>>, vector<16xf32>,
        %swap3A_1874 = arith.constant 1 : i32
        %swap3A_1875 = arith.index_cast %swap3A_1874 : i32 to index
        %swap3A_1876 = arith.constant 448 : index
        %swap3A_1877 = tpu.vector_load %arg7[%swap3A_1875, %swap3A_1876] {strides = array<i32>} : memref<2x2048xf32, #tpu.memory_space<vmem>>, vector<16xf32>,
        tpu.vector_store %arg7[%swap3A_1875, %swap3A_1876], %gather3A_1854 {strides = array<i32>} : memref<2x2048xf32, #tpu.memory_space<vmem>>, vector<16xf32>,
        %swap3A_1878 = arith.constant 1 : i32
        %swap3A_1879 = arith.index_cast %swap3A_1878 : i32 to index
        %swap3A_1880 = arith.constant 464 : index
        %swap3A_1881 = tpu.vector_load %arg7[%swap3A_1879, %swap3A_1880] {strides = array<i32>} : memref<2x2048xf32, #tpu.memory_space<vmem>>, vector<16xf32>,
        tpu.vector_store %arg7[%swap3A_1879, %swap3A_1880], %gather3A_1855 {strides = array<i32>} : memref<2x2048xf32, #tpu.memory_space<vmem>>, vector<16xf32>,
        %swap3A_1882 = arith.constant 1 : i32
        %swap3A_1883 = arith.index_cast %swap3A_1882 : i32 to index
        %swap3A_1884 = arith.constant 480 : index
        %swap3A_1885 = tpu.vector_load %arg7[%swap3A_1883, %swap3A_1884] {strides = array<i32>} : memref<2x2048xf32, #tpu.memory_space<vmem>>, vector<16xf32>,
        tpu.vector_store %arg7[%swap3A_1883, %swap3A_1884], %gather3A_1856 {strides = array<i32>} : memref<2x2048xf32, #tpu.memory_space<vmem>>, vector<16xf32>,
        %swap3A_1886 = arith.constant 1 : i32
        %swap3A_1887 = arith.index_cast %swap3A_1886 : i32 to index
        %swap3A_1888 = arith.constant 496 : index
        %swap3A_1889 = tpu.vector_load %arg7[%swap3A_1887, %swap3A_1888] {strides = array<i32>} : memref<2x2048xf32, #tpu.memory_space<vmem>>, vector<16xf32>,
        tpu.vector_store %arg7[%swap3A_1887, %swap3A_1888], %gather3A_1857 {strides = array<i32>} : memref<2x2048xf32, #tpu.memory_space<vmem>>, vector<16xf32>,
        %mul3A_1890 = arith.constant 2048 : i32
        %mul3A_1891 = arith.muli %add3A_1529, %mul3A_1890 : i32
        %add3A_1892 = arith.constant 512 : i32
        %add3A_1893 = arith.addi %mul3A_1891, %add3A_1892 : i32
        %get3A_1894 = arith.index_cast %add3A_1893 : i32 to index
        %get3A_1895 = tpu.vector_load %arg5[%get3A_1894] {strides = array<i32>} : memref<16384xi32, #tpu.memory_space<vmem>>, vector<16xi32>,
        %mul3A_1896 = arith.constant 2048 : i32
        %mul3A_1897 = arith.muli %add3A_1529, %mul3A_1896 : i32
        %add3A_1898 = arith.constant 528 : i32
        %add3A_1899 = arith.addi %mul3A_1897, %add3A_1898 : i32
        %get3A_1900 = arith.index_cast %add3A_1899 : i32 to index
        %get3A_1901 = tpu.vector_load %arg5[%get3A_1900] {strides = array<i32>} : memref<16384xi32, #tpu.memory_space<vmem>>, vector<16xi32>,
        %mul3A_1902 = arith.constant 2048 : i32
        %mul3A_1903 = arith.muli %add3A_1529, %mul3A_1902 : i32
        %add3A_1904 = arith.constant 544 : i32
        %add3A_1905 = arith.addi %mul3A_1903, %add3A_1904 : i32
        %get3A_1906 = arith.index_cast %add3A_1905 : i32 to index
        %get3A_1907 = tpu.vector_load %arg5[%get3A_1906] {strides = array<i32>} : memref<16384xi32, #tpu.memory_space<vmem>>, vector<16xi32>,
        %mul3A_1908 = arith.constant 2048 : i32
        %mul3A_1909 = arith.muli %add3A_1529, %mul3A_1908 : i32
        %add3A_1910 = arith.constant 560 : i32
        %add3A_1911 = arith.addi %mul3A_1909, %add3A_1910 : i32
        %get3A_1912 = arith.index_cast %add3A_1911 : i32 to index
        %get3A_1913 = tpu.vector_load %arg5[%get3A_1912] {strides = array<i32>} : memref<16384xi32, #tpu.memory_space<vmem>>, vector<16xi32>,
        %mul3A_1914 = arith.constant 2048 : i32
        %mul3A_1915 = arith.muli %add3A_1529, %mul3A_1914 : i32
        %add3A_1916 = arith.constant 576 : i32
        %add3A_1917 = arith.addi %mul3A_1915, %add3A_1916 : i32
        %get3A_1918 = arith.index_cast %add3A_1917 : i32 to index
        %get3A_1919 = tpu.vector_load %arg5[%get3A_1918] {strides = array<i32>} : memref<16384xi32, #tpu.memory_space<vmem>>, vector<16xi32>,
        %mul3A_1920 = arith.constant 2048 : i32
        %mul3A_1921 = arith.muli %add3A_1529, %mul3A_1920 : i32
        %add3A_1922 = arith.constant 592 : i32
        %add3A_1923 = arith.addi %mul3A_1921, %add3A_1922 : i32
        %get3A_1924 = arith.index_cast %add3A_1923 : i32 to index
        %get3A_1925 = tpu.vector_load %arg5[%get3A_1924] {strides = array<i32>} : memref<16384xi32, #tpu.memory_space<vmem>>, vector<16xi32>,
        %mul3A_1926 = arith.constant 2048 : i32
        %mul3A_1927 = arith.muli %add3A_1529, %mul3A_1926 : i32
        %add3A_1928 = arith.constant 608 : i32
        %add3A_1929 = arith.addi %mul3A_1927, %add3A_1928 : i32
        %get3A_1930 = arith.index_cast %add3A_1929 : i32 to index
        %get3A_1931 = tpu.vector_load %arg5[%get3A_1930] {strides = array<i32>} : memref<16384xi32, #tpu.memory_space<vmem>>, vector<16xi32>,
        %mul3A_1932 = arith.constant 2048 : i32
        %mul3A_1933 = arith.muli %add3A_1529, %mul3A_1932 : i32
        %add3A_1934 = arith.constant 624 : i32
        %add3A_1935 = arith.addi %mul3A_1933, %add3A_1934 : i32
        %get3A_1936 = arith.index_cast %add3A_1935 : i32 to index
        %get3A_1937 = tpu.vector_load %arg5[%get3A_1936] {strides = array<i32>} : memref<16384xi32, #tpu.memory_space<vmem>>, vector<16xi32>,
        %gather3A_1938 = tpu.vector_load_idx %arg6[%get3A_1895] : memref<100000xf32, #tpu.memory_space<vmem>>[vector<16xi32>], vector<16xf32>,
        %gather3A_1939 = tpu.vector_load_idx %arg6[%get3A_1901] : memref<100000xf32, #tpu.memory_space<vmem>>[vector<16xi32>], vector<16xf32>,
        %gather3A_1940 = tpu.vector_load_idx %arg6[%get3A_1907] : memref<100000xf32, #tpu.memory_space<vmem>>[vector<16xi32>], vector<16xf32>,
        %gather3A_1941 = tpu.vector_load_idx %arg6[%get3A_1913] : memref<100000xf32, #tpu.memory_space<vmem>>[vector<16xi32>], vector<16xf32>,
        %gather3A_1942 = tpu.vector_load_idx %arg6[%get3A_1919] : memref<100000xf32, #tpu.memory_space<vmem>>[vector<16xi32>], vector<16xf32>,
        %gather3A_1943 = tpu.vector_load_idx %arg6[%get3A_1925] : memref<100000xf32, #tpu.memory_space<vmem>>[vector<16xi32>], vector<16xf32>,
        %gather3A_1944 = tpu.vector_load_idx %arg6[%get3A_1931] : memref<100000xf32, #tpu.memory_space<vmem>>[vector<16xi32>], vector<16xf32>,
        %gather3A_1945 = tpu.vector_load_idx %arg6[%get3A_1937] : memref<100000xf32, #tpu.memory_space<vmem>>[vector<16xi32>], vector<16xf32>,
        %swap3A_1946 = arith.constant 1 : i32
        %swap3A_1947 = arith.index_cast %swap3A_1946 : i32 to index
        %swap3A_1948 = arith.constant 512 : index
        %swap3A_1949 = tpu.vector_load %arg7[%swap3A_1947, %swap3A_1948] {strides = array<i32>} : memref<2x2048xf32, #tpu.memory_space<vmem>>, vector<16xf32>,
        tpu.vector_store %arg7[%swap3A_1947, %swap3A_1948], %gather3A_1938 {strides = array<i32>} : memref<2x2048xf32, #tpu.memory_space<vmem>>, vector<16xf32>,
        %swap3A_1950 = arith.constant 1 : i32
        %swap3A_1951 = arith.index_cast %swap3A_1950 : i32 to index
        %swap3A_1952 = arith.constant 528 : index
        %swap3A_1953 = tpu.vector_load %arg7[%swap3A_1951, %swap3A_1952] {strides = array<i32>} : memref<2x2048xf32, #tpu.memory_space<vmem>>, vector<16xf32>,
        tpu.vector_store %arg7[%swap3A_1951, %swap3A_1952], %gather3A_1939 {strides = array<i32>} : memref<2x2048xf32, #tpu.memory_space<vmem>>, vector<16xf32>,
        %swap3A_1954 = arith.constant 1 : i32
        %swap3A_1955 = arith.index_cast %swap3A_1954 : i32 to index
        %swap3A_1956 = arith.constant 544 : index
        %swap3A_1957 = tpu.vector_load %arg7[%swap3A_1955, %swap3A_1956] {strides = array<i32>} : memref<2x2048xf32, #tpu.memory_space<vmem>>, vector<16xf32>,
        tpu.vector_store %arg7[%swap3A_1955, %swap3A_1956], %gather3A_1940 {strides = array<i32>} : memref<2x2048xf32, #tpu.memory_space<vmem>>, vector<16xf32>,
        %swap3A_1958 = arith.constant 1 : i32
        %swap3A_1959 = arith.index_cast %swap3A_1958 : i32 to index
        %swap3A_1960 = arith.constant 560 : index
        %swap3A_1961 = tpu.vector_load %arg7[%swap3A_1959, %swap3A_1960] {strides = array<i32>} : memref<2x2048xf32, #tpu.memory_space<vmem>>, vector<16xf32>,
        tpu.vector_store %arg7[%swap3A_1959, %swap3A_1960], %gather3A_1941 {strides = array<i32>} : memref<2x2048xf32, #tpu.memory_space<vmem>>, vector<16xf32>,
        %swap3A_1962 = arith.constant 1 : i32
        %swap3A_1963 = arith.index_cast %swap3A_1962 : i32 to index
        %swap3A_1964 = arith.constant 576 : index
        %swap3A_1965 = tpu.vector_load %arg7[%swap3A_1963, %swap3A_1964] {strides = array<i32>} : memref<2x2048xf32, #tpu.memory_space<vmem>>, vector<16xf32>,
        tpu.vector_store %arg7[%swap3A_1963, %swap3A_1964], %gather3A_1942 {strides = array<i32>} : memref<2x2048xf32, #tpu.memory_space<vmem>>, vector<16xf32>,
        %swap3A_1966 = arith.constant 1 : i32
        %swap3A_1967 = arith.index_cast %swap3A_1966 : i32 to index
        %swap3A_1968 = arith.constant 592 : index
        %swap3A_1969 = tpu.vector_load %arg7[%swap3A_1967, %swap3A_1968] {strides = array<i32>} : memref<2x2048xf32, #tpu.memory_space<vmem>>, vector<16xf32>,
        tpu.vector_store %arg7[%swap3A_1967, %swap3A_1968], %gather3A_1943 {strides = array<i32>} : memref<2x2048xf32, #tpu.memory_space<vmem>>, vector<16xf32>,
        %swap3A_1970 = arith.constant 1 : i32
        %swap3A_1971 = arith.index_cast %swap3A_1970 : i32 to index
        %swap3A_1972 = arith.constant 608 : index
        %swap3A_1973 = tpu.vector_load %arg7[%swap3A_1971, %swap3A_1972] {strides = array<i32>} : memref<2x2048xf32, #tpu.memory_space<vmem>>, vector<16xf32>,
        tpu.vector_store %arg7[%swap3A_1971, %swap3A_1972], %gather3A_1944 {strides = array<i32>} : memref<2x2048xf32, #tpu.memory_space<vmem>>, vector<16xf32>,
        %swap3A_1974 = arith.constant 1 : i32
        %swap3A_1975 = arith.index_cast %swap3A_1974 : i32 to index
        %swap3A_1976 = arith.constant 624 : index
        %swap3A_1977 = tpu.vector_load %arg7[%swap3A_1975, %swap3A_1976] {strides = array<i32>} : memref<2x2048xf32, #tpu.memory_space<vmem>>, vector<16xf32>,
        tpu.vector_store %arg7[%swap3A_1975, %swap3A_1976], %gather3A_1945 {strides = array<i32>} : memref<2x2048xf32, #tpu.memory_space<vmem>>, vector<16xf32>,
        %mul3A_1978 = arith.constant 2048 : i32
        %mul3A_1979 = arith.muli %add3A_1529, %mul3A_1978 : i32
        %add3A_1980 = arith.constant 640 : i32
        %add3A_1981 = arith.addi %mul3A_1979, %add3A_1980 : i32
        %get3A_1982 = arith.index_cast %add3A_1981 : i32 to index
        %get3A_1983 = tpu.vector_load %arg5[%get3A_1982] {strides = array<i32>} : memref<16384xi32, #tpu.memory_space<vmem>>, vector<16xi32>,
        %mul3A_1984 = arith.constant 2048 : i32
        %mul3A_1985 = arith.muli %add3A_1529, %mul3A_1984 : i32
        %add3A_1986 = arith.constant 656 : i32
        %add3A_1987 = arith.addi %mul3A_1985, %add3A_1986 : i32
        %get3A_1988 = arith.index_cast %add3A_1987 : i32 to index
        %get3A_1989 = tpu.vector_load %arg5[%get3A_1988] {strides = array<i32>} : memref<16384xi32, #tpu.memory_space<vmem>>, vector<16xi32>,
        %mul3A_1990 = arith.constant 2048 : i32
        %mul3A_1991 = arith.muli %add3A_1529, %mul3A_1990 : i32
        %add3A_1992 = arith.constant 672 : i32
        %add3A_1993 = arith.addi %mul3A_1991, %add3A_1992 : i32
        %get3A_1994 = arith.index_cast %add3A_1993 : i32 to index
        %get3A_1995 = tpu.vector_load %arg5[%get3A_1994] {strides = array<i32>} : memref<16384xi32, #tpu.memory_space<vmem>>, vector<16xi32>,
        %mul3A_1996 = arith.constant 2048 : i32
        %mul3A_1997 = arith.muli %add3A_1529, %mul3A_1996 : i32
        %add3A_1998 = arith.constant 688 : i32
        %add3A_1999 = arith.addi %mul3A_1997, %add3A_1998 : i32
        %get3A_2000 = arith.index_cast %add3A_1999 : i32 to index
        %get3A_2001 = tpu.vector_load %arg5[%get3A_2000] {strides = array<i32>} : memref<16384xi32, #tpu.memory_space<vmem>>, vector<16xi32>,
        %mul3A_2002 = arith.constant 2048 : i32
        %mul3A_2003 = arith.muli %add3A_1529, %mul3A_2002 : i32
        %add3A_2004 = arith.constant 704 : i32
        %add3A_2005 = arith.addi %mul3A_2003, %add3A_2004 : i32
        %get3A_2006 = arith.index_cast %add3A_2005 : i32 to index
        %get3A_2007 = tpu.vector_load %arg5[%get3A_2006] {strides = array<i32>} : memref<16384xi32, #tpu.memory_space<vmem>>, vector<16xi32>,
        %mul3A_2008 = arith.constant 2048 : i32
        %mul3A_2009 = arith.muli %add3A_1529, %mul3A_2008 : i32
        %add3A_2010 = arith.constant 720 : i32
        %add3A_2011 = arith.addi %mul3A_2009, %add3A_2010 : i32
        %get3A_2012 = arith.index_cast %add3A_2011 : i32 to index
        %get3A_2013 = tpu.vector_load %arg5[%get3A_2012] {strides = array<i32>} : memref<16384xi32, #tpu.memory_space<vmem>>, vector<16xi32>,
        %mul3A_2014 = arith.constant 2048 : i32
        %mul3A_2015 = arith.muli %add3A_1529, %mul3A_2014 : i32
        %add3A_2016 = arith.constant 736 : i32
        %add3A_2017 = arith.addi %mul3A_2015, %add3A_2016 : i32
        %get3A_2018 = arith.index_cast %add3A_2017 : i32 to index
        %get3A_2019 = tpu.vector_load %arg5[%get3A_2018] {strides = array<i32>} : memref<16384xi32, #tpu.memory_space<vmem>>, vector<16xi32>,
        %mul3A_2020 = arith.constant 2048 : i32
        %mul3A_2021 = arith.muli %add3A_1529, %mul3A_2020 : i32
        %add3A_2022 = arith.constant 752 : i32
        %add3A_2023 = arith.addi %mul3A_2021, %add3A_2022 : i32
        %get3A_2024 = arith.index_cast %add3A_2023 : i32 to index
        %get3A_2025 = tpu.vector_load %arg5[%get3A_2024] {strides = array<i32>} : memref<16384xi32, #tpu.memory_space<vmem>>, vector<16xi32>,
        %gather3A_2026 = tpu.vector_load_idx %arg6[%get3A_1983] : memref<100000xf32, #tpu.memory_space<vmem>>[vector<16xi32>], vector<16xf32>,
        %gather3A_2027 = tpu.vector_load_idx %arg6[%get3A_1989] : memref<100000xf32, #tpu.memory_space<vmem>>[vector<16xi32>], vector<16xf32>,
        %gather3A_2028 = tpu.vector_load_idx %arg6[%get3A_1995] : memref<100000xf32, #tpu.memory_space<vmem>>[vector<16xi32>], vector<16xf32>,
        %gather3A_2029 = tpu.vector_load_idx %arg6[%get3A_2001] : memref<100000xf32, #tpu.memory_space<vmem>>[vector<16xi32>], vector<16xf32>,
        %gather3A_2030 = tpu.vector_load_idx %arg6[%get3A_2007] : memref<100000xf32, #tpu.memory_space<vmem>>[vector<16xi32>], vector<16xf32>,
        %gather3A_2031 = tpu.vector_load_idx %arg6[%get3A_2013] : memref<100000xf32, #tpu.memory_space<vmem>>[vector<16xi32>], vector<16xf32>,
        %gather3A_2032 = tpu.vector_load_idx %arg6[%get3A_2019] : memref<100000xf32, #tpu.memory_space<vmem>>[vector<16xi32>], vector<16xf32>,
        %gather3A_2033 = tpu.vector_load_idx %arg6[%get3A_2025] : memref<100000xf32, #tpu.memory_space<vmem>>[vector<16xi32>], vector<16xf32>,
        %swap3A_2034 = arith.constant 1 : i32
        %swap3A_2035 = arith.index_cast %swap3A_2034 : i32 to index
        %swap3A_2036 = arith.constant 640 : index
        %swap3A_2037 = tpu.vector_load %arg7[%swap3A_2035, %swap3A_2036] {strides = array<i32>} : memref<2x2048xf32, #tpu.memory_space<vmem>>, vector<16xf32>,
        tpu.vector_store %arg7[%swap3A_2035, %swap3A_2036], %gather3A_2026 {strides = array<i32>} : memref<2x2048xf32, #tpu.memory_space<vmem>>, vector<16xf32>,
        %swap3A_2038 = arith.constant 1 : i32
        %swap3A_2039 = arith.index_cast %swap3A_2038 : i32 to index
        %swap3A_2040 = arith.constant 656 : index
        %swap3A_2041 = tpu.vector_load %arg7[%swap3A_2039, %swap3A_2040] {strides = array<i32>} : memref<2x2048xf32, #tpu.memory_space<vmem>>, vector<16xf32>,
        tpu.vector_store %arg7[%swap3A_2039, %swap3A_2040], %gather3A_2027 {strides = array<i32>} : memref<2x2048xf32, #tpu.memory_space<vmem>>, vector<16xf32>,
        %swap3A_2042 = arith.constant 1 : i32
        %swap3A_2043 = arith.index_cast %swap3A_2042 : i32 to index
        %swap3A_2044 = arith.constant 672 : index
        %swap3A_2045 = tpu.vector_load %arg7[%swap3A_2043, %swap3A_2044] {strides = array<i32>} : memref<2x2048xf32, #tpu.memory_space<vmem>>, vector<16xf32>,
        tpu.vector_store %arg7[%swap3A_2043, %swap3A_2044], %gather3A_2028 {strides = array<i32>} : memref<2x2048xf32, #tpu.memory_space<vmem>>, vector<16xf32>,
        %swap3A_2046 = arith.constant 1 : i32
        %swap3A_2047 = arith.index_cast %swap3A_2046 : i32 to index
        %swap3A_2048 = arith.constant 688 : index
        %swap3A_2049 = tpu.vector_load %arg7[%swap3A_2047, %swap3A_2048] {strides = array<i32>} : memref<2x2048xf32, #tpu.memory_space<vmem>>, vector<16xf32>,
        tpu.vector_store %arg7[%swap3A_2047, %swap3A_2048], %gather3A_2029 {strides = array<i32>} : memref<2x2048xf32, #tpu.memory_space<vmem>>, vector<16xf32>,
        %swap3A_2050 = arith.constant 1 : i32
        %swap3A_2051 = arith.index_cast %swap3A_2050 : i32 to index
        %swap3A_2052 = arith.constant 704 : index
        %swap3A_2053 = tpu.vector_load %arg7[%swap3A_2051, %swap3A_2052] {strides = array<i32>} : memref<2x2048xf32, #tpu.memory_space<vmem>>, vector<16xf32>,
        tpu.vector_store %arg7[%swap3A_2051, %swap3A_2052], %gather3A_2030 {strides = array<i32>} : memref<2x2048xf32, #tpu.memory_space<vmem>>, vector<16xf32>,
        %swap3A_2054 = arith.constant 1 : i32
        %swap3A_2055 = arith.index_cast %swap3A_2054 : i32 to index
        %swap3A_2056 = arith.constant 720 : index
        %swap3A_2057 = tpu.vector_load %arg7[%swap3A_2055, %swap3A_2056] {strides = array<i32>} : memref<2x2048xf32, #tpu.memory_space<vmem>>, vector<16xf32>,
        tpu.vector_store %arg7[%swap3A_2055, %swap3A_2056], %gather3A_2031 {strides = array<i32>} : memref<2x2048xf32, #tpu.memory_space<vmem>>, vector<16xf32>,
        %swap3A_2058 = arith.constant 1 : i32
        %swap3A_2059 = arith.index_cast %swap3A_2058 : i32 to index
        %swap3A_2060 = arith.constant 736 : index
        %swap3A_2061 = tpu.vector_load %arg7[%swap3A_2059, %swap3A_2060] {strides = array<i32>} : memref<2x2048xf32, #tpu.memory_space<vmem>>, vector<16xf32>,
        tpu.vector_store %arg7[%swap3A_2059, %swap3A_2060], %gather3A_2032 {strides = array<i32>} : memref<2x2048xf32, #tpu.memory_space<vmem>>, vector<16xf32>,
        %swap3A_2062 = arith.constant 1 : i32
        %swap3A_2063 = arith.index_cast %swap3A_2062 : i32 to index
        %swap3A_2064 = arith.constant 752 : index
        %swap3A_2065 = tpu.vector_load %arg7[%swap3A_2063, %swap3A_2064] {strides = array<i32>} : memref<2x2048xf32, #tpu.memory_space<vmem>>, vector<16xf32>,
        tpu.vector_store %arg7[%swap3A_2063, %swap3A_2064], %gather3A_2033 {strides = array<i32>} : memref<2x2048xf32, #tpu.memory_space<vmem>>, vector<16xf32>,
        %mul3A_2066 = arith.constant 2048 : i32
        %mul3A_2067 = arith.muli %add3A_1529, %mul3A_2066 : i32
        %add3A_2068 = arith.constant 768 : i32
        %add3A_2069 = arith.addi %mul3A_2067, %add3A_2068 : i32
        %get3A_2070 = arith.index_cast %add3A_2069 : i32 to index
        %get3A_2071 = tpu.vector_load %arg5[%get3A_2070] {strides = array<i32>} : memref<16384xi32, #tpu.memory_space<vmem>>, vector<16xi32>,
        %mul3A_2072 = arith.constant 2048 : i32
        %mul3A_2073 = arith.muli %add3A_1529, %mul3A_2072 : i32
        %add3A_2074 = arith.constant 784 : i32
        %add3A_2075 = arith.addi %mul3A_2073, %add3A_2074 : i32
        %get3A_2076 = arith.index_cast %add3A_2075 : i32 to index
        %get3A_2077 = tpu.vector_load %arg5[%get3A_2076] {strides = array<i32>} : memref<16384xi32, #tpu.memory_space<vmem>>, vector<16xi32>,
        %mul3A_2078 = arith.constant 2048 : i32
        %mul3A_2079 = arith.muli %add3A_1529, %mul3A_2078 : i32
        %add3A_2080 = arith.constant 800 : i32
        %add3A_2081 = arith.addi %mul3A_2079, %add3A_2080 : i32
        %get3A_2082 = arith.index_cast %add3A_2081 : i32 to index
        %get3A_2083 = tpu.vector_load %arg5[%get3A_2082] {strides = array<i32>} : memref<16384xi32, #tpu.memory_space<vmem>>, vector<16xi32>,
        %mul3A_2084 = arith.constant 2048 : i32
        %mul3A_2085 = arith.muli %add3A_1529, %mul3A_2084 : i32
        %add3A_2086 = arith.constant 816 : i32
        %add3A_2087 = arith.addi %mul3A_2085, %add3A_2086 : i32
        %get3A_2088 = arith.index_cast %add3A_2087 : i32 to index
        %get3A_2089 = tpu.vector_load %arg5[%get3A_2088] {strides = array<i32>} : memref<16384xi32, #tpu.memory_space<vmem>>, vector<16xi32>,
        %mul3A_2090 = arith.constant 2048 : i32
        %mul3A_2091 = arith.muli %add3A_1529, %mul3A_2090 : i32
        %add3A_2092 = arith.constant 832 : i32
        %add3A_2093 = arith.addi %mul3A_2091, %add3A_2092 : i32
        %get3A_2094 = arith.index_cast %add3A_2093 : i32 to index
        %get3A_2095 = tpu.vector_load %arg5[%get3A_2094] {strides = array<i32>} : memref<16384xi32, #tpu.memory_space<vmem>>, vector<16xi32>,
        %mul3A_2096 = arith.constant 2048 : i32
        %mul3A_2097 = arith.muli %add3A_1529, %mul3A_2096 : i32
        %add3A_2098 = arith.constant 848 : i32
        %add3A_2099 = arith.addi %mul3A_2097, %add3A_2098 : i32
        %get3A_2100 = arith.index_cast %add3A_2099 : i32 to index
        %get3A_2101 = tpu.vector_load %arg5[%get3A_2100] {strides = array<i32>} : memref<16384xi32, #tpu.memory_space<vmem>>, vector<16xi32>,
        %mul3A_2102 = arith.constant 2048 : i32
        %mul3A_2103 = arith.muli %add3A_1529, %mul3A_2102 : i32
        %add3A_2104 = arith.constant 864 : i32
        %add3A_2105 = arith.addi %mul3A_2103, %add3A_2104 : i32
        %get3A_2106 = arith.index_cast %add3A_2105 : i32 to index
        %get3A_2107 = tpu.vector_load %arg5[%get3A_2106] {strides = array<i32>} : memref<16384xi32, #tpu.memory_space<vmem>>, vector<16xi32>,
        %mul3A_2108 = arith.constant 2048 : i32
        %mul3A_2109 = arith.muli %add3A_1529, %mul3A_2108 : i32
        %add3A_2110 = arith.constant 880 : i32
        %add3A_2111 = arith.addi %mul3A_2109, %add3A_2110 : i32
        %get3A_2112 = arith.index_cast %add3A_2111 : i32 to index
        %get3A_2113 = tpu.vector_load %arg5[%get3A_2112] {strides = array<i32>} : memref<16384xi32, #tpu.memory_space<vmem>>, vector<16xi32>,
        %gather3A_2114 = tpu.vector_load_idx %arg6[%get3A_2071] : memref<100000xf32, #tpu.memory_space<vmem>>[vector<16xi32>], vector<16xf32>,
        %gather3A_2115 = tpu.vector_load_idx %arg6[%get3A_2077] : memref<100000xf32, #tpu.memory_space<vmem>>[vector<16xi32>], vector<16xf32>,
        %gather3A_2116 = tpu.vector_load_idx %arg6[%get3A_2083] : memref<100000xf32, #tpu.memory_space<vmem>>[vector<16xi32>], vector<16xf32>,
        %gather3A_2117 = tpu.vector_load_idx %arg6[%get3A_2089] : memref<100000xf32, #tpu.memory_space<vmem>>[vector<16xi32>], vector<16xf32>,
        %gather3A_2118 = tpu.vector_load_idx %arg6[%get3A_2095] : memref<100000xf32, #tpu.memory_space<vmem>>[vector<16xi32>], vector<16xf32>,
        %gather3A_2119 = tpu.vector_load_idx %arg6[%get3A_2101] : memref<100000xf32, #tpu.memory_space<vmem>>[vector<16xi32>], vector<16xf32>,
        %gather3A_2120 = tpu.vector_load_idx %arg6[%get3A_2107] : memref<100000xf32, #tpu.memory_space<vmem>>[vector<16xi32>], vector<16xf32>,
        %gather3A_2121 = tpu.vector_load_idx %arg6[%get3A_2113] : memref<100000xf32, #tpu.memory_space<vmem>>[vector<16xi32>], vector<16xf32>,
        %swap3A_2122 = arith.constant 1 : i32
        %swap3A_2123 = arith.index_cast %swap3A_2122 : i32 to index
        %swap3A_2124 = arith.constant 768 : index
        %swap3A_2125 = tpu.vector_load %arg7[%swap3A_2123, %swap3A_2124] {strides = array<i32>} : memref<2x2048xf32, #tpu.memory_space<vmem>>, vector<16xf32>,
        tpu.vector_store %arg7[%swap3A_2123, %swap3A_2124], %gather3A_2114 {strides = array<i32>} : memref<2x2048xf32, #tpu.memory_space<vmem>>, vector<16xf32>,
        %swap3A_2126 = arith.constant 1 : i32
        %swap3A_2127 = arith.index_cast %swap3A_2126 : i32 to index
        %swap3A_2128 = arith.constant 784 : index
        %swap3A_2129 = tpu.vector_load %arg7[%swap3A_2127, %swap3A_2128] {strides = array<i32>} : memref<2x2048xf32, #tpu.memory_space<vmem>>, vector<16xf32>,
        tpu.vector_store %arg7[%swap3A_2127, %swap3A_2128], %gather3A_2115 {strides = array<i32>} : memref<2x2048xf32, #tpu.memory_space<vmem>>, vector<16xf32>,
        %swap3A_2130 = arith.constant 1 : i32
        %swap3A_2131 = arith.index_cast %swap3A_2130 : i32 to index
        %swap3A_2132 = arith.constant 800 : index
        %swap3A_2133 = tpu.vector_load %arg7[%swap3A_2131, %swap3A_2132] {strides = array<i32>} : memref<2x2048xf32, #tpu.memory_space<vmem>>, vector<16xf32>,
        tpu.vector_store %arg7[%swap3A_2131, %swap3A_2132], %gather3A_2116 {strides = array<i32>} : memref<2x2048xf32, #tpu.memory_space<vmem>>, vector<16xf32>,
        %swap3A_2134 = arith.constant 1 : i32
        %swap3A_2135 = arith.index_cast %swap3A_2134 : i32 to index
        %swap3A_2136 = arith.constant 816 : index
        %swap3A_2137 = tpu.vector_load %arg7[%swap3A_2135, %swap3A_2136] {strides = array<i32>} : memref<2x2048xf32, #tpu.memory_space<vmem>>, vector<16xf32>,
        tpu.vector_store %arg7[%swap3A_2135, %swap3A_2136], %gather3A_2117 {strides = array<i32>} : memref<2x2048xf32, #tpu.memory_space<vmem>>, vector<16xf32>,
        %swap3A_2138 = arith.constant 1 : i32
        %swap3A_2139 = arith.index_cast %swap3A_2138 : i32 to index
        %swap3A_2140 = arith.constant 832 : index
        %swap3A_2141 = tpu.vector_load %arg7[%swap3A_2139, %swap3A_2140] {strides = array<i32>} : memref<2x2048xf32, #tpu.memory_space<vmem>>, vector<16xf32>,
        tpu.vector_store %arg7[%swap3A_2139, %swap3A_2140], %gather3A_2118 {strides = array<i32>} : memref<2x2048xf32, #tpu.memory_space<vmem>>, vector<16xf32>,
        %swap3A_2142 = arith.constant 1 : i32
        %swap3A_2143 = arith.index_cast %swap3A_2142 : i32 to index
        %swap3A_2144 = arith.constant 848 : index
        %swap3A_2145 = tpu.vector_load %arg7[%swap3A_2143, %swap3A_2144] {strides = array<i32>} : memref<2x2048xf32, #tpu.memory_space<vmem>>, vector<16xf32>,
        tpu.vector_store %arg7[%swap3A_2143, %swap3A_2144], %gather3A_2119 {strides = array<i32>} : memref<2x2048xf32, #tpu.memory_space<vmem>>, vector<16xf32>,
        %swap3A_2146 = arith.constant 1 : i32
        %swap3A_2147 = arith.index_cast %swap3A_2146 : i32 to index
        %swap3A_2148 = arith.constant 864 : index
        %swap3A_2149 = tpu.vector_load %arg7[%swap3A_2147, %swap3A_2148] {strides = array<i32>} : memref<2x2048xf32, #tpu.memory_space<vmem>>, vector<16xf32>,
        tpu.vector_store %arg7[%swap3A_2147, %swap3A_2148], %gather3A_2120 {strides = array<i32>} : memref<2x2048xf32, #tpu.memory_space<vmem>>, vector<16xf32>,
        %swap3A_2150 = arith.constant 1 : i32
        %swap3A_2151 = arith.index_cast %swap3A_2150 : i32 to index
        %swap3A_2152 = arith.constant 880 : index
        %swap3A_2153 = tpu.vector_load %arg7[%swap3A_2151, %swap3A_2152] {strides = array<i32>} : memref<2x2048xf32, #tpu.memory_space<vmem>>, vector<16xf32>,
        tpu.vector_store %arg7[%swap3A_2151, %swap3A_2152], %gather3A_2121 {strides = array<i32>} : memref<2x2048xf32, #tpu.memory_space<vmem>>, vector<16xf32>,
        %mul3A_2154 = arith.constant 2048 : i32
        %mul3A_2155 = arith.muli %add3A_1529, %mul3A_2154 : i32
        %add3A_2156 = arith.constant 896 : i32
        %add3A_2157 = arith.addi %mul3A_2155, %add3A_2156 : i32
        %get3A_2158 = arith.index_cast %add3A_2157 : i32 to index
        %get3A_2159 = tpu.vector_load %arg5[%get3A_2158] {strides = array<i32>} : memref<16384xi32, #tpu.memory_space<vmem>>, vector<16xi32>,
        %mul3A_2160 = arith.constant 2048 : i32
        %mul3A_2161 = arith.muli %add3A_1529, %mul3A_2160 : i32
        %add3A_2162 = arith.constant 912 : i32
        %add3A_2163 = arith.addi %mul3A_2161, %add3A_2162 : i32
        %get3A_2164 = arith.index_cast %add3A_2163 : i32 to index
        %get3A_2165 = tpu.vector_load %arg5[%get3A_2164] {strides = array<i32>} : memref<16384xi32, #tpu.memory_space<vmem>>, vector<16xi32>,
        %mul3A_2166 = arith.constant 2048 : i32
        %mul3A_2167 = arith.muli %add3A_1529, %mul3A_2166 : i32
        %add3A_2168 = arith.constant 928 : i32
        %add3A_2169 = arith.addi %mul3A_2167, %add3A_2168 : i32
        %get3A_2170 = arith.index_cast %add3A_2169 : i32 to index
        %get3A_2171 = tpu.vector_load %arg5[%get3A_2170] {strides = array<i32>} : memref<16384xi32, #tpu.memory_space<vmem>>, vector<16xi32>,
        %mul3A_2172 = arith.constant 2048 : i32
        %mul3A_2173 = arith.muli %add3A_1529, %mul3A_2172 : i32
        %add3A_2174 = arith.constant 944 : i32
        %add3A_2175 = arith.addi %mul3A_2173, %add3A_2174 : i32
        %get3A_2176 = arith.index_cast %add3A_2175 : i32 to index
        %get3A_2177 = tpu.vector_load %arg5[%get3A_2176] {strides = array<i32>} : memref<16384xi32, #tpu.memory_space<vmem>>, vector<16xi32>,
        %mul3A_2178 = arith.constant 2048 : i32
        %mul3A_2179 = arith.muli %add3A_1529, %mul3A_2178 : i32
        %add3A_2180 = arith.constant 960 : i32
        %add3A_2181 = arith.addi %mul3A_2179, %add3A_2180 : i32
        %get3A_2182 = arith.index_cast %add3A_2181 : i32 to index
        %get3A_2183 = tpu.vector_load %arg5[%get3A_2182] {strides = array<i32>} : memref<16384xi32, #tpu.memory_space<vmem>>, vector<16xi32>,
        %mul3A_2184 = arith.constant 2048 : i32
        %mul3A_2185 = arith.muli %add3A_1529, %mul3A_2184 : i32
        %add3A_2186 = arith.constant 976 : i32
        %add3A_2187 = arith.addi %mul3A_2185, %add3A_2186 : i32
        %get3A_2188 = arith.index_cast %add3A_2187 : i32 to index
        %get3A_2189 = tpu.vector_load %arg5[%get3A_2188] {strides = array<i32>} : memref<16384xi32, #tpu.memory_space<vmem>>, vector<16xi32>,
        %mul3A_2190 = arith.constant 2048 : i32
        %mul3A_2191 = arith.muli %add3A_1529, %mul3A_2190 : i32
        %add3A_2192 = arith.constant 992 : i32
        %add3A_2193 = arith.addi %mul3A_2191, %add3A_2192 : i32
        %get3A_2194 = arith.index_cast %add3A_2193 : i32 to index
        %get3A_2195 = tpu.vector_load %arg5[%get3A_2194] {strides = array<i32>} : memref<16384xi32, #tpu.memory_space<vmem>>, vector<16xi32>,
        %mul3A_2196 = arith.constant 2048 : i32
        %mul3A_2197 = arith.muli %add3A_1529, %mul3A_2196 : i32
        %add3A_2198 = arith.constant 1008 : i32
        %add3A_2199 = arith.addi %mul3A_2197, %add3A_2198 : i32
        %get3A_2200 = arith.index_cast %add3A_2199 : i32 to index
        %get3A_2201 = tpu.vector_load %arg5[%get3A_2200] {strides = array<i32>} : memref<16384xi32, #tpu.memory_space<vmem>>, vector<16xi32>,
        %gather3A_2202 = tpu.vector_load_idx %arg6[%get3A_2159] : memref<100000xf32, #tpu.memory_space<vmem>>[vector<16xi32>], vector<16xf32>,
        %gather3A_2203 = tpu.vector_load_idx %arg6[%get3A_2165] : memref<100000xf32, #tpu.memory_space<vmem>>[vector<16xi32>], vector<16xf32>,
        %gather3A_2204 = tpu.vector_load_idx %arg6[%get3A_2171] : memref<100000xf32, #tpu.memory_space<vmem>>[vector<16xi32>], vector<16xf32>,
        %gather3A_2205 = tpu.vector_load_idx %arg6[%get3A_2177] : memref<100000xf32, #tpu.memory_space<vmem>>[vector<16xi32>], vector<16xf32>,
        %gather3A_2206 = tpu.vector_load_idx %arg6[%get3A_2183] : memref<100000xf32, #tpu.memory_space<vmem>>[vector<16xi32>], vector<16xf32>,
        %gather3A_2207 = tpu.vector_load_idx %arg6[%get3A_2189] : memref<100000xf32, #tpu.memory_space<vmem>>[vector<16xi32>], vector<16xf32>,
        %gather3A_2208 = tpu.vector_load_idx %arg6[%get3A_2195] : memref<100000xf32, #tpu.memory_space<vmem>>[vector<16xi32>], vector<16xf32>,
        %gather3A_2209 = tpu.vector_load_idx %arg6[%get3A_2201] : memref<100000xf32, #tpu.memory_space<vmem>>[vector<16xi32>], vector<16xf32>,
        %swap3A_2210 = arith.constant 1 : i32
        %swap3A_2211 = arith.index_cast %swap3A_2210 : i32 to index
        %swap3A_2212 = arith.constant 896 : index
        %swap3A_2213 = tpu.vector_load %arg7[%swap3A_2211, %swap3A_2212] {strides = array<i32>} : memref<2x2048xf32, #tpu.memory_space<vmem>>, vector<16xf32>,
        tpu.vector_store %arg7[%swap3A_2211, %swap3A_2212], %gather3A_2202 {strides = array<i32>} : memref<2x2048xf32, #tpu.memory_space<vmem>>, vector<16xf32>,
        %swap3A_2214 = arith.constant 1 : i32
        %swap3A_2215 = arith.index_cast %swap3A_2214 : i32 to index
        %swap3A_2216 = arith.constant 912 : index
        %swap3A_2217 = tpu.vector_load %arg7[%swap3A_2215, %swap3A_2216] {strides = array<i32>} : memref<2x2048xf32, #tpu.memory_space<vmem>>, vector<16xf32>,
        tpu.vector_store %arg7[%swap3A_2215, %swap3A_2216], %gather3A_2203 {strides = array<i32>} : memref<2x2048xf32, #tpu.memory_space<vmem>>, vector<16xf32>,
        %swap3A_2218 = arith.constant 1 : i32
        %swap3A_2219 = arith.index_cast %swap3A_2218 : i32 to index
        %swap3A_2220 = arith.constant 928 : index
        %swap3A_2221 = tpu.vector_load %arg7[%swap3A_2219, %swap3A_2220] {strides = array<i32>} : memref<2x2048xf32, #tpu.memory_space<vmem>>, vector<16xf32>,
        tpu.vector_store %arg7[%swap3A_2219, %swap3A_2220], %gather3A_2204 {strides = array<i32>} : memref<2x2048xf32, #tpu.memory_space<vmem>>, vector<16xf32>,
        %swap3A_2222 = arith.constant 1 : i32
        %swap3A_2223 = arith.index_cast %swap3A_2222 : i32 to index
        %swap3A_2224 = arith.constant 944 : index
        %swap3A_2225 = tpu.vector_load %arg7[%swap3A_2223, %swap3A_2224] {strides = array<i32>} : memref<2x2048xf32, #tpu.memory_space<vmem>>, vector<16xf32>,
        tpu.vector_store %arg7[%swap3A_2223, %swap3A_2224], %gather3A_2205 {strides = array<i32>} : memref<2x2048xf32, #tpu.memory_space<vmem>>, vector<16xf32>,
        %swap3A_2226 = arith.constant 1 : i32
        %swap3A_2227 = arith.index_cast %swap3A_2226 : i32 to index
        %swap3A_2228 = arith.constant 960 : index
        %swap3A_2229 = tpu.vector_load %arg7[%swap3A_2227, %swap3A_2228] {strides = array<i32>} : memref<2x2048xf32, #tpu.memory_space<vmem>>, vector<16xf32>,
        tpu.vector_store %arg7[%swap3A_2227, %swap3A_2228], %gather3A_2206 {strides = array<i32>} : memref<2x2048xf32, #tpu.memory_space<vmem>>, vector<16xf32>,
        %swap3A_2230 = arith.constant 1 : i32
        %swap3A_2231 = arith.index_cast %swap3A_2230 : i32 to index
        %swap3A_2232 = arith.constant 976 : index
        %swap3A_2233 = tpu.vector_load %arg7[%swap3A_2231, %swap3A_2232] {strides = array<i32>} : memref<2x2048xf32, #tpu.memory_space<vmem>>, vector<16xf32>,
        tpu.vector_store %arg7[%swap3A_2231, %swap3A_2232], %gather3A_2207 {strides = array<i32>} : memref<2x2048xf32, #tpu.memory_space<vmem>>, vector<16xf32>,
        %swap3A_2234 = arith.constant 1 : i32
        %swap3A_2235 = arith.index_cast %swap3A_2234 : i32 to index
        %swap3A_2236 = arith.constant 992 : index
        %swap3A_2237 = tpu.vector_load %arg7[%swap3A_2235, %swap3A_2236] {strides = array<i32>} : memref<2x2048xf32, #tpu.memory_space<vmem>>, vector<16xf32>,
        tpu.vector_store %arg7[%swap3A_2235, %swap3A_2236], %gather3A_2208 {strides = array<i32>} : memref<2x2048xf32, #tpu.memory_space<vmem>>, vector<16xf32>,
        %swap3A_2238 = arith.constant 1 : i32
        %swap3A_2239 = arith.index_cast %swap3A_2238 : i32 to index
        %swap3A_2240 = arith.constant 1008 : index
        %swap3A_2241 = tpu.vector_load %arg7[%swap3A_2239, %swap3A_2240] {strides = array<i32>} : memref<2x2048xf32, #tpu.memory_space<vmem>>, vector<16xf32>,
        tpu.vector_store %arg7[%swap3A_2239, %swap3A_2240], %gather3A_2209 {strides = array<i32>} : memref<2x2048xf32, #tpu.memory_space<vmem>>, vector<16xf32>,
        %mul3A_2242 = arith.constant 2048 : i32
        %mul3A_2243 = arith.muli %add3A_1529, %mul3A_2242 : i32
        %add3A_2244 = arith.constant 1024 : i32
        %add3A_2245 = arith.addi %mul3A_2243, %add3A_2244 : i32
        %get3A_2246 = arith.index_cast %add3A_2245 : i32 to index
        %get3A_2247 = tpu.vector_load %arg5[%get3A_2246] {strides = array<i32>} : memref<16384xi32, #tpu.memory_space<vmem>>, vector<16xi32>,
        %mul3A_2248 = arith.constant 2048 : i32
        %mul3A_2249 = arith.muli %add3A_1529, %mul3A_2248 : i32
        %add3A_2250 = arith.constant 1040 : i32
        %add3A_2251 = arith.addi %mul3A_2249, %add3A_2250 : i32
        %get3A_2252 = arith.index_cast %add3A_2251 : i32 to index
        %get3A_2253 = tpu.vector_load %arg5[%get3A_2252] {strides = array<i32>} : memref<16384xi32, #tpu.memory_space<vmem>>, vector<16xi32>,
        %mul3A_2254 = arith.constant 2048 : i32
        %mul3A_2255 = arith.muli %add3A_1529, %mul3A_2254 : i32
        %add3A_2256 = arith.constant 1056 : i32
        %add3A_2257 = arith.addi %mul3A_2255, %add3A_2256 : i32
        %get3A_2258 = arith.index_cast %add3A_2257 : i32 to index
        %get3A_2259 = tpu.vector_load %arg5[%get3A_2258] {strides = array<i32>} : memref<16384xi32, #tpu.memory_space<vmem>>, vector<16xi32>,
        %mul3A_2260 = arith.constant 2048 : i32
        %mul3A_2261 = arith.muli %add3A_1529, %mul3A_2260 : i32
        %add3A_2262 = arith.constant 1072 : i32
        %add3A_2263 = arith.addi %mul3A_2261, %add3A_2262 : i32
        %get3A_2264 = arith.index_cast %add3A_2263 : i32 to index
        %get3A_2265 = tpu.vector_load %arg5[%get3A_2264] {strides = array<i32>} : memref<16384xi32, #tpu.memory_space<vmem>>, vector<16xi32>,
        %mul3A_2266 = arith.constant 2048 : i32
        %mul3A_2267 = arith.muli %add3A_1529, %mul3A_2266 : i32
        %add3A_2268 = arith.constant 1088 : i32
        %add3A_2269 = arith.addi %mul3A_2267, %add3A_2268 : i32
        %get3A_2270 = arith.index_cast %add3A_2269 : i32 to index
        %get3A_2271 = tpu.vector_load %arg5[%get3A_2270] {strides = array<i32>} : memref<16384xi32, #tpu.memory_space<vmem>>, vector<16xi32>,
        %mul3A_2272 = arith.constant 2048 : i32
        %mul3A_2273 = arith.muli %add3A_1529, %mul3A_2272 : i32
        %add3A_2274 = arith.constant 1104 : i32
        %add3A_2275 = arith.addi %mul3A_2273, %add3A_2274 : i32
        %get3A_2276 = arith.index_cast %add3A_2275 : i32 to index
        %get3A_2277 = tpu.vector_load %arg5[%get3A_2276] {strides = array<i32>} : memref<16384xi32, #tpu.memory_space<vmem>>, vector<16xi32>,
        %mul3A_2278 = arith.constant 2048 : i32
        %mul3A_2279 = arith.muli %add3A_1529, %mul3A_2278 : i32
        %add3A_2280 = arith.constant 1120 : i32
        %add3A_2281 = arith.addi %mul3A_2279, %add3A_2280 : i32
        %get3A_2282 = arith.index_cast %add3A_2281 : i32 to index
        %get3A_2283 = tpu.vector_load %arg5[%get3A_2282] {strides = array<i32>} : memref<16384xi32, #tpu.memory_space<vmem>>, vector<16xi32>,
        %mul3A_2284 = arith.constant 2048 : i32
        %mul3A_2285 = arith.muli %add3A_1529, %mul3A_2284 : i32
        %add3A_2286 = arith.constant 1136 : i32
        %add3A_2287 = arith.addi %mul3A_2285, %add3A_2286 : i32
        %get3A_2288 = arith.index_cast %add3A_2287 : i32 to index
        %get3A_2289 = tpu.vector_load %arg5[%get3A_2288] {strides = array<i32>} : memref<16384xi32, #tpu.memory_space<vmem>>, vector<16xi32>,
        %gather3A_2290 = tpu.vector_load_idx %arg6[%get3A_2247] : memref<100000xf32, #tpu.memory_space<vmem>>[vector<16xi32>], vector<16xf32>,
        %gather3A_2291 = tpu.vector_load_idx %arg6[%get3A_2253] : memref<100000xf32, #tpu.memory_space<vmem>>[vector<16xi32>], vector<16xf32>,
        %gather3A_2292 = tpu.vector_load_idx %arg6[%get3A_2259] : memref<100000xf32, #tpu.memory_space<vmem>>[vector<16xi32>], vector<16xf32>,
        %gather3A_2293 = tpu.vector_load_idx %arg6[%get3A_2265] : memref<100000xf32, #tpu.memory_space<vmem>>[vector<16xi32>], vector<16xf32>,
        %gather3A_2294 = tpu.vector_load_idx %arg6[%get3A_2271] : memref<100000xf32, #tpu.memory_space<vmem>>[vector<16xi32>], vector<16xf32>,
        %gather3A_2295 = tpu.vector_load_idx %arg6[%get3A_2277] : memref<100000xf32, #tpu.memory_space<vmem>>[vector<16xi32>], vector<16xf32>,
        %gather3A_2296 = tpu.vector_load_idx %arg6[%get3A_2283] : memref<100000xf32, #tpu.memory_space<vmem>>[vector<16xi32>], vector<16xf32>,
        %gather3A_2297 = tpu.vector_load_idx %arg6[%get3A_2289] : memref<100000xf32, #tpu.memory_space<vmem>>[vector<16xi32>], vector<16xf32>,
        %swap3A_2298 = arith.constant 1 : i32
        %swap3A_2299 = arith.index_cast %swap3A_2298 : i32 to index
        %swap3A_2300 = arith.constant 1024 : index
        %swap3A_2301 = tpu.vector_load %arg7[%swap3A_2299, %swap3A_2300] {strides = array<i32>} : memref<2x2048xf32, #tpu.memory_space<vmem>>, vector<16xf32>,
        tpu.vector_store %arg7[%swap3A_2299, %swap3A_2300], %gather3A_2290 {strides = array<i32>} : memref<2x2048xf32, #tpu.memory_space<vmem>>, vector<16xf32>,
        %swap3A_2302 = arith.constant 1 : i32
        %swap3A_2303 = arith.index_cast %swap3A_2302 : i32 to index
        %swap3A_2304 = arith.constant 1040 : index
        %swap3A_2305 = tpu.vector_load %arg7[%swap3A_2303, %swap3A_2304] {strides = array<i32>} : memref<2x2048xf32, #tpu.memory_space<vmem>>, vector<16xf32>,
        tpu.vector_store %arg7[%swap3A_2303, %swap3A_2304], %gather3A_2291 {strides = array<i32>} : memref<2x2048xf32, #tpu.memory_space<vmem>>, vector<16xf32>,
        %swap3A_2306 = arith.constant 1 : i32
        %swap3A_2307 = arith.index_cast %swap3A_2306 : i32 to index
        %swap3A_2308 = arith.constant 1056 : index
        %swap3A_2309 = tpu.vector_load %arg7[%swap3A_2307, %swap3A_2308] {strides = array<i32>} : memref<2x2048xf32, #tpu.memory_space<vmem>>, vector<16xf32>,
        tpu.vector_store %arg7[%swap3A_2307, %swap3A_2308], %gather3A_2292 {strides = array<i32>} : memref<2x2048xf32, #tpu.memory_space<vmem>>, vector<16xf32>,
        %swap3A_2310 = arith.constant 1 : i32
        %swap3A_2311 = arith.index_cast %swap3A_2310 : i32 to index
        %swap3A_2312 = arith.constant 1072 : index
        %swap3A_2313 = tpu.vector_load %arg7[%swap3A_2311, %swap3A_2312] {strides = array<i32>} : memref<2x2048xf32, #tpu.memory_space<vmem>>, vector<16xf32>,
        tpu.vector_store %arg7[%swap3A_2311, %swap3A_2312], %gather3A_2293 {strides = array<i32>} : memref<2x2048xf32, #tpu.memory_space<vmem>>, vector<16xf32>,
        %swap3A_2314 = arith.constant 1 : i32
        %swap3A_2315 = arith.index_cast %swap3A_2314 : i32 to index
        %swap3A_2316 = arith.constant 1088 : index
        %swap3A_2317 = tpu.vector_load %arg7[%swap3A_2315, %swap3A_2316] {strides = array<i32>} : memref<2x2048xf32, #tpu.memory_space<vmem>>, vector<16xf32>,
        tpu.vector_store %arg7[%swap3A_2315, %swap3A_2316], %gather3A_2294 {strides = array<i32>} : memref<2x2048xf32, #tpu.memory_space<vmem>>, vector<16xf32>,
        %swap3A_2318 = arith.constant 1 : i32
        %swap3A_2319 = arith.index_cast %swap3A_2318 : i32 to index
        %swap3A_2320 = arith.constant 1104 : index
        %swap3A_2321 = tpu.vector_load %arg7[%swap3A_2319, %swap3A_2320] {strides = array<i32>} : memref<2x2048xf32, #tpu.memory_space<vmem>>, vector<16xf32>,
        tpu.vector_store %arg7[%swap3A_2319, %swap3A_2320], %gather3A_2295 {strides = array<i32>} : memref<2x2048xf32, #tpu.memory_space<vmem>>, vector<16xf32>,
        %swap3A_2322 = arith.constant 1 : i32
        %swap3A_2323 = arith.index_cast %swap3A_2322 : i32 to index
        %swap3A_2324 = arith.constant 1120 : index
        %swap3A_2325 = tpu.vector_load %arg7[%swap3A_2323, %swap3A_2324] {strides = array<i32>} : memref<2x2048xf32, #tpu.memory_space<vmem>>, vector<16xf32>,
        tpu.vector_store %arg7[%swap3A_2323, %swap3A_2324], %gather3A_2296 {strides = array<i32>} : memref<2x2048xf32, #tpu.memory_space<vmem>>, vector<16xf32>,
        %swap3A_2326 = arith.constant 1 : i32
        %swap3A_2327 = arith.index_cast %swap3A_2326 : i32 to index
        %swap3A_2328 = arith.constant 1136 : index
        %swap3A_2329 = tpu.vector_load %arg7[%swap3A_2327, %swap3A_2328] {strides = array<i32>} : memref<2x2048xf32, #tpu.memory_space<vmem>>, vector<16xf32>,
        tpu.vector_store %arg7[%swap3A_2327, %swap3A_2328], %gather3A_2297 {strides = array<i32>} : memref<2x2048xf32, #tpu.memory_space<vmem>>, vector<16xf32>,
        %mul3A_2330 = arith.constant 2048 : i32
        %mul3A_2331 = arith.muli %add3A_1529, %mul3A_2330 : i32
        %add3A_2332 = arith.constant 1152 : i32
        %add3A_2333 = arith.addi %mul3A_2331, %add3A_2332 : i32
        %get3A_2334 = arith.index_cast %add3A_2333 : i32 to index
        %get3A_2335 = tpu.vector_load %arg5[%get3A_2334] {strides = array<i32>} : memref<16384xi32, #tpu.memory_space<vmem>>, vector<16xi32>,
        %mul3A_2336 = arith.constant 2048 : i32
        %mul3A_2337 = arith.muli %add3A_1529, %mul3A_2336 : i32
        %add3A_2338 = arith.constant 1168 : i32
        %add3A_2339 = arith.addi %mul3A_2337, %add3A_2338 : i32
        %get3A_2340 = arith.index_cast %add3A_2339 : i32 to index
        %get3A_2341 = tpu.vector_load %arg5[%get3A_2340] {strides = array<i32>} : memref<16384xi32, #tpu.memory_space<vmem>>, vector<16xi32>,
        %mul3A_2342 = arith.constant 2048 : i32
        %mul3A_2343 = arith.muli %add3A_1529, %mul3A_2342 : i32
        %add3A_2344 = arith.constant 1184 : i32
        %add3A_2345 = arith.addi %mul3A_2343, %add3A_2344 : i32
        %get3A_2346 = arith.index_cast %add3A_2345 : i32 to index
        %get3A_2347 = tpu.vector_load %arg5[%get3A_2346] {strides = array<i32>} : memref<16384xi32, #tpu.memory_space<vmem>>, vector<16xi32>,
        %mul3A_2348 = arith.constant 2048 : i32
        %mul3A_2349 = arith.muli %add3A_1529, %mul3A_2348 : i32
        %add3A_2350 = arith.constant 1200 : i32
        %add3A_2351 = arith.addi %mul3A_2349, %add3A_2350 : i32
        %get3A_2352 = arith.index_cast %add3A_2351 : i32 to index
        %get3A_2353 = tpu.vector_load %arg5[%get3A_2352] {strides = array<i32>} : memref<16384xi32, #tpu.memory_space<vmem>>, vector<16xi32>,
        %mul3A_2354 = arith.constant 2048 : i32
        %mul3A_2355 = arith.muli %add3A_1529, %mul3A_2354 : i32
        %add3A_2356 = arith.constant 1216 : i32
        %add3A_2357 = arith.addi %mul3A_2355, %add3A_2356 : i32
        %get3A_2358 = arith.index_cast %add3A_2357 : i32 to index
        %get3A_2359 = tpu.vector_load %arg5[%get3A_2358] {strides = array<i32>} : memref<16384xi32, #tpu.memory_space<vmem>>, vector<16xi32>,
        %mul3A_2360 = arith.constant 2048 : i32
        %mul3A_2361 = arith.muli %add3A_1529, %mul3A_2360 : i32
        %add3A_2362 = arith.constant 1232 : i32
        %add3A_2363 = arith.addi %mul3A_2361, %add3A_2362 : i32
        %get3A_2364 = arith.index_cast %add3A_2363 : i32 to index
        %get3A_2365 = tpu.vector_load %arg5[%get3A_2364] {strides = array<i32>} : memref<16384xi32, #tpu.memory_space<vmem>>, vector<16xi32>,
        %mul3A_2366 = arith.constant 2048 : i32
        %mul3A_2367 = arith.muli %add3A_1529, %mul3A_2366 : i32
        %add3A_2368 = arith.constant 1248 : i32
        %add3A_2369 = arith.addi %mul3A_2367, %add3A_2368 : i32
        %get3A_2370 = arith.index_cast %add3A_2369 : i32 to index
        %get3A_2371 = tpu.vector_load %arg5[%get3A_2370] {strides = array<i32>} : memref<16384xi32, #tpu.memory_space<vmem>>, vector<16xi32>,
        %mul3A_2372 = arith.constant 2048 : i32
        %mul3A_2373 = arith.muli %add3A_1529, %mul3A_2372 : i32
        %add3A_2374 = arith.constant 1264 : i32
        %add3A_2375 = arith.addi %mul3A_2373, %add3A_2374 : i32
        %get3A_2376 = arith.index_cast %add3A_2375 : i32 to index
        %get3A_2377 = tpu.vector_load %arg5[%get3A_2376] {strides = array<i32>} : memref<16384xi32, #tpu.memory_space<vmem>>, vector<16xi32>,
        %gather3A_2378 = tpu.vector_load_idx %arg6[%get3A_2335] : memref<100000xf32, #tpu.memory_space<vmem>>[vector<16xi32>], vector<16xf32>,
        %gather3A_2379 = tpu.vector_load_idx %arg6[%get3A_2341] : memref<100000xf32, #tpu.memory_space<vmem>>[vector<16xi32>], vector<16xf32>,
        %gather3A_2380 = tpu.vector_load_idx %arg6[%get3A_2347] : memref<100000xf32, #tpu.memory_space<vmem>>[vector<16xi32>], vector<16xf32>,
        %gather3A_2381 = tpu.vector_load_idx %arg6[%get3A_2353] : memref<100000xf32, #tpu.memory_space<vmem>>[vector<16xi32>], vector<16xf32>,
        %gather3A_2382 = tpu.vector_load_idx %arg6[%get3A_2359] : memref<100000xf32, #tpu.memory_space<vmem>>[vector<16xi32>], vector<16xf32>,
        %gather3A_2383 = tpu.vector_load_idx %arg6[%get3A_2365] : memref<100000xf32, #tpu.memory_space<vmem>>[vector<16xi32>], vector<16xf32>,
        %gather3A_2384 = tpu.vector_load_idx %arg6[%get3A_2371] : memref<100000xf32, #tpu.memory_space<vmem>>[vector<16xi32>], vector<16xf32>,
        %gather3A_2385 = tpu.vector_load_idx %arg6[%get3A_2377] : memref<100000xf32, #tpu.memory_space<vmem>>[vector<16xi32>], vector<16xf32>,
        %swap3A_2386 = arith.constant 1 : i32
        %swap3A_2387 = arith.index_cast %swap3A_2386 : i32 to index
        %swap3A_2388 = arith.constant 1152 : index
        %swap3A_2389 = tpu.vector_load %arg7[%swap3A_2387, %swap3A_2388] {strides = array<i32>} : memref<2x2048xf32, #tpu.memory_space<vmem>>, vector<16xf32>,
        tpu.vector_store %arg7[%swap3A_2387, %swap3A_2388], %gather3A_2378 {strides = array<i32>} : memref<2x2048xf32, #tpu.memory_space<vmem>>, vector<16xf32>,
        %swap3A_2390 = arith.constant 1 : i32
        %swap3A_2391 = arith.index_cast %swap3A_2390 : i32 to index
        %swap3A_2392 = arith.constant 1168 : index
        %swap3A_2393 = tpu.vector_load %arg7[%swap3A_2391, %swap3A_2392] {strides = array<i32>} : memref<2x2048xf32, #tpu.memory_space<vmem>>, vector<16xf32>,
        tpu.vector_store %arg7[%swap3A_2391, %swap3A_2392], %gather3A_2379 {strides = array<i32>} : memref<2x2048xf32, #tpu.memory_space<vmem>>, vector<16xf32>,
        %swap3A_2394 = arith.constant 1 : i32
        %swap3A_2395 = arith.index_cast %swap3A_2394 : i32 to index
        %swap3A_2396 = arith.constant 1184 : index
        %swap3A_2397 = tpu.vector_load %arg7[%swap3A_2395, %swap3A_2396] {strides = array<i32>} : memref<2x2048xf32, #tpu.memory_space<vmem>>, vector<16xf32>,
        tpu.vector_store %arg7[%swap3A_2395, %swap3A_2396], %gather3A_2380 {strides = array<i32>} : memref<2x2048xf32, #tpu.memory_space<vmem>>, vector<16xf32>,
        %swap3A_2398 = arith.constant 1 : i32
        %swap3A_2399 = arith.index_cast %swap3A_2398 : i32 to index
        %swap3A_2400 = arith.constant 1200 : index
        %swap3A_2401 = tpu.vector_load %arg7[%swap3A_2399, %swap3A_2400] {strides = array<i32>} : memref<2x2048xf32, #tpu.memory_space<vmem>>, vector<16xf32>,
        tpu.vector_store %arg7[%swap3A_2399, %swap3A_2400], %gather3A_2381 {strides = array<i32>} : memref<2x2048xf32, #tpu.memory_space<vmem>>, vector<16xf32>,
        %swap3A_2402 = arith.constant 1 : i32
        %swap3A_2403 = arith.index_cast %swap3A_2402 : i32 to index
        %swap3A_2404 = arith.constant 1216 : index
        %swap3A_2405 = tpu.vector_load %arg7[%swap3A_2403, %swap3A_2404] {strides = array<i32>} : memref<2x2048xf32, #tpu.memory_space<vmem>>, vector<16xf32>,
        tpu.vector_store %arg7[%swap3A_2403, %swap3A_2404], %gather3A_2382 {strides = array<i32>} : memref<2x2048xf32, #tpu.memory_space<vmem>>, vector<16xf32>,
        %swap3A_2406 = arith.constant 1 : i32
        %swap3A_2407 = arith.index_cast %swap3A_2406 : i32 to index
        %swap3A_2408 = arith.constant 1232 : index
        %swap3A_2409 = tpu.vector_load %arg7[%swap3A_2407, %swap3A_2408] {strides = array<i32>} : memref<2x2048xf32, #tpu.memory_space<vmem>>, vector<16xf32>,
        tpu.vector_store %arg7[%swap3A_2407, %swap3A_2408], %gather3A_2383 {strides = array<i32>} : memref<2x2048xf32, #tpu.memory_space<vmem>>, vector<16xf32>,
        %swap3A_2410 = arith.constant 1 : i32
        %swap3A_2411 = arith.index_cast %swap3A_2410 : i32 to index
        %swap3A_2412 = arith.constant 1248 : index
        %swap3A_2413 = tpu.vector_load %arg7[%swap3A_2411, %swap3A_2412] {strides = array<i32>} : memref<2x2048xf32, #tpu.memory_space<vmem>>, vector<16xf32>,
        tpu.vector_store %arg7[%swap3A_2411, %swap3A_2412], %gather3A_2384 {strides = array<i32>} : memref<2x2048xf32, #tpu.memory_space<vmem>>, vector<16xf32>,
        %swap3A_2414 = arith.constant 1 : i32
        %swap3A_2415 = arith.index_cast %swap3A_2414 : i32 to index
        %swap3A_2416 = arith.constant 1264 : index
        %swap3A_2417 = tpu.vector_load %arg7[%swap3A_2415, %swap3A_2416] {strides = array<i32>} : memref<2x2048xf32, #tpu.memory_space<vmem>>, vector<16xf32>,
        tpu.vector_store %arg7[%swap3A_2415, %swap3A_2416], %gather3A_2385 {strides = array<i32>} : memref<2x2048xf32, #tpu.memory_space<vmem>>, vector<16xf32>,
        %mul3A_2418 = arith.constant 2048 : i32
        %mul3A_2419 = arith.muli %add3A_1529, %mul3A_2418 : i32
        %add3A_2420 = arith.constant 1280 : i32
        %add3A_2421 = arith.addi %mul3A_2419, %add3A_2420 : i32
        %get3A_2422 = arith.index_cast %add3A_2421 : i32 to index
        %get3A_2423 = tpu.vector_load %arg5[%get3A_2422] {strides = array<i32>} : memref<16384xi32, #tpu.memory_space<vmem>>, vector<16xi32>,
        %mul3A_2424 = arith.constant 2048 : i32
        %mul3A_2425 = arith.muli %add3A_1529, %mul3A_2424 : i32
        %add3A_2426 = arith.constant 1296 : i32
        %add3A_2427 = arith.addi %mul3A_2425, %add3A_2426 : i32
        %get3A_2428 = arith.index_cast %add3A_2427 : i32 to index
        %get3A_2429 = tpu.vector_load %arg5[%get3A_2428] {strides = array<i32>} : memref<16384xi32, #tpu.memory_space<vmem>>, vector<16xi32>,
        %mul3A_2430 = arith.constant 2048 : i32
        %mul3A_2431 = arith.muli %add3A_1529, %mul3A_2430 : i32
        %add3A_2432 = arith.constant 1312 : i32
        %add3A_2433 = arith.addi %mul3A_2431, %add3A_2432 : i32
        %get3A_2434 = arith.index_cast %add3A_2433 : i32 to index
        %get3A_2435 = tpu.vector_load %arg5[%get3A_2434] {strides = array<i32>} : memref<16384xi32, #tpu.memory_space<vmem>>, vector<16xi32>,
        %mul3A_2436 = arith.constant 2048 : i32
        %mul3A_2437 = arith.muli %add3A_1529, %mul3A_2436 : i32
        %add3A_2438 = arith.constant 1328 : i32
        %add3A_2439 = arith.addi %mul3A_2437, %add3A_2438 : i32
        %get3A_2440 = arith.index_cast %add3A_2439 : i32 to index
        %get3A_2441 = tpu.vector_load %arg5[%get3A_2440] {strides = array<i32>} : memref<16384xi32, #tpu.memory_space<vmem>>, vector<16xi32>,
        %mul3A_2442 = arith.constant 2048 : i32
        %mul3A_2443 = arith.muli %add3A_1529, %mul3A_2442 : i32
        %add3A_2444 = arith.constant 1344 : i32
        %add3A_2445 = arith.addi %mul3A_2443, %add3A_2444 : i32
        %get3A_2446 = arith.index_cast %add3A_2445 : i32 to index
        %get3A_2447 = tpu.vector_load %arg5[%get3A_2446] {strides = array<i32>} : memref<16384xi32, #tpu.memory_space<vmem>>, vector<16xi32>,
        %mul3A_2448 = arith.constant 2048 : i32
        %mul3A_2449 = arith.muli %add3A_1529, %mul3A_2448 : i32
        %add3A_2450 = arith.constant 1360 : i32
        %add3A_2451 = arith.addi %mul3A_2449, %add3A_2450 : i32
        %get3A_2452 = arith.index_cast %add3A_2451 : i32 to index
        %get3A_2453 = tpu.vector_load %arg5[%get3A_2452] {strides = array<i32>} : memref<16384xi32, #tpu.memory_space<vmem>>, vector<16xi32>,
        %mul3A_2454 = arith.constant 2048 : i32
        %mul3A_2455 = arith.muli %add3A_1529, %mul3A_2454 : i32
        %add3A_2456 = arith.constant 1376 : i32
        %add3A_2457 = arith.addi %mul3A_2455, %add3A_2456 : i32
        %get3A_2458 = arith.index_cast %add3A_2457 : i32 to index
        %get3A_2459 = tpu.vector_load %arg5[%get3A_2458] {strides = array<i32>} : memref<16384xi32, #tpu.memory_space<vmem>>, vector<16xi32>,
        %mul3A_2460 = arith.constant 2048 : i32
        %mul3A_2461 = arith.muli %add3A_1529, %mul3A_2460 : i32
        %add3A_2462 = arith.constant 1392 : i32
        %add3A_2463 = arith.addi %mul3A_2461, %add3A_2462 : i32
        %get3A_2464 = arith.index_cast %add3A_2463 : i32 to index
        %get3A_2465 = tpu.vector_load %arg5[%get3A_2464] {strides = array<i32>} : memref<16384xi32, #tpu.memory_space<vmem>>, vector<16xi32>,
        %gather3A_2466 = tpu.vector_load_idx %arg6[%get3A_2423] : memref<100000xf32, #tpu.memory_space<vmem>>[vector<16xi32>], vector<16xf32>,
        %gather3A_2467 = tpu.vector_load_idx %arg6[%get3A_2429] : memref<100000xf32, #tpu.memory_space<vmem>>[vector<16xi32>], vector<16xf32>,
        %gather3A_2468 = tpu.vector_load_idx %arg6[%get3A_2435] : memref<100000xf32, #tpu.memory_space<vmem>>[vector<16xi32>], vector<16xf32>,
        %gather3A_2469 = tpu.vector_load_idx %arg6[%get3A_2441] : memref<100000xf32, #tpu.memory_space<vmem>>[vector<16xi32>], vector<16xf32>,
        %gather3A_2470 = tpu.vector_load_idx %arg6[%get3A_2447] : memref<100000xf32, #tpu.memory_space<vmem>>[vector<16xi32>], vector<16xf32>,
        %gather3A_2471 = tpu.vector_load_idx %arg6[%get3A_2453] : memref<100000xf32, #tpu.memory_space<vmem>>[vector<16xi32>], vector<16xf32>,
        %gather3A_2472 = tpu.vector_load_idx %arg6[%get3A_2459] : memref<100000xf32, #tpu.memory_space<vmem>>[vector<16xi32>], vector<16xf32>,
        %gather3A_2473 = tpu.vector_load_idx %arg6[%get3A_2465] : memref<100000xf32, #tpu.memory_space<vmem>>[vector<16xi32>], vector<16xf32>,
        %swap3A_2474 = arith.constant 1 : i32
        %swap3A_2475 = arith.index_cast %swap3A_2474 : i32 to index
        %swap3A_2476 = arith.constant 1280 : index
        %swap3A_2477 = tpu.vector_load %arg7[%swap3A_2475, %swap3A_2476] {strides = array<i32>} : memref<2x2048xf32, #tpu.memory_space<vmem>>, vector<16xf32>,
        tpu.vector_store %arg7[%swap3A_2475, %swap3A_2476], %gather3A_2466 {strides = array<i32>} : memref<2x2048xf32, #tpu.memory_space<vmem>>, vector<16xf32>,
        %swap3A_2478 = arith.constant 1 : i32
        %swap3A_2479 = arith.index_cast %swap3A_2478 : i32 to index
        %swap3A_2480 = arith.constant 1296 : index
        %swap3A_2481 = tpu.vector_load %arg7[%swap3A_2479, %swap3A_2480] {strides = array<i32>} : memref<2x2048xf32, #tpu.memory_space<vmem>>, vector<16xf32>,
        tpu.vector_store %arg7[%swap3A_2479, %swap3A_2480], %gather3A_2467 {strides = array<i32>} : memref<2x2048xf32, #tpu.memory_space<vmem>>, vector<16xf32>,
        %swap3A_2482 = arith.constant 1 : i32
        %swap3A_2483 = arith.index_cast %swap3A_2482 : i32 to index
        %swap3A_2484 = arith.constant 1312 : index
        %swap3A_2485 = tpu.vector_load %arg7[%swap3A_2483, %swap3A_2484] {strides = array<i32>} : memref<2x2048xf32, #tpu.memory_space<vmem>>, vector<16xf32>,
        tpu.vector_store %arg7[%swap3A_2483, %swap3A_2484], %gather3A_2468 {strides = array<i32>} : memref<2x2048xf32, #tpu.memory_space<vmem>>, vector<16xf32>,
        %swap3A_2486 = arith.constant 1 : i32
        %swap3A_2487 = arith.index_cast %swap3A_2486 : i32 to index
        %swap3A_2488 = arith.constant 1328 : index
        %swap3A_2489 = tpu.vector_load %arg7[%swap3A_2487, %swap3A_2488] {strides = array<i32>} : memref<2x2048xf32, #tpu.memory_space<vmem>>, vector<16xf32>,
        tpu.vector_store %arg7[%swap3A_2487, %swap3A_2488], %gather3A_2469 {strides = array<i32>} : memref<2x2048xf32, #tpu.memory_space<vmem>>, vector<16xf32>,
        %swap3A_2490 = arith.constant 1 : i32
        %swap3A_2491 = arith.index_cast %swap3A_2490 : i32 to index
        %swap3A_2492 = arith.constant 1344 : index
        %swap3A_2493 = tpu.vector_load %arg7[%swap3A_2491, %swap3A_2492] {strides = array<i32>} : memref<2x2048xf32, #tpu.memory_space<vmem>>, vector<16xf32>,
        tpu.vector_store %arg7[%swap3A_2491, %swap3A_2492], %gather3A_2470 {strides = array<i32>} : memref<2x2048xf32, #tpu.memory_space<vmem>>, vector<16xf32>,
        %swap3A_2494 = arith.constant 1 : i32
        %swap3A_2495 = arith.index_cast %swap3A_2494 : i32 to index
        %swap3A_2496 = arith.constant 1360 : index
        %swap3A_2497 = tpu.vector_load %arg7[%swap3A_2495, %swap3A_2496] {strides = array<i32>} : memref<2x2048xf32, #tpu.memory_space<vmem>>, vector<16xf32>,
        tpu.vector_store %arg7[%swap3A_2495, %swap3A_2496], %gather3A_2471 {strides = array<i32>} : memref<2x2048xf32, #tpu.memory_space<vmem>>, vector<16xf32>,
        %swap3A_2498 = arith.constant 1 : i32
        %swap3A_2499 = arith.index_cast %swap3A_2498 : i32 to index
        %swap3A_2500 = arith.constant 1376 : index
        %swap3A_2501 = tpu.vector_load %arg7[%swap3A_2499, %swap3A_2500] {strides = array<i32>} : memref<2x2048xf32, #tpu.memory_space<vmem>>, vector<16xf32>,
        tpu.vector_store %arg7[%swap3A_2499, %swap3A_2500], %gather3A_2472 {strides = array<i32>} : memref<2x2048xf32, #tpu.memory_space<vmem>>, vector<16xf32>,
        %swap3A_2502 = arith.constant 1 : i32
        %swap3A_2503 = arith.index_cast %swap3A_2502 : i32 to index
        %swap3A_2504 = arith.constant 1392 : index
        %swap3A_2505 = tpu.vector_load %arg7[%swap3A_2503, %swap3A_2504] {strides = array<i32>} : memref<2x2048xf32, #tpu.memory_space<vmem>>, vector<16xf32>,
        tpu.vector_store %arg7[%swap3A_2503, %swap3A_2504], %gather3A_2473 {strides = array<i32>} : memref<2x2048xf32, #tpu.memory_space<vmem>>, vector<16xf32>,
        %mul3A_2506 = arith.constant 2048 : i32
        %mul3A_2507 = arith.muli %add3A_1529, %mul3A_2506 : i32
        %add3A_2508 = arith.constant 1408 : i32
        %add3A_2509 = arith.addi %mul3A_2507, %add3A_2508 : i32
        %get3A_2510 = arith.index_cast %add3A_2509 : i32 to index
        %get3A_2511 = tpu.vector_load %arg5[%get3A_2510] {strides = array<i32>} : memref<16384xi32, #tpu.memory_space<vmem>>, vector<16xi32>,
        %mul3A_2512 = arith.constant 2048 : i32
        %mul3A_2513 = arith.muli %add3A_1529, %mul3A_2512 : i32
        %add3A_2514 = arith.constant 1424 : i32
        %add3A_2515 = arith.addi %mul3A_2513, %add3A_2514 : i32
        %get3A_2516 = arith.index_cast %add3A_2515 : i32 to index
        %get3A_2517 = tpu.vector_load %arg5[%get3A_2516] {strides = array<i32>} : memref<16384xi32, #tpu.memory_space<vmem>>, vector<16xi32>,
        %mul3A_2518 = arith.constant 2048 : i32
        %mul3A_2519 = arith.muli %add3A_1529, %mul3A_2518 : i32
        %add3A_2520 = arith.constant 1440 : i32
        %add3A_2521 = arith.addi %mul3A_2519, %add3A_2520 : i32
        %get3A_2522 = arith.index_cast %add3A_2521 : i32 to index
        %get3A_2523 = tpu.vector_load %arg5[%get3A_2522] {strides = array<i32>} : memref<16384xi32, #tpu.memory_space<vmem>>, vector<16xi32>,
        %mul3A_2524 = arith.constant 2048 : i32
        %mul3A_2525 = arith.muli %add3A_1529, %mul3A_2524 : i32
        %add3A_2526 = arith.constant 1456 : i32
        %add3A_2527 = arith.addi %mul3A_2525, %add3A_2526 : i32
        %get3A_2528 = arith.index_cast %add3A_2527 : i32 to index
        %get3A_2529 = tpu.vector_load %arg5[%get3A_2528] {strides = array<i32>} : memref<16384xi32, #tpu.memory_space<vmem>>, vector<16xi32>,
        %mul3A_2530 = arith.constant 2048 : i32
        %mul3A_2531 = arith.muli %add3A_1529, %mul3A_2530 : i32
        %add3A_2532 = arith.constant 1472 : i32
        %add3A_2533 = arith.addi %mul3A_2531, %add3A_2532 : i32
        %get3A_2534 = arith.index_cast %add3A_2533 : i32 to index
        %get3A_2535 = tpu.vector_load %arg5[%get3A_2534] {strides = array<i32>} : memref<16384xi32, #tpu.memory_space<vmem>>, vector<16xi32>,
        %mul3A_2536 = arith.constant 2048 : i32
        %mul3A_2537 = arith.muli %add3A_1529, %mul3A_2536 : i32
        %add3A_2538 = arith.constant 1488 : i32
        %add3A_2539 = arith.addi %mul3A_2537, %add3A_2538 : i32
        %get3A_2540 = arith.index_cast %add3A_2539 : i32 to index
        %get3A_2541 = tpu.vector_load %arg5[%get3A_2540] {strides = array<i32>} : memref<16384xi32, #tpu.memory_space<vmem>>, vector<16xi32>,
        %mul3A_2542 = arith.constant 2048 : i32
        %mul3A_2543 = arith.muli %add3A_1529, %mul3A_2542 : i32
        %add3A_2544 = arith.constant 1504 : i32
        %add3A_2545 = arith.addi %mul3A_2543, %add3A_2544 : i32
        %get3A_2546 = arith.index_cast %add3A_2545 : i32 to index
        %get3A_2547 = tpu.vector_load %arg5[%get3A_2546] {strides = array<i32>} : memref<16384xi32, #tpu.memory_space<vmem>>, vector<16xi32>,
        %mul3A_2548 = arith.constant 2048 : i32
        %mul3A_2549 = arith.muli %add3A_1529, %mul3A_2548 : i32
        %add3A_2550 = arith.constant 1520 : i32
        %add3A_2551 = arith.addi %mul3A_2549, %add3A_2550 : i32
        %get3A_2552 = arith.index_cast %add3A_2551 : i32 to index
        %get3A_2553 = tpu.vector_load %arg5[%get3A_2552] {strides = array<i32>} : memref<16384xi32, #tpu.memory_space<vmem>>, vector<16xi32>,
        %gather3A_2554 = tpu.vector_load_idx %arg6[%get3A_2511] : memref<100000xf32, #tpu.memory_space<vmem>>[vector<16xi32>], vector<16xf32>,
        %gather3A_2555 = tpu.vector_load_idx %arg6[%get3A_2517] : memref<100000xf32, #tpu.memory_space<vmem>>[vector<16xi32>], vector<16xf32>,
        %gather3A_2556 = tpu.vector_load_idx %arg6[%get3A_2523] : memref<100000xf32, #tpu.memory_space<vmem>>[vector<16xi32>], vector<16xf32>,
        %gather3A_2557 = tpu.vector_load_idx %arg6[%get3A_2529] : memref<100000xf32, #tpu.memory_space<vmem>>[vector<16xi32>], vector<16xf32>,
        %gather3A_2558 = tpu.vector_load_idx %arg6[%get3A_2535] : memref<100000xf32, #tpu.memory_space<vmem>>[vector<16xi32>], vector<16xf32>,
        %gather3A_2559 = tpu.vector_load_idx %arg6[%get3A_2541] : memref<100000xf32, #tpu.memory_space<vmem>>[vector<16xi32>], vector<16xf32>,
        %gather3A_2560 = tpu.vector_load_idx %arg6[%get3A_2547] : memref<100000xf32, #tpu.memory_space<vmem>>[vector<16xi32>], vector<16xf32>,
        %gather3A_2561 = tpu.vector_load_idx %arg6[%get3A_2553] : memref<100000xf32, #tpu.memory_space<vmem>>[vector<16xi32>], vector<16xf32>,
        %swap3A_2562 = arith.constant 1 : i32
        %swap3A_2563 = arith.index_cast %swap3A_2562 : i32 to index
        %swap3A_2564 = arith.constant 1408 : index
        %swap3A_2565 = tpu.vector_load %arg7[%swap3A_2563, %swap3A_2564] {strides = array<i32>} : memref<2x2048xf32, #tpu.memory_space<vmem>>, vector<16xf32>,
        tpu.vector_store %arg7[%swap3A_2563, %swap3A_2564], %gather3A_2554 {strides = array<i32>} : memref<2x2048xf32, #tpu.memory_space<vmem>>, vector<16xf32>,
        %swap3A_2566 = arith.constant 1 : i32
        %swap3A_2567 = arith.index_cast %swap3A_2566 : i32 to index
        %swap3A_2568 = arith.constant 1424 : index
        %swap3A_2569 = tpu.vector_load %arg7[%swap3A_2567, %swap3A_2568] {strides = array<i32>} : memref<2x2048xf32, #tpu.memory_space<vmem>>, vector<16xf32>,
        tpu.vector_store %arg7[%swap3A_2567, %swap3A_2568], %gather3A_2555 {strides = array<i32>} : memref<2x2048xf32, #tpu.memory_space<vmem>>, vector<16xf32>,
        %swap3A_2570 = arith.constant 1 : i32
        %swap3A_2571 = arith.index_cast %swap3A_2570 : i32 to index
        %swap3A_2572 = arith.constant 1440 : index
        %swap3A_2573 = tpu.vector_load %arg7[%swap3A_2571, %swap3A_2572] {strides = array<i32>} : memref<2x2048xf32, #tpu.memory_space<vmem>>, vector<16xf32>,
        tpu.vector_store %arg7[%swap3A_2571, %swap3A_2572], %gather3A_2556 {strides = array<i32>} : memref<2x2048xf32, #tpu.memory_space<vmem>>, vector<16xf32>,
        %swap3A_2574 = arith.constant 1 : i32
        %swap3A_2575 = arith.index_cast %swap3A_2574 : i32 to index
        %swap3A_2576 = arith.constant 1456 : index
        %swap3A_2577 = tpu.vector_load %arg7[%swap3A_2575, %swap3A_2576] {strides = array<i32>} : memref<2x2048xf32, #tpu.memory_space<vmem>>, vector<16xf32>,
        tpu.vector_store %arg7[%swap3A_2575, %swap3A_2576], %gather3A_2557 {strides = array<i32>} : memref<2x2048xf32, #tpu.memory_space<vmem>>, vector<16xf32>,
        %swap3A_2578 = arith.constant 1 : i32
        %swap3A_2579 = arith.index_cast %swap3A_2578 : i32 to index
        %swap3A_2580 = arith.constant 1472 : index
        %swap3A_2581 = tpu.vector_load %arg7[%swap3A_2579, %swap3A_2580] {strides = array<i32>} : memref<2x2048xf32, #tpu.memory_space<vmem>>, vector<16xf32>,
        tpu.vector_store %arg7[%swap3A_2579, %swap3A_2580], %gather3A_2558 {strides = array<i32>} : memref<2x2048xf32, #tpu.memory_space<vmem>>, vector<16xf32>,
        %swap3A_2582 = arith.constant 1 : i32
        %swap3A_2583 = arith.index_cast %swap3A_2582 : i32 to index
        %swap3A_2584 = arith.constant 1488 : index
        %swap3A_2585 = tpu.vector_load %arg7[%swap3A_2583, %swap3A_2584] {strides = array<i32>} : memref<2x2048xf32, #tpu.memory_space<vmem>>, vector<16xf32>,
        tpu.vector_store %arg7[%swap3A_2583, %swap3A_2584], %gather3A_2559 {strides = array<i32>} : memref<2x2048xf32, #tpu.memory_space<vmem>>, vector<16xf32>,
        %swap3A_2586 = arith.constant 1 : i32
        %swap3A_2587 = arith.index_cast %swap3A_2586 : i32 to index
        %swap3A_2588 = arith.constant 1504 : index
        %swap3A_2589 = tpu.vector_load %arg7[%swap3A_2587, %swap3A_2588] {strides = array<i32>} : memref<2x2048xf32, #tpu.memory_space<vmem>>, vector<16xf32>,
        tpu.vector_store %arg7[%swap3A_2587, %swap3A_2588], %gather3A_2560 {strides = array<i32>} : memref<2x2048xf32, #tpu.memory_space<vmem>>, vector<16xf32>,
        %swap3A_2590 = arith.constant 1 : i32
        %swap3A_2591 = arith.index_cast %swap3A_2590 : i32 to index
        %swap3A_2592 = arith.constant 1520 : index
        %swap3A_2593 = tpu.vector_load %arg7[%swap3A_2591, %swap3A_2592] {strides = array<i32>} : memref<2x2048xf32, #tpu.memory_space<vmem>>, vector<16xf32>,
        tpu.vector_store %arg7[%swap3A_2591, %swap3A_2592], %gather3A_2561 {strides = array<i32>} : memref<2x2048xf32, #tpu.memory_space<vmem>>, vector<16xf32>,
        %mul3A_2594 = arith.constant 2048 : i32
        %mul3A_2595 = arith.muli %add3A_1529, %mul3A_2594 : i32
        %add3A_2596 = arith.constant 1536 : i32
        %add3A_2597 = arith.addi %mul3A_2595, %add3A_2596 : i32
        %get3A_2598 = arith.index_cast %add3A_2597 : i32 to index
        %get3A_2599 = tpu.vector_load %arg5[%get3A_2598] {strides = array<i32>} : memref<16384xi32, #tpu.memory_space<vmem>>, vector<16xi32>,
        %mul3A_2600 = arith.constant 2048 : i32
        %mul3A_2601 = arith.muli %add3A_1529, %mul3A_2600 : i32
        %add3A_2602 = arith.constant 1552 : i32
        %add3A_2603 = arith.addi %mul3A_2601, %add3A_2602 : i32
        %get3A_2604 = arith.index_cast %add3A_2603 : i32 to index
        %get3A_2605 = tpu.vector_load %arg5[%get3A_2604] {strides = array<i32>} : memref<16384xi32, #tpu.memory_space<vmem>>, vector<16xi32>,
        %mul3A_2606 = arith.constant 2048 : i32
        %mul3A_2607 = arith.muli %add3A_1529, %mul3A_2606 : i32
        %add3A_2608 = arith.constant 1568 : i32
        %add3A_2609 = arith.addi %mul3A_2607, %add3A_2608 : i32
        %get3A_2610 = arith.index_cast %add3A_2609 : i32 to index
        %get3A_2611 = tpu.vector_load %arg5[%get3A_2610] {strides = array<i32>} : memref<16384xi32, #tpu.memory_space<vmem>>, vector<16xi32>,
        %mul3A_2612 = arith.constant 2048 : i32
        %mul3A_2613 = arith.muli %add3A_1529, %mul3A_2612 : i32
        %add3A_2614 = arith.constant 1584 : i32
        %add3A_2615 = arith.addi %mul3A_2613, %add3A_2614 : i32
        %get3A_2616 = arith.index_cast %add3A_2615 : i32 to index
        %get3A_2617 = tpu.vector_load %arg5[%get3A_2616] {strides = array<i32>} : memref<16384xi32, #tpu.memory_space<vmem>>, vector<16xi32>,
        %mul3A_2618 = arith.constant 2048 : i32
        %mul3A_2619 = arith.muli %add3A_1529, %mul3A_2618 : i32
        %add3A_2620 = arith.constant 1600 : i32
        %add3A_2621 = arith.addi %mul3A_2619, %add3A_2620 : i32
        %get3A_2622 = arith.index_cast %add3A_2621 : i32 to index
        %get3A_2623 = tpu.vector_load %arg5[%get3A_2622] {strides = array<i32>} : memref<16384xi32, #tpu.memory_space<vmem>>, vector<16xi32>,
        %mul3A_2624 = arith.constant 2048 : i32
        %mul3A_2625 = arith.muli %add3A_1529, %mul3A_2624 : i32
        %add3A_2626 = arith.constant 1616 : i32
        %add3A_2627 = arith.addi %mul3A_2625, %add3A_2626 : i32
        %get3A_2628 = arith.index_cast %add3A_2627 : i32 to index
        %get3A_2629 = tpu.vector_load %arg5[%get3A_2628] {strides = array<i32>} : memref<16384xi32, #tpu.memory_space<vmem>>, vector<16xi32>,
        %mul3A_2630 = arith.constant 2048 : i32
        %mul3A_2631 = arith.muli %add3A_1529, %mul3A_2630 : i32
        %add3A_2632 = arith.constant 1632 : i32
        %add3A_2633 = arith.addi %mul3A_2631, %add3A_2632 : i32
        %get3A_2634 = arith.index_cast %add3A_2633 : i32 to index
        %get3A_2635 = tpu.vector_load %arg5[%get3A_2634] {strides = array<i32>} : memref<16384xi32, #tpu.memory_space<vmem>>, vector<16xi32>,
        %mul3A_2636 = arith.constant 2048 : i32
        %mul3A_2637 = arith.muli %add3A_1529, %mul3A_2636 : i32
        %add3A_2638 = arith.constant 1648 : i32
        %add3A_2639 = arith.addi %mul3A_2637, %add3A_2638 : i32
        %get3A_2640 = arith.index_cast %add3A_2639 : i32 to index
        %get3A_2641 = tpu.vector_load %arg5[%get3A_2640] {strides = array<i32>} : memref<16384xi32, #tpu.memory_space<vmem>>, vector<16xi32>,
        %gather3A_2642 = tpu.vector_load_idx %arg6[%get3A_2599] : memref<100000xf32, #tpu.memory_space<vmem>>[vector<16xi32>], vector<16xf32>,
        %gather3A_2643 = tpu.vector_load_idx %arg6[%get3A_2605] : memref<100000xf32, #tpu.memory_space<vmem>>[vector<16xi32>], vector<16xf32>,
        %gather3A_2644 = tpu.vector_load_idx %arg6[%get3A_2611] : memref<100000xf32, #tpu.memory_space<vmem>>[vector<16xi32>], vector<16xf32>,
        %gather3A_2645 = tpu.vector_load_idx %arg6[%get3A_2617] : memref<100000xf32, #tpu.memory_space<vmem>>[vector<16xi32>], vector<16xf32>,
        %gather3A_2646 = tpu.vector_load_idx %arg6[%get3A_2623] : memref<100000xf32, #tpu.memory_space<vmem>>[vector<16xi32>], vector<16xf32>,
        %gather3A_2647 = tpu.vector_load_idx %arg6[%get3A_2629] : memref<100000xf32, #tpu.memory_space<vmem>>[vector<16xi32>], vector<16xf32>,
        %gather3A_2648 = tpu.vector_load_idx %arg6[%get3A_2635] : memref<100000xf32, #tpu.memory_space<vmem>>[vector<16xi32>], vector<16xf32>,
        %gather3A_2649 = tpu.vector_load_idx %arg6[%get3A_2641] : memref<100000xf32, #tpu.memory_space<vmem>>[vector<16xi32>], vector<16xf32>,
        %swap3A_2650 = arith.constant 1 : i32
        %swap3A_2651 = arith.index_cast %swap3A_2650 : i32 to index
        %swap3A_2652 = arith.constant 1536 : index
        %swap3A_2653 = tpu.vector_load %arg7[%swap3A_2651, %swap3A_2652] {strides = array<i32>} : memref<2x2048xf32, #tpu.memory_space<vmem>>, vector<16xf32>,
        tpu.vector_store %arg7[%swap3A_2651, %swap3A_2652], %gather3A_2642 {strides = array<i32>} : memref<2x2048xf32, #tpu.memory_space<vmem>>, vector<16xf32>,
        %swap3A_2654 = arith.constant 1 : i32
        %swap3A_2655 = arith.index_cast %swap3A_2654 : i32 to index
        %swap3A_2656 = arith.constant 1552 : index
        %swap3A_2657 = tpu.vector_load %arg7[%swap3A_2655, %swap3A_2656] {strides = array<i32>} : memref<2x2048xf32, #tpu.memory_space<vmem>>, vector<16xf32>,
        tpu.vector_store %arg7[%swap3A_2655, %swap3A_2656], %gather3A_2643 {strides = array<i32>} : memref<2x2048xf32, #tpu.memory_space<vmem>>, vector<16xf32>,
        %swap3A_2658 = arith.constant 1 : i32
        %swap3A_2659 = arith.index_cast %swap3A_2658 : i32 to index
        %swap3A_2660 = arith.constant 1568 : index
        %swap3A_2661 = tpu.vector_load %arg7[%swap3A_2659, %swap3A_2660] {strides = array<i32>} : memref<2x2048xf32, #tpu.memory_space<vmem>>, vector<16xf32>,
        tpu.vector_store %arg7[%swap3A_2659, %swap3A_2660], %gather3A_2644 {strides = array<i32>} : memref<2x2048xf32, #tpu.memory_space<vmem>>, vector<16xf32>,
        %swap3A_2662 = arith.constant 1 : i32
        %swap3A_2663 = arith.index_cast %swap3A_2662 : i32 to index
        %swap3A_2664 = arith.constant 1584 : index
        %swap3A_2665 = tpu.vector_load %arg7[%swap3A_2663, %swap3A_2664] {strides = array<i32>} : memref<2x2048xf32, #tpu.memory_space<vmem>>, vector<16xf32>,
        tpu.vector_store %arg7[%swap3A_2663, %swap3A_2664], %gather3A_2645 {strides = array<i32>} : memref<2x2048xf32, #tpu.memory_space<vmem>>, vector<16xf32>,
        %swap3A_2666 = arith.constant 1 : i32
        %swap3A_2667 = arith.index_cast %swap3A_2666 : i32 to index
        %swap3A_2668 = arith.constant 1600 : index
        %swap3A_2669 = tpu.vector_load %arg7[%swap3A_2667, %swap3A_2668] {strides = array<i32>} : memref<2x2048xf32, #tpu.memory_space<vmem>>, vector<16xf32>,
        tpu.vector_store %arg7[%swap3A_2667, %swap3A_2668], %gather3A_2646 {strides = array<i32>} : memref<2x2048xf32, #tpu.memory_space<vmem>>, vector<16xf32>,
        %swap3A_2670 = arith.constant 1 : i32
        %swap3A_2671 = arith.index_cast %swap3A_2670 : i32 to index
        %swap3A_2672 = arith.constant 1616 : index
        %swap3A_2673 = tpu.vector_load %arg7[%swap3A_2671, %swap3A_2672] {strides = array<i32>} : memref<2x2048xf32, #tpu.memory_space<vmem>>, vector<16xf32>,
        tpu.vector_store %arg7[%swap3A_2671, %swap3A_2672], %gather3A_2647 {strides = array<i32>} : memref<2x2048xf32, #tpu.memory_space<vmem>>, vector<16xf32>,
        %swap3A_2674 = arith.constant 1 : i32
        %swap3A_2675 = arith.index_cast %swap3A_2674 : i32 to index
        %swap3A_2676 = arith.constant 1632 : index
        %swap3A_2677 = tpu.vector_load %arg7[%swap3A_2675, %swap3A_2676] {strides = array<i32>} : memref<2x2048xf32, #tpu.memory_space<vmem>>, vector<16xf32>,
        tpu.vector_store %arg7[%swap3A_2675, %swap3A_2676], %gather3A_2648 {strides = array<i32>} : memref<2x2048xf32, #tpu.memory_space<vmem>>, vector<16xf32>,
        %swap3A_2678 = arith.constant 1 : i32
        %swap3A_2679 = arith.index_cast %swap3A_2678 : i32 to index
        %swap3A_2680 = arith.constant 1648 : index
        %swap3A_2681 = tpu.vector_load %arg7[%swap3A_2679, %swap3A_2680] {strides = array<i32>} : memref<2x2048xf32, #tpu.memory_space<vmem>>, vector<16xf32>,
        tpu.vector_store %arg7[%swap3A_2679, %swap3A_2680], %gather3A_2649 {strides = array<i32>} : memref<2x2048xf32, #tpu.memory_space<vmem>>, vector<16xf32>,
        %mul3A_2682 = arith.constant 2048 : i32
        %mul3A_2683 = arith.muli %add3A_1529, %mul3A_2682 : i32
        %add3A_2684 = arith.constant 1664 : i32
        %add3A_2685 = arith.addi %mul3A_2683, %add3A_2684 : i32
        %get3A_2686 = arith.index_cast %add3A_2685 : i32 to index
        %get3A_2687 = tpu.vector_load %arg5[%get3A_2686] {strides = array<i32>} : memref<16384xi32, #tpu.memory_space<vmem>>, vector<16xi32>,
        %mul3A_2688 = arith.constant 2048 : i32
        %mul3A_2689 = arith.muli %add3A_1529, %mul3A_2688 : i32
        %add3A_2690 = arith.constant 1680 : i32
        %add3A_2691 = arith.addi %mul3A_2689, %add3A_2690 : i32
        %get3A_2692 = arith.index_cast %add3A_2691 : i32 to index
        %get3A_2693 = tpu.vector_load %arg5[%get3A_2692] {strides = array<i32>} : memref<16384xi32, #tpu.memory_space<vmem>>, vector<16xi32>,
        %mul3A_2694 = arith.constant 2048 : i32
        %mul3A_2695 = arith.muli %add3A_1529, %mul3A_2694 : i32
        %add3A_2696 = arith.constant 1696 : i32
        %add3A_2697 = arith.addi %mul3A_2695, %add3A_2696 : i32
        %get3A_2698 = arith.index_cast %add3A_2697 : i32 to index
        %get3A_2699 = tpu.vector_load %arg5[%get3A_2698] {strides = array<i32>} : memref<16384xi32, #tpu.memory_space<vmem>>, vector<16xi32>,
        %mul3A_2700 = arith.constant 2048 : i32
        %mul3A_2701 = arith.muli %add3A_1529, %mul3A_2700 : i32
        %add3A_2702 = arith.constant 1712 : i32
        %add3A_2703 = arith.addi %mul3A_2701, %add3A_2702 : i32
        %get3A_2704 = arith.index_cast %add3A_2703 : i32 to index
        %get3A_2705 = tpu.vector_load %arg5[%get3A_2704] {strides = array<i32>} : memref<16384xi32, #tpu.memory_space<vmem>>, vector<16xi32>,
        %mul3A_2706 = arith.constant 2048 : i32
        %mul3A_2707 = arith.muli %add3A_1529, %mul3A_2706 : i32
        %add3A_2708 = arith.constant 1728 : i32
        %add3A_2709 = arith.addi %mul3A_2707, %add3A_2708 : i32
        %get3A_2710 = arith.index_cast %add3A_2709 : i32 to index
        %get3A_2711 = tpu.vector_load %arg5[%get3A_2710] {strides = array<i32>} : memref<16384xi32, #tpu.memory_space<vmem>>, vector<16xi32>,
        %mul3A_2712 = arith.constant 2048 : i32
        %mul3A_2713 = arith.muli %add3A_1529, %mul3A_2712 : i32
        %add3A_2714 = arith.constant 1744 : i32
        %add3A_2715 = arith.addi %mul3A_2713, %add3A_2714 : i32
        %get3A_2716 = arith.index_cast %add3A_2715 : i32 to index
        %get3A_2717 = tpu.vector_load %arg5[%get3A_2716] {strides = array<i32>} : memref<16384xi32, #tpu.memory_space<vmem>>, vector<16xi32>,
        %mul3A_2718 = arith.constant 2048 : i32
        %mul3A_2719 = arith.muli %add3A_1529, %mul3A_2718 : i32
        %add3A_2720 = arith.constant 1760 : i32
        %add3A_2721 = arith.addi %mul3A_2719, %add3A_2720 : i32
        %get3A_2722 = arith.index_cast %add3A_2721 : i32 to index
        %get3A_2723 = tpu.vector_load %arg5[%get3A_2722] {strides = array<i32>} : memref<16384xi32, #tpu.memory_space<vmem>>, vector<16xi32>,
        %mul3A_2724 = arith.constant 2048 : i32
        %mul3A_2725 = arith.muli %add3A_1529, %mul3A_2724 : i32
        %add3A_2726 = arith.constant 1776 : i32
        %add3A_2727 = arith.addi %mul3A_2725, %add3A_2726 : i32
        %get3A_2728 = arith.index_cast %add3A_2727 : i32 to index
        %get3A_2729 = tpu.vector_load %arg5[%get3A_2728] {strides = array<i32>} : memref<16384xi32, #tpu.memory_space<vmem>>, vector<16xi32>,
        %gather3A_2730 = tpu.vector_load_idx %arg6[%get3A_2687] : memref<100000xf32, #tpu.memory_space<vmem>>[vector<16xi32>], vector<16xf32>,
        %gather3A_2731 = tpu.vector_load_idx %arg6[%get3A_2693] : memref<100000xf32, #tpu.memory_space<vmem>>[vector<16xi32>], vector<16xf32>,
        %gather3A_2732 = tpu.vector_load_idx %arg6[%get3A_2699] : memref<100000xf32, #tpu.memory_space<vmem>>[vector<16xi32>], vector<16xf32>,
        %gather3A_2733 = tpu.vector_load_idx %arg6[%get3A_2705] : memref<100000xf32, #tpu.memory_space<vmem>>[vector<16xi32>], vector<16xf32>,
        %gather3A_2734 = tpu.vector_load_idx %arg6[%get3A_2711] : memref<100000xf32, #tpu.memory_space<vmem>>[vector<16xi32>], vector<16xf32>,
        %gather3A_2735 = tpu.vector_load_idx %arg6[%get3A_2717] : memref<100000xf32, #tpu.memory_space<vmem>>[vector<16xi32>], vector<16xf32>,
        %gather3A_2736 = tpu.vector_load_idx %arg6[%get3A_2723] : memref<100000xf32, #tpu.memory_space<vmem>>[vector<16xi32>], vector<16xf32>,
        %gather3A_2737 = tpu.vector_load_idx %arg6[%get3A_2729] : memref<100000xf32, #tpu.memory_space<vmem>>[vector<16xi32>], vector<16xf32>,
        %swap3A_2738 = arith.constant 1 : i32
        %swap3A_2739 = arith.index_cast %swap3A_2738 : i32 to index
        %swap3A_2740 = arith.constant 1664 : index
        %swap3A_2741 = tpu.vector_load %arg7[%swap3A_2739, %swap3A_2740] {strides = array<i32>} : memref<2x2048xf32, #tpu.memory_space<vmem>>, vector<16xf32>,
        tpu.vector_store %arg7[%swap3A_2739, %swap3A_2740], %gather3A_2730 {strides = array<i32>} : memref<2x2048xf32, #tpu.memory_space<vmem>>, vector<16xf32>,
        %swap3A_2742 = arith.constant 1 : i32
        %swap3A_2743 = arith.index_cast %swap3A_2742 : i32 to index
        %swap3A_2744 = arith.constant 1680 : index
        %swap3A_2745 = tpu.vector_load %arg7[%swap3A_2743, %swap3A_2744] {strides = array<i32>} : memref<2x2048xf32, #tpu.memory_space<vmem>>, vector<16xf32>,
        tpu.vector_store %arg7[%swap3A_2743, %swap3A_2744], %gather3A_2731 {strides = array<i32>} : memref<2x2048xf32, #tpu.memory_space<vmem>>, vector<16xf32>,
        %swap3A_2746 = arith.constant 1 : i32
        %swap3A_2747 = arith.index_cast %swap3A_2746 : i32 to index
        %swap3A_2748 = arith.constant 1696 : index
        %swap3A_2749 = tpu.vector_load %arg7[%swap3A_2747, %swap3A_2748] {strides = array<i32>} : memref<2x2048xf32, #tpu.memory_space<vmem>>, vector<16xf32>,
        tpu.vector_store %arg7[%swap3A_2747, %swap3A_2748], %gather3A_2732 {strides = array<i32>} : memref<2x2048xf32, #tpu.memory_space<vmem>>, vector<16xf32>,
        %swap3A_2750 = arith.constant 1 : i32
        %swap3A_2751 = arith.index_cast %swap3A_2750 : i32 to index
        %swap3A_2752 = arith.constant 1712 : index
        %swap3A_2753 = tpu.vector_load %arg7[%swap3A_2751, %swap3A_2752] {strides = array<i32>} : memref<2x2048xf32, #tpu.memory_space<vmem>>, vector<16xf32>,
        tpu.vector_store %arg7[%swap3A_2751, %swap3A_2752], %gather3A_2733 {strides = array<i32>} : memref<2x2048xf32, #tpu.memory_space<vmem>>, vector<16xf32>,
        %swap3A_2754 = arith.constant 1 : i32
        %swap3A_2755 = arith.index_cast %swap3A_2754 : i32 to index
        %swap3A_2756 = arith.constant 1728 : index
        %swap3A_2757 = tpu.vector_load %arg7[%swap3A_2755, %swap3A_2756] {strides = array<i32>} : memref<2x2048xf32, #tpu.memory_space<vmem>>, vector<16xf32>,
        tpu.vector_store %arg7[%swap3A_2755, %swap3A_2756], %gather3A_2734 {strides = array<i32>} : memref<2x2048xf32, #tpu.memory_space<vmem>>, vector<16xf32>,
        %swap3A_2758 = arith.constant 1 : i32
        %swap3A_2759 = arith.index_cast %swap3A_2758 : i32 to index
        %swap3A_2760 = arith.constant 1744 : index
        %swap3A_2761 = tpu.vector_load %arg7[%swap3A_2759, %swap3A_2760] {strides = array<i32>} : memref<2x2048xf32, #tpu.memory_space<vmem>>, vector<16xf32>,
        tpu.vector_store %arg7[%swap3A_2759, %swap3A_2760], %gather3A_2735 {strides = array<i32>} : memref<2x2048xf32, #tpu.memory_space<vmem>>, vector<16xf32>,
        %swap3A_2762 = arith.constant 1 : i32
        %swap3A_2763 = arith.index_cast %swap3A_2762 : i32 to index
        %swap3A_2764 = arith.constant 1760 : index
        %swap3A_2765 = tpu.vector_load %arg7[%swap3A_2763, %swap3A_2764] {strides = array<i32>} : memref<2x2048xf32, #tpu.memory_space<vmem>>, vector<16xf32>,
        tpu.vector_store %arg7[%swap3A_2763, %swap3A_2764], %gather3A_2736 {strides = array<i32>} : memref<2x2048xf32, #tpu.memory_space<vmem>>, vector<16xf32>,
        %swap3A_2766 = arith.constant 1 : i32
        %swap3A_2767 = arith.index_cast %swap3A_2766 : i32 to index
        %swap3A_2768 = arith.constant 1776 : index
        %swap3A_2769 = tpu.vector_load %arg7[%swap3A_2767, %swap3A_2768] {strides = array<i32>} : memref<2x2048xf32, #tpu.memory_space<vmem>>, vector<16xf32>,
        tpu.vector_store %arg7[%swap3A_2767, %swap3A_2768], %gather3A_2737 {strides = array<i32>} : memref<2x2048xf32, #tpu.memory_space<vmem>>, vector<16xf32>,
        %mul3A_2770 = arith.constant 2048 : i32
        %mul3A_2771 = arith.muli %add3A_1529, %mul3A_2770 : i32
        %add3A_2772 = arith.constant 1792 : i32
        %add3A_2773 = arith.addi %mul3A_2771, %add3A_2772 : i32
        %get3A_2774 = arith.index_cast %add3A_2773 : i32 to index
        %get3A_2775 = tpu.vector_load %arg5[%get3A_2774] {strides = array<i32>} : memref<16384xi32, #tpu.memory_space<vmem>>, vector<16xi32>,
        %mul3A_2776 = arith.constant 2048 : i32
        %mul3A_2777 = arith.muli %add3A_1529, %mul3A_2776 : i32
        %add3A_2778 = arith.constant 1808 : i32
        %add3A_2779 = arith.addi %mul3A_2777, %add3A_2778 : i32
        %get3A_2780 = arith.index_cast %add3A_2779 : i32 to index
        %get3A_2781 = tpu.vector_load %arg5[%get3A_2780] {strides = array<i32>} : memref<16384xi32, #tpu.memory_space<vmem>>, vector<16xi32>,
        %mul3A_2782 = arith.constant 2048 : i32
        %mul3A_2783 = arith.muli %add3A_1529, %mul3A_2782 : i32
        %add3A_2784 = arith.constant 1824 : i32
        %add3A_2785 = arith.addi %mul3A_2783, %add3A_2784 : i32
        %get3A_2786 = arith.index_cast %add3A_2785 : i32 to index
        %get3A_2787 = tpu.vector_load %arg5[%get3A_2786] {strides = array<i32>} : memref<16384xi32, #tpu.memory_space<vmem>>, vector<16xi32>,
        %mul3A_2788 = arith.constant 2048 : i32
        %mul3A_2789 = arith.muli %add3A_1529, %mul3A_2788 : i32
        %add3A_2790 = arith.constant 1840 : i32
        %add3A_2791 = arith.addi %mul3A_2789, %add3A_2790 : i32
        %get3A_2792 = arith.index_cast %add3A_2791 : i32 to index
        %get3A_2793 = tpu.vector_load %arg5[%get3A_2792] {strides = array<i32>} : memref<16384xi32, #tpu.memory_space<vmem>>, vector<16xi32>,
        %mul3A_2794 = arith.constant 2048 : i32
        %mul3A_2795 = arith.muli %add3A_1529, %mul3A_2794 : i32
        %add3A_2796 = arith.constant 1856 : i32
        %add3A_2797 = arith.addi %mul3A_2795, %add3A_2796 : i32
        %get3A_2798 = arith.index_cast %add3A_2797 : i32 to index
        %get3A_2799 = tpu.vector_load %arg5[%get3A_2798] {strides = array<i32>} : memref<16384xi32, #tpu.memory_space<vmem>>, vector<16xi32>,
        %mul3A_2800 = arith.constant 2048 : i32
        %mul3A_2801 = arith.muli %add3A_1529, %mul3A_2800 : i32
        %add3A_2802 = arith.constant 1872 : i32
        %add3A_2803 = arith.addi %mul3A_2801, %add3A_2802 : i32
        %get3A_2804 = arith.index_cast %add3A_2803 : i32 to index
        %get3A_2805 = tpu.vector_load %arg5[%get3A_2804] {strides = array<i32>} : memref<16384xi32, #tpu.memory_space<vmem>>, vector<16xi32>,
        %mul3A_2806 = arith.constant 2048 : i32
        %mul3A_2807 = arith.muli %add3A_1529, %mul3A_2806 : i32
        %add3A_2808 = arith.constant 1888 : i32
        %add3A_2809 = arith.addi %mul3A_2807, %add3A_2808 : i32
        %get3A_2810 = arith.index_cast %add3A_2809 : i32 to index
        %get3A_2811 = tpu.vector_load %arg5[%get3A_2810] {strides = array<i32>} : memref<16384xi32, #tpu.memory_space<vmem>>, vector<16xi32>,
        %mul3A_2812 = arith.constant 2048 : i32
        %mul3A_2813 = arith.muli %add3A_1529, %mul3A_2812 : i32
        %add3A_2814 = arith.constant 1904 : i32
        %add3A_2815 = arith.addi %mul3A_2813, %add3A_2814 : i32
        %get3A_2816 = arith.index_cast %add3A_2815 : i32 to index
        %get3A_2817 = tpu.vector_load %arg5[%get3A_2816] {strides = array<i32>} : memref<16384xi32, #tpu.memory_space<vmem>>, vector<16xi32>,
        %gather3A_2818 = tpu.vector_load_idx %arg6[%get3A_2775] : memref<100000xf32, #tpu.memory_space<vmem>>[vector<16xi32>], vector<16xf32>,
        %gather3A_2819 = tpu.vector_load_idx %arg6[%get3A_2781] : memref<100000xf32, #tpu.memory_space<vmem>>[vector<16xi32>], vector<16xf32>,
        %gather3A_2820 = tpu.vector_load_idx %arg6[%get3A_2787] : memref<100000xf32, #tpu.memory_space<vmem>>[vector<16xi32>], vector<16xf32>,
        %gather3A_2821 = tpu.vector_load_idx %arg6[%get3A_2793] : memref<100000xf32, #tpu.memory_space<vmem>>[vector<16xi32>], vector<16xf32>,
        %gather3A_2822 = tpu.vector_load_idx %arg6[%get3A_2799] : memref<100000xf32, #tpu.memory_space<vmem>>[vector<16xi32>], vector<16xf32>,
        %gather3A_2823 = tpu.vector_load_idx %arg6[%get3A_2805] : memref<100000xf32, #tpu.memory_space<vmem>>[vector<16xi32>], vector<16xf32>,
        %gather3A_2824 = tpu.vector_load_idx %arg6[%get3A_2811] : memref<100000xf32, #tpu.memory_space<vmem>>[vector<16xi32>], vector<16xf32>,
        %gather3A_2825 = tpu.vector_load_idx %arg6[%get3A_2817] : memref<100000xf32, #tpu.memory_space<vmem>>[vector<16xi32>], vector<16xf32>,
        %swap3A_2826 = arith.constant 1 : i32
        %swap3A_2827 = arith.index_cast %swap3A_2826 : i32 to index
        %swap3A_2828 = arith.constant 1792 : index
        %swap3A_2829 = tpu.vector_load %arg7[%swap3A_2827, %swap3A_2828] {strides = array<i32>} : memref<2x2048xf32, #tpu.memory_space<vmem>>, vector<16xf32>,
        tpu.vector_store %arg7[%swap3A_2827, %swap3A_2828], %gather3A_2818 {strides = array<i32>} : memref<2x2048xf32, #tpu.memory_space<vmem>>, vector<16xf32>,
        %swap3A_2830 = arith.constant 1 : i32
        %swap3A_2831 = arith.index_cast %swap3A_2830 : i32 to index
        %swap3A_2832 = arith.constant 1808 : index
        %swap3A_2833 = tpu.vector_load %arg7[%swap3A_2831, %swap3A_2832] {strides = array<i32>} : memref<2x2048xf32, #tpu.memory_space<vmem>>, vector<16xf32>,
        tpu.vector_store %arg7[%swap3A_2831, %swap3A_2832], %gather3A_2819 {strides = array<i32>} : memref<2x2048xf32, #tpu.memory_space<vmem>>, vector<16xf32>,
        %swap3A_2834 = arith.constant 1 : i32
        %swap3A_2835 = arith.index_cast %swap3A_2834 : i32 to index
        %swap3A_2836 = arith.constant 1824 : index
        %swap3A_2837 = tpu.vector_load %arg7[%swap3A_2835, %swap3A_2836] {strides = array<i32>} : memref<2x2048xf32, #tpu.memory_space<vmem>>, vector<16xf32>,
        tpu.vector_store %arg7[%swap3A_2835, %swap3A_2836], %gather3A_2820 {strides = array<i32>} : memref<2x2048xf32, #tpu.memory_space<vmem>>, vector<16xf32>,
        %swap3A_2838 = arith.constant 1 : i32
        %swap3A_2839 = arith.index_cast %swap3A_2838 : i32 to index
        %swap3A_2840 = arith.constant 1840 : index
        %swap3A_2841 = tpu.vector_load %arg7[%swap3A_2839, %swap3A_2840] {strides = array<i32>} : memref<2x2048xf32, #tpu.memory_space<vmem>>, vector<16xf32>,
        tpu.vector_store %arg7[%swap3A_2839, %swap3A_2840], %gather3A_2821 {strides = array<i32>} : memref<2x2048xf32, #tpu.memory_space<vmem>>, vector<16xf32>,
        %swap3A_2842 = arith.constant 1 : i32
        %swap3A_2843 = arith.index_cast %swap3A_2842 : i32 to index
        %swap3A_2844 = arith.constant 1856 : index
        %swap3A_2845 = tpu.vector_load %arg7[%swap3A_2843, %swap3A_2844] {strides = array<i32>} : memref<2x2048xf32, #tpu.memory_space<vmem>>, vector<16xf32>,
        tpu.vector_store %arg7[%swap3A_2843, %swap3A_2844], %gather3A_2822 {strides = array<i32>} : memref<2x2048xf32, #tpu.memory_space<vmem>>, vector<16xf32>,
        %swap3A_2846 = arith.constant 1 : i32
        %swap3A_2847 = arith.index_cast %swap3A_2846 : i32 to index
        %swap3A_2848 = arith.constant 1872 : index
        %swap3A_2849 = tpu.vector_load %arg7[%swap3A_2847, %swap3A_2848] {strides = array<i32>} : memref<2x2048xf32, #tpu.memory_space<vmem>>, vector<16xf32>,
        tpu.vector_store %arg7[%swap3A_2847, %swap3A_2848], %gather3A_2823 {strides = array<i32>} : memref<2x2048xf32, #tpu.memory_space<vmem>>, vector<16xf32>,
        %swap3A_2850 = arith.constant 1 : i32
        %swap3A_2851 = arith.index_cast %swap3A_2850 : i32 to index
        %swap3A_2852 = arith.constant 1888 : index
        %swap3A_2853 = tpu.vector_load %arg7[%swap3A_2851, %swap3A_2852] {strides = array<i32>} : memref<2x2048xf32, #tpu.memory_space<vmem>>, vector<16xf32>,
        tpu.vector_store %arg7[%swap3A_2851, %swap3A_2852], %gather3A_2824 {strides = array<i32>} : memref<2x2048xf32, #tpu.memory_space<vmem>>, vector<16xf32>,
        %swap3A_2854 = arith.constant 1 : i32
        %swap3A_2855 = arith.index_cast %swap3A_2854 : i32 to index
        %swap3A_2856 = arith.constant 1904 : index
        %swap3A_2857 = tpu.vector_load %arg7[%swap3A_2855, %swap3A_2856] {strides = array<i32>} : memref<2x2048xf32, #tpu.memory_space<vmem>>, vector<16xf32>,
        tpu.vector_store %arg7[%swap3A_2855, %swap3A_2856], %gather3A_2825 {strides = array<i32>} : memref<2x2048xf32, #tpu.memory_space<vmem>>, vector<16xf32>,
        %mul3A_2858 = arith.constant 2048 : i32
        %mul3A_2859 = arith.muli %add3A_1529, %mul3A_2858 : i32
        %add3A_2860 = arith.constant 1920 : i32
        %add3A_2861 = arith.addi %mul3A_2859, %add3A_2860 : i32
        %get3A_2862 = arith.index_cast %add3A_2861 : i32 to index
        %get3A_2863 = tpu.vector_load %arg5[%get3A_2862] {strides = array<i32>} : memref<16384xi32, #tpu.memory_space<vmem>>, vector<16xi32>,
        %mul3A_2864 = arith.constant 2048 : i32
        %mul3A_2865 = arith.muli %add3A_1529, %mul3A_2864 : i32
        %add3A_2866 = arith.constant 1936 : i32
        %add3A_2867 = arith.addi %mul3A_2865, %add3A_2866 : i32
        %get3A_2868 = arith.index_cast %add3A_2867 : i32 to index
        %get3A_2869 = tpu.vector_load %arg5[%get3A_2868] {strides = array<i32>} : memref<16384xi32, #tpu.memory_space<vmem>>, vector<16xi32>,
        %mul3A_2870 = arith.constant 2048 : i32
        %mul3A_2871 = arith.muli %add3A_1529, %mul3A_2870 : i32
        %add3A_2872 = arith.constant 1952 : i32
        %add3A_2873 = arith.addi %mul3A_2871, %add3A_2872 : i32
        %get3A_2874 = arith.index_cast %add3A_2873 : i32 to index
        %get3A_2875 = tpu.vector_load %arg5[%get3A_2874] {strides = array<i32>} : memref<16384xi32, #tpu.memory_space<vmem>>, vector<16xi32>,
        %mul3A_2876 = arith.constant 2048 : i32
        %mul3A_2877 = arith.muli %add3A_1529, %mul3A_2876 : i32
        %add3A_2878 = arith.constant 1968 : i32
        %add3A_2879 = arith.addi %mul3A_2877, %add3A_2878 : i32
        %get3A_2880 = arith.index_cast %add3A_2879 : i32 to index
        %get3A_2881 = tpu.vector_load %arg5[%get3A_2880] {strides = array<i32>} : memref<16384xi32, #tpu.memory_space<vmem>>, vector<16xi32>,
        %mul3A_2882 = arith.constant 2048 : i32
        %mul3A_2883 = arith.muli %add3A_1529, %mul3A_2882 : i32
        %add3A_2884 = arith.constant 1984 : i32
        %add3A_2885 = arith.addi %mul3A_2883, %add3A_2884 : i32
        %get3A_2886 = arith.index_cast %add3A_2885 : i32 to index
        %get3A_2887 = tpu.vector_load %arg5[%get3A_2886] {strides = array<i32>} : memref<16384xi32, #tpu.memory_space<vmem>>, vector<16xi32>,
        %mul3A_2888 = arith.constant 2048 : i32
        %mul3A_2889 = arith.muli %add3A_1529, %mul3A_2888 : i32
        %add3A_2890 = arith.constant 2000 : i32
        %add3A_2891 = arith.addi %mul3A_2889, %add3A_2890 : i32
        %get3A_2892 = arith.index_cast %add3A_2891 : i32 to index
        %get3A_2893 = tpu.vector_load %arg5[%get3A_2892] {strides = array<i32>} : memref<16384xi32, #tpu.memory_space<vmem>>, vector<16xi32>,
        %mul3A_2894 = arith.constant 2048 : i32
        %mul3A_2895 = arith.muli %add3A_1529, %mul3A_2894 : i32
        %add3A_2896 = arith.constant 2016 : i32
        %add3A_2897 = arith.addi %mul3A_2895, %add3A_2896 : i32
        %get3A_2898 = arith.index_cast %add3A_2897 : i32 to index
        %get3A_2899 = tpu.vector_load %arg5[%get3A_2898] {strides = array<i32>} : memref<16384xi32, #tpu.memory_space<vmem>>, vector<16xi32>,
        %mul3A_2900 = arith.constant 2048 : i32
        %mul3A_2901 = arith.muli %add3A_1529, %mul3A_2900 : i32
        %add3A_2902 = arith.constant 2032 : i32
        %add3A_2903 = arith.addi %mul3A_2901, %add3A_2902 : i32
        %get3A_2904 = arith.index_cast %add3A_2903 : i32 to index
        %get3A_2905 = tpu.vector_load %arg5[%get3A_2904] {strides = array<i32>} : memref<16384xi32, #tpu.memory_space<vmem>>, vector<16xi32>,
        %gather3A_2906 = tpu.vector_load_idx %arg6[%get3A_2863] : memref<100000xf32, #tpu.memory_space<vmem>>[vector<16xi32>], vector<16xf32>,
        %gather3A_2907 = tpu.vector_load_idx %arg6[%get3A_2869] : memref<100000xf32, #tpu.memory_space<vmem>>[vector<16xi32>], vector<16xf32>,
        %gather3A_2908 = tpu.vector_load_idx %arg6[%get3A_2875] : memref<100000xf32, #tpu.memory_space<vmem>>[vector<16xi32>], vector<16xf32>,
        %gather3A_2909 = tpu.vector_load_idx %arg6[%get3A_2881] : memref<100000xf32, #tpu.memory_space<vmem>>[vector<16xi32>], vector<16xf32>,
        %gather3A_2910 = tpu.vector_load_idx %arg6[%get3A_2887] : memref<100000xf32, #tpu.memory_space<vmem>>[vector<16xi32>], vector<16xf32>,
        %gather3A_2911 = tpu.vector_load_idx %arg6[%get3A_2893] : memref<100000xf32, #tpu.memory_space<vmem>>[vector<16xi32>], vector<16xf32>,
        %gather3A_2912 = tpu.vector_load_idx %arg6[%get3A_2899] : memref<100000xf32, #tpu.memory_space<vmem>>[vector<16xi32>], vector<16xf32>,
        %gather3A_2913 = tpu.vector_load_idx %arg6[%get3A_2905] : memref<100000xf32, #tpu.memory_space<vmem>>[vector<16xi32>], vector<16xf32>,
        %swap3A_2914 = arith.constant 1 : i32
        %swap3A_2915 = arith.index_cast %swap3A_2914 : i32 to index
        %swap3A_2916 = arith.constant 1920 : index
        %swap3A_2917 = tpu.vector_load %arg7[%swap3A_2915, %swap3A_2916] {strides = array<i32>} : memref<2x2048xf32, #tpu.memory_space<vmem>>, vector<16xf32>,
        tpu.vector_store %arg7[%swap3A_2915, %swap3A_2916], %gather3A_2906 {strides = array<i32>} : memref<2x2048xf32, #tpu.memory_space<vmem>>, vector<16xf32>,
        %swap3A_2918 = arith.constant 1 : i32
        %swap3A_2919 = arith.index_cast %swap3A_2918 : i32 to index
        %swap3A_2920 = arith.constant 1936 : index
        %swap3A_2921 = tpu.vector_load %arg7[%swap3A_2919, %swap3A_2920] {strides = array<i32>} : memref<2x2048xf32, #tpu.memory_space<vmem>>, vector<16xf32>,
        tpu.vector_store %arg7[%swap3A_2919, %swap3A_2920], %gather3A_2907 {strides = array<i32>} : memref<2x2048xf32, #tpu.memory_space<vmem>>, vector<16xf32>,
        %swap3A_2922 = arith.constant 1 : i32
        %swap3A_2923 = arith.index_cast %swap3A_2922 : i32 to index
        %swap3A_2924 = arith.constant 1952 : index
        %swap3A_2925 = tpu.vector_load %arg7[%swap3A_2923, %swap3A_2924] {strides = array<i32>} : memref<2x2048xf32, #tpu.memory_space<vmem>>, vector<16xf32>,
        tpu.vector_store %arg7[%swap3A_2923, %swap3A_2924], %gather3A_2908 {strides = array<i32>} : memref<2x2048xf32, #tpu.memory_space<vmem>>, vector<16xf32>,
        %swap3A_2926 = arith.constant 1 : i32
        %swap3A_2927 = arith.index_cast %swap3A_2926 : i32 to index
        %swap3A_2928 = arith.constant 1968 : index
        %swap3A_2929 = tpu.vector_load %arg7[%swap3A_2927, %swap3A_2928] {strides = array<i32>} : memref<2x2048xf32, #tpu.memory_space<vmem>>, vector<16xf32>,
        tpu.vector_store %arg7[%swap3A_2927, %swap3A_2928], %gather3A_2909 {strides = array<i32>} : memref<2x2048xf32, #tpu.memory_space<vmem>>, vector<16xf32>,
        %swap3A_2930 = arith.constant 1 : i32
        %swap3A_2931 = arith.index_cast %swap3A_2930 : i32 to index
        %swap3A_2932 = arith.constant 1984 : index
        %swap3A_2933 = tpu.vector_load %arg7[%swap3A_2931, %swap3A_2932] {strides = array<i32>} : memref<2x2048xf32, #tpu.memory_space<vmem>>, vector<16xf32>,
        tpu.vector_store %arg7[%swap3A_2931, %swap3A_2932], %gather3A_2910 {strides = array<i32>} : memref<2x2048xf32, #tpu.memory_space<vmem>>, vector<16xf32>,
        %swap3A_2934 = arith.constant 1 : i32
        %swap3A_2935 = arith.index_cast %swap3A_2934 : i32 to index
        %swap3A_2936 = arith.constant 2000 : index
        %swap3A_2937 = tpu.vector_load %arg7[%swap3A_2935, %swap3A_2936] {strides = array<i32>} : memref<2x2048xf32, #tpu.memory_space<vmem>>, vector<16xf32>,
        tpu.vector_store %arg7[%swap3A_2935, %swap3A_2936], %gather3A_2911 {strides = array<i32>} : memref<2x2048xf32, #tpu.memory_space<vmem>>, vector<16xf32>,
        %swap3A_2938 = arith.constant 1 : i32
        %swap3A_2939 = arith.index_cast %swap3A_2938 : i32 to index
        %swap3A_2940 = arith.constant 2016 : index
        %swap3A_2941 = tpu.vector_load %arg7[%swap3A_2939, %swap3A_2940] {strides = array<i32>} : memref<2x2048xf32, #tpu.memory_space<vmem>>, vector<16xf32>,
        tpu.vector_store %arg7[%swap3A_2939, %swap3A_2940], %gather3A_2912 {strides = array<i32>} : memref<2x2048xf32, #tpu.memory_space<vmem>>, vector<16xf32>,
        %swap3A_2942 = arith.constant 1 : i32
        %swap3A_2943 = arith.index_cast %swap3A_2942 : i32 to index
        %swap3A_2944 = arith.constant 2032 : index
        %swap3A_2945 = tpu.vector_load %arg7[%swap3A_2943, %swap3A_2944] {strides = array<i32>} : memref<2x2048xf32, #tpu.memory_space<vmem>>, vector<16xf32>,
        tpu.vector_store %arg7[%swap3A_2943, %swap3A_2944], %gather3A_2913 {strides = array<i32>} : memref<2x2048xf32, #tpu.memory_space<vmem>>, vector<16xf32>,
        %mul3A_2946 = arith.constant 2048 : i32
        %mul3A_2947 = arith.muli %add3A_1529, %mul3A_2946 : i32
        %dma_start3A_2948 = arith.constant 1 : i32
        %dma_start3A_2949 = arith.constant 0 : i32
        %dma_start3A_2950 = tpu.memref_slice %arg7[%dma_start3A_2948, %dma_start3A_2949] : memref<2x2048xf32, #tpu.memory_space<vmem>> -> memref<1x2048xf32, #tpu.memory_space<vmem>>
        %dma_start3A_2951 = tpu.memref_squeeze %dma_start3A_2950 : memref<1x2048xf32, #tpu.memory_space<vmem>> -> memref<2048xf32, #tpu.memory_space<vmem>>
        %dma_start3A_2952 = tpu.memref_slice %arg4[%select_n3A_84, %sub3A_87, %mul3A_2947] : memref<26x16x16384xf32, #tpu.memory_space<hbm>> -> memref<1x1x2048xf32, #tpu.memory_space<hbm>>
        %dma_start3A_2953 = tpu.memref_squeeze %dma_start3A_2952 : memref<1x1x2048xf32, #tpu.memory_space<hbm>> -> memref<2048xf32, #tpu.memory_space<hbm>>
        %dma_start3A_2954 = tpu.memref_slice %arg4[%select_n3A_84, %sub3A_87, %mul3A_2947] : memref<26x16x16384xf32, #tpu.memory_space<hbm>> -> memref<1x1x2048xf32, #tpu.memory_space<hbm>>
        %dma_start3A_2955 = tpu.memref_squeeze %dma_start3A_2954 : memref<1x1x2048xf32, #tpu.memory_space<hbm>> -> memref<2048xf32, #tpu.memory_space<hbm>>
        %dma_start3A_2956 = arith.constant 0 : i32
        %dma_start3A_2957 = tpu.memref_slice %arg7[%dma_start3A_2948, %dma_start3A_2956] : memref<2x2048xf32, #tpu.memory_space<vmem>> -> memref<1x2048xf32, #tpu.memory_space<vmem>>
        %dma_start3A_2958 = tpu.memref_squeeze %dma_start3A_2957 : memref<1x2048xf32, #tpu.memory_space<vmem>> -> memref<2048xf32, #tpu.memory_space<vmem>>
        tpu.enqueue_dma source(%dma_start3A_2958 : memref<2048xf32, #tpu.memory_space<vmem>>) target(%dma_start3A_2955 : memref<2048xf32, #tpu.memory_space<hbm>>) target_semaphore(%arg9 : memref<!tpu.dma_semaphore, #tpu.memory_space<semaphore_mem>>)
      }
      %scan3A_96 = arith.constant 4 : i32
    }
    %scan3A_6 = arith.constant 13 : i32
    %add3A_7 = arith.constant 13 : i32
    %add3A_8 = arith.addi %mul3A_2, %add3A_7 : i32
    %sub3A = arith.constant 1 : i32
    %sub3A_9 = arith.subi %add3A_8, %sub3A : i32
    %jit3A = arith.constant 16 : i32
    %div3A = arith.divsi %sub3A_9, %jit3A : i32
    %sign3A = arith.constant 0 : i32
    %sign3A_10 = arith.cmpi sgt, %sub3A_9, %sign3A : i32
    %sign3A_11 = arith.extui %sign3A_10 : i1 to i32
    %sign3A_12 = arith.constant 0 : i32
    %sign3A_13 = arith.cmpi slt, %sub3A_9, %sign3A_12 : i32
    %sign3A_14 = arith.extui %sign3A_13 : i1 to i32
    %sign3A_15 = arith.subi %sign3A_11, %sign3A_14 : i32
    %sign3A_16 = arith.constant 0 : i32
    %sign3A_17 = arith.cmpi sgt, %jit3A, %sign3A_16 : i32
    %sign3A_18 = arith.extui %sign3A_17 : i1 to i32
    %sign3A_19 = arith.constant 0 : i32
    %sign3A_20 = arith.cmpi slt, %jit3A, %sign3A_19 : i32
    %sign3A_21 = arith.extui %sign3A_20 : i1 to i32
    %sign3A_22 = arith.subi %sign3A_18, %sign3A_21 : i32
    %ne3A = arith.cmpi ne, %sign3A_15, %sign3A_22 : i32
    %rem3A = arith.remsi %sub3A_9, %jit3A : i32
    %ne3A_23 = arith.constant 0 : i32
    %ne3A_24 = arith.cmpi ne, %rem3A, %ne3A_23 : i32
    %and3A = arith.andi %ne3A, %ne3A_24 : i1
    %sub3A_25 = arith.constant 1 : i32
    %sub3A_26 = arith.subi %div3A, %sub3A_25 : i32
    %select_n3A = arith.select %and3A, %sub3A_26, %div3A : i32
    %mul3A_27 = arith.constant 16 : i32
    %mul3A_28 = arith.muli %select_n3A, %mul3A_27 : i32
    %sub3A_29 = arith.subi %sub3A_9, %mul3A_28 : i32
    %dma_wait3A = arith.constant 0 : i32
    %dma_wait3A_30 = arith.constant 0 : i32
    %dma_wait3A_31 = tpu.memref_slice %arg7[%dma_wait3A, %dma_wait3A_30] : memref<2x2048xf32, #tpu.memory_space<vmem>> -> memref<1x2048xf32, #tpu.memory_space<vmem>>
    %dma_wait3A_32 = tpu.memref_squeeze %dma_wait3A_31 : memref<1x2048xf32, #tpu.memory_space<vmem>> -> memref<2048xf32, #tpu.memory_space<vmem>>
    %dma_wait3A_33 = arith.constant 12288 : i32
    %dma_wait3A_34 = tpu.memref_slice %arg4[%select_n3A, %sub3A_29, %dma_wait3A_33] : memref<26x16x16384xf32, #tpu.memory_space<hbm>> -> memref<1x1x2048xf32, #tpu.memory_space<hbm>>
    %dma_wait3A_35 = tpu.memref_squeeze %dma_wait3A_34 : memref<1x1x2048xf32, #tpu.memory_space<hbm>> -> memref<2048xf32, #tpu.memory_space<hbm>>
    %dma_wait3A_36 = arith.constant 12288 : i32
    %dma_wait3A_37 = tpu.memref_slice %arg4[%select_n3A, %sub3A_29, %dma_wait3A_36] : memref<26x16x16384xf32, #tpu.memory_space<hbm>> -> memref<1x1x2048xf32, #tpu.memory_space<hbm>>
    %dma_wait3A_38 = tpu.memref_squeeze %dma_wait3A_37 : memref<1x1x2048xf32, #tpu.memory_space<hbm>> -> memref<2048xf32, #tpu.memory_space<hbm>>
    %dma_wait3A_39 = arith.constant 0 : i32
    %dma_wait3A_40 = tpu.memref_slice %arg7[%dma_wait3A, %dma_wait3A_39] : memref<2x2048xf32, #tpu.memory_space<vmem>> -> memref<1x2048xf32, #tpu.memory_space<vmem>>
    %dma_wait3A_41 = tpu.memref_squeeze %dma_wait3A_40 : memref<1x2048xf32, #tpu.memory_space<vmem>> -> memref<2048xf32, #tpu.memory_space<vmem>>
    tpu.wait_dma2 semaphore(%arg8 : memref<!tpu.dma_semaphore, #tpu.memory_space<semaphore_mem>>) src(%dma_wait3A_41 : memref<2048xf32, #tpu.memory_space<vmem>>) dst(%dma_wait3A_38 : memref<2048xf32, #tpu.memory_space<hbm>>)
    %dma_wait3A_42 = arith.constant 1 : i32
    %dma_wait3A_43 = arith.constant 0 : i32
    %dma_wait3A_44 = tpu.memref_slice %arg7[%dma_wait3A_42, %dma_wait3A_43] : memref<2x2048xf32, #tpu.memory_space<vmem>> -> memref<1x2048xf32, #tpu.memory_space<vmem>>
    %dma_wait3A_45 = tpu.memref_squeeze %dma_wait3A_44 : memref<1x2048xf32, #tpu.memory_space<vmem>> -> memref<2048xf32, #tpu.memory_space<vmem>>
    %dma_wait3A_46 = arith.constant 14336 : i32
    %dma_wait3A_47 = tpu.memref_slice %arg4[%select_n3A, %sub3A_29, %dma_wait3A_46] : memref<26x16x16384xf32, #tpu.memory_space<hbm>> -> memref<1x1x2048xf32, #tpu.memory_space<hbm>>
    %dma_wait3A_48 = tpu.memref_squeeze %dma_wait3A_47 : memref<1x1x2048xf32, #tpu.memory_space<hbm>> -> memref<2048xf32, #tpu.memory_space<hbm>>
    %dma_wait3A_49 = arith.constant 14336 : i32
    %dma_wait3A_50 = tpu.memref_slice %arg4[%select_n3A, %sub3A_29, %dma_wait3A_49] : memref<26x16x16384xf32, #tpu.memory_space<hbm>> -> memref<1x1x2048xf32, #tpu.memory_space<hbm>>
    %dma_wait3A_51 = tpu.memref_squeeze %dma_wait3A_50 : memref<1x1x2048xf32, #tpu.memory_space<hbm>> -> memref<2048xf32, #tpu.memory_space<hbm>>
    %dma_wait3A_52 = arith.constant 0 : i32
    %dma_wait3A_53 = tpu.memref_slice %arg7[%dma_wait3A_42, %dma_wait3A_52] : memref<2x2048xf32, #tpu.memory_space<vmem>> -> memref<1x2048xf32, #tpu.memory_space<vmem>>
    %dma_wait3A_54 = tpu.memref_squeeze %dma_wait3A_53 : memref<1x2048xf32, #tpu.memory_space<vmem>> -> memref<2048xf32, #tpu.memory_space<vmem>>
    tpu.wait_dma2 semaphore(%arg9 : memref<!tpu.dma_semaphore, #tpu.memory_space<semaphore_mem>>) src(%dma_wait3A_54 : memref<2048xf32, #tpu.memory_space<vmem>>) dst(%dma_wait3A_51 : memref<2048xf32, #tpu.memory_space<hbm>>)
    return
  }
}

</mosaic_0001>

<sc_bundles>
// kernel: kernel.3.cloned.1.call-start
scs
__scs_entry_jumppad:
0x0: {  	(pc) =	sbr.rel $0x88, $3  }
0x1: {  	(tag) =	ssettag $0x0;
	lr =	simm.s32 $0x1  }
0x2: {  	[smem:$0x3F9F] =	sst lr;
	_ =	strace $0xD0000000  }
0x3: {  	_ = 	snop  }
0x4: {  	_ = 	snop  }
0x5: {  	_ = 	snop  }
0x6: {  	_ = 	snop  }
0x7: {  	_ = 	snop  }
__scs_overlays_trampoline_lowered:
0x8: {  	[smem:$0x3FAE] =	sst s0  }
0x9: {  	[smem:$0x3FAF] =	sst s1  }
0xa: {  	[smem:$0x3FB0] =	sst s2  }
0xb: {  	[smem:$0x3FB1] =	sst s3  }
0xc: {  	[smem:$0x3FB2] =	sst s4  }
0xd: {  	[smem:$0x3FB3] =	sst s5  }
0xe: {  	[smem:$0x3FB4] =	sst s6  }
0xf: {  	[smem:$0x3FB5] =	sst s7  }
0x10: {  	[smem:$0x3FB6] =	sst s8  }
0x11: {  	[smem:$0x3FB7] =	sst s9;
	s0 =	simm.s32 @!p0 $0x0  }
0x12: {  	s1 =	sld [smem:$0x3F9D];
	s0 =	simm.s32 @p0 $0x1  }
0x13: {  	[smem:$0x3FB8] =	sst s0;
	s0 =	simm.s32 @!p1 $0x0  }
0x14: {  	s2 =	sld [smem:$0x3F9C];
	s0 =	simm.s32 @p1 $0x1  }
0x15: {  	[smem:$0x3FB9] =	sst s0;
	s0 =	simm.s32 @!p2 $0x0  }
0x16: {  	s3 =	sld [smem:$0x3FDB];
	s0 =	simm.s32 @p2 $0x1  }
0x17: {  	s4 =	simm.s32 $0x1BF5;
	[smem:$0x3FBB] =	sst s0  }
0x18: {  	s0 =	sld [smem:$0x3F9E];
	_ =	swait.ge [sflag:s4], $0x0  }
0x19: {  	s7 =	sld [smem:$0x3F9F]  }
0x1a: {  	s8 =	sadd.s32 $0xFFFFE003, lr  }
0x1b: {  	s9 =	sadd.s32 $0xFFFFFEF7, lr;
	s5 =	simm.s32 $0xFFFFFFFF;
	p2 =	slt.u32 s8, $0xFFFFF086  }
0x1c: {  	p1 =	slt.u32 s9, $0xF7A;
	s5 =	simm.s32 @!p2 $0x0  }
0x1d: {  	s5 =	simm.s32 @p1 $0x1;
	p0 =	seq.s32 s7, s2  }
0x1e: {  	s7 =	smul.u32 @!p0 $0xF7A, s2;
	p2 =	seq.s32 @!p0 s5, $0x0  }
0x1f: {  	s9 =	smul.u32 $0xF7A, s1;
	s8 =	simm.s32 @!p0 $0x1BF5;
	p2 =	por !p2, p0  }
0x20: {  	[sflag:s8] =	ssyncset.s32 @!p0 $0xFFFFF086;
	s6 =	sadd.s32 @!p0 s3, s7;
	s7 =	simm.s32 @!p0 $0x108  }
0x21: {  	s3 =	sadd.s32 s3, s9;
	s6 =	sadd.s32 @!p0 $0x88, s6;
	s7 =	simm.s32 @p2 $0x1082  }
0x22: {  	[simem:s7], [sflag:s8] =	dma.local @!p0 [hbm:s6], $0xF7A  }
0x23: {  	s9 =	sor.u32 $0xD0000000, s2;
	s6 =	simm.s32 $0x108;
	_ =	swait.ge @!p0 [sflag:s8], $0x0  }
0x24: {  	s3 =	sadd.s32 $0x88, s3;
	s6 =	simm.s32 @!p1 $0x1082;
	[sflag:s4] =	ssyncset.s32 $0xFFFFF086  }
0x25: {  	[simem:s6], [sflag:s4] =	dma.local [hbm:s3], $0xF7A  }
0x26: {  	[smem:$0x3F9F] =	sst s1;
	(tag) =	ssettag s2;
	_ =	strace s9  }
0x27: {  	s1 =	sld [smem:$0x3FAF]  }
0x28: {  	s2 =	sld [smem:$0x3FB0]  }
0x29: {  	s4 =	sld [smem:$0x3FB2]  }
0x2a: {  	p0 =	seq.s32 s5, $0x0;
	s5 =	sld [smem:$0x3FB3]  }
0x2b: {  	s6 =	sld [smem:$0x3FB4]  }
0x2c: {  	s7 =	sld [smem:$0x3FB5]  }
0x2d: {  	s3 =	simm.s32 $0x108;
	s8 =	sld [smem:$0x3FB6]  }
0x2e: {  	s3 =	simm.s32 @!p0 $0x1082;
	s9 =	sld [smem:$0x3FB7]  }
0x2f: {  	lr =	sadd.s32 s0, s3;
	s0 =	sld [smem:$0x3FAE]  }
0x30: {  	s3 =	sld [smem:$0x3FB1]  }
0x31: {  	[smem:$0x3FBA] =	sst s10  }
0x32: {  	s10 =	sld [smem:$0x3FB8];
	_ =	sdelay $0x3  }
0x33: {  	p0 =	seq.s32 s10, $0x1;
	s10 =	sld [smem:$0x3FBA];
	_ =	sdelay $0x3  }
0x34: {  	[smem:$0x3FBA] =	sst s10  }
0x35: {  	s10 =	sld [smem:$0x3FB9];
	_ =	sdelay $0x3  }
0x36: {  	p1 =	seq.s32 s10, $0x1;
	s10 =	sld [smem:$0x3FBA];
	_ =	sdelay $0x3  }
0x37: {  	[smem:$0x3FBA] =	sst s10  }
0x38: {  	s10 =	sld [smem:$0x3FBB]  }
0x39: {  	_ = 	snop;
	(pc) =	sbr.ind lr, $3  }
0x3a: {  	_ = 	snop  }
0x3b: {  	_ = 	snop  }
0x3c: {  	p2 =	seq.s32 s10, $0x1;
	s10 =	sld [smem:$0x3FBA]  }
0x3d: {  	_ =	shalt  }
0x3e: {  	_ =	shalt  }
0x3f: {  	_ =	shalt  }
0x40: {  	_ =	shalt  }
0x41: {  	_ =	shalt  }
0x42: {  	_ =	shalt  }
0x43: {  	_ =	shalt  }
0x44: {  	_ =	shalt  }
0x45: {  	_ =	shalt  }
0x46: {  	_ =	shalt  }
0x47: {  	_ =	shalt  }
0x48: {  	_ =	shalt  }
0x49: {  	_ =	shalt  }
0x4a: {  	_ =	shalt  }
0x4b: {  	_ =	shalt  }
0x4c: {  	_ =	shalt  }
0x4d: {  	_ =	shalt  }
0x4e: {  	_ =	shalt  }
0x4f: {  	_ =	shalt  }
0x50: {  	_ =	shalt  }
0x51: {  	_ =	shalt  }
0x52: {  	_ =	shalt  }
0x53: {  	_ =	shalt  }
0x54: {  	_ =	shalt  }
0x55: {  	_ =	shalt  }
0x56: {  	_ =	shalt  }
0x57: {  	_ =	shalt  }
0x58: {  	_ =	shalt  }
0x59: {  	_ =	shalt  }
0x5a: {  	_ =	shalt  }
0x5b: {  	_ =	shalt  }
0x5c: {  	_ =	shalt  }
0x5d: {  	_ =	shalt  }
0x5e: {  	_ =	shalt  }
0x5f: {  	_ =	shalt  }
0x60: {  	_ =	shalt  }
0x61: {  	_ =	shalt  }
0x62: {  	_ =	shalt  }
0x63: {  	_ =	shalt  }
0x64: {  	_ =	shalt  }
0x65: {  	_ =	shalt  }
0x66: {  	_ =	shalt  }
0x67: {  	_ =	shalt  }
0x68: {  	_ =	shalt  }
0x69: {  	_ =	shalt  }
0x6a: {  	_ =	shalt  }
0x6b: {  	_ =	shalt  }
0x6c: {  	_ =	shalt  }
0x6d: {  	_ =	shalt  }
0x6e: {  	_ =	shalt  }
0x6f: {  	_ =	shalt  }
0x70: {  	_ =	shalt  }
0x71: {  	_ =	shalt  }
0x72: {  	_ =	shalt  }
0x73: {  	_ =	shalt  }
0x74: {  	_ =	shalt  }
0x75: {  	_ =	shalt  }
0x76: {  	_ =	shalt  }
0x77: {  	_ =	shalt  }
0x78: {  	_ =	shalt  }
0x79: {  	_ =	shalt  }
0x7a: {  	_ =	shalt  }
0x7b: {  	_ =	shalt  }
0x7c: {  	_ =	shalt  }
0x7d: {  	_ =	shalt  }
0x7e: {  	_ =	shalt  }
0x7f: {  	_ =	shalt  }
0x80: {  	_ =	shalt  }
0x81: {  	_ =	shalt  }
0x82: {  	_ =	shalt  }
0x83: {  	_ =	shalt  }
0x84: {  	_ =	shalt  }
0x85: {  	_ =	shalt  }
0x86: {  	_ =	shalt  }
0x87: {  	_ =	shalt  }
.Lfunc_end0:
.L_simem_size_0:
called_computation_lowered:
.L_overlay_start_0:
0x88: {  	s2 =	sld [smem:$0x3FD9]  }
0x89: {  	s3 =	sld [smem:$0x3FFE];
	_ =	sdelay $0x1  }
0x8a: {  	s1 =	srdreg.scid  }
0x8b: {  	s0 =	sand.u32 $0x1, s1  }
0x8c: {  	s18 =	sshll.u32 s0, $0xA;
	s2 =	sadd.s32 s3, s2  }
0x8d: {  	s2 =	sadd.s32 s2, s18  }
0x8e: {  	[smem:$0x3FC6] =	sst s2  }
0x8f: {  	_ = 	snop  }
0x90: {  	s2 =	sld [smem:$0x3FC9]  }
0x91: {  	s19 =	sld [smem:$0x3FC8]  }
0x92: {  	s4 =	sld [smem:$0x3FD0];
	(tm) =	ssettm $0x1  }
0x93: {  	s5 =	sld [smem:$0x3FFB];
	_ =	sdelay $0x3  }
0x94: {  	_ =	strace s5  }
0x95: {  	s5 =	sld [smem:$0x3FFC];
	_ =	sdelay $0x3  }
0x96: {  	_ =	strace s5  }
0x97: {  	s5 =	sld [smem:$0x3FFD];
	_ =	sdelay $0x3  }
0x98: {  	_ =	strace s5  }
0x99: {  	_ =	strace $0x8FFFFFFF  }
0x9a: {  	s20 =	sld [smem:$0x3FDB];
	_ =	sdelay $0x1  }
0x9b: {  	s6 =	simm.s32 $_scs_section_size  }
0x9c: {  	s7 =	simm.s32 $_size__tile_overlayer_lowered;
	s8 =	simm.s32 $_tile_overlayer_lowered  }
0x9d: {  	s23 =	simm.s32 $0x1BFF;
	s22 =	sshll.u32 s8, $0x1;
	s5 =	sadd.s32 s6, s20  }
0x9e: {  	s9 =	simm.s32 $0x0;
	s21 =	sshll.u32 s7, $0x1;
	s7 =	sadd.s32 s22, s5  }
0x9f: {  	[timem:s9], [sflag:s23] =	dma.local [hbm:s7], s21  }
0xa0: {  	_ =	swait.ge [sflag:s23], s21  }
0xa1: {  	s6 =	ssub.s32 $0x0, s21;
	[sflag:s23] =	ssyncset.done $0x0  }
0xa2: {  	[sflag:s23] =	ssyncadd.s32 s6;
	_ =	sdelay $0x1  }
0xa3: {  	s24 =	simm.s32 $0x1B8B  }
0xa4: {  	_ =	swait.ge [sflag:s24], $0x1  }
0xa5: {  	[sflag:s24] =	ssyncset.done $0x0  }
0xa6: {  	s25 =	simm.s32 $0x1B8E;
	[sflag:s24] =	ssyncadd.s32 $0xFFFFFFFF  }
0xa7: {  	s26 =	simm.s32 $execute0_lowered;
	[smem:$0x3FD2] =	sst s25  }
0xa8: {  	s6 =	sshll.u32 s26, $0x1;
	_ =	strace $0x80000046;
	[dreg:$0x1] =	wrdreg $0xFFFFFFFF  }
0xa9: {  	s28 =	simm.s32 $_size_execute0_lowered;
	s5 =	sadd.s32 s5, s6;
	[dreg:$0x0] =	wrdreg $0x0  }
0xaa: {  	s6 =	sshll.u32 s28, $0x1;
	[dreg:$0x2] =	wrdreg s5  }
0xab: {  	[dreg:$0x3] =	wrdreg s6  }
0xac: {  	[dreg:$0x4] =	wrdreg $0xC0  }
0xad: {  	_ =	task [dreg:s9], $0x5FFFF  }
0xae: {  	[dreg:$0x1] =	wrdreg $0xFFFFFFFF  }
0xaf: {  	[dreg:$0x0] =	wrdreg $0x60  }
0xb0: {  	[dreg:$0x2] =	wrdreg s2  }
0xb1: {  	[dreg:$0x3] =	wrdreg s19  }
0xb2: {  	[dreg:$0x4] =	wrdreg s4  }
0xb3: {  	[dreg:$0x5] =	wrdreg $0x9  }
0xb4: {  	_ =	task.clear_ibuf [dreg:s9], $0x6FFFF;
	_ =	strace $0x90000046  }
0xb5: {  	s29 =	simm.s32 $0x9;
	_ =	strace $0x80000048  }
0xb6: {  	_ =	swait.ge [sflag:s29], $0x1  }
0xb7: {  	[sflag:s29] =	ssyncadd.s32 $0xFFFFFFFF  }
0xb8: {  	_ =	strace $0x90000048  }
0xb9: {  	_ =	sfence  }
0xba: {  	s30 =	sld [smem:$0x0];
	_ =	sdelay $0x2  }
0xbb: {  	s31 =	sshll.u32 s1, $0xD;
	s1 =	sshrl.u32 s1, $0x2  }
0xbc: {  	s3 =	sand.u32 $0x4000, s31;
	s1 =	sadd.s32 s1, s30  }
0xbd: {  	s0 =	sor.u32 s3, s0;
	s1 =	sshll.u32 s1, $0x11  }
0xbe: {  	s0 =	sor.u32 s1, s0  }
0xbf: {  	s0 =	sadd.s32 $0x8F2B, s0  }
0xc0: {  	[sflag:s0] =	ssyncadd.remote.s32 $0x1  }
0xc1: {  	_ =	sfence.sel $0xFFFF  }
0xc2: {  	[dreg:$0x0] =	wrdreg $0xFFFFFFFF;
	(pc) =	sbr.abs _section_cstart, $3  }
0xc3: {  	[dreg:$0x1] =	wrdreg $0xFFFFFFFF  }
0xc4: {  	_ =	task.clear_ibuf [dreg:s9], $0x2FFFF;
	_ =	strace $0x9FFFFFFF  }
0xc5: {  	(tm) =	ssettm $0x7FFFFFFF  }
tec
execute0_lowered:
.L_overlay_start_1:
0x0: {  	(tag) =	ssettag $0x1  }
0x1: {  	s1 =	rddreg [dreg:$0x0]  }
0x2: {  	s2 =	rddreg [dreg:$0x1]  }
0x3: {  	s3 =	rddreg [dreg:$0x2]  }
0x4: {  	s0 =	rddreg [dreg:$0x3];
	s4 =	simm.s32 $0x0  }
0x5: {  	s5 =	simm.s32 $0x1C700;
	[smem:$0x7FF] =	sst s4  }
0x6: {  	s28 =	simm.s32 $0x1C800;
	_ =	strace $0x80000047;
	[dreg:$0x5] =	wrdreg s5  }
0x7: {  	s29 =	simm.s32 $0x1C900;
	[dreg:$0x6] =	wrdreg s28  }
0x8: {  	s30 =	simm.s32 $0x1CA00;
	[dreg:$0x7] =	wrdreg s29  }
0x9: {  	s31 =	simm.s32 $0x1CB00;
	[dreg:$0x8] =	wrdreg s30  }
0xa: {  	s6 =	simm.s32 $0x1CC00;
	[dreg:$0x9] =	wrdreg s31  }
0xb: {  	s7 =	simm.s32 $0x1CD00;
	[dreg:$0xa] =	wrdreg s6  }
0xc: {  	s8 =	simm.s32 $0x1CE00;
	[dreg:$0xb] =	wrdreg s7  }
0xd: {  	s9 =	simm.s32 $0x1CF00;
	[dreg:$0xc] =	wrdreg s8  }
0xe: {  	s10 =	simm.s32 $0x1D000;
	[dreg:$0xd] =	wrdreg s9  }
0xf: {  	s11 =	simm.s32 $0x1D100;
	[dreg:$0xe] =	wrdreg s10  }
0x10: {  	s12 =	simm.s32 $0x1D200;
	[dreg:$0xf] =	wrdreg s11  }
0x11: {  	s13 =	simm.s32 $0x1D300;
	[dreg:$0x10] =	wrdreg s12  }
0x12: {  	s14 =	simm.s32 $0x1D400;
	[dreg:$0x11] =	wrdreg s13  }
0x13: {  	s15 =	simm.s32 $0x1D500;
	[dreg:$0x12] =	wrdreg s14  }
0x14: {  	s16 =	simm.s32 $0x1D600;
	[dreg:$0x13] =	wrdreg s15  }
0x15: {  	s17 =	simm.s32 $0x1C780;
	[dreg:$0x14] =	wrdreg s16  }
0x16: {  	s18 =	simm.s32 $0x1C880;
	[dreg:$0x15] =	wrdreg s17  }
0x17: {  	s19 =	simm.s32 $0x1C980;
	[dreg:$0x16] =	wrdreg s18  }
0x18: {  	s20 =	simm.s32 $0x1CA80;
	[dreg:$0x17] =	wrdreg s19  }
0x19: {  	s21 =	simm.s32 $0x1CC80;
	[dreg:$0x18] =	wrdreg s20  }
0x1a: {  	s22 =	simm.s32 $0x1CD80;
	[dreg:$0x1a] =	wrdreg s21  }
0x1b: {  	s23 =	simm.s32 $0x1CE80;
	[dreg:$0x1b] =	wrdreg s22  }
0x1c: {  	s24 =	simm.s32 $0x1CF80;
	s25 =	simm.s32 $0x1D080;
	[dreg:$0x1c] =	wrdreg s23  }
0x1d: {  	s6 =	srdreg.scid;
	s7 =	simm.s32 $0x1CB80;
	[dreg:$0x1d] =	wrdreg s24  }
0x1e: {  	s5 =	stileid.u32;
	[dreg:$0x1e] =	wrdreg s25;
	s28 =	simm.s32 $0x1D180  }
0x1f: {  	s29 =	simm.s32 $0x1D280;
	s30 =	simm.s32 $0x1D380;
	[dreg:$0x19] =	wrdreg s7  }
0x20: {  	s31 =	simm.s32 $0x1D480;
	s10 =	simm.s32 $0x1D580;
	[dreg:$0x1f] =	wrdreg s28  }
0x21: {  	s12 =	simm.s32 $0x1D680;
	s11 =	simm.s32 $0x4000;
	[smem:$0x7F9] =	sst s29  }
0x22: {  	s13 =	simm.s32 $0x2;
	s14 =	simm.s32 $0x0;
	[smem:$0x7FA] =	sst s30  }
0x23: {  	s6 =	sand.u32 $0x1, s6;
	s26 =	sshll.u32 s5, $0x1;
	[smem:$0x7FB] =	sst s31  }
0x24: {  	[smem:$0x7FC] =	sst s10;
	s10 =	simm.s32 $0x3;
	s8 =	ssub.s32 $0x2, s6  }
0x25: {  	[smem:$0x7FD] =	sst s12;
	s6 =	sor.u32 s6, s26;
	s9 =	sshrl.u32 s8, $0x1  }
0x26: {  	s12 =	simm.s32 $0x1;
	s6 =	smul.u32 $0xD, s6;
	s8 =	ssub.s32 s8, s9  }
0x27: {  	s9 =	simm.s32 $0x400;
	s7 =	smax.u32 s8, $0x1;
	s8 =	simm.s32 $0x80  }
.LBB2_1:
0x28: {  	s15 =	simm.s32 $0x0  }
.LBB2_2:
0x29: {  	s17 =	sadd.s32 s6, s15  }
0x2a: {  	p0 =	seq.s32 s15, $0x0;
	s16 =	sand.u32 $0xF, s17  }
0x2b: {  	p1 =	sne.s32 @!p0 s16, $0x0  }
0x2c: {  	s16 =	sshrl.u32 s17, $0x4;
	p0 =	por p0, !p1  }
0x2d: {  	s18 =	sshll.u32 @p0 s16, $0xB;
	s19 =	sand.u32 @p0 $0x70, s17  }
0x2e: {  	s18 =	sand.u32 @p0 $0xFFFC000, s18;
	s19 =	sadd.s32 @p0 s1, s19  }
0x2f: {  	s30 =	sshrl.u32 s17, $0x3;
	s18 =	sadd.s32 @p0 s18, s19  }
0x30: {  	[tilespmem:s4], [sflag:$0x3] =	stream.strided.gather @p0 [hbm4b:s18+s8], $0x4000, s9, s8, $0x38;
	[tilespmem:$0x1D700] =	vst v63  }
0x31: {  	s31 =	smul.u32 $0x187000, s16;
	s18 =	sand.u32 $0x1, s30  }
0x32: {  	s20 =	smul.u32 $0xC3800, s18  }
0x33: {  	s17 =	sshll.u32 s17, $0x7  }
0x34: {  	s16 =	sshll.u32 s16, $0x12;
	s17 =	sand.u32 $0x380, s17;
	s19 =	sadd.s32 s31, s20  }
0x35: {  	_ =	swait.ge @p0 [sflag:s10], $0x4000;
	s18 =	sshll.u32 s18, $0x11;
	s19 =	sor.u32 s17, s19  }
0x36: {  	[sflag:s10] =	ssyncset.done @p0 $0x0;
	s16 =	sor.u32 s16, s18;
	s19 =	sshrl.u32 s19, $0x3  }
0x37: {  	[sflag:s10] =	ssyncadd.s32 @p0 $0xFFFFC000;
	s16 =	sor.u32 s17, s16;
	s19 =	sadd.s32 s2, s19  }
0x38: {  	[tilespmem:s11], [sflag:$0x3] =	stream.strided.gather [hbm4b:s19+s8], $0x18700, s9, s8, $0x38;
	[tilespmem:$0x1D700] =	vst v63  }
0x39: {  	s17 =	sshrl.u32 s16, $0x3;
	_ =	swait.ge [sflag:s10], $0x18700  }
0x3a: {  	s17 =	sadd.s32 s3, s17;
	[sflag:s10] =	ssyncset.done $0x0  }
0x3b: {  	[dreg:$0x4] =	wrdreg s17;
	s17 =	simm.s32 $0x0;
	[sflag:s10] =	ssyncadd.s32 $0xFFFE7900  }
.LBB2_3:
0x3c: {  	s18 =	sor.u32 s15, s17  }
0x3d: {  	p0 =	seq.s32 s18, $0x0  }
0x3e: {  	s18 =	simm.s32 @!p0 $0x1  }
0x3f: {  	_ =	swait.ge @!p0 [sflag:s18], $0x800  }
0x40: {  	[sflag:s18] =	ssyncset.done @!p0 $0x0  }
0x41: {  	[sflag:s18] =	ssyncadd.s32 @!p0 $0xFFFFF800;
	s18 =	sshll.u32 s17, $0xC  }
0x42: {  	v0 =	vld [tilespmem:s18+$0x0]  }
0x43: {  	v1 =	vld [tilespmem:s18+$0x10]  }
0x44: {  	v2 =	vld [tilespmem:s18+$0x20]  }
0x45: {  	v3 =	vld [tilespmem:s18+$0x30]  }
0x46: {  	v4 =	vld [tilespmem:s18+$0x40]  }
0x47: {  	v5 =	vld [tilespmem:s18+$0x50]  }
0x48: {  	v6 =	vld [tilespmem:s18+$0x60]  }
0x49: {  	v7 =	vld [tilespmem:s18+$0x70]  }
0x4a: {  	v0 =	vld.idx.msk [tilespmem:v0+s11+$0x0], $0xffff  }
0x4b: {  	v1 =	vld.idx.msk [tilespmem:v1+s11+$0x0], $0xffff  }
0x4c: {  	v2 =	vld.idx.msk [tilespmem:v2+s11+$0x0], $0xffff  }
0x4d: {  	v3 =	vld.idx.msk [tilespmem:v3+s11+$0x0], $0xffff  }
0x4e: {  	v4 =	vld.idx.msk [tilespmem:v4+s11+$0x0], $0xffff  }
0x4f: {  	v5 =	vld.idx.msk [tilespmem:v5+s11+$0x0], $0xffff  }
0x50: {  	v6 =	vld.idx.msk [tilespmem:v6+s11+$0x0], $0xffff  }
0x51: {  	v7 =	vld.idx.msk [tilespmem:v7+s11+$0x0], $0xffff;
	[tilespmem:$0x1C700] =	vst v0  }
0x52: {  	[tilespmem:$0x1C710] =	vst v1  }
0x53: {  	[tilespmem:$0x1C720] =	vst v2  }
0x54: {  	[tilespmem:$0x1C730] =	vst v3  }
0x55: {  	[tilespmem:$0x1C740] =	vst v4  }
0x56: {  	[tilespmem:$0x1C750] =	vst v5  }
0x57: {  	[tilespmem:$0x1C760] =	vst v6  }
0x58: {  	[tilespmem:$0x1C770] =	vst v7  }
0x59: {  	v0 =	vld [tilespmem:s18+$0x80]  }
0x5a: {  	v1 =	vld [tilespmem:s18+$0x90]  }
0x5b: {  	v2 =	vld [tilespmem:s18+$0xA0]  }
0x5c: {  	v3 =	vld [tilespmem:s18+$0xB0]  }
0x5d: {  	v4 =	vld [tilespmem:s18+$0xC0]  }
0x5e: {  	v5 =	vld [tilespmem:s18+$0xD0]  }
0x5f: {  	v6 =	vld [tilespmem:s18+$0xE0]  }
0x60: {  	v7 =	vld [tilespmem:s18+$0xF0]  }
0x61: {  	v0 =	vld.idx.msk [tilespmem:v0+s11+$0x0], $0xffff  }
0x62: {  	v1 =	vld.idx.msk [tilespmem:v1+s11+$0x0], $0xffff  }
0x63: {  	v2 =	vld.idx.msk [tilespmem:v2+s11+$0x0], $0xffff  }
0x64: {  	v3 =	vld.idx.msk [tilespmem:v3+s11+$0x0], $0xffff  }
0x65: {  	v4 =	vld.idx.msk [tilespmem:v4+s11+$0x0], $0xffff  }
0x66: {  	v5 =	vld.idx.msk [tilespmem:v5+s11+$0x0], $0xffff  }
0x67: {  	v6 =	vld.idx.msk [tilespmem:v6+s11+$0x0], $0xffff  }
0x68: {  	v7 =	vld.idx.msk [tilespmem:v7+s11+$0x0], $0xffff;
	[tilespmem:$0x1C800] =	vst v0  }
0x69: {  	[tilespmem:$0x1C810] =	vst v1  }
0x6a: {  	[tilespmem:$0x1C820] =	vst v2  }
0x6b: {  	[tilespmem:$0x1C830] =	vst v3  }
0x6c: {  	[tilespmem:$0x1C840] =	vst v4  }
0x6d: {  	[tilespmem:$0x1C850] =	vst v5  }
0x6e: {  	[tilespmem:$0x1C860] =	vst v6  }
0x6f: {  	[tilespmem:$0x1C870] =	vst v7  }
0x70: {  	v0 =	vld [tilespmem:s18+$0x100]  }
0x71: {  	v1 =	vld [tilespmem:s18+$0x110]  }
0x72: {  	v2 =	vld [tilespmem:s18+$0x120]  }
0x73: {  	v3 =	vld [tilespmem:s18+$0x130]  }
0x74: {  	v4 =	vld [tilespmem:s18+$0x140]  }
0x75: {  	v5 =	vld [tilespmem:s18+$0x150]  }
0x76: {  	v6 =	vld [tilespmem:s18+$0x160]  }
0x77: {  	v7 =	vld [tilespmem:s18+$0x170]  }
0x78: {  	v0 =	vld.idx.msk [tilespmem:v0+s11+$0x0], $0xffff  }
0x79: {  	v1 =	vld.idx.msk [tilespmem:v1+s11+$0x0], $0xffff  }
0x7a: {  	v2 =	vld.idx.msk [tilespmem:v2+s11+$0x0], $0xffff  }
0x7b: {  	v3 =	vld.idx.msk [tilespmem:v3+s11+$0x0], $0xffff  }
0x7c: {  	v4 =	vld.idx.msk [tilespmem:v4+s11+$0x0], $0xffff  }
0x7d: {  	v5 =	vld.idx.msk [tilespmem:v5+s11+$0x0], $0xffff  }
0x7e: {  	v6 =	vld.idx.msk [tilespmem:v6+s11+$0x0], $0xffff  }
0x7f: {  	v7 =	vld.idx.msk [tilespmem:v7+s11+$0x0], $0xffff;
	[tilespmem:$0x1C900] =	vst v0  }
0x80: {  	[tilespmem:$0x1C910] =	vst v1  }
0x81: {  	[tilespmem:$0x1C920] =	vst v2  }
0x82: {  	[tilespmem:$0x1C930] =	vst v3  }
0x83: {  	[tilespmem:$0x1C940] =	vst v4  }
0x84: {  	[tilespmem:$0x1C950] =	vst v5  }
0x85: {  	[tilespmem:$0x1C960] =	vst v6  }
0x86: {  	[tilespmem:$0x1C970] =	vst v7  }
0x87: {  	v0 =	vld [tilespmem:s18+$0x180]  }
0x88: {  	v1 =	vld [tilespmem:s18+$0x190]  }
0x89: {  	v2 =	vld [tilespmem:s18+$0x1A0]  }
0x8a: {  	v3 =	vld [tilespmem:s18+$0x1B0]  }
0x8b: {  	v4 =	vld [tilespmem:s18+$0x1C0]  }
0x8c: {  	v5 =	vld [tilespmem:s18+$0x1D0]  }
0x8d: {  	v6 =	vld [tilespmem:s18+$0x1E0]  }
0x8e: {  	v7 =	vld [tilespmem:s18+$0x1F0]  }
0x8f: {  	v0 =	vld.idx.msk [tilespmem:v0+s11+$0x0], $0xffff  }
0x90: {  	v1 =	vld.idx.msk [tilespmem:v1+s11+$0x0], $0xffff  }
0x91: {  	v2 =	vld.idx.msk [tilespmem:v2+s11+$0x0], $0xffff  }
0x92: {  	v3 =	vld.idx.msk [tilespmem:v3+s11+$0x0], $0xffff  }
0x93: {  	v4 =	vld.idx.msk [tilespmem:v4+s11+$0x0], $0xffff  }
0x94: {  	v5 =	vld.idx.msk [tilespmem:v5+s11+$0x0], $0xffff  }
0x95: {  	v6 =	vld.idx.msk [tilespmem:v6+s11+$0x0], $0xffff  }
0x96: {  	v7 =	vld.idx.msk [tilespmem:v7+s11+$0x0], $0xffff;
	[tilespmem:$0x1CA00] =	vst v0  }
0x97: {  	[tilespmem:$0x1CA10] =	vst v1  }
0x98: {  	[tilespmem:$0x1CA20] =	vst v2  }
0x99: {  	[tilespmem:$0x1CA30] =	vst v3  }
0x9a: {  	[tilespmem:$0x1CA40] =	vst v4  }
0x9b: {  	[tilespmem:$0x1CA50] =	vst v5  }
0x9c: {  	[tilespmem:$0x1CA60] =	vst v6  }
0x9d: {  	[tilespmem:$0x1CA70] =	vst v7  }
0x9e: {  	v0 =	vld [tilespmem:s18+$0x200]  }
0x9f: {  	v1 =	vld [tilespmem:s18+$0x210]  }
0xa0: {  	v2 =	vld [tilespmem:s18+$0x220]  }
0xa1: {  	v3 =	vld [tilespmem:s18+$0x230]  }
0xa2: {  	v4 =	vld [tilespmem:s18+$0x240]  }
0xa3: {  	v5 =	vld [tilespmem:s18+$0x250]  }
0xa4: {  	v6 =	vld [tilespmem:s18+$0x260]  }
0xa5: {  	v7 =	vld [tilespmem:s18+$0x270]  }
0xa6: {  	v0 =	vld.idx.msk [tilespmem:v0+s11+$0x0], $0xffff  }
0xa7: {  	v1 =	vld.idx.msk [tilespmem:v1+s11+$0x0], $0xffff  }
0xa8: {  	v2 =	vld.idx.msk [tilespmem:v2+s11+$0x0], $0xffff  }
0xa9: {  	v3 =	vld.idx.msk [tilespmem:v3+s11+$0x0], $0xffff  }
0xaa: {  	v4 =	vld.idx.msk [tilespmem:v4+s11+$0x0], $0xffff  }
0xab: {  	v5 =	vld.idx.msk [tilespmem:v5+s11+$0x0], $0xffff  }
0xac: {  	v6 =	vld.idx.msk [tilespmem:v6+s11+$0x0], $0xffff  }
0xad: {  	v7 =	vld.idx.msk [tilespmem:v7+s11+$0x0], $0xffff;
	[tilespmem:$0x1CB00] =	vst v0  }
0xae: {  	[tilespmem:$0x1CB10] =	vst v1  }
0xaf: {  	[tilespmem:$0x1CB20] =	vst v2  }
0xb0: {  	[tilespmem:$0x1CB30] =	vst v3  }
0xb1: {  	[tilespmem:$0x1CB40] =	vst v4  }
0xb2: {  	[tilespmem:$0x1CB50] =	vst v5  }
0xb3: {  	[tilespmem:$0x1CB60] =	vst v6  }
0xb4: {  	[tilespmem:$0x1CB70] =	vst v7  }
0xb5: {  	v0 =	vld [tilespmem:s18+$0x280]  }
0xb6: {  	v1 =	vld [tilespmem:s18+$0x290]  }
0xb7: {  	v2 =	vld [tilespmem:s18+$0x2A0]  }
0xb8: {  	v3 =	vld [tilespmem:s18+$0x2B0]  }
0xb9: {  	v4 =	vld [tilespmem:s18+$0x2C0]  }
0xba: {  	v5 =	vld [tilespmem:s18+$0x2D0]  }
0xbb: {  	v6 =	vld [tilespmem:s18+$0x2E0]  }
0xbc: {  	v7 =	vld [tilespmem:s18+$0x2F0]  }
0xbd: {  	v0 =	vld.idx.msk [tilespmem:v0+s11+$0x0], $0xffff  }
0xbe: {  	v1 =	vld.idx.msk [tilespmem:v1+s11+$0x0], $0xffff  }
0xbf: {  	v2 =	vld.idx.msk [tilespmem:v2+s11+$0x0], $0xffff  }
0xc0: {  	v3 =	vld.idx.msk [tilespmem:v3+s11+$0x0], $0xffff  }
0xc1: {  	v4 =	vld.idx.msk [tilespmem:v4+s11+$0x0], $0xffff  }
0xc2: {  	v5 =	vld.idx.msk [tilespmem:v5+s11+$0x0], $0xffff  }
0xc3: {  	v6 =	vld.idx.msk [tilespmem:v6+s11+$0x0], $0xffff  }
0xc4: {  	v7 =	vld.idx.msk [tilespmem:v7+s11+$0x0], $0xffff;
	[tilespmem:$0x1CC00] =	vst v0  }
0xc5: {  	[tilespmem:$0x1CC10] =	vst v1  }
0xc6: {  	[tilespmem:$0x1CC20] =	vst v2  }
0xc7: {  	[tilespmem:$0x1CC30] =	vst v3  }
0xc8: {  	[tilespmem:$0x1CC40] =	vst v4  }
0xc9: {  	[tilespmem:$0x1CC50] =	vst v5  }
0xca: {  	[tilespmem:$0x1CC60] =	vst v6  }
0xcb: {  	[tilespmem:$0x1CC70] =	vst v7  }
0xcc: {  	v0 =	vld [tilespmem:s18+$0x300]  }
0xcd: {  	v1 =	vld [tilespmem:s18+$0x310]  }
0xce: {  	v2 =	vld [tilespmem:s18+$0x320]  }
0xcf: {  	v3 =	vld [tilespmem:s18+$0x330]  }
0xd0: {  	v4 =	vld [tilespmem:s18+$0x340]  }
0xd1: {  	v5 =	vld [tilespmem:s18+$0x350]  }
0xd2: {  	v6 =	vld [tilespmem:s18+$0x360]  }
0xd3: {  	v7 =	vld [tilespmem:s18+$0x370]  }
0xd4: {  	v0 =	vld.idx.msk [tilespmem:v0+s11+$0x0], $0xffff  }
0xd5: {  	v1 =	vld.idx.msk [tilespmem:v1+s11+$0x0], $0xffff  }
0xd6: {  	v2 =	vld.idx.msk [tilespmem:v2+s11+$0x0], $0xffff  }
0xd7: {  	v3 =	vld.idx.msk [tilespmem:v3+s11+$0x0], $0xffff  }
0xd8: {  	v4 =	vld.idx.msk [tilespmem:v4+s11+$0x0], $0xffff  }
0xd9: {  	v5 =	vld.idx.msk [tilespmem:v5+s11+$0x0], $0xffff  }
0xda: {  	v6 =	vld.idx.msk [tilespmem:v6+s11+$0x0], $0xffff  }
0xdb: {  	v7 =	vld.idx.msk [tilespmem:v7+s11+$0x0], $0xffff;
	[tilespmem:$0x1CD00] =	vst v0  }
0xdc: {  	[tilespmem:$0x1CD10] =	vst v1  }
0xdd: {  	[tilespmem:$0x1CD20] =	vst v2  }
0xde: {  	[tilespmem:$0x1CD30] =	vst v3  }
0xdf: {  	[tilespmem:$0x1CD40] =	vst v4  }
0xe0: {  	[tilespmem:$0x1CD50] =	vst v5  }
0xe1: {  	[tilespmem:$0x1CD60] =	vst v6  }
0xe2: {  	[tilespmem:$0x1CD70] =	vst v7  }
0xe3: {  	v0 =	vld [tilespmem:s18+$0x380]  }
0xe4: {  	v1 =	vld [tilespmem:s18+$0x390]  }
0xe5: {  	v2 =	vld [tilespmem:s18+$0x3A0]  }
0xe6: {  	v3 =	vld [tilespmem:s18+$0x3B0]  }
0xe7: {  	v4 =	vld [tilespmem:s18+$0x3C0]  }
0xe8: {  	v5 =	vld [tilespmem:s18+$0x3D0]  }
0xe9: {  	v6 =	vld [tilespmem:s18+$0x3E0]  }
0xea: {  	v7 =	vld [tilespmem:s18+$0x3F0]  }
0xeb: {  	v0 =	vld.idx.msk [tilespmem:v0+s11+$0x0], $0xffff  }
0xec: {  	v1 =	vld.idx.msk [tilespmem:v1+s11+$0x0], $0xffff  }
0xed: {  	v2 =	vld.idx.msk [tilespmem:v2+s11+$0x0], $0xffff  }
0xee: {  	v3 =	vld.idx.msk [tilespmem:v3+s11+$0x0], $0xffff  }
0xef: {  	v4 =	vld.idx.msk [tilespmem:v4+s11+$0x0], $0xffff  }
0xf0: {  	v5 =	vld.idx.msk [tilespmem:v5+s11+$0x0], $0xffff  }
0xf1: {  	v6 =	vld.idx.msk [tilespmem:v6+s11+$0x0], $0xffff  }
0xf2: {  	v7 =	vld.idx.msk [tilespmem:v7+s11+$0x0], $0xffff;
	[tilespmem:$0x1CE00] =	vst v0  }
0xf3: {  	[tilespmem:$0x1CE10] =	vst v1  }
0xf4: {  	[tilespmem:$0x1CE20] =	vst v2  }
0xf5: {  	[tilespmem:$0x1CE30] =	vst v3  }
0xf6: {  	[tilespmem:$0x1CE40] =	vst v4  }
0xf7: {  	[tilespmem:$0x1CE50] =	vst v5  }
0xf8: {  	[tilespmem:$0x1CE60] =	vst v6  }
0xf9: {  	[tilespmem:$0x1CE70] =	vst v7  }
0xfa: {  	v0 =	vld [tilespmem:s18+$0x400]  }
0xfb: {  	v1 =	vld [tilespmem:s18+$0x410]  }
0xfc: {  	v2 =	vld [tilespmem:s18+$0x420]  }
0xfd: {  	v3 =	vld [tilespmem:s18+$0x430]  }
0xfe: {  	v4 =	vld [tilespmem:s18+$0x440]  }
0xff: {  	v5 =	vld [tilespmem:s18+$0x450]  }
0x100: {  	v6 =	vld [tilespmem:s18+$0x460]  }
0x101: {  	v7 =	vld [tilespmem:s18+$0x470]  }
0x102: {  	v0 =	vld.idx.msk [tilespmem:v0+s11+$0x0], $0xffff  }
0x103: {  	v1 =	vld.idx.msk [tilespmem:v1+s11+$0x0], $0xffff  }
0x104: {  	v2 =	vld.idx.msk [tilespmem:v2+s11+$0x0], $0xffff  }
0x105: {  	v3 =	vld.idx.msk [tilespmem:v3+s11+$0x0], $0xffff  }
0x106: {  	v4 =	vld.idx.msk [tilespmem:v4+s11+$0x0], $0xffff  }
0x107: {  	v5 =	vld.idx.msk [tilespmem:v5+s11+$0x0], $0xffff  }
0x108: {  	v6 =	vld.idx.msk [tilespmem:v6+s11+$0x0], $0xffff  }
0x109: {  	v7 =	vld.idx.msk [tilespmem:v7+s11+$0x0], $0xffff;
	[tilespmem:$0x1CF00] =	vst v0  }
0x10a: {  	[tilespmem:$0x1CF10] =	vst v1  }
0x10b: {  	[tilespmem:$0x1CF20] =	vst v2  }
0x10c: {  	[tilespmem:$0x1CF30] =	vst v3  }
0x10d: {  	[tilespmem:$0x1CF40] =	vst v4  }
0x10e: {  	[tilespmem:$0x1CF50] =	vst v5  }
0x10f: {  	[tilespmem:$0x1CF60] =	vst v6  }
0x110: {  	[tilespmem:$0x1CF70] =	vst v7  }
0x111: {  	v0 =	vld [tilespmem:s18+$0x480]  }
0x112: {  	v1 =	vld [tilespmem:s18+$0x490]  }
0x113: {  	v2 =	vld [tilespmem:s18+$0x4A0]  }
0x114: {  	v3 =	vld [tilespmem:s18+$0x4B0]  }
0x115: {  	v4 =	vld [tilespmem:s18+$0x4C0]  }
0x116: {  	v5 =	vld [tilespmem:s18+$0x4D0]  }
0x117: {  	v6 =	vld [tilespmem:s18+$0x4E0]  }
0x118: {  	v7 =	vld [tilespmem:s18+$0x4F0]  }
0x119: {  	v0 =	vld.idx.msk [tilespmem:v0+s11+$0x0], $0xffff  }
0x11a: {  	v1 =	vld.idx.msk [tilespmem:v1+s11+$0x0], $0xffff  }
0x11b: {  	v2 =	vld.idx.msk [tilespmem:v2+s11+$0x0], $0xffff  }
0x11c: {  	v3 =	vld.idx.msk [tilespmem:v3+s11+$0x0], $0xffff  }
0x11d: {  	v4 =	vld.idx.msk [tilespmem:v4+s11+$0x0], $0xffff  }
0x11e: {  	v5 =	vld.idx.msk [tilespmem:v5+s11+$0x0], $0xffff  }
0x11f: {  	v6 =	vld.idx.msk [tilespmem:v6+s11+$0x0], $0xffff  }
0x120: {  	v7 =	vld.idx.msk [tilespmem:v7+s11+$0x0], $0xffff;
	[tilespmem:$0x1D000] =	vst v0  }
0x121: {  	[tilespmem:$0x1D010] =	vst v1  }
0x122: {  	[tilespmem:$0x1D020] =	vst v2  }
0x123: {  	[tilespmem:$0x1D030] =	vst v3  }
0x124: {  	[tilespmem:$0x1D040] =	vst v4  }
0x125: {  	[tilespmem:$0x1D050] =	vst v5  }
0x126: {  	[tilespmem:$0x1D060] =	vst v6  }
0x127: {  	[tilespmem:$0x1D070] =	vst v7  }
0x128: {  	v0 =	vld [tilespmem:s18+$0x500]  }
0x129: {  	v1 =	vld [tilespmem:s18+$0x510]  }
0x12a: {  	v2 =	vld [tilespmem:s18+$0x520]  }
0x12b: {  	v3 =	vld [tilespmem:s18+$0x530]  }
0x12c: {  	v4 =	vld [tilespmem:s18+$0x540]  }
0x12d: {  	v5 =	vld [tilespmem:s18+$0x550]  }
0x12e: {  	v6 =	vld [tilespmem:s18+$0x560]  }
0x12f: {  	v7 =	vld [tilespmem:s18+$0x570]  }
0x130: {  	v0 =	vld.idx.msk [tilespmem:v0+s11+$0x0], $0xffff  }
0x131: {  	v1 =	vld.idx.msk [tilespmem:v1+s11+$0x0], $0xffff  }
0x132: {  	v2 =	vld.idx.msk [tilespmem:v2+s11+$0x0], $0xffff  }
0x133: {  	v3 =	vld.idx.msk [tilespmem:v3+s11+$0x0], $0xffff  }
0x134: {  	v4 =	vld.idx.msk [tilespmem:v4+s11+$0x0], $0xffff  }
0x135: {  	v5 =	vld.idx.msk [tilespmem:v5+s11+$0x0], $0xffff  }
0x136: {  	v6 =	vld.idx.msk [tilespmem:v6+s11+$0x0], $0xffff  }
0x137: {  	v7 =	vld.idx.msk [tilespmem:v7+s11+$0x0], $0xffff;
	[tilespmem:$0x1D100] =	vst v0  }
0x138: {  	[tilespmem:$0x1D110] =	vst v1  }
0x139: {  	[tilespmem:$0x1D120] =	vst v2  }
0x13a: {  	[tilespmem:$0x1D130] =	vst v3  }
0x13b: {  	[tilespmem:$0x1D140] =	vst v4  }
0x13c: {  	[tilespmem:$0x1D150] =	vst v5  }
0x13d: {  	[tilespmem:$0x1D160] =	vst v6  }
0x13e: {  	[tilespmem:$0x1D170] =	vst v7  }
0x13f: {  	v0 =	vld [tilespmem:s18+$0x580]  }
0x140: {  	v1 =	vld [tilespmem:s18+$0x590]  }
0x141: {  	v2 =	vld [tilespmem:s18+$0x5A0]  }
0x142: {  	v3 =	vld [tilespmem:s18+$0x5B0]  }
0x143: {  	v4 =	vld [tilespmem:s18+$0x5C0]  }
0x144: {  	v5 =	vld [tilespmem:s18+$0x5D0]  }
0x145: {  	v6 =	vld [tilespmem:s18+$0x5E0]  }
0x146: {  	v7 =	vld [tilespmem:s18+$0x5F0]  }
0x147: {  	v0 =	vld.idx.msk [tilespmem:v0+s11+$0x0], $0xffff  }
0x148: {  	v1 =	vld.idx.msk [tilespmem:v1+s11+$0x0], $0xffff  }
0x149: {  	v2 =	vld.idx.msk [tilespmem:v2+s11+$0x0], $0xffff  }
0x14a: {  	v3 =	vld.idx.msk [tilespmem:v3+s11+$0x0], $0xffff  }
0x14b: {  	v4 =	vld.idx.msk [tilespmem:v4+s11+$0x0], $0xffff  }
0x14c: {  	v5 =	vld.idx.msk [tilespmem:v5+s11+$0x0], $0xffff  }
0x14d: {  	v6 =	vld.idx.msk [tilespmem:v6+s11+$0x0], $0xffff  }
0x14e: {  	v7 =	vld.idx.msk [tilespmem:v7+s11+$0x0], $0xffff;
	[tilespmem:$0x1D200] =	vst v0  }
0x14f: {  	[tilespmem:$0x1D210] =	vst v1  }
0x150: {  	[tilespmem:$0x1D220] =	vst v2  }
0x151: {  	[tilespmem:$0x1D230] =	vst v3  }
0x152: {  	[tilespmem:$0x1D240] =	vst v4  }
0x153: {  	[tilespmem:$0x1D250] =	vst v5  }
0x154: {  	[tilespmem:$0x1D260] =	vst v6  }
0x155: {  	[tilespmem:$0x1D270] =	vst v7  }
0x156: {  	v0 =	vld [tilespmem:s18+$0x600]  }
0x157: {  	v1 =	vld [tilespmem:s18+$0x610]  }
0x158: {  	v2 =	vld [tilespmem:s18+$0x620]  }
0x159: {  	v3 =	vld [tilespmem:s18+$0x630]  }
0x15a: {  	v4 =	vld [tilespmem:s18+$0x640]  }
0x15b: {  	v5 =	vld [tilespmem:s18+$0x650]  }
0x15c: {  	v6 =	vld [tilespmem:s18+$0x660]  }
0x15d: {  	v7 =	vld [tilespmem:s18+$0x670]  }
0x15e: {  	v0 =	vld.idx.msk [tilespmem:v0+s11+$0x0], $0xffff  }
0x15f: {  	v1 =	vld.idx.msk [tilespmem:v1+s11+$0x0], $0xffff  }
0x160: {  	v2 =	vld.idx.msk [tilespmem:v2+s11+$0x0], $0xffff  }
0x161: {  	v3 =	vld.idx.msk [tilespmem:v3+s11+$0x0], $0xffff  }
0x162: {  	v4 =	vld.idx.msk [tilespmem:v4+s11+$0x0], $0xffff  }
0x163: {  	v5 =	vld.idx.msk [tilespmem:v5+s11+$0x0], $0xffff  }
0x164: {  	v6 =	vld.idx.msk [tilespmem:v6+s11+$0x0], $0xffff  }
0x165: {  	v7 =	vld.idx.msk [tilespmem:v7+s11+$0x0], $0xffff;
	[tilespmem:$0x1D300] =	vst v0  }
0x166: {  	[tilespmem:$0x1D310] =	vst v1  }
0x167: {  	[tilespmem:$0x1D320] =	vst v2  }
0x168: {  	[tilespmem:$0x1D330] =	vst v3  }
0x169: {  	[tilespmem:$0x1D340] =	vst v4  }
0x16a: {  	[tilespmem:$0x1D350] =	vst v5  }
0x16b: {  	[tilespmem:$0x1D360] =	vst v6  }
0x16c: {  	[tilespmem:$0x1D370] =	vst v7  }
0x16d: {  	v0 =	vld [tilespmem:s18+$0x680]  }
0x16e: {  	v1 =	vld [tilespmem:s18+$0x690]  }
0x16f: {  	v2 =	vld [tilespmem:s18+$0x6A0]  }
0x170: {  	v3 =	vld [tilespmem:s18+$0x6B0]  }
0x171: {  	v4 =	vld [tilespmem:s18+$0x6C0]  }
0x172: {  	v5 =	vld [tilespmem:s18+$0x6D0]  }
0x173: {  	v6 =	vld [tilespmem:s18+$0x6E0]  }
0x174: {  	v7 =	vld [tilespmem:s18+$0x6F0]  }
0x175: {  	v0 =	vld.idx.msk [tilespmem:v0+s11+$0x0], $0xffff  }
0x176: {  	v1 =	vld.idx.msk [tilespmem:v1+s11+$0x0], $0xffff  }
0x177: {  	v2 =	vld.idx.msk [tilespmem:v2+s11+$0x0], $0xffff  }
0x178: {  	v3 =	vld.idx.msk [tilespmem:v3+s11+$0x0], $0xffff  }
0x179: {  	v4 =	vld.idx.msk [tilespmem:v4+s11+$0x0], $0xffff  }
0x17a: {  	v5 =	vld.idx.msk [tilespmem:v5+s11+$0x0], $0xffff  }
0x17b: {  	v6 =	vld.idx.msk [tilespmem:v6+s11+$0x0], $0xffff  }
0x17c: {  	v7 =	vld.idx.msk [tilespmem:v7+s11+$0x0], $0xffff;
	[tilespmem:$0x1D400] =	vst v0  }
0x17d: {  	[tilespmem:$0x1D410] =	vst v1  }
0x17e: {  	[tilespmem:$0x1D420] =	vst v2  }
0x17f: {  	[tilespmem:$0x1D430] =	vst v3  }
0x180: {  	[tilespmem:$0x1D440] =	vst v4  }
0x181: {  	[tilespmem:$0x1D450] =	vst v5  }
0x182: {  	[tilespmem:$0x1D460] =	vst v6  }
0x183: {  	[tilespmem:$0x1D470] =	vst v7  }
0x184: {  	v49 =	vld [tilespmem:s18+$0x700]  }
0x185: {  	v50 =	vld [tilespmem:s18+$0x710]  }
0x186: {  	v51 =	vld [tilespmem:s18+$0x720]  }
0x187: {  	v52 =	vld [tilespmem:s18+$0x730]  }
0x188: {  	v53 =	vld [tilespmem:s18+$0x740]  }
0x189: {  	v54 =	vld [tilespmem:s18+$0x750]  }
0x18a: {  	v55 =	vld [tilespmem:s18+$0x760]  }
0x18b: {  	v7 =	vld [tilespmem:s18+$0x770]  }
0x18c: {  	v0 =	vld.idx.msk [tilespmem:v49+s11+$0x0], $0xffff  }
0x18d: {  	v1 =	vld.idx.msk [tilespmem:v50+s11+$0x0], $0xffff  }
0x18e: {  	v2 =	vld.idx.msk [tilespmem:v51+s11+$0x0], $0xffff  }
0x18f: {  	v3 =	vld.idx.msk [tilespmem:v52+s11+$0x0], $0xffff  }
0x190: {  	v4 =	vld.idx.msk [tilespmem:v53+s11+$0x0], $0xffff  }
0x191: {  	v5 =	vld.idx.msk [tilespmem:v54+s11+$0x0], $0xffff  }
0x192: {  	v6 =	vld.idx.msk [tilespmem:v55+s11+$0x0], $0xffff  }
0x193: {  	v7 =	vld.idx.msk [tilespmem:v7+s11+$0x0], $0xffff;
	[tilespmem:$0x1D500] =	vst v0  }
0x194: {  	[tilespmem:$0x1D510] =	vst v1  }
0x195: {  	[tilespmem:$0x1D520] =	vst v2  }
0x196: {  	[tilespmem:$0x1D530] =	vst v3  }
0x197: {  	[tilespmem:$0x1D540] =	vst v4  }
0x198: {  	[tilespmem:$0x1D550] =	vst v5  }
0x199: {  	[tilespmem:$0x1D560] =	vst v6  }
0x19a: {  	[tilespmem:$0x1D570] =	vst v7  }
0x19b: {  	v0 =	vld [tilespmem:s18+$0x780]  }
0x19c: {  	v1 =	vld [tilespmem:s18+$0x790]  }
0x19d: {  	v2 =	vld [tilespmem:s18+$0x7A0]  }
0x19e: {  	v3 =	vld [tilespmem:s18+$0x7B0]  }
0x19f: {  	v4 =	vld [tilespmem:s18+$0x7C0]  }
0x1a0: {  	v5 =	vld [tilespmem:s18+$0x7D0]  }
0x1a1: {  	v6 =	vld [tilespmem:s18+$0x7E0]  }
0x1a2: {  	v7 =	vld [tilespmem:s18+$0x7F0]  }
0x1a3: {  	v0 =	vld.idx.msk [tilespmem:v0+s11+$0x0], $0xffff  }
0x1a4: {  	v1 =	vld.idx.msk [tilespmem:v1+s11+$0x0], $0xffff  }
0x1a5: {  	v2 =	vld.idx.msk [tilespmem:v2+s11+$0x0], $0xffff  }
0x1a6: {  	v3 =	vld.idx.msk [tilespmem:v3+s11+$0x0], $0xffff  }
0x1a7: {  	v4 =	vld.idx.msk [tilespmem:v4+s11+$0x0], $0xffff  }
0x1a8: {  	v5 =	vld.idx.msk [tilespmem:v5+s11+$0x0], $0xffff  }
0x1a9: {  	v6 =	vld.idx.msk [tilespmem:v6+s11+$0x0], $0xffff  }
0x1aa: {  	v7 =	vld.idx.msk [tilespmem:v7+s11+$0x0], $0xffff;
	[tilespmem:$0x1D600] =	vst v0  }
0x1ab: {  	[tilespmem:$0x1D610] =	vst v1  }
0x1ac: {  	[tilespmem:$0x1D620] =	vst v2  }
0x1ad: {  	[tilespmem:$0x1D630] =	vst v3  }
0x1ae: {  	s19 =	sshll.u32 s17, $0xF;
	[tilespmem:$0x1D640] =	vst v4  }
0x1af: {  	s19 =	sadd.s32 s16, s19;
	[tilespmem:$0x1D650] =	vst v5  }
0x1b0: {  	s19 =	sshrl.u32 s19, $0x3;
	[tilespmem:$0x1D660] =	vst v6  }
0x1b1: {  	s19 =	sadd.s32 s3, s19;
	s20 =	rddreg [dreg:$0x5];
	[tilespmem:$0x1D670] =	vst v7  }
0x1b2: {  	[hbm4b:s19+s4] =	stream.linear.scatter [tilespmem:s20], [sflag:$0x1], $0x80, $0x38;
	[tilespmem:$0x1D700] =	vst v63  }
0x1b3: {  	s29 =	sadd.s32 $0x80, s19;
	s21 =	rddreg [dreg:$0x6]  }
0x1b4: {  	[hbm4b:s29+s4] =	stream.linear.scatter [tilespmem:s21], [sflag:$0x1], $0x80, $0x38;
	[tilespmem:$0x1D700] =	vst v63  }
0x1b5: {  	s30 =	sadd.s32 $0x100, s19;
	s22 =	rddreg [dreg:$0x7]  }
0x1b6: {  	[hbm4b:s30+s4] =	stream.linear.scatter [tilespmem:s22], [sflag:$0x1], $0x80, $0x38;
	[tilespmem:$0x1D700] =	vst v63  }
0x1b7: {  	s23 =	sadd.s32 $0x180, s19;
	s31 =	rddreg [dreg:$0x8]  }
0x1b8: {  	[hbm4b:s23+s4] =	stream.linear.scatter [tilespmem:s31], [sflag:$0x1], $0x80, $0x38;
	[tilespmem:$0x1D700] =	vst v63  }
0x1b9: {  	s25 =	sadd.s32 $0x200, s19;
	s24 =	rddreg [dreg:$0x9]  }
0x1ba: {  	[hbm4b:s25+s4] =	stream.linear.scatter [tilespmem:s24], [sflag:$0x1], $0x80, $0x38;
	[tilespmem:$0x1D700] =	vst v63  }
0x1bb: {  	s28 =	sadd.s32 $0x280, s19;
	s26 =	rddreg [dreg:$0xa]  }
0x1bc: {  	[hbm4b:s28+s4] =	stream.linear.scatter [tilespmem:s26], [sflag:$0x1], $0x80, $0x38;
	[tilespmem:$0x1D700] =	vst v63  }
0x1bd: {  	s29 =	rddreg [dreg:$0xb];
	s30 =	sadd.s32 $0x300, s19  }
0x1be: {  	[hbm4b:s30+s4] =	stream.linear.scatter [tilespmem:s29], [sflag:$0x1], $0x80, $0x38;
	[tilespmem:$0x1D700] =	vst v63  }
0x1bf: {  	s31 =	rddreg [dreg:$0xc];
	s23 =	sadd.s32 $0x380, s19  }
0x1c0: {  	[hbm4b:s23+s4] =	stream.linear.scatter [tilespmem:s31], [sflag:$0x1], $0x80, $0x38;
	[tilespmem:$0x1D700] =	vst v63  }
0x1c1: {  	s24 =	rddreg [dreg:$0xd];
	s25 =	sadd.s32 $0x400, s19  }
0x1c2: {  	[hbm4b:s25+s4] =	stream.linear.scatter [tilespmem:s24], [sflag:$0x1], $0x80, $0x38;
	[tilespmem:$0x1D700] =	vst v63  }
0x1c3: {  	s26 =	rddreg [dreg:$0xe];
	s28 =	sadd.s32 $0x480, s19  }
0x1c4: {  	[hbm4b:s28+s4] =	stream.linear.scatter [tilespmem:s26], [sflag:$0x1], $0x80, $0x38;
	[tilespmem:$0x1D700] =	vst v63  }
0x1c5: {  	s29 =	rddreg [dreg:$0xf];
	s30 =	sadd.s32 $0x500, s19  }
0x1c6: {  	[hbm4b:s30+s4] =	stream.linear.scatter [tilespmem:s29], [sflag:$0x1], $0x80, $0x38;
	[tilespmem:$0x1D700] =	vst v63  }
0x1c7: {  	s22 =	sadd.s32 $0x580, s19;
	s31 =	rddreg [dreg:$0x10]  }
0x1c8: {  	[hbm4b:s22+s4] =	stream.linear.scatter [tilespmem:s31], [sflag:$0x1], $0x80, $0x38;
	[tilespmem:$0x1D700] =	vst v63  }
0x1c9: {  	s23 =	rddreg [dreg:$0x11];
	s24 =	sadd.s32 $0x600, s19  }
0x1ca: {  	[hbm4b:s24+s4] =	stream.linear.scatter [tilespmem:s23], [sflag:$0x1], $0x80, $0x38;
	[tilespmem:$0x1D700] =	vst v63  }
0x1cb: {  	s25 =	rddreg [dreg:$0x12];
	s26 =	sadd.s32 $0x680, s19  }
0x1cc: {  	[hbm4b:s26+s4] =	stream.linear.scatter [tilespmem:s25], [sflag:$0x1], $0x80, $0x38;
	[tilespmem:$0x1D700] =	vst v63  }
0x1cd: {  	s28 =	rddreg [dreg:$0x13];
	s29 =	sadd.s32 $0x700, s19  }
0x1ce: {  	[hbm4b:s29+s4] =	stream.linear.scatter [tilespmem:s28], [sflag:$0x1], $0x80, $0x38;
	[tilespmem:$0x1D700] =	vst v63  }
0x1cf: {  	s30 =	rddreg [dreg:$0x14];
	s19 =	sadd.s32 $0x780, s19  }
0x1d0: {  	[hbm4b:s19+s4] =	stream.linear.scatter [tilespmem:s30], [sflag:$0x1], $0x80, $0x38;
	[tilespmem:$0x1D700] =	vst v63  }
0x1d1: {  	s19 =	simm.s32 @!p0 $0x2  }
0x1d2: {  	_ =	swait.ge @!p0 [sflag:s19], $0x800  }
0x1d3: {  	[sflag:s19] =	ssyncset.done @!p0 $0x0  }
0x1d4: {  	s31 =	sor.u32 $0x800, s18;
	[sflag:s19] =	ssyncadd.s32 @!p0 $0xFFFFF800  }
0x1d5: {  	v56 =	vld [tilespmem:s31+$0x0]  }
0x1d6: {  	v57 =	vld [tilespmem:s18+$0x810]  }
0x1d7: {  	v58 =	vld [tilespmem:s18+$0x820]  }
0x1d8: {  	v59 =	vld [tilespmem:s18+$0x830]  }
0x1d9: {  	v60 =	vld [tilespmem:s18+$0x840]  }
0x1da: {  	v61 =	vld [tilespmem:s18+$0x850]  }
0x1db: {  	v62 =	vld [tilespmem:s18+$0x860]  }
0x1dc: {  	v63 =	vld [tilespmem:s18+$0x870]  }
0x1dd: {  	v0 =	vld.idx.msk [tilespmem:v56+s11+$0x0], $0xffff  }
0x1de: {  	v1 =	vld.idx.msk [tilespmem:v57+s11+$0x0], $0xffff  }
0x1df: {  	v2 =	vld.idx.msk [tilespmem:v58+s11+$0x0], $0xffff  }
0x1e0: {  	v3 =	vld.idx.msk [tilespmem:v59+s11+$0x0], $0xffff  }
0x1e1: {  	v4 =	vld.idx.msk [tilespmem:v60+s11+$0x0], $0xffff  }
0x1e2: {  	v5 =	vld.idx.msk [tilespmem:v61+s11+$0x0], $0xffff  }
0x1e3: {  	v6 =	vld.idx.msk [tilespmem:v62+s11+$0x0], $0xffff  }
0x1e4: {  	v7 =	vld.idx.msk [tilespmem:v63+s11+$0x0], $0xffff;
	[tilespmem:$0x1C780] =	vst v0  }
0x1e5: {  	[tilespmem:$0x1C790] =	vst v1  }
0x1e6: {  	[tilespmem:$0x1C7A0] =	vst v2  }
0x1e7: {  	[tilespmem:$0x1C7B0] =	vst v3  }
0x1e8: {  	[tilespmem:$0x1C7C0] =	vst v4  }
0x1e9: {  	[tilespmem:$0x1C7D0] =	vst v5  }
0x1ea: {  	[tilespmem:$0x1C7E0] =	vst v6  }
0x1eb: {  	[tilespmem:$0x1C7F0] =	vst v7  }
0x1ec: {  	v0 =	vld [tilespmem:s18+$0x880]  }
0x1ed: {  	v1 =	vld [tilespmem:s18+$0x890]  }
0x1ee: {  	v2 =	vld [tilespmem:s18+$0x8A0]  }
0x1ef: {  	v3 =	vld [tilespmem:s18+$0x8B0]  }
0x1f0: {  	v4 =	vld [tilespmem:s18+$0x8C0]  }
0x1f1: {  	v5 =	vld [tilespmem:s18+$0x8D0]  }
0x1f2: {  	v6 =	vld [tilespmem:s18+$0x8E0]  }
0x1f3: {  	v7 =	vld [tilespmem:s18+$0x8F0]  }
0x1f4: {  	v0 =	vld.idx.msk [tilespmem:v0+s11+$0x0], $0xffff  }
0x1f5: {  	v1 =	vld.idx.msk [tilespmem:v1+s11+$0x0], $0xffff  }
0x1f6: {  	v2 =	vld.idx.msk [tilespmem:v2+s11+$0x0], $0xffff  }
0x1f7: {  	v3 =	vld.idx.msk [tilespmem:v3+s11+$0x0], $0xffff  }
0x1f8: {  	v4 =	vld.idx.msk [tilespmem:v4+s11+$0x0], $0xffff  }
0x1f9: {  	v5 =	vld.idx.msk [tilespmem:v5+s11+$0x0], $0xffff  }
0x1fa: {  	v6 =	vld.idx.msk [tilespmem:v6+s11+$0x0], $0xffff  }
0x1fb: {  	v7 =	vld.idx.msk [tilespmem:v7+s11+$0x0], $0xffff;
	[tilespmem:$0x1C880] =	vst v0  }
0x1fc: {  	[tilespmem:$0x1C890] =	vst v1  }
0x1fd: {  	[tilespmem:$0x1C8A0] =	vst v2  }
0x1fe: {  	[tilespmem:$0x1C8B0] =	vst v3  }
0x1ff: {  	[tilespmem:$0x1C8C0] =	vst v4  }
0x200: {  	[tilespmem:$0x1C8D0] =	vst v5  }
0x201: {  	[tilespmem:$0x1C8E0] =	vst v6  }
0x202: {  	[tilespmem:$0x1C8F0] =	vst v7  }
0x203: {  	v0 =	vld [tilespmem:s18+$0x900]  }
0x204: {  	v1 =	vld [tilespmem:s18+$0x910]  }
0x205: {  	v2 =	vld [tilespmem:s18+$0x920]  }
0x206: {  	v3 =	vld [tilespmem:s18+$0x930]  }
0x207: {  	v4 =	vld [tilespmem:s18+$0x940]  }
0x208: {  	v5 =	vld [tilespmem:s18+$0x950]  }
0x209: {  	v6 =	vld [tilespmem:s18+$0x960]  }
0x20a: {  	v7 =	vld [tilespmem:s18+$0x970]  }
0x20b: {  	v0 =	vld.idx.msk [tilespmem:v0+s11+$0x0], $0xffff  }
0x20c: {  	v1 =	vld.idx.msk [tilespmem:v1+s11+$0x0], $0xffff  }
0x20d: {  	v2 =	vld.idx.msk [tilespmem:v2+s11+$0x0], $0xffff  }
0x20e: {  	v3 =	vld.idx.msk [tilespmem:v3+s11+$0x0], $0xffff  }
0x20f: {  	v4 =	vld.idx.msk [tilespmem:v4+s11+$0x0], $0xffff  }
0x210: {  	v5 =	vld.idx.msk [tilespmem:v5+s11+$0x0], $0xffff  }
0x211: {  	v6 =	vld.idx.msk [tilespmem:v6+s11+$0x0], $0xffff  }
0x212: {  	v7 =	vld.idx.msk [tilespmem:v7+s11+$0x0], $0xffff;
	[tilespmem:$0x1C980] =	vst v0  }
0x213: {  	[tilespmem:$0x1C990] =	vst v1  }
0x214: {  	[tilespmem:$0x1C9A0] =	vst v2  }
0x215: {  	[tilespmem:$0x1C9B0] =	vst v3  }
0x216: {  	[tilespmem:$0x1C9C0] =	vst v4  }
0x217: {  	[tilespmem:$0x1C9D0] =	vst v5  }
0x218: {  	[tilespmem:$0x1C9E0] =	vst v6  }
0x219: {  	[tilespmem:$0x1C9F0] =	vst v7  }
0x21a: {  	v0 =	vld [tilespmem:s18+$0x980]  }
0x21b: {  	v1 =	vld [tilespmem:s18+$0x990]  }
0x21c: {  	v2 =	vld [tilespmem:s18+$0x9A0]  }
0x21d: {  	v3 =	vld [tilespmem:s18+$0x9B0]  }
0x21e: {  	v4 =	vld [tilespmem:s18+$0x9C0]  }
0x21f: {  	v5 =	vld [tilespmem:s18+$0x9D0]  }
0x220: {  	v6 =	vld [tilespmem:s18+$0x9E0]  }
0x221: {  	v7 =	vld [tilespmem:s18+$0x9F0]  }
0x222: {  	v0 =	vld.idx.msk [tilespmem:v0+s11+$0x0], $0xffff  }
0x223: {  	v1 =	vld.idx.msk [tilespmem:v1+s11+$0x0], $0xffff  }
0x224: {  	v2 =	vld.idx.msk [tilespmem:v2+s11+$0x0], $0xffff  }
0x225: {  	v3 =	vld.idx.msk [tilespmem:v3+s11+$0x0], $0xffff  }
0x226: {  	v4 =	vld.idx.msk [tilespmem:v4+s11+$0x0], $0xffff  }
0x227: {  	v5 =	vld.idx.msk [tilespmem:v5+s11+$0x0], $0xffff  }
0x228: {  	v6 =	vld.idx.msk [tilespmem:v6+s11+$0x0], $0xffff  }
0x229: {  	v7 =	vld.idx.msk [tilespmem:v7+s11+$0x0], $0xffff;
	[tilespmem:$0x1CA80] =	vst v0  }
0x22a: {  	[tilespmem:$0x1CA90] =	vst v1  }
0x22b: {  	[tilespmem:$0x1CAA0] =	vst v2  }
0x22c: {  	[tilespmem:$0x1CAB0] =	vst v3  }
0x22d: {  	[tilespmem:$0x1CAC0] =	vst v4  }
0x22e: {  	[tilespmem:$0x1CAD0] =	vst v5  }
0x22f: {  	[tilespmem:$0x1CAE0] =	vst v6  }
0x230: {  	[tilespmem:$0x1CAF0] =	vst v7  }
0x231: {  	v0 =	vld [tilespmem:s18+$0xA00]  }
0x232: {  	v1 =	vld [tilespmem:s18+$0xA10]  }
0x233: {  	v2 =	vld [tilespmem:s18+$0xA20]  }
0x234: {  	v3 =	vld [tilespmem:s18+$0xA30]  }
0x235: {  	v4 =	vld [tilespmem:s18+$0xA40]  }
0x236: {  	v5 =	vld [tilespmem:s18+$0xA50]  }
0x237: {  	v6 =	vld [tilespmem:s18+$0xA60]  }
0x238: {  	v7 =	vld [tilespmem:s18+$0xA70]  }
0x239: {  	v0 =	vld.idx.msk [tilespmem:v0+s11+$0x0], $0xffff  }
0x23a: {  	v1 =	vld.idx.msk [tilespmem:v1+s11+$0x0], $0xffff  }
0x23b: {  	v2 =	vld.idx.msk [tilespmem:v2+s11+$0x0], $0xffff  }
0x23c: {  	v3 =	vld.idx.msk [tilespmem:v3+s11+$0x0], $0xffff  }
0x23d: {  	v4 =	vld.idx.msk [tilespmem:v4+s11+$0x0], $0xffff  }
0x23e: {  	v5 =	vld.idx.msk [tilespmem:v5+s11+$0x0], $0xffff  }
0x23f: {  	v6 =	vld.idx.msk [tilespmem:v6+s11+$0x0], $0xffff  }
0x240: {  	v7 =	vld.idx.msk [tilespmem:v7+s11+$0x0], $0xffff;
	[tilespmem:$0x1CB80] =	vst v0  }
0x241: {  	[tilespmem:$0x1CB90] =	vst v1  }
0x242: {  	[tilespmem:$0x1CBA0] =	vst v2  }
0x243: {  	[tilespmem:$0x1CBB0] =	vst v3  }
0x244: {  	[tilespmem:$0x1CBC0] =	vst v4  }
0x245: {  	[tilespmem:$0x1CBD0] =	vst v5  }
0x246: {  	[tilespmem:$0x1CBE0] =	vst v6  }
0x247: {  	[tilespmem:$0x1CBF0] =	vst v7  }
0x248: {  	v0 =	vld [tilespmem:s18+$0xA80]  }
0x249: {  	v1 =	vld [tilespmem:s18+$0xA90]  }
0x24a: {  	v2 =	vld [tilespmem:s18+$0xAA0]  }
0x24b: {  	v3 =	vld [tilespmem:s18+$0xAB0]  }
0x24c: {  	v4 =	vld [tilespmem:s18+$0xAC0]  }
0x24d: {  	v5 =	vld [tilespmem:s18+$0xAD0]  }
0x24e: {  	v6 =	vld [tilespmem:s18+$0xAE0]  }
0x24f: {  	v7 =	vld [tilespmem:s18+$0xAF0]  }
0x250: {  	v0 =	vld.idx.msk [tilespmem:v0+s11+$0x0], $0xffff  }
0x251: {  	v1 =	vld.idx.msk [tilespmem:v1+s11+$0x0], $0xffff  }
0x252: {  	v2 =	vld.idx.msk [tilespmem:v2+s11+$0x0], $0xffff  }
0x253: {  	v3 =	vld.idx.msk [tilespmem:v3+s11+$0x0], $0xffff  }
0x254: {  	v4 =	vld.idx.msk [tilespmem:v4+s11+$0x0], $0xffff  }
0x255: {  	v5 =	vld.idx.msk [tilespmem:v5+s11+$0x0], $0xffff  }
0x256: {  	v6 =	vld.idx.msk [tilespmem:v6+s11+$0x0], $0xffff  }
0x257: {  	v7 =	vld.idx.msk [tilespmem:v7+s11+$0x0], $0xffff;
	[tilespmem:$0x1CC80] =	vst v0  }
0x258: {  	[tilespmem:$0x1CC90] =	vst v1  }
0x259: {  	[tilespmem:$0x1CCA0] =	vst v2  }
0x25a: {  	[tilespmem:$0x1CCB0] =	vst v3  }
0x25b: {  	[tilespmem:$0x1CCC0] =	vst v4  }
0x25c: {  	[tilespmem:$0x1CCD0] =	vst v5  }
0x25d: {  	[tilespmem:$0x1CCE0] =	vst v6  }
0x25e: {  	[tilespmem:$0x1CCF0] =	vst v7  }
0x25f: {  	v0 =	vld [tilespmem:s18+$0xB00]  }
0x260: {  	v1 =	vld [tilespmem:s18+$0xB10]  }
0x261: {  	v2 =	vld [tilespmem:s18+$0xB20]  }
0x262: {  	v3 =	vld [tilespmem:s18+$0xB30]  }
0x263: {  	v4 =	vld [tilespmem:s18+$0xB40]  }
0x264: {  	v5 =	vld [tilespmem:s18+$0xB50]  }
0x265: {  	v6 =	vld [tilespmem:s18+$0xB60]  }
0x266: {  	v7 =	vld [tilespmem:s18+$0xB70]  }
0x267: {  	v0 =	vld.idx.msk [tilespmem:v0+s11+$0x0], $0xffff  }
0x268: {  	v1 =	vld.idx.msk [tilespmem:v1+s11+$0x0], $0xffff  }
0x269: {  	v2 =	vld.idx.msk [tilespmem:v2+s11+$0x0], $0xffff  }
0x26a: {  	v3 =	vld.idx.msk [tilespmem:v3+s11+$0x0], $0xffff  }
0x26b: {  	v4 =	vld.idx.msk [tilespmem:v4+s11+$0x0], $0xffff  }
0x26c: {  	v5 =	vld.idx.msk [tilespmem:v5+s11+$0x0], $0xffff  }
0x26d: {  	v6 =	vld.idx.msk [tilespmem:v6+s11+$0x0], $0xffff  }
0x26e: {  	v7 =	vld.idx.msk [tilespmem:v7+s11+$0x0], $0xffff;
	[tilespmem:$0x1CD80] =	vst v0  }
0x26f: {  	[tilespmem:$0x1CD90] =	vst v1  }
0x270: {  	[tilespmem:$0x1CDA0] =	vst v2  }
0x271: {  	[tilespmem:$0x1CDB0] =	vst v3  }
0x272: {  	[tilespmem:$0x1CDC0] =	vst v4  }
0x273: {  	[tilespmem:$0x1CDD0] =	vst v5  }
0x274: {  	[tilespmem:$0x1CDE0] =	vst v6  }
0x275: {  	[tilespmem:$0x1CDF0] =	vst v7  }
0x276: {  	v0 =	vld [tilespmem:s18+$0xB80]  }
0x277: {  	v1 =	vld [tilespmem:s18+$0xB90]  }
0x278: {  	v2 =	vld [tilespmem:s18+$0xBA0]  }
0x279: {  	v3 =	vld [tilespmem:s18+$0xBB0]  }
0x27a: {  	v4 =	vld [tilespmem:s18+$0xBC0]  }
0x27b: {  	v5 =	vld [tilespmem:s18+$0xBD0]  }
0x27c: {  	v6 =	vld [tilespmem:s18+$0xBE0]  }
0x27d: {  	v7 =	vld [tilespmem:s18+$0xBF0]  }
0x27e: {  	v0 =	vld.idx.msk [tilespmem:v0+s11+$0x0], $0xffff  }
0x27f: {  	v1 =	vld.idx.msk [tilespmem:v1+s11+$0x0], $0xffff  }
0x280: {  	v2 =	vld.idx.msk [tilespmem:v2+s11+$0x0], $0xffff  }
0x281: {  	v3 =	vld.idx.msk [tilespmem:v3+s11+$0x0], $0xffff  }
0x282: {  	v4 =	vld.idx.msk [tilespmem:v4+s11+$0x0], $0xffff  }
0x283: {  	v5 =	vld.idx.msk [tilespmem:v5+s11+$0x0], $0xffff  }
0x284: {  	v6 =	vld.idx.msk [tilespmem:v6+s11+$0x0], $0xffff  }
0x285: {  	v7 =	vld.idx.msk [tilespmem:v7+s11+$0x0], $0xffff;
	[tilespmem:$0x1CE80] =	vst v0  }
0x286: {  	[tilespmem:$0x1CE90] =	vst v1  }
0x287: {  	[tilespmem:$0x1CEA0] =	vst v2  }
0x288: {  	[tilespmem:$0x1CEB0] =	vst v3  }
0x289: {  	[tilespmem:$0x1CEC0] =	vst v4  }
0x28a: {  	[tilespmem:$0x1CED0] =	vst v5  }
0x28b: {  	[tilespmem:$0x1CEE0] =	vst v6  }
0x28c: {  	[tilespmem:$0x1CEF0] =	vst v7  }
0x28d: {  	v0 =	vld [tilespmem:s18+$0xC00]  }
0x28e: {  	v1 =	vld [tilespmem:s18+$0xC10]  }
0x28f: {  	v2 =	vld [tilespmem:s18+$0xC20]  }
0x290: {  	v3 =	vld [tilespmem:s18+$0xC30]  }
0x291: {  	v4 =	vld [tilespmem:s18+$0xC40]  }
0x292: {  	v5 =	vld [tilespmem:s18+$0xC50]  }
0x293: {  	v6 =	vld [tilespmem:s18+$0xC60]  }
0x294: {  	v7 =	vld [tilespmem:s18+$0xC70]  }
0x295: {  	v0 =	vld.idx.msk [tilespmem:v0+s11+$0x0], $0xffff  }
0x296: {  	v1 =	vld.idx.msk [tilespmem:v1+s11+$0x0], $0xffff  }
0x297: {  	v2 =	vld.idx.msk [tilespmem:v2+s11+$0x0], $0xffff  }
0x298: {  	v3 =	vld.idx.msk [tilespmem:v3+s11+$0x0], $0xffff  }
0x299: {  	v4 =	vld.idx.msk [tilespmem:v4+s11+$0x0], $0xffff  }
0x29a: {  	v5 =	vld.idx.msk [tilespmem:v5+s11+$0x0], $0xffff  }
0x29b: {  	v6 =	vld.idx.msk [tilespmem:v6+s11+$0x0], $0xffff  }
0x29c: {  	v7 =	vld.idx.msk [tilespmem:v7+s11+$0x0], $0xffff;
	[tilespmem:$0x1CF80] =	vst v0  }
0x29d: {  	[tilespmem:$0x1CF90] =	vst v1  }
0x29e: {  	[tilespmem:$0x1CFA0] =	vst v2  }
0x29f: {  	[tilespmem:$0x1CFB0] =	vst v3  }
0x2a0: {  	[tilespmem:$0x1CFC0] =	vst v4  }
0x2a1: {  	[tilespmem:$0x1CFD0] =	vst v5  }
0x2a2: {  	[tilespmem:$0x1CFE0] =	vst v6  }
0x2a3: {  	[tilespmem:$0x1CFF0] =	vst v7  }
0x2a4: {  	v0 =	vld [tilespmem:s18+$0xC80]  }
0x2a5: {  	v1 =	vld [tilespmem:s18+$0xC90]  }
0x2a6: {  	v2 =	vld [tilespmem:s18+$0xCA0]  }
0x2a7: {  	v3 =	vld [tilespmem:s18+$0xCB0]  }
0x2a8: {  	v4 =	vld [tilespmem:s18+$0xCC0]  }
0x2a9: {  	v5 =	vld [tilespmem:s18+$0xCD0]  }
0x2aa: {  	v6 =	vld [tilespmem:s18+$0xCE0]  }
0x2ab: {  	v7 =	vld [tilespmem:s18+$0xCF0]  }
0x2ac: {  	v0 =	vld.idx.msk [tilespmem:v0+s11+$0x0], $0xffff  }
0x2ad: {  	v1 =	vld.idx.msk [tilespmem:v1+s11+$0x0], $0xffff  }
0x2ae: {  	v2 =	vld.idx.msk [tilespmem:v2+s11+$0x0], $0xffff  }
0x2af: {  	v3 =	vld.idx.msk [tilespmem:v3+s11+$0x0], $0xffff  }
0x2b0: {  	v4 =	vld.idx.msk [tilespmem:v4+s11+$0x0], $0xffff  }
0x2b1: {  	v5 =	vld.idx.msk [tilespmem:v5+s11+$0x0], $0xffff  }
0x2b2: {  	v6 =	vld.idx.msk [tilespmem:v6+s11+$0x0], $0xffff  }
0x2b3: {  	v7 =	vld.idx.msk [tilespmem:v7+s11+$0x0], $0xffff;
	[tilespmem:$0x1D080] =	vst v0  }
0x2b4: {  	[tilespmem:$0x1D090] =	vst v1  }
0x2b5: {  	[tilespmem:$0x1D0A0] =	vst v2  }
0x2b6: {  	[tilespmem:$0x1D0B0] =	vst v3  }
0x2b7: {  	[tilespmem:$0x1D0C0] =	vst v4  }
0x2b8: {  	[tilespmem:$0x1D0D0] =	vst v5  }
0x2b9: {  	[tilespmem:$0x1D0E0] =	vst v6  }
0x2ba: {  	[tilespmem:$0x1D0F0] =	vst v7  }
0x2bb: {  	v0 =	vld [tilespmem:s18+$0xD00]  }
0x2bc: {  	v1 =	vld [tilespmem:s18+$0xD10]  }
0x2bd: {  	v2 =	vld [tilespmem:s18+$0xD20]  }
0x2be: {  	v3 =	vld [tilespmem:s18+$0xD30]  }
0x2bf: {  	v4 =	vld [tilespmem:s18+$0xD40]  }
0x2c0: {  	v5 =	vld [tilespmem:s18+$0xD50]  }
0x2c1: {  	v6 =	vld [tilespmem:s18+$0xD60]  }
0x2c2: {  	v7 =	vld [tilespmem:s18+$0xD70]  }
0x2c3: {  	v0 =	vld.idx.msk [tilespmem:v0+s11+$0x0], $0xffff  }
0x2c4: {  	v1 =	vld.idx.msk [tilespmem:v1+s11+$0x0], $0xffff  }
0x2c5: {  	v2 =	vld.idx.msk [tilespmem:v2+s11+$0x0], $0xffff  }
0x2c6: {  	v3 =	vld.idx.msk [tilespmem:v3+s11+$0x0], $0xffff  }
0x2c7: {  	v4 =	vld.idx.msk [tilespmem:v4+s11+$0x0], $0xffff  }
0x2c8: {  	v5 =	vld.idx.msk [tilespmem:v5+s11+$0x0], $0xffff  }
0x2c9: {  	v6 =	vld.idx.msk [tilespmem:v6+s11+$0x0], $0xffff  }
0x2ca: {  	v7 =	vld.idx.msk [tilespmem:v7+s11+$0x0], $0xffff;
	[tilespmem:$0x1D180] =	vst v0  }
0x2cb: {  	[tilespmem:$0x1D190] =	vst v1  }
0x2cc: {  	[tilespmem:$0x1D1A0] =	vst v2  }
0x2cd: {  	[tilespmem:$0x1D1B0] =	vst v3  }
0x2ce: {  	[tilespmem:$0x1D1C0] =	vst v4  }
0x2cf: {  	[tilespmem:$0x1D1D0] =	vst v5  }
0x2d0: {  	[tilespmem:$0x1D1E0] =	vst v6  }
0x2d1: {  	[tilespmem:$0x1D1F0] =	vst v7  }
0x2d2: {  	v0 =	vld [tilespmem:s18+$0xD80]  }
0x2d3: {  	v1 =	vld [tilespmem:s18+$0xD90]  }
0x2d4: {  	v2 =	vld [tilespmem:s18+$0xDA0]  }
0x2d5: {  	v3 =	vld [tilespmem:s18+$0xDB0]  }
0x2d6: {  	v4 =	vld [tilespmem:s18+$0xDC0]  }
0x2d7: {  	v5 =	vld [tilespmem:s18+$0xDD0]  }
0x2d8: {  	v6 =	vld [tilespmem:s18+$0xDE0]  }
0x2d9: {  	v7 =	vld [tilespmem:s18+$0xDF0]  }
0x2da: {  	v0 =	vld.idx.msk [tilespmem:v0+s11+$0x0], $0xffff  }
0x2db: {  	v1 =	vld.idx.msk [tilespmem:v1+s11+$0x0], $0xffff  }
0x2dc: {  	v2 =	vld.idx.msk [tilespmem:v2+s11+$0x0], $0xffff  }
0x2dd: {  	v3 =	vld.idx.msk [tilespmem:v3+s11+$0x0], $0xffff  }
0x2de: {  	v4 =	vld.idx.msk [tilespmem:v4+s11+$0x0], $0xffff  }
0x2df: {  	v5 =	vld.idx.msk [tilespmem:v5+s11+$0x0], $0xffff  }
0x2e0: {  	v6 =	vld.idx.msk [tilespmem:v6+s11+$0x0], $0xffff  }
0x2e1: {  	v7 =	vld.idx.msk [tilespmem:v7+s11+$0x0], $0xffff;
	[tilespmem:$0x1D280] =	vst v0  }
0x2e2: {  	[tilespmem:$0x1D290] =	vst v1  }
0x2e3: {  	[tilespmem:$0x1D2A0] =	vst v2  }
0x2e4: {  	[tilespmem:$0x1D2B0] =	vst v3  }
0x2e5: {  	[tilespmem:$0x1D2C0] =	vst v4  }
0x2e6: {  	[tilespmem:$0x1D2D0] =	vst v5  }
0x2e7: {  	[tilespmem:$0x1D2E0] =	vst v6  }
0x2e8: {  	[tilespmem:$0x1D2F0] =	vst v7  }
0x2e9: {  	v0 =	vld [tilespmem:s18+$0xE00]  }
0x2ea: {  	v1 =	vld [tilespmem:s18+$0xE10]  }
0x2eb: {  	v2 =	vld [tilespmem:s18+$0xE20]  }
0x2ec: {  	v3 =	vld [tilespmem:s18+$0xE30]  }
0x2ed: {  	v4 =	vld [tilespmem:s18+$0xE40]  }
0x2ee: {  	v5 =	vld [tilespmem:s18+$0xE50]  }
0x2ef: {  	v6 =	vld [tilespmem:s18+$0xE60]  }
0x2f0: {  	v7 =	vld [tilespmem:s18+$0xE70]  }
0x2f1: {  	v0 =	vld.idx.msk [tilespmem:v0+s11+$0x0], $0xffff  }
0x2f2: {  	v1 =	vld.idx.msk [tilespmem:v1+s11+$0x0], $0xffff  }
0x2f3: {  	v2 =	vld.idx.msk [tilespmem:v2+s11+$0x0], $0xffff  }
0x2f4: {  	v3 =	vld.idx.msk [tilespmem:v3+s11+$0x0], $0xffff  }
0x2f5: {  	v4 =	vld.idx.msk [tilespmem:v4+s11+$0x0], $0xffff  }
0x2f6: {  	v5 =	vld.idx.msk [tilespmem:v5+s11+$0x0], $0xffff  }
0x2f7: {  	v6 =	vld.idx.msk [tilespmem:v6+s11+$0x0], $0xffff  }
0x2f8: {  	v7 =	vld.idx.msk [tilespmem:v7+s11+$0x0], $0xffff;
	[tilespmem:$0x1D380] =	vst v0  }
0x2f9: {  	[tilespmem:$0x1D390] =	vst v1  }
0x2fa: {  	[tilespmem:$0x1D3A0] =	vst v2  }
0x2fb: {  	[tilespmem:$0x1D3B0] =	vst v3  }
0x2fc: {  	[tilespmem:$0x1D3C0] =	vst v4  }
0x2fd: {  	[tilespmem:$0x1D3D0] =	vst v5  }
0x2fe: {  	[tilespmem:$0x1D3E0] =	vst v6  }
0x2ff: {  	[tilespmem:$0x1D3F0] =	vst v7  }
0x300: {  	v0 =	vld [tilespmem:s18+$0xE80]  }
0x301: {  	v1 =	vld [tilespmem:s18+$0xE90]  }
0x302: {  	v2 =	vld [tilespmem:s18+$0xEA0]  }
0x303: {  	v3 =	vld [tilespmem:s18+$0xEB0]  }
0x304: {  	v4 =	vld [tilespmem:s18+$0xEC0]  }
0x305: {  	v5 =	vld [tilespmem:s18+$0xED0]  }
0x306: {  	v6 =	vld [tilespmem:s18+$0xEE0]  }
0x307: {  	v7 =	vld [tilespmem:s18+$0xEF0]  }
0x308: {  	v0 =	vld.idx.msk [tilespmem:v0+s11+$0x0], $0xffff  }
0x309: {  	v1 =	vld.idx.msk [tilespmem:v1+s11+$0x0], $0xffff  }
0x30a: {  	v2 =	vld.idx.msk [tilespmem:v2+s11+$0x0], $0xffff  }
0x30b: {  	v3 =	vld.idx.msk [tilespmem:v3+s11+$0x0], $0xffff  }
0x30c: {  	v4 =	vld.idx.msk [tilespmem:v4+s11+$0x0], $0xffff  }
0x30d: {  	v5 =	vld.idx.msk [tilespmem:v5+s11+$0x0], $0xffff  }
0x30e: {  	v6 =	vld.idx.msk [tilespmem:v6+s11+$0x0], $0xffff  }
0x30f: {  	v7 =	vld.idx.msk [tilespmem:v7+s11+$0x0], $0xffff;
	[tilespmem:$0x1D480] =	vst v0  }
0x310: {  	[tilespmem:$0x1D490] =	vst v1  }
0x311: {  	[tilespmem:$0x1D4A0] =	vst v2  }
0x312: {  	[tilespmem:$0x1D4B0] =	vst v3  }
0x313: {  	[tilespmem:$0x1D4C0] =	vst v4  }
0x314: {  	[tilespmem:$0x1D4D0] =	vst v5  }
0x315: {  	[tilespmem:$0x1D4E0] =	vst v6  }
0x316: {  	[tilespmem:$0x1D4F0] =	vst v7  }
0x317: {  	v0 =	vld [tilespmem:s18+$0xF00]  }
0x318: {  	v1 =	vld [tilespmem:s18+$0xF10]  }
0x319: {  	v2 =	vld [tilespmem:s18+$0xF20]  }
0x31a: {  	v3 =	vld [tilespmem:s18+$0xF30]  }
0x31b: {  	v4 =	vld [tilespmem:s18+$0xF40]  }
0x31c: {  	v5 =	vld [tilespmem:s18+$0xF50]  }
0x31d: {  	v6 =	vld [tilespmem:s18+$0xF60]  }
0x31e: {  	v7 =	vld [tilespmem:s18+$0xF70]  }
0x31f: {  	v0 =	vld.idx.msk [tilespmem:v0+s11+$0x0], $0xffff  }
0x320: {  	v1 =	vld.idx.msk [tilespmem:v1+s11+$0x0], $0xffff  }
0x321: {  	v2 =	vld.idx.msk [tilespmem:v2+s11+$0x0], $0xffff  }
0x322: {  	v3 =	vld.idx.msk [tilespmem:v3+s11+$0x0], $0xffff  }
0x323: {  	v4 =	vld.idx.msk [tilespmem:v4+s11+$0x0], $0xffff  }
0x324: {  	v5 =	vld.idx.msk [tilespmem:v5+s11+$0x0], $0xffff  }
0x325: {  	v6 =	vld.idx.msk [tilespmem:v6+s11+$0x0], $0xffff  }
0x326: {  	v7 =	vld.idx.msk [tilespmem:v7+s11+$0x0], $0xffff;
	[tilespmem:$0x1D580] =	vst v0  }
0x327: {  	[tilespmem:$0x1D590] =	vst v1  }
0x328: {  	[tilespmem:$0x1D5A0] =	vst v2  }
0x329: {  	[tilespmem:$0x1D5B0] =	vst v3  }
0x32a: {  	[tilespmem:$0x1D5C0] =	vst v4  }
0x32b: {  	[tilespmem:$0x1D5D0] =	vst v5  }
0x32c: {  	[tilespmem:$0x1D5E0] =	vst v6  }
0x32d: {  	[tilespmem:$0x1D5F0] =	vst v7  }
0x32e: {  	v0 =	vld [tilespmem:s18+$0xF80]  }
0x32f: {  	v1 =	vld [tilespmem:s18+$0xF90]  }
0x330: {  	v2 =	vld [tilespmem:s18+$0xFA0]  }
0x331: {  	v3 =	vld [tilespmem:s18+$0xFB0]  }
0x332: {  	v4 =	vld [tilespmem:s18+$0xFC0]  }
0x333: {  	v5 =	vld [tilespmem:s18+$0xFD0]  }
0x334: {  	v6 =	vld [tilespmem:s18+$0xFE0]  }
0x335: {  	v7 =	vld [tilespmem:s18+$0xFF0]  }
0x336: {  	v0 =	vld.idx.msk [tilespmem:v0+s11+$0x0], $0xffff  }
0x337: {  	v1 =	vld.idx.msk [tilespmem:v1+s11+$0x0], $0xffff  }
0x338: {  	v2 =	vld.idx.msk [tilespmem:v2+s11+$0x0], $0xffff  }
0x339: {  	v3 =	vld.idx.msk [tilespmem:v3+s11+$0x0], $0xffff  }
0x33a: {  	v4 =	vld.idx.msk [tilespmem:v4+s11+$0x0], $0xffff  }
0x33b: {  	v5 =	vld.idx.msk [tilespmem:v5+s11+$0x0], $0xffff  }
0x33c: {  	v6 =	vld.idx.msk [tilespmem:v6+s11+$0x0], $0xffff  }
0x33d: {  	v7 =	vld.idx.msk [tilespmem:v7+s11+$0x0], $0xffff;
	[tilespmem:$0x1D680] =	vst v0  }
0x33e: {  	[tilespmem:$0x1D690] =	vst v1  }
0x33f: {  	[tilespmem:$0x1D6A0] =	vst v2  }
0x340: {  	[tilespmem:$0x1D6B0] =	vst v3  }
0x341: {  	[tilespmem:$0x1D6C0] =	vst v4  }
0x342: {  	s20 =	rddreg [dreg:$0x4];
	[tilespmem:$0x1D6D0] =	vst v5  }
0x343: {  	s21 =	rddreg [dreg:$0x15];
	[tilespmem:$0x1D6E0] =	vst v6  }
0x344: {  	s22 =	rddreg [dreg:$0x16];
	s18 =	sadd.s32 s20, s31;
	[tilespmem:$0x1D6F0] =	vst v7  }
0x345: {  	[hbm4b:s18+s4] =	stream.linear.scatter [tilespmem:s21], [sflag:$0x2], $0x80, $0x38;
	[tilespmem:$0x1D700] =	vst v63  }
0x346: {  	s24 =	rddreg [dreg:$0x17];
	s23 =	sadd.s32 $0x80, s18  }
0x347: {  	[hbm4b:s23+s4] =	stream.linear.scatter [tilespmem:s22], [sflag:$0x2], $0x80, $0x38;
	[tilespmem:$0x1D700] =	vst v63  }
0x348: {  	s26 =	rddreg [dreg:$0x18];
	s25 =	sadd.s32 $0x100, s18  }
0x349: {  	[hbm4b:s25+s4] =	stream.linear.scatter [tilespmem:s24], [sflag:$0x2], $0x80, $0x38;
	[tilespmem:$0x1D700] =	vst v63  }
0x34a: {  	s29 =	rddreg [dreg:$0x19];
	s28 =	sadd.s32 $0x180, s18  }
0x34b: {  	[hbm4b:s28+s4] =	stream.linear.scatter [tilespmem:s26], [sflag:$0x2], $0x80, $0x38;
	[tilespmem:$0x1D700] =	vst v63  }
0x34c: {  	s31 =	rddreg [dreg:$0x1a];
	s30 =	sadd.s32 $0x200, s18  }
0x34d: {  	[hbm4b:s30+s4] =	stream.linear.scatter [tilespmem:s29], [sflag:$0x2], $0x80, $0x38;
	[tilespmem:$0x1D700] =	vst v63  }
0x34e: {  	s21 =	sadd.s32 $0x280, s18;
	s22 =	rddreg [dreg:$0x1b]  }
0x34f: {  	[hbm4b:s21+s4] =	stream.linear.scatter [tilespmem:s31], [sflag:$0x2], $0x80, $0x38;
	[tilespmem:$0x1D700] =	vst v63  }
0x350: {  	s23 =	sadd.s32 $0x300, s18;
	s24 =	rddreg [dreg:$0x1c]  }
0x351: {  	[hbm4b:s23+s4] =	stream.linear.scatter [tilespmem:s22], [sflag:$0x2], $0x80, $0x38;
	[tilespmem:$0x1D700] =	vst v63  }
0x352: {  	s25 =	sadd.s32 $0x380, s18;
	s26 =	rddreg [dreg:$0x1d]  }
0x353: {  	[hbm4b:s25+s4] =	stream.linear.scatter [tilespmem:s24], [sflag:$0x2], $0x80, $0x38;
	[tilespmem:$0x1D700] =	vst v63  }
0x354: {  	s28 =	sadd.s32 $0x400, s18;
	s29 =	rddreg [dreg:$0x1e]  }
0x355: {  	[hbm4b:s28+s4] =	stream.linear.scatter [tilespmem:s26], [sflag:$0x2], $0x80, $0x38;
	[tilespmem:$0x1D700] =	vst v63  }
0x356: {  	s30 =	sadd.s32 $0x480, s18;
	s31 =	rddreg [dreg:$0x1f]  }
0x357: {  	[hbm4b:s30+s4] =	stream.linear.scatter [tilespmem:s29], [sflag:$0x2], $0x80, $0x38;
	[tilespmem:$0x1D700] =	vst v63  }
0x358: {  	s20 =	sadd.s32 $0x500, s18;
	s22 =	sld [smem:$0x7F9]  }
0x359: {  	[hbm4b:s20+s4] =	stream.linear.scatter [tilespmem:s31], [sflag:$0x2], $0x80, $0x38;
	[tilespmem:$0x1D700] =	vst v63  }
0x35a: {  	s23 =	sadd.s32 $0x580, s18;
	s24 =	sld [smem:$0x7FA]  }
0x35b: {  	[hbm4b:s23+s4] =	stream.linear.scatter [tilespmem:s22], [sflag:$0x2], $0x80, $0x38;
	[tilespmem:$0x1D700] =	vst v63  }
0x35c: {  	s17 =	sadd.s32 $0x1, s17;
	s25 =	sadd.s32 $0x600, s18;
	s26 =	sld [smem:$0x7FB]  }
0x35d: {  	[hbm4b:s25+s4] =	stream.linear.scatter [tilespmem:s24], [sflag:$0x2], $0x80, $0x38;
	[tilespmem:$0x1D700] =	vst v63  }
0x35e: {  	p0 =	sne.s32 s17, $0x4;
	s28 =	sadd.s32 $0x680, s18;
	s29 =	sld [smem:$0x7FC]  }
0x35f: {  	[hbm4b:s28+s4] =	stream.linear.scatter [tilespmem:s26], [sflag:$0x2], $0x80, $0x38;
	[tilespmem:$0x1D700] =	vst v63  }
.Ltmp0:
0x360: {  	_ = 	snop;
	(pc) =	sbr.rel @p0 .LBB2_3-.Ltmp0, $4  }
0x361: {  	s30 =	sadd.s32 $0x700, s18;
	s31 =	sld [smem:$0x7FD]  }
0x362: {  	[hbm4b:s30+s4] =	stream.linear.scatter [tilespmem:s29], [sflag:$0x2], $0x80, $0x38;
	[tilespmem:$0x1D700] =	vst v63  }
0x363: {  	s18 =	sadd.s32 $0x780, s18  }
0x364: {  	[hbm4b:s18+s4] =	stream.linear.scatter [tilespmem:s31], [sflag:$0x2], $0x80, $0x38;
	[tilespmem:$0x1D700] =	vst v63  }
0x365: {  	s15 =	sadd.s32 $0x1, s15  }
0x366: {  	p0 =	sne.s32 s15, $0xD  }
.Ltmp1:
0x367: {  	_ = 	snop;
	(pc) =	sbr.rel @p0 .LBB2_2-.Ltmp1, $1  }
0x368: {  	_ =	sdelay $0x3  }
0x369: {  	s14 =	sadd.s32 $0x1, s14  }
0x36a: {  	_ =	swait.ge [sflag:s12], $0x800;
	p0 =	sne.s32 s14, s7  }
.Ltmp2:
0x36b: {  	[sflag:s12] =	ssyncset.done $0x0;
	(pc) =	sbr.rel @p0 .LBB2_1-.Ltmp2, $4  }
0x36c: {  	[sflag:s12] =	ssyncadd.s32 $0xFFFFF800  }
0x36d: {  	_ =	swait.ge [sflag:s13], $0x800  }
0x36e: {  	[sflag:s13] =	ssyncset.done $0x0  }
0x36f: {  	[sflag:s13] =	ssyncadd.s32 $0xFFFFF800  }
0x370: {  	_ =	sfence.sel $0x180000  }
0x371: {  	[bflag:$0x0] =	sbarrier.arrive $0xFFFF  }
0x372: {  	p0 =	sne.s32 s5, $0x0;
	_ =	strace $0x90000047  }
0x373: {  	s0 =	sadd.s32 @!p0 $0x100000, s0;
	[bflag:$0x2] =	sbarrier.arrive $0xFFFF  }
0x374: {  	[sflag:s0] =	ssyncadd.tile.s32 @!p0 $0x1;
	_ =	shalt  }
.Lfunc_end2:
_tile_overlayer_lowered:
.L_overlay_start_2:
0x375: {  	(tag) =	ssettag $0x2  }
0x376: {  	s0 =	rddreg [dreg:$0x0];
	s2 =	stileid.u32  }
0x377: {  	s1 =	rddreg [dreg:$0x1];
	p0 =	sne.s32 s2, $0x0  }
0x378: {  	s3 =	rddreg [dreg:$0x2];
	[bflag:$0x3] =	sbarrier.arrive $0xFFFF;
	s2 =	simm.s32 @!p0 $0x1C03  }
0x379: {  	[timem:s3], [sflag:s2] =	dma.local @!p0 [hbm:s0], s1  }
0x37a: {  	s0 =	simm.s32 @!p0 $0x3  }
0x37b: {  	_ =	swait.ge @!p0 [sflag:s0], s1  }
0x37c: {  	s1 =	ssub.s32 @!p0 $0x0, s1;
	[sflag:s0] =	ssyncset.done @!p0 $0x0  }
0x37d: {  	[sflag:s0] =	ssyncadd.s32 @!p0 s1  }
0x37e: {  	[bflag:$0x3] =	sbarrier.arrive $0xFFFF  }
0x37f: {  	_ =	shalt  }

</sc_bundles>
